<compile_context>
chip_gen: v7x
topology: tpu7x:2x2x1
jax: 0.10.2.dev20260603
libtpu: 0.0.44.dev20260713+nightly
codegen_flags: <defaults>
</compile_context>

<pallas_src>
import dataclasses
import functools

import jax
import jax.numpy as jnp
from jax import lax
from jax.experimental import pallas as pl
from jax.experimental.pallas import tpu as pltpu
from jax.experimental.pallas import tpu_sc as plsc

BIN_NUM = 20
BIN_WIDTH = 0.1
FEAT = 96
HALF = BIN_NUM // 2
BIN_PAD = 24

NC = 2
NS = 16
L = 16
NW = NC * NS

ROWS = 384
COLS = 384
N_PLANES = 4 * FEAT
PPW = N_PLANES // NW
BLK_ROWS = 64
BLKS_PER_PLANE = ROWS // BLK_ROWS
NCH = PPW * BLKS_PER_PLANE


@jax.jit
def _sc_mtlu(x3, wflat, bflat):
    mesh = plsc.VectorSubcoreMesh(core_axis_name="c", subcore_axis_name="s")
    cp = pltpu.CompilerParams()
    if "needs_layout_passes" in pltpu.CompilerParams.__dataclass_fields__:
        cp = dataclasses.replace(cp, needs_layout_passes=False)

    @functools.partial(
        pl.kernel,
        compiler_params=cp,
        out_type=jax.ShapeDtypeStruct(x3.shape, jnp.float32),
        mesh=mesh,
        scratch_types=[
            pltpu.VMEM((FEAT * BIN_PAD,), jnp.float32),
            pltpu.VMEM((FEAT * BIN_PAD,), jnp.float32),
            pltpu.VMEM((BLK_ROWS, COLS), jnp.float32),
            pltpu.VMEM((BLK_ROWS, COLS), jnp.float32),
            pltpu.VMEM((BLK_ROWS, COLS), jnp.float32),
            pltpu.VMEM((BLK_ROWS, COLS), jnp.float32),
            pltpu.SemaphoreType.DMA,
            pltpu.SemaphoreType.DMA,
            pltpu.SemaphoreType.DMA,
            pltpu.SemaphoreType.DMA,
        ],
    )
    def k(x_hbm, w_hbm, b_hbm, o_hbm, tw, tb,
          xin0, xin1, xout0, xout1, si0, si1, so0, so1):
        wid = lax.axis_index("s") * NC + lax.axis_index("c")
        pltpu.sync_copy(w_hbm, tw)
        pltpu.sync_copy(b_hbm, tb)
        xin = (xin0, xin1)
        xout = (xout0, xout1)
        sin = (si0, si1)
        sout = (so0, so1)

        def block_at(t):
            plane = wid * PPW + t // BLKS_PER_PLANE
            c20 = (plane % FEAT) * BIN_PAD
            r0 = (t % BLKS_PER_PLANE) * BLK_ROWS
            return plane, r0, c20

        def start_in(t, b):
            plane, r0, _ = block_at(t)
            pltpu.async_copy(
                x_hbm.at[plane, pl.ds(r0, BLK_ROWS)], xin[b], sin[b])

        start_in(0, 0)

        @pl.loop(0, NCH, step=2)
        def _pair(tt):
            for b in range(2):
                t = tt + b
                plane, r0, c20 = block_at(t)

                @pl.when(t + 1 < NCH)
                def _prefetch():
                    start_in(t + 1, 1 - b)

                pltpu.make_async_copy(
                    x_hbm.at[plane, pl.ds(r0, BLK_ROWS)], xin[b],
                    sin[b]).wait()

                @pl.when(t >= 2)
                def _drain():
                    pltpu.make_async_copy(
                        xout[b], o_hbm.at[plane, pl.ds(r0, BLK_ROWS)],
                        sout[b]).wait()

                src = xin[b]
                dst = xout[b]
                twc = tw.at[pl.ds(c20, BIN_NUM)]
                tbc = tb.at[pl.ds(c20, BIN_NUM)]

                @plsc.parallel_loop(0, BLK_ROWS, step=1, unroll=1)
                def _row(r):
                    for kk in range(COLS // L):
                        i = kk * L
                        xv = src[r, pl.ds(i, L)]
                        f = (xv * jnp.float32(1.0 / BIN_WIDTH)
                             + jnp.float32(HALF))
                        f = jnp.minimum(jnp.maximum(f, jnp.float32(0.0)),
                                        jnp.float32(BIN_NUM - 0.5))
                        idx = f.astype(jnp.int32)
                        wv = plsc.load_gather(twc, [idx])
                        bv = plsc.load_gather(tbc, [idx])
                        dst[r, pl.ds(i, L)] = wv * xv + bv

                pltpu.async_copy(
                    xout[b], o_hbm.at[plane, pl.ds(r0, BLK_ROWS)], sout[b])

        for b in range(2):
            plane, r0, _ = block_at(NCH - 2 + b)
            pltpu.make_async_copy(
                xout[b], o_hbm.at[plane, pl.ds(r0, BLK_ROWS)],
                sout[b]).wait()

    return k(x3, wflat, bflat)


def kernel(x, mtlu_y, mtlu_y_shift):
    index = jnp.arange(-HALF + 1, HALF + 1, dtype=jnp.float32)
    weight = (mtlu_y - mtlu_y_shift) / BIN_WIDTH
    bias = mtlu_y - (mtlu_y - mtlu_y_shift) * index
    pad = ((0, 0), (0, BIN_PAD - BIN_NUM))
    weight = jnp.pad(weight, pad)
    bias = jnp.pad(bias, pad)
    x3 = x.reshape(N_PLANES, ROWS, COLS)
    out = _sc_mtlu(x3, weight.reshape(-1), bias.reshape(-1))
    return out.reshape(x.shape)

# --- scband reference (transcript-rebuilt; emitter-appended) ---
"""Pipeline reference for scband-mtlu-continuous-74904229642249 (READ-ONLY COPY).

The authoritative reference and input builder live on the scoring server;
editing this copy changes nothing except your own understanding.
"""

import jax, jax.numpy as jnp
import numpy as np

BinNum = 20
BinWidth = 0.1
FeatMapNum = 96
HalfBinNum = BinNum // 2


def _build_params():
    # mtlu_x = torch.arange(-0.9, 1.1, 0.1) -> 20 anchor points -0.9 .. 1.0
    mtlu_x = (jnp.arange(BinNum, dtype=jnp.float32) - (HalfBinNum - 1)) * BinWidth
    mtlu_y = jnp.zeros((FeatMapNum, BinNum), dtype=jnp.float32)
    mtlu_y = mtlu_y.at[:, HalfBinNum:].set(
        jnp.broadcast_to(mtlu_x[HalfBinNum:], (FeatMapNum, BinNum - HalfBinNum)))
    # constant buffer computed once at __init__ from the initial mtlu_y (shifted right by one bin)
    mtlu_y_shift = jnp.concatenate(
        [jnp.zeros((FeatMapNum, 1), jnp.float32), mtlu_y[:, :-1]], axis=1)
    return mtlu_y, mtlu_y_shift


def setup_inputs(seed: int = 0):
    key = jax.random.key(seed)
    x = jax.random.normal(key, (4, 96, 384, 384), dtype=jnp.float32)
    mtlu_y, mtlu_y_shift = _build_params()
    return {"x": x, "mtlu_y": mtlu_y, "mtlu_y_shift": mtlu_y_shift}


def reference(x, mtlu_y, mtlu_y_shift):
    # index = [-HalfBinNum+1, ..., HalfBinNum] = [-9 .. 10]
    index = jnp.arange(-HalfBinNum + 1, HalfBinNum + 1, dtype=jnp.float32)
    # mtluweight = (mtlu_y - mtlu_y_) / BinWidth
    weight = (mtlu_y - mtlu_y_shift) / BinWidth
    # mtlubias = mtlu_y - (mtlu_y - mtlu_y_) * index
    bias = mtlu_y - (mtlu_y - mtlu_y_shift) * index
    # bin position per element: j = clamp(floor(x/BinWidth) + HalfBinNum, 0, BinNum-1)
    j = jnp.clip(jnp.floor(x / BinWidth).astype(jnp.int32) + HalfBinNum, 0, BinNum - 1)
    # per-channel gather of (weight, bias) for each element (SparseCore gather)
    c = jnp.arange(FeatMapNum, dtype=jnp.int32)[None, :, None, None]
    w = weight[c, j]
    b = bias[c, j]
    return w * x + b

if __name__ == "__main__":
    import jax
    _d = setup_inputs()
    print(jax.jit(kernel)(*tuple(_d.values())))

</pallas_src>

<mosaic_0001>
#map = affine_map<(d0, d1) -> (0, 0, 0)>
#map1 = affine_map<(d0, d1) -> (0)>
module attributes {stable_mosaic.version = 14 : i64} {
  func.func @k(%arg0: i32, %arg1: i32, %arg2: memref<384x384x384xf32, #tpu.memory_space<hbm>>, %arg3: memref<2304xf32, #tpu.memory_space<hbm>>, %arg4: memref<2304xf32, #tpu.memory_space<hbm>>, %arg5: memref<384x384x384xf32, #tpu.memory_space<hbm>>, %arg6: memref<2304xf32, #tpu.memory_space<vmem>>, %arg7: memref<2304xf32, #tpu.memory_space<vmem>>, %arg8: memref<64x384xf32, #tpu.memory_space<vmem>>, %arg9: memref<64x384xf32, #tpu.memory_space<vmem>>, %arg10: memref<64x384xf32, #tpu.memory_space<vmem>>, %arg11: memref<64x384xf32, #tpu.memory_space<vmem>>, %arg12: memref<!tpu.dma_semaphore, #tpu.memory_space<semaphore_mem>>, %arg13: memref<!tpu.dma_semaphore, #tpu.memory_space<semaphore_mem>>, %arg14: memref<!tpu.dma_semaphore, #tpu.memory_space<semaphore_mem>>, %arg15: memref<!tpu.dma_semaphore, #tpu.memory_space<semaphore_mem>>) attributes {dimension_semantics = [#tpu.dimension_semantics<core_parallel>, #tpu.dimension_semantics<subcore_parallel>], iteration_bounds = array<i64: 2, 16>, scalar_prefetch = 0 : i64, scratch_operands = 10 : i64, tpu.core_type = #tpu.core_type<sc_vector_subcore>, window_params = [{transform_indices = #map}, {transform_indices = #map1}, {transform_indices = #map1}, {transform_indices = #map}]} {
    %mul3A = arith.constant 2 : i32
    %mul3A_0 = arith.muli %arg1, %mul3A : i32
    %add3A = arith.addi %mul3A_0, %arg0 : i32
    "tpu.region"() ({
      %run_scoped3A = tpu.sem_alloc : memref<!tpu.dma_semaphore, #tpu.memory_space<semaphore_mem>>
      tpu.enqueue_dma source(%arg3 : memref<2304xf32, #tpu.memory_space<hbm>>) target(%arg6 : memref<2304xf32, #tpu.memory_space<vmem>>) target_semaphore(%run_scoped3A : memref<!tpu.dma_semaphore, #tpu.memory_space<semaphore_mem>>)
      tpu.wait_dma2 semaphore(%run_scoped3A : memref<!tpu.dma_semaphore, #tpu.memory_space<semaphore_mem>>) src(%arg3 : memref<2304xf32, #tpu.memory_space<hbm>>) dst(%arg6 : memref<2304xf32, #tpu.memory_space<vmem>>)
      tpu.yield
    }) : () -> ()
    "tpu.region"() ({
      %run_scoped3A = tpu.sem_alloc : memref<!tpu.dma_semaphore, #tpu.memory_space<semaphore_mem>>
      tpu.enqueue_dma source(%arg4 : memref<2304xf32, #tpu.memory_space<hbm>>) target(%arg7 : memref<2304xf32, #tpu.memory_space<vmem>>) target_semaphore(%run_scoped3A : memref<!tpu.dma_semaphore, #tpu.memory_space<semaphore_mem>>)
      tpu.wait_dma2 semaphore(%run_scoped3A : memref<!tpu.dma_semaphore, #tpu.memory_space<semaphore_mem>>) src(%arg4 : memref<2304xf32, #tpu.memory_space<hbm>>) dst(%arg7 : memref<2304xf32, #tpu.memory_space<vmem>>)
      tpu.yield
    }) : () -> ()
    %mul3A_1 = arith.constant 12 : i32
    %mul3A_2 = arith.muli %add3A, %mul3A_1 : i32
    %add3A_3 = arith.constant 0 : i32
    %add3A_4 = arith.addi %mul3A_2, %add3A_3 : i32
    %jit3A = arith.constant 96 : i32
    %eq3A = arith.constant 0 : i32
    %eq3A_5 = arith.cmpi eq, %jit3A, %eq3A : i32
    %jit3A_6 = arith.constant 1 : i32
    %select_n3A = arith.select %eq3A_5, %jit3A_6, %jit3A : i32
    %rem3A = arith.remsi %add3A_4, %select_n3A : i32
    %ne3A = arith.constant 0 : i32
    %ne3A_7 = arith.cmpi ne, %rem3A, %ne3A : i32
    %lt3A = arith.constant 0 : i32
    %lt3A_8 = arith.cmpi slt, %rem3A, %lt3A : i32
    %lt3A_9 = arith.constant 0 : i32
    %lt3A_10 = arith.cmpi slt, %select_n3A, %lt3A_9 : i32
    %ne3A_11 = arith.xori %lt3A_8, %lt3A_10 : i1
    %and3A = arith.andi %ne3A_11, %ne3A_7 : i1
    %add3A_12 = arith.addi %rem3A, %select_n3A : i32
    %select_n3A_13 = arith.select %and3A, %add3A_12, %rem3A : i32
    %mul3A_14 = arith.constant 24 : i32
    %mul3A_15 = arith.muli %select_n3A_13, %mul3A_14 : i32
    %dma_start3A = arith.constant 0 : i32
    %dma_start3A_16 = arith.constant 0 : i32
    %dma_start3A_17 = tpu.memref_slice %arg2[%add3A_4, %dma_start3A, %dma_start3A_16] : memref<384x384x384xf32, #tpu.memory_space<hbm>> -> memref<1x64x384xf32, #tpu.memory_space<hbm>>
    %dma_start3A_18 = tpu.memref_squeeze %dma_start3A_17 : memref<1x64x384xf32, #tpu.memory_space<hbm>> -> memref<64x384xf32, #tpu.memory_space<hbm>>
    %dma_start3A_19 = arith.constant 0 : i32
    %dma_start3A_20 = arith.constant 0 : i32
    %dma_start3A_21 = tpu.memref_slice %arg2[%add3A_4, %dma_start3A_19, %dma_start3A_20] : memref<384x384x384xf32, #tpu.memory_space<hbm>> -> memref<1x64x384xf32, #tpu.memory_space<hbm>>
    %dma_start3A_22 = tpu.memref_squeeze %dma_start3A_21 : memref<1x64x384xf32, #tpu.memory_space<hbm>> -> memref<64x384xf32, #tpu.memory_space<hbm>>
    tpu.enqueue_dma source(%dma_start3A_22 : memref<64x384xf32, #tpu.memory_space<hbm>>) target(%arg8 : memref<64x384xf32, #tpu.memory_space<vmem>>) target_semaphore(%arg12 : memref<!tpu.dma_semaphore, #tpu.memory_space<semaphore_mem>>)
    %scan3A = arith.constant 0 : i32
    %scan3A_23 = arith.constant 36 : i32
    %scan3A_24 = arith.addi %scan3A, %scan3A_23 : i32
    %scan3A_25 = arith.constant 1 : i32
    scf.for %scan3A_86 = %scan3A to %scan3A_24 step %scan3A_25  : i32 {
      %mul3A_87 = arith.constant 2 : i32
      %mul3A_88 = arith.muli %scan3A_86, %mul3A_87 : i32
      %add3A_89 = arith.constant 0 : i32
      %add3A_90 = arith.addi %add3A_89, %mul3A_88 : i32
      %add3A_91 = arith.constant 0 : i32
      %add3A_92 = arith.addi %add3A_90, %add3A_91 : i32
      %mul3A_93 = arith.constant 12 : i32
      %mul3A_94 = arith.muli %add3A, %mul3A_93 : i32
      %jit3A_95 = arith.constant 6 : i32
      %div3A = arith.divsi %add3A_92, %jit3A_95 : i32
      %sign3A = arith.constant 0 : i32
      %sign3A_96 = arith.cmpi sgt, %add3A_92, %sign3A : i32
      %sign3A_97 = arith.extui %sign3A_96 : i1 to i32
      %sign3A_98 = arith.constant 0 : i32
      %sign3A_99 = arith.cmpi slt, %add3A_92, %sign3A_98 : i32
      %sign3A_100 = arith.extui %sign3A_99 : i1 to i32
      %sign3A_101 = arith.subi %sign3A_97, %sign3A_100 : i32
      %sign3A_102 = arith.constant 0 : i32
      %sign3A_103 = arith.cmpi sgt, %jit3A_95, %sign3A_102 : i32
      %sign3A_104 = arith.extui %sign3A_103 : i1 to i32
      %sign3A_105 = arith.constant 0 : i32
      %sign3A_106 = arith.cmpi slt, %jit3A_95, %sign3A_105 : i32
      %sign3A_107 = arith.extui %sign3A_106 : i1 to i32
      %sign3A_108 = arith.subi %sign3A_104, %sign3A_107 : i32
      %ne3A_109 = arith.cmpi ne, %sign3A_101, %sign3A_108 : i32
      %rem3A_110 = arith.remsi %add3A_92, %jit3A_95 : i32
      %ne3A_111 = arith.constant 0 : i32
      %ne3A_112 = arith.cmpi ne, %rem3A_110, %ne3A_111 : i32
      %and3A_113 = arith.andi %ne3A_109, %ne3A_112 : i1
      %sub3A = arith.constant 1 : i32
      %sub3A_114 = arith.subi %div3A, %sub3A : i32
      %select_n3A_115 = arith.select %and3A_113, %sub3A_114, %div3A : i32
      %add3A_116 = arith.addi %mul3A_94, %select_n3A_115 : i32
      %jit3A_117 = arith.constant 96 : i32
      %eq3A_118 = arith.constant 0 : i32
      %eq3A_119 = arith.cmpi eq, %jit3A_117, %eq3A_118 : i32
      %jit3A_120 = arith.constant 1 : i32
      %select_n3A_121 = arith.select %eq3A_119, %jit3A_120, %jit3A_117 : i32
      %rem3A_122 = arith.remsi %add3A_116, %select_n3A_121 : i32
      %ne3A_123 = arith.constant 0 : i32
      %ne3A_124 = arith.cmpi ne, %rem3A_122, %ne3A_123 : i32
      %lt3A_125 = arith.constant 0 : i32
      %lt3A_126 = arith.cmpi slt, %rem3A_122, %lt3A_125 : i32
      %lt3A_127 = arith.constant 0 : i32
      %lt3A_128 = arith.cmpi slt, %select_n3A_121, %lt3A_127 : i32
      %ne3A_129 = arith.xori %lt3A_126, %lt3A_128 : i1
      %and3A_130 = arith.andi %ne3A_129, %ne3A_124 : i1
      %add3A_131 = arith.addi %rem3A_122, %select_n3A_121 : i32
      %select_n3A_132 = arith.select %and3A_130, %add3A_131, %rem3A_122 : i32
      %mul3A_133 = arith.constant 24 : i32
      %mul3A_134 = arith.muli %select_n3A_132, %mul3A_133 : i32
      %jit3A_135 = arith.constant 6 : i32
      %eq3A_136 = arith.constant 0 : i32
      %eq3A_137 = arith.cmpi eq, %jit3A_135, %eq3A_136 : i32
      %jit3A_138 = arith.constant 1 : i32
      %select_n3A_139 = arith.select %eq3A_137, %jit3A_138, %jit3A_135 : i32
      %rem3A_140 = arith.remsi %add3A_92, %select_n3A_139 : i32
      %ne3A_141 = arith.constant 0 : i32
      %ne3A_142 = arith.cmpi ne, %rem3A_140, %ne3A_141 : i32
      %lt3A_143 = arith.constant 0 : i32
      %lt3A_144 = arith.cmpi slt, %rem3A_140, %lt3A_143 : i32
      %lt3A_145 = arith.constant 0 : i32
      %lt3A_146 = arith.cmpi slt, %select_n3A_139, %lt3A_145 : i32
      %ne3A_147 = arith.xori %lt3A_144, %lt3A_146 : i1
      %and3A_148 = arith.andi %ne3A_147, %ne3A_142 : i1
      %add3A_149 = arith.addi %rem3A_140, %select_n3A_139 : i32
      %select_n3A_150 = arith.select %and3A_148, %add3A_149, %rem3A_140 : i32
      %mul3A_151 = arith.constant 64 : i32
      %mul3A_152 = arith.muli %select_n3A_150, %mul3A_151 : i32
      %add3A_153 = arith.constant 1 : i32
      %add3A_154 = arith.addi %add3A_92, %add3A_153 : i32
      %lt3A_155 = arith.constant 72 : i32
      %lt3A_156 = arith.cmpi slt, %add3A_154, %lt3A_155 : i32
      %convert_element_type3A = arith.extui %lt3A_156 : i1 to i32
      %cond3A = arith.constant 0 : i32
      %cond3A_157 = arith.cmpi ne, %convert_element_type3A, %cond3A : i32
      scf.if %cond3A_157 {
        %add3A_268 = arith.constant 1 : i32
        %add3A_269 = arith.addi %add3A_92, %add3A_268 : i32
        %mul3A_270 = arith.constant 12 : i32
        %mul3A_271 = arith.muli %add3A, %mul3A_270 : i32
        %jit3A_272 = arith.constant 6 : i32
        %div3A_273 = arith.divsi %add3A_269, %jit3A_272 : i32
        %sign3A_274 = arith.constant 0 : i32
        %sign3A_275 = arith.cmpi sgt, %add3A_269, %sign3A_274 : i32
        %sign3A_276 = arith.extui %sign3A_275 : i1 to i32
        %sign3A_277 = arith.constant 0 : i32
        %sign3A_278 = arith.cmpi slt, %add3A_269, %sign3A_277 : i32
        %sign3A_279 = arith.extui %sign3A_278 : i1 to i32
        %sign3A_280 = arith.subi %sign3A_276, %sign3A_279 : i32
        %sign3A_281 = arith.constant 0 : i32
        %sign3A_282 = arith.cmpi sgt, %jit3A_272, %sign3A_281 : i32
        %sign3A_283 = arith.extui %sign3A_282 : i1 to i32
        %sign3A_284 = arith.constant 0 : i32
        %sign3A_285 = arith.cmpi slt, %jit3A_272, %sign3A_284 : i32
        %sign3A_286 = arith.extui %sign3A_285 : i1 to i32
        %sign3A_287 = arith.subi %sign3A_283, %sign3A_286 : i32
        %ne3A_288 = arith.cmpi ne, %sign3A_280, %sign3A_287 : i32
        %rem3A_289 = arith.remsi %add3A_269, %jit3A_272 : i32
        %ne3A_290 = arith.constant 0 : i32
        %ne3A_291 = arith.cmpi ne, %rem3A_289, %ne3A_290 : i32
        %and3A_292 = arith.andi %ne3A_288, %ne3A_291 : i1
        %sub3A_293 = arith.constant 1 : i32
        %sub3A_294 = arith.subi %div3A_273, %sub3A_293 : i32
        %select_n3A_295 = arith.select %and3A_292, %sub3A_294, %div3A_273 : i32
        %add3A_296 = arith.addi %mul3A_271, %select_n3A_295 : i32
        %jit3A_297 = arith.constant 96 : i32
        %eq3A_298 = arith.constant 0 : i32
        %eq3A_299 = arith.cmpi eq, %jit3A_297, %eq3A_298 : i32
        %jit3A_300 = arith.constant 1 : i32
        %select_n3A_301 = arith.select %eq3A_299, %jit3A_300, %jit3A_297 : i32
        %rem3A_302 = arith.remsi %add3A_296, %select_n3A_301 : i32
        %ne3A_303 = arith.constant 0 : i32
        %ne3A_304 = arith.cmpi ne, %rem3A_302, %ne3A_303 : i32
        %lt3A_305 = arith.constant 0 : i32
        %lt3A_306 = arith.cmpi slt, %rem3A_302, %lt3A_305 : i32
        %lt3A_307 = arith.constant 0 : i32
        %lt3A_308 = arith.cmpi slt, %select_n3A_301, %lt3A_307 : i32
        %ne3A_309 = arith.xori %lt3A_306, %lt3A_308 : i1
        %and3A_310 = arith.andi %ne3A_309, %ne3A_304 : i1
        %add3A_311 = arith.addi %rem3A_302, %select_n3A_301 : i32
        %select_n3A_312 = arith.select %and3A_310, %add3A_311, %rem3A_302 : i32
        %mul3A_313 = arith.constant 24 : i32
        %mul3A_314 = arith.muli %select_n3A_312, %mul3A_313 : i32
        %jit3A_315 = arith.constant 6 : i32
        %eq3A_316 = arith.constant 0 : i32
        %eq3A_317 = arith.cmpi eq, %jit3A_315, %eq3A_316 : i32
        %jit3A_318 = arith.constant 1 : i32
        %select_n3A_319 = arith.select %eq3A_317, %jit3A_318, %jit3A_315 : i32
        %rem3A_320 = arith.remsi %add3A_269, %select_n3A_319 : i32
        %ne3A_321 = arith.constant 0 : i32
        %ne3A_322 = arith.cmpi ne, %rem3A_320, %ne3A_321 : i32
        %lt3A_323 = arith.constant 0 : i32
        %lt3A_324 = arith.cmpi slt, %rem3A_320, %lt3A_323 : i32
        %lt3A_325 = arith.constant 0 : i32
        %lt3A_326 = arith.cmpi slt, %select_n3A_319, %lt3A_325 : i32
        %ne3A_327 = arith.xori %lt3A_324, %lt3A_326 : i1
        %and3A_328 = arith.andi %ne3A_327, %ne3A_322 : i1
        %add3A_329 = arith.addi %rem3A_320, %select_n3A_319 : i32
        %select_n3A_330 = arith.select %and3A_328, %add3A_329, %rem3A_320 : i32
        %mul3A_331 = arith.constant 64 : i32
        %mul3A_332 = arith.muli %select_n3A_330, %mul3A_331 : i32
        %dma_start3A_333 = arith.constant 0 : i32
        %dma_start3A_334 = tpu.memref_slice %arg2[%add3A_296, %mul3A_332, %dma_start3A_333] : memref<384x384x384xf32, #tpu.memory_space<hbm>> -> memref<1x64x384xf32, #tpu.memory_space<hbm>>
        %dma_start3A_335 = tpu.memref_squeeze %dma_start3A_334 : memref<1x64x384xf32, #tpu.memory_space<hbm>> -> memref<64x384xf32, #tpu.memory_space<hbm>>
        %dma_start3A_336 = arith.constant 0 : i32
        %dma_start3A_337 = tpu.memref_slice %arg2[%add3A_296, %mul3A_332, %dma_start3A_336] : memref<384x384x384xf32, #tpu.memory_space<hbm>> -> memref<1x64x384xf32, #tpu.memory_space<hbm>>
        %dma_start3A_338 = tpu.memref_squeeze %dma_start3A_337 : memref<1x64x384xf32, #tpu.memory_space<hbm>> -> memref<64x384xf32, #tpu.memory_space<hbm>>
        tpu.enqueue_dma source(%dma_start3A_338 : memref<64x384xf32, #tpu.memory_space<hbm>>) target(%arg9 : memref<64x384xf32, #tpu.memory_space<vmem>>) target_semaphore(%arg13 : memref<!tpu.dma_semaphore, #tpu.memory_space<semaphore_mem>>)
      } else {
      }
      %dma_wait3A_158 = arith.constant 0 : i32
      %dma_wait3A_159 = tpu.memref_slice %arg2[%add3A_116, %mul3A_152, %dma_wait3A_158] : memref<384x384x384xf32, #tpu.memory_space<hbm>> -> memref<1x64x384xf32, #tpu.memory_space<hbm>>
      %dma_wait3A_160 = tpu.memref_squeeze %dma_wait3A_159 : memref<1x64x384xf32, #tpu.memory_space<hbm>> -> memref<64x384xf32, #tpu.memory_space<hbm>>
      %dma_wait3A_161 = arith.constant 0 : i32
      %dma_wait3A_162 = tpu.memref_slice %arg2[%add3A_116, %mul3A_152, %dma_wait3A_161] : memref<384x384x384xf32, #tpu.memory_space<hbm>> -> memref<1x64x384xf32, #tpu.memory_space<hbm>>
      %dma_wait3A_163 = tpu.memref_squeeze %dma_wait3A_162 : memref<1x64x384xf32, #tpu.memory_space<hbm>> -> memref<64x384xf32, #tpu.memory_space<hbm>>
      tpu.wait_dma2 semaphore(%arg12 : memref<!tpu.dma_semaphore, #tpu.memory_space<semaphore_mem>>) src(%dma_wait3A_163 : memref<64x384xf32, #tpu.memory_space<hbm>>) dst(%arg8 : memref<64x384xf32, #tpu.memory_space<vmem>>)
      %ge3A = arith.constant 2 : i32
      %ge3A_164 = arith.cmpi sge, %add3A_92, %ge3A : i32
      %convert_element_type3A_165 = arith.extui %ge3A_164 : i1 to i32
      %cond3A_166 = arith.constant 0 : i32
      %cond3A_167 = arith.cmpi ne, %convert_element_type3A_165, %cond3A_166 : i32
      scf.if %cond3A_167 {
        %dma_wait3A_268 = arith.constant 0 : i32
        %dma_wait3A_269 = tpu.memref_slice %arg5[%add3A_116, %mul3A_152, %dma_wait3A_268] : memref<384x384x384xf32, #tpu.memory_space<hbm>> -> memref<1x64x384xf32, #tpu.memory_space<hbm>>
        %dma_wait3A_270 = tpu.memref_squeeze %dma_wait3A_269 : memref<1x64x384xf32, #tpu.memory_space<hbm>> -> memref<64x384xf32, #tpu.memory_space<hbm>>
        %dma_wait3A_271 = arith.constant 0 : i32
        %dma_wait3A_272 = tpu.memref_slice %arg5[%add3A_116, %mul3A_152, %dma_wait3A_271] : memref<384x384x384xf32, #tpu.memory_space<hbm>> -> memref<1x64x384xf32, #tpu.memory_space<hbm>>
        %dma_wait3A_273 = tpu.memref_squeeze %dma_wait3A_272 : memref<1x64x384xf32, #tpu.memory_space<hbm>> -> memref<64x384xf32, #tpu.memory_space<hbm>>
        tpu.wait_dma2 semaphore(%arg14 : memref<!tpu.dma_semaphore, #tpu.memory_space<semaphore_mem>>) src(%arg10 : memref<64x384xf32, #tpu.memory_space<vmem>>) dst(%dma_wait3A_273 : memref<64x384xf32, #tpu.memory_space<hbm>>)
      } else {
      }
      %parallel_loop3A = arith.constant 0 : i32
      %parallel_loop3A_168 = arith.constant 64 : i32
      %parallel_loop3A_169 = arith.constant 1 : i32
      scf.for %parallel_loop3A_268 = %parallel_loop3A to %parallel_loop3A_168 step %parallel_loop3A_169  : i32 {
        %parallel_loop3A_269 = arith.index_cast %parallel_loop3A_268 : i32 to index
        %parallel_loop3A_270 = arith.constant 0 : index
        %parallel_loop3A_271 = tpu.vector_load %arg8[%parallel_loop3A_269, %parallel_loop3A_270] {strides = array<i32>} : memref<64x384xf32, #tpu.memory_space<vmem>>, vector<16xf32>,
        %parallel_loop3A_272 = arith.constant 1.000000e+01 : f32
        %parallel_loop3A_273 = vector.broadcast %parallel_loop3A_272 : f32 to vector<16xf32>
        %parallel_loop3A_274 = arith.mulf %parallel_loop3A_271, %parallel_loop3A_273 : vector<16xf32>
        %parallel_loop3A_275 = arith.constant 1.000000e+01 : f32
        %parallel_loop3A_276 = vector.broadcast %parallel_loop3A_275 : f32 to vector<16xf32>
        %parallel_loop3A_277 = arith.addf %parallel_loop3A_274, %parallel_loop3A_276 : vector<16xf32>
        %parallel_loop3A_278 = arith.constant 0.000000e+00 : f32
        %parallel_loop3A_279 = vector.broadcast %parallel_loop3A_278 : f32 to vector<16xf32>
        %parallel_loop3A_280 = arith.maximumf %parallel_loop3A_277, %parallel_loop3A_279 : vector<16xf32>
        %parallel_loop3A_281 = arith.constant 1.950000e+01 : f32
        %parallel_loop3A_282 = vector.broadcast %parallel_loop3A_281 : f32 to vector<16xf32>
        %parallel_loop3A_283 = arith.minimumf %parallel_loop3A_280, %parallel_loop3A_282 : vector<16xf32>
        %parallel_loop3A_284 = arith.fptosi %parallel_loop3A_283 : vector<16xf32> to vector<16xi32>
        %parallel_loop3A_285 = tpu.memref_slice %arg6[%mul3A_134] : memref<2304xf32, #tpu.memory_space<vmem>> -> memref<20xf32, #tpu.memory_space<vmem>>
        %parallel_loop3A_286 = tpu.vector_load_idx %parallel_loop3A_285[%parallel_loop3A_284] : memref<20xf32, #tpu.memory_space<vmem>>[vector<16xi32>], vector<16xf32>,
        %parallel_loop3A_287 = tpu.memref_slice %arg7[%mul3A_134] : memref<2304xf32, #tpu.memory_space<vmem>> -> memref<20xf32, #tpu.memory_space<vmem>>
        %parallel_loop3A_288 = tpu.vector_load_idx %parallel_loop3A_287[%parallel_loop3A_284] : memref<20xf32, #tpu.memory_space<vmem>>[vector<16xi32>], vector<16xf32>,
        %parallel_loop3A_289 = arith.mulf %parallel_loop3A_286, %parallel_loop3A_271 : vector<16xf32>
        %parallel_loop3A_290 = arith.addf %parallel_loop3A_289, %parallel_loop3A_288 : vector<16xf32>
        %parallel_loop3A_291 = arith.index_cast %parallel_loop3A_268 : i32 to index
        %parallel_loop3A_292 = arith.constant 0 : index
        %parallel_loop3A_293 = tpu.vector_load %arg10[%parallel_loop3A_291, %parallel_loop3A_292] {strides = array<i32>} : memref<64x384xf32, #tpu.memory_space<vmem>>, vector<16xf32>,
        tpu.vector_store %arg10[%parallel_loop3A_291, %parallel_loop3A_292], %parallel_loop3A_290 {strides = array<i32>} : memref<64x384xf32, #tpu.memory_space<vmem>>, vector<16xf32>,
        %parallel_loop3A_294 = arith.index_cast %parallel_loop3A_268 : i32 to index
        %parallel_loop3A_295 = arith.constant 16 : index
        %parallel_loop3A_296 = tpu.vector_load %arg8[%parallel_loop3A_294, %parallel_loop3A_295] {strides = array<i32>} : memref<64x384xf32, #tpu.memory_space<vmem>>, vector<16xf32>,
        %parallel_loop3A_297 = arith.constant 1.000000e+01 : f32
        %parallel_loop3A_298 = vector.broadcast %parallel_loop3A_297 : f32 to vector<16xf32>
        %parallel_loop3A_299 = arith.mulf %parallel_loop3A_296, %parallel_loop3A_298 : vector<16xf32>
        %parallel_loop3A_300 = arith.constant 1.000000e+01 : f32
        %parallel_loop3A_301 = vector.broadcast %parallel_loop3A_300 : f32 to vector<16xf32>
        %parallel_loop3A_302 = arith.addf %parallel_loop3A_299, %parallel_loop3A_301 : vector<16xf32>
        %parallel_loop3A_303 = arith.constant 0.000000e+00 : f32
        %parallel_loop3A_304 = vector.broadcast %parallel_loop3A_303 : f32 to vector<16xf32>
        %parallel_loop3A_305 = arith.maximumf %parallel_loop3A_302, %parallel_loop3A_304 : vector<16xf32>
        %parallel_loop3A_306 = arith.constant 1.950000e+01 : f32
        %parallel_loop3A_307 = vector.broadcast %parallel_loop3A_306 : f32 to vector<16xf32>
        %parallel_loop3A_308 = arith.minimumf %parallel_loop3A_305, %parallel_loop3A_307 : vector<16xf32>
        %parallel_loop3A_309 = arith.fptosi %parallel_loop3A_308 : vector<16xf32> to vector<16xi32>
        %parallel_loop3A_310 = tpu.memref_slice %arg6[%mul3A_134] : memref<2304xf32, #tpu.memory_space<vmem>> -> memref<20xf32, #tpu.memory_space<vmem>>
        %parallel_loop3A_311 = tpu.vector_load_idx %parallel_loop3A_310[%parallel_loop3A_309] : memref<20xf32, #tpu.memory_space<vmem>>[vector<16xi32>], vector<16xf32>,
        %parallel_loop3A_312 = tpu.memref_slice %arg7[%mul3A_134] : memref<2304xf32, #tpu.memory_space<vmem>> -> memref<20xf32, #tpu.memory_space<vmem>>
        %parallel_loop3A_313 = tpu.vector_load_idx %parallel_loop3A_312[%parallel_loop3A_309] : memref<20xf32, #tpu.memory_space<vmem>>[vector<16xi32>], vector<16xf32>,
        %parallel_loop3A_314 = arith.mulf %parallel_loop3A_311, %parallel_loop3A_296 : vector<16xf32>
        %parallel_loop3A_315 = arith.addf %parallel_loop3A_314, %parallel_loop3A_313 : vector<16xf32>
        %parallel_loop3A_316 = arith.index_cast %parallel_loop3A_268 : i32 to index
        %parallel_loop3A_317 = arith.constant 16 : index
        %parallel_loop3A_318 = tpu.vector_load %arg10[%parallel_loop3A_316, %parallel_loop3A_317] {strides = array<i32>} : memref<64x384xf32, #tpu.memory_space<vmem>>, vector<16xf32>,
        tpu.vector_store %arg10[%parallel_loop3A_316, %parallel_loop3A_317], %parallel_loop3A_315 {strides = array<i32>} : memref<64x384xf32, #tpu.memory_space<vmem>>, vector<16xf32>,
        %parallel_loop3A_319 = arith.index_cast %parallel_loop3A_268 : i32 to index
        %parallel_loop3A_320 = arith.constant 32 : index
        %parallel_loop3A_321 = tpu.vector_load %arg8[%parallel_loop3A_319, %parallel_loop3A_320] {strides = array<i32>} : memref<64x384xf32, #tpu.memory_space<vmem>>, vector<16xf32>,
        %parallel_loop3A_322 = arith.constant 1.000000e+01 : f32
        %parallel_loop3A_323 = vector.broadcast %parallel_loop3A_322 : f32 to vector<16xf32>
        %parallel_loop3A_324 = arith.mulf %parallel_loop3A_321, %parallel_loop3A_323 : vector<16xf32>
        %parallel_loop3A_325 = arith.constant 1.000000e+01 : f32
        %parallel_loop3A_326 = vector.broadcast %parallel_loop3A_325 : f32 to vector<16xf32>
        %parallel_loop3A_327 = arith.addf %parallel_loop3A_324, %parallel_loop3A_326 : vector<16xf32>
        %parallel_loop3A_328 = arith.constant 0.000000e+00 : f32
        %parallel_loop3A_329 = vector.broadcast %parallel_loop3A_328 : f32 to vector<16xf32>
        %parallel_loop3A_330 = arith.maximumf %parallel_loop3A_327, %parallel_loop3A_329 : vector<16xf32>
        %parallel_loop3A_331 = arith.constant 1.950000e+01 : f32
        %parallel_loop3A_332 = vector.broadcast %parallel_loop3A_331 : f32 to vector<16xf32>
        %parallel_loop3A_333 = arith.minimumf %parallel_loop3A_330, %parallel_loop3A_332 : vector<16xf32>
        %parallel_loop3A_334 = arith.fptosi %parallel_loop3A_333 : vector<16xf32> to vector<16xi32>
        %parallel_loop3A_335 = tpu.memref_slice %arg6[%mul3A_134] : memref<2304xf32, #tpu.memory_space<vmem>> -> memref<20xf32, #tpu.memory_space<vmem>>
        %parallel_loop3A_336 = tpu.vector_load_idx %parallel_loop3A_335[%parallel_loop3A_334] : memref<20xf32, #tpu.memory_space<vmem>>[vector<16xi32>], vector<16xf32>,
        %parallel_loop3A_337 = tpu.memref_slice %arg7[%mul3A_134] : memref<2304xf32, #tpu.memory_space<vmem>> -> memref<20xf32, #tpu.memory_space<vmem>>
        %parallel_loop3A_338 = tpu.vector_load_idx %parallel_loop3A_337[%parallel_loop3A_334] : memref<20xf32, #tpu.memory_space<vmem>>[vector<16xi32>], vector<16xf32>,
        %parallel_loop3A_339 = arith.mulf %parallel_loop3A_336, %parallel_loop3A_321 : vector<16xf32>
        %parallel_loop3A_340 = arith.addf %parallel_loop3A_339, %parallel_loop3A_338 : vector<16xf32>
        %parallel_loop3A_341 = arith.index_cast %parallel_loop3A_268 : i32 to index
        %parallel_loop3A_342 = arith.constant 32 : index
        %parallel_loop3A_343 = tpu.vector_load %arg10[%parallel_loop3A_341, %parallel_loop3A_342] {strides = array<i32>} : memref<64x384xf32, #tpu.memory_space<vmem>>, vector<16xf32>,
        tpu.vector_store %arg10[%parallel_loop3A_341, %parallel_loop3A_342], %parallel_loop3A_340 {strides = array<i32>} : memref<64x384xf32, #tpu.memory_space<vmem>>, vector<16xf32>,
        %parallel_loop3A_344 = arith.index_cast %parallel_loop3A_268 : i32 to index
        %parallel_loop3A_345 = arith.constant 48 : index
        %parallel_loop3A_346 = tpu.vector_load %arg8[%parallel_loop3A_344, %parallel_loop3A_345] {strides = array<i32>} : memref<64x384xf32, #tpu.memory_space<vmem>>, vector<16xf32>,
        %parallel_loop3A_347 = arith.constant 1.000000e+01 : f32
        %parallel_loop3A_348 = vector.broadcast %parallel_loop3A_347 : f32 to vector<16xf32>
        %parallel_loop3A_349 = arith.mulf %parallel_loop3A_346, %parallel_loop3A_348 : vector<16xf32>
        %parallel_loop3A_350 = arith.constant 1.000000e+01 : f32
        %parallel_loop3A_351 = vector.broadcast %parallel_loop3A_350 : f32 to vector<16xf32>
        %parallel_loop3A_352 = arith.addf %parallel_loop3A_349, %parallel_loop3A_351 : vector<16xf32>
        %parallel_loop3A_353 = arith.constant 0.000000e+00 : f32
        %parallel_loop3A_354 = vector.broadcast %parallel_loop3A_353 : f32 to vector<16xf32>
        %parallel_loop3A_355 = arith.maximumf %parallel_loop3A_352, %parallel_loop3A_354 : vector<16xf32>
        %parallel_loop3A_356 = arith.constant 1.950000e+01 : f32
        %parallel_loop3A_357 = vector.broadcast %parallel_loop3A_356 : f32 to vector<16xf32>
        %parallel_loop3A_358 = arith.minimumf %parallel_loop3A_355, %parallel_loop3A_357 : vector<16xf32>
        %parallel_loop3A_359 = arith.fptosi %parallel_loop3A_358 : vector<16xf32> to vector<16xi32>
        %parallel_loop3A_360 = tpu.memref_slice %arg6[%mul3A_134] : memref<2304xf32, #tpu.memory_space<vmem>> -> memref<20xf32, #tpu.memory_space<vmem>>
        %parallel_loop3A_361 = tpu.vector_load_idx %parallel_loop3A_360[%parallel_loop3A_359] : memref<20xf32, #tpu.memory_space<vmem>>[vector<16xi32>], vector<16xf32>,
        %parallel_loop3A_362 = tpu.memref_slice %arg7[%mul3A_134] : memref<2304xf32, #tpu.memory_space<vmem>> -> memref<20xf32, #tpu.memory_space<vmem>>
        %parallel_loop3A_363 = tpu.vector_load_idx %parallel_loop3A_362[%parallel_loop3A_359] : memref<20xf32, #tpu.memory_space<vmem>>[vector<16xi32>], vector<16xf32>,
        %parallel_loop3A_364 = arith.mulf %parallel_loop3A_361, %parallel_loop3A_346 : vector<16xf32>
        %parallel_loop3A_365 = arith.addf %parallel_loop3A_364, %parallel_loop3A_363 : vector<16xf32>
        %parallel_loop3A_366 = arith.index_cast %parallel_loop3A_268 : i32 to index
        %parallel_loop3A_367 = arith.constant 48 : index
        %parallel_loop3A_368 = tpu.vector_load %arg10[%parallel_loop3A_366, %parallel_loop3A_367] {strides = array<i32>} : memref<64x384xf32, #tpu.memory_space<vmem>>, vector<16xf32>,
        tpu.vector_store %arg10[%parallel_loop3A_366, %parallel_loop3A_367], %parallel_loop3A_365 {strides = array<i32>} : memref<64x384xf32, #tpu.memory_space<vmem>>, vector<16xf32>,
        %parallel_loop3A_369 = arith.index_cast %parallel_loop3A_268 : i32 to index
        %parallel_loop3A_370 = arith.constant 64 : index
        %parallel_loop3A_371 = tpu.vector_load %arg8[%parallel_loop3A_369, %parallel_loop3A_370] {strides = array<i32>} : memref<64x384xf32, #tpu.memory_space<vmem>>, vector<16xf32>,
        %parallel_loop3A_372 = arith.constant 1.000000e+01 : f32
        %parallel_loop3A_373 = vector.broadcast %parallel_loop3A_372 : f32 to vector<16xf32>
        %parallel_loop3A_374 = arith.mulf %parallel_loop3A_371, %parallel_loop3A_373 : vector<16xf32>
        %parallel_loop3A_375 = arith.constant 1.000000e+01 : f32
        %parallel_loop3A_376 = vector.broadcast %parallel_loop3A_375 : f32 to vector<16xf32>
        %parallel_loop3A_377 = arith.addf %parallel_loop3A_374, %parallel_loop3A_376 : vector<16xf32>
        %parallel_loop3A_378 = arith.constant 0.000000e+00 : f32
        %parallel_loop3A_379 = vector.broadcast %parallel_loop3A_378 : f32 to vector<16xf32>
        %parallel_loop3A_380 = arith.maximumf %parallel_loop3A_377, %parallel_loop3A_379 : vector<16xf32>
        %parallel_loop3A_381 = arith.constant 1.950000e+01 : f32
        %parallel_loop3A_382 = vector.broadcast %parallel_loop3A_381 : f32 to vector<16xf32>
        %parallel_loop3A_383 = arith.minimumf %parallel_loop3A_380, %parallel_loop3A_382 : vector<16xf32>
        %parallel_loop3A_384 = arith.fptosi %parallel_loop3A_383 : vector<16xf32> to vector<16xi32>
        %parallel_loop3A_385 = tpu.memref_slice %arg6[%mul3A_134] : memref<2304xf32, #tpu.memory_space<vmem>> -> memref<20xf32, #tpu.memory_space<vmem>>
        %parallel_loop3A_386 = tpu.vector_load_idx %parallel_loop3A_385[%parallel_loop3A_384] : memref<20xf32, #tpu.memory_space<vmem>>[vector<16xi32>], vector<16xf32>,
        %parallel_loop3A_387 = tpu.memref_slice %arg7[%mul3A_134] : memref<2304xf32, #tpu.memory_space<vmem>> -> memref<20xf32, #tpu.memory_space<vmem>>
        %parallel_loop3A_388 = tpu.vector_load_idx %parallel_loop3A_387[%parallel_loop3A_384] : memref<20xf32, #tpu.memory_space<vmem>>[vector<16xi32>], vector<16xf32>,
        %parallel_loop3A_389 = arith.mulf %parallel_loop3A_386, %parallel_loop3A_371 : vector<16xf32>
        %parallel_loop3A_390 = arith.addf %parallel_loop3A_389, %parallel_loop3A_388 : vector<16xf32>
        %parallel_loop3A_391 = arith.index_cast %parallel_loop3A_268 : i32 to index
        %parallel_loop3A_392 = arith.constant 64 : index
        %parallel_loop3A_393 = tpu.vector_load %arg10[%parallel_loop3A_391, %parallel_loop3A_392] {strides = array<i32>} : memref<64x384xf32, #tpu.memory_space<vmem>>, vector<16xf32>,
        tpu.vector_store %arg10[%parallel_loop3A_391, %parallel_loop3A_392], %parallel_loop3A_390 {strides = array<i32>} : memref<64x384xf32, #tpu.memory_space<vmem>>, vector<16xf32>,
        %parallel_loop3A_394 = arith.index_cast %parallel_loop3A_268 : i32 to index
        %parallel_loop3A_395 = arith.constant 80 : index
        %parallel_loop3A_396 = tpu.vector_load %arg8[%parallel_loop3A_394, %parallel_loop3A_395] {strides = array<i32>} : memref<64x384xf32, #tpu.memory_space<vmem>>, vector<16xf32>,
        %parallel_loop3A_397 = arith.constant 1.000000e+01 : f32
        %parallel_loop3A_398 = vector.broadcast %parallel_loop3A_397 : f32 to vector<16xf32>
        %parallel_loop3A_399 = arith.mulf %parallel_loop3A_396, %parallel_loop3A_398 : vector<16xf32>
        %parallel_loop3A_400 = arith.constant 1.000000e+01 : f32
        %parallel_loop3A_401 = vector.broadcast %parallel_loop3A_400 : f32 to vector<16xf32>
        %parallel_loop3A_402 = arith.addf %parallel_loop3A_399, %parallel_loop3A_401 : vector<16xf32>
        %parallel_loop3A_403 = arith.constant 0.000000e+00 : f32
        %parallel_loop3A_404 = vector.broadcast %parallel_loop3A_403 : f32 to vector<16xf32>
        %parallel_loop3A_405 = arith.maximumf %parallel_loop3A_402, %parallel_loop3A_404 : vector<16xf32>
        %parallel_loop3A_406 = arith.constant 1.950000e+01 : f32
        %parallel_loop3A_407 = vector.broadcast %parallel_loop3A_406 : f32 to vector<16xf32>
        %parallel_loop3A_408 = arith.minimumf %parallel_loop3A_405, %parallel_loop3A_407 : vector<16xf32>
        %parallel_loop3A_409 = arith.fptosi %parallel_loop3A_408 : vector<16xf32> to vector<16xi32>
        %parallel_loop3A_410 = tpu.memref_slice %arg6[%mul3A_134] : memref<2304xf32, #tpu.memory_space<vmem>> -> memref<20xf32, #tpu.memory_space<vmem>>
        %parallel_loop3A_411 = tpu.vector_load_idx %parallel_loop3A_410[%parallel_loop3A_409] : memref<20xf32, #tpu.memory_space<vmem>>[vector<16xi32>], vector<16xf32>,
        %parallel_loop3A_412 = tpu.memref_slice %arg7[%mul3A_134] : memref<2304xf32, #tpu.memory_space<vmem>> -> memref<20xf32, #tpu.memory_space<vmem>>
        %parallel_loop3A_413 = tpu.vector_load_idx %parallel_loop3A_412[%parallel_loop3A_409] : memref<20xf32, #tpu.memory_space<vmem>>[vector<16xi32>], vector<16xf32>,
        %parallel_loop3A_414 = arith.mulf %parallel_loop3A_411, %parallel_loop3A_396 : vector<16xf32>
        %parallel_loop3A_415 = arith.addf %parallel_loop3A_414, %parallel_loop3A_413 : vector<16xf32>
        %parallel_loop3A_416 = arith.index_cast %parallel_loop3A_268 : i32 to index
        %parallel_loop3A_417 = arith.constant 80 : index
        %parallel_loop3A_418 = tpu.vector_load %arg10[%parallel_loop3A_416, %parallel_loop3A_417] {strides = array<i32>} : memref<64x384xf32, #tpu.memory_space<vmem>>, vector<16xf32>,
        tpu.vector_store %arg10[%parallel_loop3A_416, %parallel_loop3A_417], %parallel_loop3A_415 {strides = array<i32>} : memref<64x384xf32, #tpu.memory_space<vmem>>, vector<16xf32>,
        %parallel_loop3A_419 = arith.index_cast %parallel_loop3A_268 : i32 to index
        %parallel_loop3A_420 = arith.constant 96 : index
        %parallel_loop3A_421 = tpu.vector_load %arg8[%parallel_loop3A_419, %parallel_loop3A_420] {strides = array<i32>} : memref<64x384xf32, #tpu.memory_space<vmem>>, vector<16xf32>,
        %parallel_loop3A_422 = arith.constant 1.000000e+01 : f32
        %parallel_loop3A_423 = vector.broadcast %parallel_loop3A_422 : f32 to vector<16xf32>
        %parallel_loop3A_424 = arith.mulf %parallel_loop3A_421, %parallel_loop3A_423 : vector<16xf32>
        %parallel_loop3A_425 = arith.constant 1.000000e+01 : f32
        %parallel_loop3A_426 = vector.broadcast %parallel_loop3A_425 : f32 to vector<16xf32>
        %parallel_loop3A_427 = arith.addf %parallel_loop3A_424, %parallel_loop3A_426 : vector<16xf32>
        %parallel_loop3A_428 = arith.constant 0.000000e+00 : f32
        %parallel_loop3A_429 = vector.broadcast %parallel_loop3A_428 : f32 to vector<16xf32>
        %parallel_loop3A_430 = arith.maximumf %parallel_loop3A_427, %parallel_loop3A_429 : vector<16xf32>
        %parallel_loop3A_431 = arith.constant 1.950000e+01 : f32
        %parallel_loop3A_432 = vector.broadcast %parallel_loop3A_431 : f32 to vector<16xf32>
        %parallel_loop3A_433 = arith.minimumf %parallel_loop3A_430, %parallel_loop3A_432 : vector<16xf32>
        %parallel_loop3A_434 = arith.fptosi %parallel_loop3A_433 : vector<16xf32> to vector<16xi32>
        %parallel_loop3A_435 = tpu.memref_slice %arg6[%mul3A_134] : memref<2304xf32, #tpu.memory_space<vmem>> -> memref<20xf32, #tpu.memory_space<vmem>>
        %parallel_loop3A_436 = tpu.vector_load_idx %parallel_loop3A_435[%parallel_loop3A_434] : memref<20xf32, #tpu.memory_space<vmem>>[vector<16xi32>], vector<16xf32>,
        %parallel_loop3A_437 = tpu.memref_slice %arg7[%mul3A_134] : memref<2304xf32, #tpu.memory_space<vmem>> -> memref<20xf32, #tpu.memory_space<vmem>>
        %parallel_loop3A_438 = tpu.vector_load_idx %parallel_loop3A_437[%parallel_loop3A_434] : memref<20xf32, #tpu.memory_space<vmem>>[vector<16xi32>], vector<16xf32>,
        %parallel_loop3A_439 = arith.mulf %parallel_loop3A_436, %parallel_loop3A_421 : vector<16xf32>
        %parallel_loop3A_440 = arith.addf %parallel_loop3A_439, %parallel_loop3A_438 : vector<16xf32>
        %parallel_loop3A_441 = arith.index_cast %parallel_loop3A_268 : i32 to index
        %parallel_loop3A_442 = arith.constant 96 : index
        %parallel_loop3A_443 = tpu.vector_load %arg10[%parallel_loop3A_441, %parallel_loop3A_442] {strides = array<i32>} : memref<64x384xf32, #tpu.memory_space<vmem>>, vector<16xf32>,
        tpu.vector_store %arg10[%parallel_loop3A_441, %parallel_loop3A_442], %parallel_loop3A_440 {strides = array<i32>} : memref<64x384xf32, #tpu.memory_space<vmem>>, vector<16xf32>,
        %parallel_loop3A_444 = arith.index_cast %parallel_loop3A_268 : i32 to index
        %parallel_loop3A_445 = arith.constant 112 : index
        %parallel_loop3A_446 = tpu.vector_load %arg8[%parallel_loop3A_444, %parallel_loop3A_445] {strides = array<i32>} : memref<64x384xf32, #tpu.memory_space<vmem>>, vector<16xf32>,
        %parallel_loop3A_447 = arith.constant 1.000000e+01 : f32
        %parallel_loop3A_448 = vector.broadcast %parallel_loop3A_447 : f32 to vector<16xf32>
        %parallel_loop3A_449 = arith.mulf %parallel_loop3A_446, %parallel_loop3A_448 : vector<16xf32>
        %parallel_loop3A_450 = arith.constant 1.000000e+01 : f32
        %parallel_loop3A_451 = vector.broadcast %parallel_loop3A_450 : f32 to vector<16xf32>
        %parallel_loop3A_452 = arith.addf %parallel_loop3A_449, %parallel_loop3A_451 : vector<16xf32>
        %parallel_loop3A_453 = arith.constant 0.000000e+00 : f32
        %parallel_loop3A_454 = vector.broadcast %parallel_loop3A_453 : f32 to vector<16xf32>
        %parallel_loop3A_455 = arith.maximumf %parallel_loop3A_452, %parallel_loop3A_454 : vector<16xf32>
        %parallel_loop3A_456 = arith.constant 1.950000e+01 : f32
        %parallel_loop3A_457 = vector.broadcast %parallel_loop3A_456 : f32 to vector<16xf32>
        %parallel_loop3A_458 = arith.minimumf %parallel_loop3A_455, %parallel_loop3A_457 : vector<16xf32>
        %parallel_loop3A_459 = arith.fptosi %parallel_loop3A_458 : vector<16xf32> to vector<16xi32>
        %parallel_loop3A_460 = tpu.memref_slice %arg6[%mul3A_134] : memref<2304xf32, #tpu.memory_space<vmem>> -> memref<20xf32, #tpu.memory_space<vmem>>
        %parallel_loop3A_461 = tpu.vector_load_idx %parallel_loop3A_460[%parallel_loop3A_459] : memref<20xf32, #tpu.memory_space<vmem>>[vector<16xi32>], vector<16xf32>,
        %parallel_loop3A_462 = tpu.memref_slice %arg7[%mul3A_134] : memref<2304xf32, #tpu.memory_space<vmem>> -> memref<20xf32, #tpu.memory_space<vmem>>
        %parallel_loop3A_463 = tpu.vector_load_idx %parallel_loop3A_462[%parallel_loop3A_459] : memref<20xf32, #tpu.memory_space<vmem>>[vector<16xi32>], vector<16xf32>,
        %parallel_loop3A_464 = arith.mulf %parallel_loop3A_461, %parallel_loop3A_446 : vector<16xf32>
        %parallel_loop3A_465 = arith.addf %parallel_loop3A_464, %parallel_loop3A_463 : vector<16xf32>
        %parallel_loop3A_466 = arith.index_cast %parallel_loop3A_268 : i32 to index
        %parallel_loop3A_467 = arith.constant 112 : index
        %parallel_loop3A_468 = tpu.vector_load %arg10[%parallel_loop3A_466, %parallel_loop3A_467] {strides = array<i32>} : memref<64x384xf32, #tpu.memory_space<vmem>>, vector<16xf32>,
        tpu.vector_store %arg10[%parallel_loop3A_466, %parallel_loop3A_467], %parallel_loop3A_465 {strides = array<i32>} : memref<64x384xf32, #tpu.memory_space<vmem>>, vector<16xf32>,
        %parallel_loop3A_469 = arith.index_cast %parallel_loop3A_268 : i32 to index
        %parallel_loop3A_470 = arith.constant 128 : index
        %parallel_loop3A_471 = tpu.vector_load %arg8[%parallel_loop3A_469, %parallel_loop3A_470] {strides = array<i32>} : memref<64x384xf32, #tpu.memory_space<vmem>>, vector<16xf32>,
        %parallel_loop3A_472 = arith.constant 1.000000e+01 : f32
        %parallel_loop3A_473 = vector.broadcast %parallel_loop3A_472 : f32 to vector<16xf32>
        %parallel_loop3A_474 = arith.mulf %parallel_loop3A_471, %parallel_loop3A_473 : vector<16xf32>
        %parallel_loop3A_475 = arith.constant 1.000000e+01 : f32
        %parallel_loop3A_476 = vector.broadcast %parallel_loop3A_475 : f32 to vector<16xf32>
        %parallel_loop3A_477 = arith.addf %parallel_loop3A_474, %parallel_loop3A_476 : vector<16xf32>
        %parallel_loop3A_478 = arith.constant 0.000000e+00 : f32
        %parallel_loop3A_479 = vector.broadcast %parallel_loop3A_478 : f32 to vector<16xf32>
        %parallel_loop3A_480 = arith.maximumf %parallel_loop3A_477, %parallel_loop3A_479 : vector<16xf32>
        %parallel_loop3A_481 = arith.constant 1.950000e+01 : f32
        %parallel_loop3A_482 = vector.broadcast %parallel_loop3A_481 : f32 to vector<16xf32>
        %parallel_loop3A_483 = arith.minimumf %parallel_loop3A_480, %parallel_loop3A_482 : vector<16xf32>
        %parallel_loop3A_484 = arith.fptosi %parallel_loop3A_483 : vector<16xf32> to vector<16xi32>
        %parallel_loop3A_485 = tpu.memref_slice %arg6[%mul3A_134] : memref<2304xf32, #tpu.memory_space<vmem>> -> memref<20xf32, #tpu.memory_space<vmem>>
        %parallel_loop3A_486 = tpu.vector_load_idx %parallel_loop3A_485[%parallel_loop3A_484] : memref<20xf32, #tpu.memory_space<vmem>>[vector<16xi32>], vector<16xf32>,
        %parallel_loop3A_487 = tpu.memref_slice %arg7[%mul3A_134] : memref<2304xf32, #tpu.memory_space<vmem>> -> memref<20xf32, #tpu.memory_space<vmem>>
        %parallel_loop3A_488 = tpu.vector_load_idx %parallel_loop3A_487[%parallel_loop3A_484] : memref<20xf32, #tpu.memory_space<vmem>>[vector<16xi32>], vector<16xf32>,
        %parallel_loop3A_489 = arith.mulf %parallel_loop3A_486, %parallel_loop3A_471 : vector<16xf32>
        %parallel_loop3A_490 = arith.addf %parallel_loop3A_489, %parallel_loop3A_488 : vector<16xf32>
        %parallel_loop3A_491 = arith.index_cast %parallel_loop3A_268 : i32 to index
        %parallel_loop3A_492 = arith.constant 128 : index
        %parallel_loop3A_493 = tpu.vector_load %arg10[%parallel_loop3A_491, %parallel_loop3A_492] {strides = array<i32>} : memref<64x384xf32, #tpu.memory_space<vmem>>, vector<16xf32>,
        tpu.vector_store %arg10[%parallel_loop3A_491, %parallel_loop3A_492], %parallel_loop3A_490 {strides = array<i32>} : memref<64x384xf32, #tpu.memory_space<vmem>>, vector<16xf32>,
        %parallel_loop3A_494 = arith.index_cast %parallel_loop3A_268 : i32 to index
        %parallel_loop3A_495 = arith.constant 144 : index
        %parallel_loop3A_496 = tpu.vector_load %arg8[%parallel_loop3A_494, %parallel_loop3A_495] {strides = array<i32>} : memref<64x384xf32, #tpu.memory_space<vmem>>, vector<16xf32>,
        %parallel_loop3A_497 = arith.constant 1.000000e+01 : f32
        %parallel_loop3A_498 = vector.broadcast %parallel_loop3A_497 : f32 to vector<16xf32>
        %parallel_loop3A_499 = arith.mulf %parallel_loop3A_496, %parallel_loop3A_498 : vector<16xf32>
        %parallel_loop3A_500 = arith.constant 1.000000e+01 : f32
        %parallel_loop3A_501 = vector.broadcast %parallel_loop3A_500 : f32 to vector<16xf32>
        %parallel_loop3A_502 = arith.addf %parallel_loop3A_499, %parallel_loop3A_501 : vector<16xf32>
        %parallel_loop3A_503 = arith.constant 0.000000e+00 : f32
        %parallel_loop3A_504 = vector.broadcast %parallel_loop3A_503 : f32 to vector<16xf32>
        %parallel_loop3A_505 = arith.maximumf %parallel_loop3A_502, %parallel_loop3A_504 : vector<16xf32>
        %parallel_loop3A_506 = arith.constant 1.950000e+01 : f32
        %parallel_loop3A_507 = vector.broadcast %parallel_loop3A_506 : f32 to vector<16xf32>
        %parallel_loop3A_508 = arith.minimumf %parallel_loop3A_505, %parallel_loop3A_507 : vector<16xf32>
        %parallel_loop3A_509 = arith.fptosi %parallel_loop3A_508 : vector<16xf32> to vector<16xi32>
        %parallel_loop3A_510 = tpu.memref_slice %arg6[%mul3A_134] : memref<2304xf32, #tpu.memory_space<vmem>> -> memref<20xf32, #tpu.memory_space<vmem>>
        %parallel_loop3A_511 = tpu.vector_load_idx %parallel_loop3A_510[%parallel_loop3A_509] : memref<20xf32, #tpu.memory_space<vmem>>[vector<16xi32>], vector<16xf32>,
        %parallel_loop3A_512 = tpu.memref_slice %arg7[%mul3A_134] : memref<2304xf32, #tpu.memory_space<vmem>> -> memref<20xf32, #tpu.memory_space<vmem>>
        %parallel_loop3A_513 = tpu.vector_load_idx %parallel_loop3A_512[%parallel_loop3A_509] : memref<20xf32, #tpu.memory_space<vmem>>[vector<16xi32>], vector<16xf32>,
        %parallel_loop3A_514 = arith.mulf %parallel_loop3A_511, %parallel_loop3A_496 : vector<16xf32>
        %parallel_loop3A_515 = arith.addf %parallel_loop3A_514, %parallel_loop3A_513 : vector<16xf32>
        %parallel_loop3A_516 = arith.index_cast %parallel_loop3A_268 : i32 to index
        %parallel_loop3A_517 = arith.constant 144 : index
        %parallel_loop3A_518 = tpu.vector_load %arg10[%parallel_loop3A_516, %parallel_loop3A_517] {strides = array<i32>} : memref<64x384xf32, #tpu.memory_space<vmem>>, vector<16xf32>,
        tpu.vector_store %arg10[%parallel_loop3A_516, %parallel_loop3A_517], %parallel_loop3A_515 {strides = array<i32>} : memref<64x384xf32, #tpu.memory_space<vmem>>, vector<16xf32>,
        %parallel_loop3A_519 = arith.index_cast %parallel_loop3A_268 : i32 to index
        %parallel_loop3A_520 = arith.constant 160 : index
        %parallel_loop3A_521 = tpu.vector_load %arg8[%parallel_loop3A_519, %parallel_loop3A_520] {strides = array<i32>} : memref<64x384xf32, #tpu.memory_space<vmem>>, vector<16xf32>,
        %parallel_loop3A_522 = arith.constant 1.000000e+01 : f32
        %parallel_loop3A_523 = vector.broadcast %parallel_loop3A_522 : f32 to vector<16xf32>
        %parallel_loop3A_524 = arith.mulf %parallel_loop3A_521, %parallel_loop3A_523 : vector<16xf32>
        %parallel_loop3A_525 = arith.constant 1.000000e+01 : f32
        %parallel_loop3A_526 = vector.broadcast %parallel_loop3A_525 : f32 to vector<16xf32>
        %parallel_loop3A_527 = arith.addf %parallel_loop3A_524, %parallel_loop3A_526 : vector<16xf32>
        %parallel_loop3A_528 = arith.constant 0.000000e+00 : f32
        %parallel_loop3A_529 = vector.broadcast %parallel_loop3A_528 : f32 to vector<16xf32>
        %parallel_loop3A_530 = arith.maximumf %parallel_loop3A_527, %parallel_loop3A_529 : vector<16xf32>
        %parallel_loop3A_531 = arith.constant 1.950000e+01 : f32
        %parallel_loop3A_532 = vector.broadcast %parallel_loop3A_531 : f32 to vector<16xf32>
        %parallel_loop3A_533 = arith.minimumf %parallel_loop3A_530, %parallel_loop3A_532 : vector<16xf32>
        %parallel_loop3A_534 = arith.fptosi %parallel_loop3A_533 : vector<16xf32> to vector<16xi32>
        %parallel_loop3A_535 = tpu.memref_slice %arg6[%mul3A_134] : memref<2304xf32, #tpu.memory_space<vmem>> -> memref<20xf32, #tpu.memory_space<vmem>>
        %parallel_loop3A_536 = tpu.vector_load_idx %parallel_loop3A_535[%parallel_loop3A_534] : memref<20xf32, #tpu.memory_space<vmem>>[vector<16xi32>], vector<16xf32>,
        %parallel_loop3A_537 = tpu.memref_slice %arg7[%mul3A_134] : memref<2304xf32, #tpu.memory_space<vmem>> -> memref<20xf32, #tpu.memory_space<vmem>>
        %parallel_loop3A_538 = tpu.vector_load_idx %parallel_loop3A_537[%parallel_loop3A_534] : memref<20xf32, #tpu.memory_space<vmem>>[vector<16xi32>], vector<16xf32>,
        %parallel_loop3A_539 = arith.mulf %parallel_loop3A_536, %parallel_loop3A_521 : vector<16xf32>
        %parallel_loop3A_540 = arith.addf %parallel_loop3A_539, %parallel_loop3A_538 : vector<16xf32>
        %parallel_loop3A_541 = arith.index_cast %parallel_loop3A_268 : i32 to index
        %parallel_loop3A_542 = arith.constant 160 : index
        %parallel_loop3A_543 = tpu.vector_load %arg10[%parallel_loop3A_541, %parallel_loop3A_542] {strides = array<i32>} : memref<64x384xf32, #tpu.memory_space<vmem>>, vector<16xf32>,
        tpu.vector_store %arg10[%parallel_loop3A_541, %parallel_loop3A_542], %parallel_loop3A_540 {strides = array<i32>} : memref<64x384xf32, #tpu.memory_space<vmem>>, vector<16xf32>,
        %parallel_loop3A_544 = arith.index_cast %parallel_loop3A_268 : i32 to index
        %parallel_loop3A_545 = arith.constant 176 : index
        %parallel_loop3A_546 = tpu.vector_load %arg8[%parallel_loop3A_544, %parallel_loop3A_545] {strides = array<i32>} : memref<64x384xf32, #tpu.memory_space<vmem>>, vector<16xf32>,
        %parallel_loop3A_547 = arith.constant 1.000000e+01 : f32
        %parallel_loop3A_548 = vector.broadcast %parallel_loop3A_547 : f32 to vector<16xf32>
        %parallel_loop3A_549 = arith.mulf %parallel_loop3A_546, %parallel_loop3A_548 : vector<16xf32>
        %parallel_loop3A_550 = arith.constant 1.000000e+01 : f32
        %parallel_loop3A_551 = vector.broadcast %parallel_loop3A_550 : f32 to vector<16xf32>
        %parallel_loop3A_552 = arith.addf %parallel_loop3A_549, %parallel_loop3A_551 : vector<16xf32>
        %parallel_loop3A_553 = arith.constant 0.000000e+00 : f32
        %parallel_loop3A_554 = vector.broadcast %parallel_loop3A_553 : f32 to vector<16xf32>
        %parallel_loop3A_555 = arith.maximumf %parallel_loop3A_552, %parallel_loop3A_554 : vector<16xf32>
        %parallel_loop3A_556 = arith.constant 1.950000e+01 : f32
        %parallel_loop3A_557 = vector.broadcast %parallel_loop3A_556 : f32 to vector<16xf32>
        %parallel_loop3A_558 = arith.minimumf %parallel_loop3A_555, %parallel_loop3A_557 : vector<16xf32>
        %parallel_loop3A_559 = arith.fptosi %parallel_loop3A_558 : vector<16xf32> to vector<16xi32>
        %parallel_loop3A_560 = tpu.memref_slice %arg6[%mul3A_134] : memref<2304xf32, #tpu.memory_space<vmem>> -> memref<20xf32, #tpu.memory_space<vmem>>
        %parallel_loop3A_561 = tpu.vector_load_idx %parallel_loop3A_560[%parallel_loop3A_559] : memref<20xf32, #tpu.memory_space<vmem>>[vector<16xi32>], vector<16xf32>,
        %parallel_loop3A_562 = tpu.memref_slice %arg7[%mul3A_134] : memref<2304xf32, #tpu.memory_space<vmem>> -> memref<20xf32, #tpu.memory_space<vmem>>
        %parallel_loop3A_563 = tpu.vector_load_idx %parallel_loop3A_562[%parallel_loop3A_559] : memref<20xf32, #tpu.memory_space<vmem>>[vector<16xi32>], vector<16xf32>,
        %parallel_loop3A_564 = arith.mulf %parallel_loop3A_561, %parallel_loop3A_546 : vector<16xf32>
        %parallel_loop3A_565 = arith.addf %parallel_loop3A_564, %parallel_loop3A_563 : vector<16xf32>
        %parallel_loop3A_566 = arith.index_cast %parallel_loop3A_268 : i32 to index
        %parallel_loop3A_567 = arith.constant 176 : index
        %parallel_loop3A_568 = tpu.vector_load %arg10[%parallel_loop3A_566, %parallel_loop3A_567] {strides = array<i32>} : memref<64x384xf32, #tpu.memory_space<vmem>>, vector<16xf32>,
        tpu.vector_store %arg10[%parallel_loop3A_566, %parallel_loop3A_567], %parallel_loop3A_565 {strides = array<i32>} : memref<64x384xf32, #tpu.memory_space<vmem>>, vector<16xf32>,
        %parallel_loop3A_569 = arith.index_cast %parallel_loop3A_268 : i32 to index
        %parallel_loop3A_570 = arith.constant 192 : index
        %parallel_loop3A_571 = tpu.vector_load %arg8[%parallel_loop3A_569, %parallel_loop3A_570] {strides = array<i32>} : memref<64x384xf32, #tpu.memory_space<vmem>>, vector<16xf32>,
        %parallel_loop3A_572 = arith.constant 1.000000e+01 : f32
        %parallel_loop3A_573 = vector.broadcast %parallel_loop3A_572 : f32 to vector<16xf32>
        %parallel_loop3A_574 = arith.mulf %parallel_loop3A_571, %parallel_loop3A_573 : vector<16xf32>
        %parallel_loop3A_575 = arith.constant 1.000000e+01 : f32
        %parallel_loop3A_576 = vector.broadcast %parallel_loop3A_575 : f32 to vector<16xf32>
        %parallel_loop3A_577 = arith.addf %parallel_loop3A_574, %parallel_loop3A_576 : vector<16xf32>
        %parallel_loop3A_578 = arith.constant 0.000000e+00 : f32
        %parallel_loop3A_579 = vector.broadcast %parallel_loop3A_578 : f32 to vector<16xf32>
        %parallel_loop3A_580 = arith.maximumf %parallel_loop3A_577, %parallel_loop3A_579 : vector<16xf32>
        %parallel_loop3A_581 = arith.constant 1.950000e+01 : f32
        %parallel_loop3A_582 = vector.broadcast %parallel_loop3A_581 : f32 to vector<16xf32>
        %parallel_loop3A_583 = arith.minimumf %parallel_loop3A_580, %parallel_loop3A_582 : vector<16xf32>
        %parallel_loop3A_584 = arith.fptosi %parallel_loop3A_583 : vector<16xf32> to vector<16xi32>
        %parallel_loop3A_585 = tpu.memref_slice %arg6[%mul3A_134] : memref<2304xf32, #tpu.memory_space<vmem>> -> memref<20xf32, #tpu.memory_space<vmem>>
        %parallel_loop3A_586 = tpu.vector_load_idx %parallel_loop3A_585[%parallel_loop3A_584] : memref<20xf32, #tpu.memory_space<vmem>>[vector<16xi32>], vector<16xf32>,
        %parallel_loop3A_587 = tpu.memref_slice %arg7[%mul3A_134] : memref<2304xf32, #tpu.memory_space<vmem>> -> memref<20xf32, #tpu.memory_space<vmem>>
        %parallel_loop3A_588 = tpu.vector_load_idx %parallel_loop3A_587[%parallel_loop3A_584] : memref<20xf32, #tpu.memory_space<vmem>>[vector<16xi32>], vector<16xf32>,
        %parallel_loop3A_589 = arith.mulf %parallel_loop3A_586, %parallel_loop3A_571 : vector<16xf32>
        %parallel_loop3A_590 = arith.addf %parallel_loop3A_589, %parallel_loop3A_588 : vector<16xf32>
        %parallel_loop3A_591 = arith.index_cast %parallel_loop3A_268 : i32 to index
        %parallel_loop3A_592 = arith.constant 192 : index
        %parallel_loop3A_593 = tpu.vector_load %arg10[%parallel_loop3A_591, %parallel_loop3A_592] {strides = array<i32>} : memref<64x384xf32, #tpu.memory_space<vmem>>, vector<16xf32>,
        tpu.vector_store %arg10[%parallel_loop3A_591, %parallel_loop3A_592], %parallel_loop3A_590 {strides = array<i32>} : memref<64x384xf32, #tpu.memory_space<vmem>>, vector<16xf32>,
        %parallel_loop3A_594 = arith.index_cast %parallel_loop3A_268 : i32 to index
        %parallel_loop3A_595 = arith.constant 208 : index
        %parallel_loop3A_596 = tpu.vector_load %arg8[%parallel_loop3A_594, %parallel_loop3A_595] {strides = array<i32>} : memref<64x384xf32, #tpu.memory_space<vmem>>, vector<16xf32>,
        %parallel_loop3A_597 = arith.constant 1.000000e+01 : f32
        %parallel_loop3A_598 = vector.broadcast %parallel_loop3A_597 : f32 to vector<16xf32>
        %parallel_loop3A_599 = arith.mulf %parallel_loop3A_596, %parallel_loop3A_598 : vector<16xf32>
        %parallel_loop3A_600 = arith.constant 1.000000e+01 : f32
        %parallel_loop3A_601 = vector.broadcast %parallel_loop3A_600 : f32 to vector<16xf32>
        %parallel_loop3A_602 = arith.addf %parallel_loop3A_599, %parallel_loop3A_601 : vector<16xf32>
        %parallel_loop3A_603 = arith.constant 0.000000e+00 : f32
        %parallel_loop3A_604 = vector.broadcast %parallel_loop3A_603 : f32 to vector<16xf32>
        %parallel_loop3A_605 = arith.maximumf %parallel_loop3A_602, %parallel_loop3A_604 : vector<16xf32>
        %parallel_loop3A_606 = arith.constant 1.950000e+01 : f32
        %parallel_loop3A_607 = vector.broadcast %parallel_loop3A_606 : f32 to vector<16xf32>
        %parallel_loop3A_608 = arith.minimumf %parallel_loop3A_605, %parallel_loop3A_607 : vector<16xf32>
        %parallel_loop3A_609 = arith.fptosi %parallel_loop3A_608 : vector<16xf32> to vector<16xi32>
        %parallel_loop3A_610 = tpu.memref_slice %arg6[%mul3A_134] : memref<2304xf32, #tpu.memory_space<vmem>> -> memref<20xf32, #tpu.memory_space<vmem>>
        %parallel_loop3A_611 = tpu.vector_load_idx %parallel_loop3A_610[%parallel_loop3A_609] : memref<20xf32, #tpu.memory_space<vmem>>[vector<16xi32>], vector<16xf32>,
        %parallel_loop3A_612 = tpu.memref_slice %arg7[%mul3A_134] : memref<2304xf32, #tpu.memory_space<vmem>> -> memref<20xf32, #tpu.memory_space<vmem>>
        %parallel_loop3A_613 = tpu.vector_load_idx %parallel_loop3A_612[%parallel_loop3A_609] : memref<20xf32, #tpu.memory_space<vmem>>[vector<16xi32>], vector<16xf32>,
        %parallel_loop3A_614 = arith.mulf %parallel_loop3A_611, %parallel_loop3A_596 : vector<16xf32>
        %parallel_loop3A_615 = arith.addf %parallel_loop3A_614, %parallel_loop3A_613 : vector<16xf32>
        %parallel_loop3A_616 = arith.index_cast %parallel_loop3A_268 : i32 to index
        %parallel_loop3A_617 = arith.constant 208 : index
        %parallel_loop3A_618 = tpu.vector_load %arg10[%parallel_loop3A_616, %parallel_loop3A_617] {strides = array<i32>} : memref<64x384xf32, #tpu.memory_space<vmem>>, vector<16xf32>,
        tpu.vector_store %arg10[%parallel_loop3A_616, %parallel_loop3A_617], %parallel_loop3A_615 {strides = array<i32>} : memref<64x384xf32, #tpu.memory_space<vmem>>, vector<16xf32>,
        %parallel_loop3A_619 = arith.index_cast %parallel_loop3A_268 : i32 to index
        %parallel_loop3A_620 = arith.constant 224 : index
        %parallel_loop3A_621 = tpu.vector_load %arg8[%parallel_loop3A_619, %parallel_loop3A_620] {strides = array<i32>} : memref<64x384xf32, #tpu.memory_space<vmem>>, vector<16xf32>,
        %parallel_loop3A_622 = arith.constant 1.000000e+01 : f32
        %parallel_loop3A_623 = vector.broadcast %parallel_loop3A_622 : f32 to vector<16xf32>
        %parallel_loop3A_624 = arith.mulf %parallel_loop3A_621, %parallel_loop3A_623 : vector<16xf32>
        %parallel_loop3A_625 = arith.constant 1.000000e+01 : f32
        %parallel_loop3A_626 = vector.broadcast %parallel_loop3A_625 : f32 to vector<16xf32>
        %parallel_loop3A_627 = arith.addf %parallel_loop3A_624, %parallel_loop3A_626 : vector<16xf32>
        %parallel_loop3A_628 = arith.constant 0.000000e+00 : f32
        %parallel_loop3A_629 = vector.broadcast %parallel_loop3A_628 : f32 to vector<16xf32>
        %parallel_loop3A_630 = arith.maximumf %parallel_loop3A_627, %parallel_loop3A_629 : vector<16xf32>
        %parallel_loop3A_631 = arith.constant 1.950000e+01 : f32
        %parallel_loop3A_632 = vector.broadcast %parallel_loop3A_631 : f32 to vector<16xf32>
        %parallel_loop3A_633 = arith.minimumf %parallel_loop3A_630, %parallel_loop3A_632 : vector<16xf32>
        %parallel_loop3A_634 = arith.fptosi %parallel_loop3A_633 : vector<16xf32> to vector<16xi32>
        %parallel_loop3A_635 = tpu.memref_slice %arg6[%mul3A_134] : memref<2304xf32, #tpu.memory_space<vmem>> -> memref<20xf32, #tpu.memory_space<vmem>>
        %parallel_loop3A_636 = tpu.vector_load_idx %parallel_loop3A_635[%parallel_loop3A_634] : memref<20xf32, #tpu.memory_space<vmem>>[vector<16xi32>], vector<16xf32>,
        %parallel_loop3A_637 = tpu.memref_slice %arg7[%mul3A_134] : memref<2304xf32, #tpu.memory_space<vmem>> -> memref<20xf32, #tpu.memory_space<vmem>>
        %parallel_loop3A_638 = tpu.vector_load_idx %parallel_loop3A_637[%parallel_loop3A_634] : memref<20xf32, #tpu.memory_space<vmem>>[vector<16xi32>], vector<16xf32>,
        %parallel_loop3A_639 = arith.mulf %parallel_loop3A_636, %parallel_loop3A_621 : vector<16xf32>
        %parallel_loop3A_640 = arith.addf %parallel_loop3A_639, %parallel_loop3A_638 : vector<16xf32>
        %parallel_loop3A_641 = arith.index_cast %parallel_loop3A_268 : i32 to index
        %parallel_loop3A_642 = arith.constant 224 : index
        %parallel_loop3A_643 = tpu.vector_load %arg10[%parallel_loop3A_641, %parallel_loop3A_642] {strides = array<i32>} : memref<64x384xf32, #tpu.memory_space<vmem>>, vector<16xf32>,
        tpu.vector_store %arg10[%parallel_loop3A_641, %parallel_loop3A_642], %parallel_loop3A_640 {strides = array<i32>} : memref<64x384xf32, #tpu.memory_space<vmem>>, vector<16xf32>,
        %parallel_loop3A_644 = arith.index_cast %parallel_loop3A_268 : i32 to index
        %parallel_loop3A_645 = arith.constant 240 : index
        %parallel_loop3A_646 = tpu.vector_load %arg8[%parallel_loop3A_644, %parallel_loop3A_645] {strides = array<i32>} : memref<64x384xf32, #tpu.memory_space<vmem>>, vector<16xf32>,
        %parallel_loop3A_647 = arith.constant 1.000000e+01 : f32
        %parallel_loop3A_648 = vector.broadcast %parallel_loop3A_647 : f32 to vector<16xf32>
        %parallel_loop3A_649 = arith.mulf %parallel_loop3A_646, %parallel_loop3A_648 : vector<16xf32>
        %parallel_loop3A_650 = arith.constant 1.000000e+01 : f32
        %parallel_loop3A_651 = vector.broadcast %parallel_loop3A_650 : f32 to vector<16xf32>
        %parallel_loop3A_652 = arith.addf %parallel_loop3A_649, %parallel_loop3A_651 : vector<16xf32>
        %parallel_loop3A_653 = arith.constant 0.000000e+00 : f32
        %parallel_loop3A_654 = vector.broadcast %parallel_loop3A_653 : f32 to vector<16xf32>
        %parallel_loop3A_655 = arith.maximumf %parallel_loop3A_652, %parallel_loop3A_654 : vector<16xf32>
        %parallel_loop3A_656 = arith.constant 1.950000e+01 : f32
        %parallel_loop3A_657 = vector.broadcast %parallel_loop3A_656 : f32 to vector<16xf32>
        %parallel_loop3A_658 = arith.minimumf %parallel_loop3A_655, %parallel_loop3A_657 : vector<16xf32>
        %parallel_loop3A_659 = arith.fptosi %parallel_loop3A_658 : vector<16xf32> to vector<16xi32>
        %parallel_loop3A_660 = tpu.memref_slice %arg6[%mul3A_134] : memref<2304xf32, #tpu.memory_space<vmem>> -> memref<20xf32, #tpu.memory_space<vmem>>
        %parallel_loop3A_661 = tpu.vector_load_idx %parallel_loop3A_660[%parallel_loop3A_659] : memref<20xf32, #tpu.memory_space<vmem>>[vector<16xi32>], vector<16xf32>,
        %parallel_loop3A_662 = tpu.memref_slice %arg7[%mul3A_134] : memref<2304xf32, #tpu.memory_space<vmem>> -> memref<20xf32, #tpu.memory_space<vmem>>
        %parallel_loop3A_663 = tpu.vector_load_idx %parallel_loop3A_662[%parallel_loop3A_659] : memref<20xf32, #tpu.memory_space<vmem>>[vector<16xi32>], vector<16xf32>,
        %parallel_loop3A_664 = arith.mulf %parallel_loop3A_661, %parallel_loop3A_646 : vector<16xf32>
        %parallel_loop3A_665 = arith.addf %parallel_loop3A_664, %parallel_loop3A_663 : vector<16xf32>
        %parallel_loop3A_666 = arith.index_cast %parallel_loop3A_268 : i32 to index
        %parallel_loop3A_667 = arith.constant 240 : index
        %parallel_loop3A_668 = tpu.vector_load %arg10[%parallel_loop3A_666, %parallel_loop3A_667] {strides = array<i32>} : memref<64x384xf32, #tpu.memory_space<vmem>>, vector<16xf32>,
        tpu.vector_store %arg10[%parallel_loop3A_666, %parallel_loop3A_667], %parallel_loop3A_665 {strides = array<i32>} : memref<64x384xf32, #tpu.memory_space<vmem>>, vector<16xf32>,
        %parallel_loop3A_669 = arith.index_cast %parallel_loop3A_268 : i32 to index
        %parallel_loop3A_670 = arith.constant 256 : index
        %parallel_loop3A_671 = tpu.vector_load %arg8[%parallel_loop3A_669, %parallel_loop3A_670] {strides = array<i32>} : memref<64x384xf32, #tpu.memory_space<vmem>>, vector<16xf32>,
        %parallel_loop3A_672 = arith.constant 1.000000e+01 : f32
        %parallel_loop3A_673 = vector.broadcast %parallel_loop3A_672 : f32 to vector<16xf32>
        %parallel_loop3A_674 = arith.mulf %parallel_loop3A_671, %parallel_loop3A_673 : vector<16xf32>
        %parallel_loop3A_675 = arith.constant 1.000000e+01 : f32
        %parallel_loop3A_676 = vector.broadcast %parallel_loop3A_675 : f32 to vector<16xf32>
        %parallel_loop3A_677 = arith.addf %parallel_loop3A_674, %parallel_loop3A_676 : vector<16xf32>
        %parallel_loop3A_678 = arith.constant 0.000000e+00 : f32
        %parallel_loop3A_679 = vector.broadcast %parallel_loop3A_678 : f32 to vector<16xf32>
        %parallel_loop3A_680 = arith.maximumf %parallel_loop3A_677, %parallel_loop3A_679 : vector<16xf32>
        %parallel_loop3A_681 = arith.constant 1.950000e+01 : f32
        %parallel_loop3A_682 = vector.broadcast %parallel_loop3A_681 : f32 to vector<16xf32>
        %parallel_loop3A_683 = arith.minimumf %parallel_loop3A_680, %parallel_loop3A_682 : vector<16xf32>
        %parallel_loop3A_684 = arith.fptosi %parallel_loop3A_683 : vector<16xf32> to vector<16xi32>
        %parallel_loop3A_685 = tpu.memref_slice %arg6[%mul3A_134] : memref<2304xf32, #tpu.memory_space<vmem>> -> memref<20xf32, #tpu.memory_space<vmem>>
        %parallel_loop3A_686 = tpu.vector_load_idx %parallel_loop3A_685[%parallel_loop3A_684] : memref<20xf32, #tpu.memory_space<vmem>>[vector<16xi32>], vector<16xf32>,
        %parallel_loop3A_687 = tpu.memref_slice %arg7[%mul3A_134] : memref<2304xf32, #tpu.memory_space<vmem>> -> memref<20xf32, #tpu.memory_space<vmem>>
        %parallel_loop3A_688 = tpu.vector_load_idx %parallel_loop3A_687[%parallel_loop3A_684] : memref<20xf32, #tpu.memory_space<vmem>>[vector<16xi32>], vector<16xf32>,
        %parallel_loop3A_689 = arith.mulf %parallel_loop3A_686, %parallel_loop3A_671 : vector<16xf32>
        %parallel_loop3A_690 = arith.addf %parallel_loop3A_689, %parallel_loop3A_688 : vector<16xf32>
        %parallel_loop3A_691 = arith.index_cast %parallel_loop3A_268 : i32 to index
        %parallel_loop3A_692 = arith.constant 256 : index
        %parallel_loop3A_693 = tpu.vector_load %arg10[%parallel_loop3A_691, %parallel_loop3A_692] {strides = array<i32>} : memref<64x384xf32, #tpu.memory_space<vmem>>, vector<16xf32>,
        tpu.vector_store %arg10[%parallel_loop3A_691, %parallel_loop3A_692], %parallel_loop3A_690 {strides = array<i32>} : memref<64x384xf32, #tpu.memory_space<vmem>>, vector<16xf32>,
        %parallel_loop3A_694 = arith.index_cast %parallel_loop3A_268 : i32 to index
        %parallel_loop3A_695 = arith.constant 272 : index
        %parallel_loop3A_696 = tpu.vector_load %arg8[%parallel_loop3A_694, %parallel_loop3A_695] {strides = array<i32>} : memref<64x384xf32, #tpu.memory_space<vmem>>, vector<16xf32>,
        %parallel_loop3A_697 = arith.constant 1.000000e+01 : f32
        %parallel_loop3A_698 = vector.broadcast %parallel_loop3A_697 : f32 to vector<16xf32>
        %parallel_loop3A_699 = arith.mulf %parallel_loop3A_696, %parallel_loop3A_698 : vector<16xf32>
        %parallel_loop3A_700 = arith.constant 1.000000e+01 : f32
        %parallel_loop3A_701 = vector.broadcast %parallel_loop3A_700 : f32 to vector<16xf32>
        %parallel_loop3A_702 = arith.addf %parallel_loop3A_699, %parallel_loop3A_701 : vector<16xf32>
        %parallel_loop3A_703 = arith.constant 0.000000e+00 : f32
        %parallel_loop3A_704 = vector.broadcast %parallel_loop3A_703 : f32 to vector<16xf32>
        %parallel_loop3A_705 = arith.maximumf %parallel_loop3A_702, %parallel_loop3A_704 : vector<16xf32>
        %parallel_loop3A_706 = arith.constant 1.950000e+01 : f32
        %parallel_loop3A_707 = vector.broadcast %parallel_loop3A_706 : f32 to vector<16xf32>
        %parallel_loop3A_708 = arith.minimumf %parallel_loop3A_705, %parallel_loop3A_707 : vector<16xf32>
        %parallel_loop3A_709 = arith.fptosi %parallel_loop3A_708 : vector<16xf32> to vector<16xi32>
        %parallel_loop3A_710 = tpu.memref_slice %arg6[%mul3A_134] : memref<2304xf32, #tpu.memory_space<vmem>> -> memref<20xf32, #tpu.memory_space<vmem>>
        %parallel_loop3A_711 = tpu.vector_load_idx %parallel_loop3A_710[%parallel_loop3A_709] : memref<20xf32, #tpu.memory_space<vmem>>[vector<16xi32>], vector<16xf32>,
        %parallel_loop3A_712 = tpu.memref_slice %arg7[%mul3A_134] : memref<2304xf32, #tpu.memory_space<vmem>> -> memref<20xf32, #tpu.memory_space<vmem>>
        %parallel_loop3A_713 = tpu.vector_load_idx %parallel_loop3A_712[%parallel_loop3A_709] : memref<20xf32, #tpu.memory_space<vmem>>[vector<16xi32>], vector<16xf32>,
        %parallel_loop3A_714 = arith.mulf %parallel_loop3A_711, %parallel_loop3A_696 : vector<16xf32>
        %parallel_loop3A_715 = arith.addf %parallel_loop3A_714, %parallel_loop3A_713 : vector<16xf32>
        %parallel_loop3A_716 = arith.index_cast %parallel_loop3A_268 : i32 to index
        %parallel_loop3A_717 = arith.constant 272 : index
        %parallel_loop3A_718 = tpu.vector_load %arg10[%parallel_loop3A_716, %parallel_loop3A_717] {strides = array<i32>} : memref<64x384xf32, #tpu.memory_space<vmem>>, vector<16xf32>,
        tpu.vector_store %arg10[%parallel_loop3A_716, %parallel_loop3A_717], %parallel_loop3A_715 {strides = array<i32>} : memref<64x384xf32, #tpu.memory_space<vmem>>, vector<16xf32>,
        %parallel_loop3A_719 = arith.index_cast %parallel_loop3A_268 : i32 to index
        %parallel_loop3A_720 = arith.constant 288 : index
        %parallel_loop3A_721 = tpu.vector_load %arg8[%parallel_loop3A_719, %parallel_loop3A_720] {strides = array<i32>} : memref<64x384xf32, #tpu.memory_space<vmem>>, vector<16xf32>,
        %parallel_loop3A_722 = arith.constant 1.000000e+01 : f32
        %parallel_loop3A_723 = vector.broadcast %parallel_loop3A_722 : f32 to vector<16xf32>
        %parallel_loop3A_724 = arith.mulf %parallel_loop3A_721, %parallel_loop3A_723 : vector<16xf32>
        %parallel_loop3A_725 = arith.constant 1.000000e+01 : f32
        %parallel_loop3A_726 = vector.broadcast %parallel_loop3A_725 : f32 to vector<16xf32>
        %parallel_loop3A_727 = arith.addf %parallel_loop3A_724, %parallel_loop3A_726 : vector<16xf32>
        %parallel_loop3A_728 = arith.constant 0.000000e+00 : f32
        %parallel_loop3A_729 = vector.broadcast %parallel_loop3A_728 : f32 to vector<16xf32>
        %parallel_loop3A_730 = arith.maximumf %parallel_loop3A_727, %parallel_loop3A_729 : vector<16xf32>
        %parallel_loop3A_731 = arith.constant 1.950000e+01 : f32
        %parallel_loop3A_732 = vector.broadcast %parallel_loop3A_731 : f32 to vector<16xf32>
        %parallel_loop3A_733 = arith.minimumf %parallel_loop3A_730, %parallel_loop3A_732 : vector<16xf32>
        %parallel_loop3A_734 = arith.fptosi %parallel_loop3A_733 : vector<16xf32> to vector<16xi32>
        %parallel_loop3A_735 = tpu.memref_slice %arg6[%mul3A_134] : memref<2304xf32, #tpu.memory_space<vmem>> -> memref<20xf32, #tpu.memory_space<vmem>>
        %parallel_loop3A_736 = tpu.vector_load_idx %parallel_loop3A_735[%parallel_loop3A_734] : memref<20xf32, #tpu.memory_space<vmem>>[vector<16xi32>], vector<16xf32>,
        %parallel_loop3A_737 = tpu.memref_slice %arg7[%mul3A_134] : memref<2304xf32, #tpu.memory_space<vmem>> -> memref<20xf32, #tpu.memory_space<vmem>>
        %parallel_loop3A_738 = tpu.vector_load_idx %parallel_loop3A_737[%parallel_loop3A_734] : memref<20xf32, #tpu.memory_space<vmem>>[vector<16xi32>], vector<16xf32>,
        %parallel_loop3A_739 = arith.mulf %parallel_loop3A_736, %parallel_loop3A_721 : vector<16xf32>
        %parallel_loop3A_740 = arith.addf %parallel_loop3A_739, %parallel_loop3A_738 : vector<16xf32>
        %parallel_loop3A_741 = arith.index_cast %parallel_loop3A_268 : i32 to index
        %parallel_loop3A_742 = arith.constant 288 : index
        %parallel_loop3A_743 = tpu.vector_load %arg10[%parallel_loop3A_741, %parallel_loop3A_742] {strides = array<i32>} : memref<64x384xf32, #tpu.memory_space<vmem>>, vector<16xf32>,
        tpu.vector_store %arg10[%parallel_loop3A_741, %parallel_loop3A_742], %parallel_loop3A_740 {strides = array<i32>} : memref<64x384xf32, #tpu.memory_space<vmem>>, vector<16xf32>,
        %parallel_loop3A_744 = arith.index_cast %parallel_loop3A_268 : i32 to index
        %parallel_loop3A_745 = arith.constant 304 : index
        %parallel_loop3A_746 = tpu.vector_load %arg8[%parallel_loop3A_744, %parallel_loop3A_745] {strides = array<i32>} : memref<64x384xf32, #tpu.memory_space<vmem>>, vector<16xf32>,
        %parallel_loop3A_747 = arith.constant 1.000000e+01 : f32
        %parallel_loop3A_748 = vector.broadcast %parallel_loop3A_747 : f32 to vector<16xf32>
        %parallel_loop3A_749 = arith.mulf %parallel_loop3A_746, %parallel_loop3A_748 : vector<16xf32>
        %parallel_loop3A_750 = arith.constant 1.000000e+01 : f32
        %parallel_loop3A_751 = vector.broadcast %parallel_loop3A_750 : f32 to vector<16xf32>
        %parallel_loop3A_752 = arith.addf %parallel_loop3A_749, %parallel_loop3A_751 : vector<16xf32>
        %parallel_loop3A_753 = arith.constant 0.000000e+00 : f32
        %parallel_loop3A_754 = vector.broadcast %parallel_loop3A_753 : f32 to vector<16xf32>
        %parallel_loop3A_755 = arith.maximumf %parallel_loop3A_752, %parallel_loop3A_754 : vector<16xf32>
        %parallel_loop3A_756 = arith.constant 1.950000e+01 : f32
        %parallel_loop3A_757 = vector.broadcast %parallel_loop3A_756 : f32 to vector<16xf32>
        %parallel_loop3A_758 = arith.minimumf %parallel_loop3A_755, %parallel_loop3A_757 : vector<16xf32>
        %parallel_loop3A_759 = arith.fptosi %parallel_loop3A_758 : vector<16xf32> to vector<16xi32>
        %parallel_loop3A_760 = tpu.memref_slice %arg6[%mul3A_134] : memref<2304xf32, #tpu.memory_space<vmem>> -> memref<20xf32, #tpu.memory_space<vmem>>
        %parallel_loop3A_761 = tpu.vector_load_idx %parallel_loop3A_760[%parallel_loop3A_759] : memref<20xf32, #tpu.memory_space<vmem>>[vector<16xi32>], vector<16xf32>,
        %parallel_loop3A_762 = tpu.memref_slice %arg7[%mul3A_134] : memref<2304xf32, #tpu.memory_space<vmem>> -> memref<20xf32, #tpu.memory_space<vmem>>
        %parallel_loop3A_763 = tpu.vector_load_idx %parallel_loop3A_762[%parallel_loop3A_759] : memref<20xf32, #tpu.memory_space<vmem>>[vector<16xi32>], vector<16xf32>,
        %parallel_loop3A_764 = arith.mulf %parallel_loop3A_761, %parallel_loop3A_746 : vector<16xf32>
        %parallel_loop3A_765 = arith.addf %parallel_loop3A_764, %parallel_loop3A_763 : vector<16xf32>
        %parallel_loop3A_766 = arith.index_cast %parallel_loop3A_268 : i32 to index
        %parallel_loop3A_767 = arith.constant 304 : index
        %parallel_loop3A_768 = tpu.vector_load %arg10[%parallel_loop3A_766, %parallel_loop3A_767] {strides = array<i32>} : memref<64x384xf32, #tpu.memory_space<vmem>>, vector<16xf32>,
        tpu.vector_store %arg10[%parallel_loop3A_766, %parallel_loop3A_767], %parallel_loop3A_765 {strides = array<i32>} : memref<64x384xf32, #tpu.memory_space<vmem>>, vector<16xf32>,
        %parallel_loop3A_769 = arith.index_cast %parallel_loop3A_268 : i32 to index
        %parallel_loop3A_770 = arith.constant 320 : index
        %parallel_loop3A_771 = tpu.vector_load %arg8[%parallel_loop3A_769, %parallel_loop3A_770] {strides = array<i32>} : memref<64x384xf32, #tpu.memory_space<vmem>>, vector<16xf32>,
        %parallel_loop3A_772 = arith.constant 1.000000e+01 : f32
        %parallel_loop3A_773 = vector.broadcast %parallel_loop3A_772 : f32 to vector<16xf32>
        %parallel_loop3A_774 = arith.mulf %parallel_loop3A_771, %parallel_loop3A_773 : vector<16xf32>
        %parallel_loop3A_775 = arith.constant 1.000000e+01 : f32
        %parallel_loop3A_776 = vector.broadcast %parallel_loop3A_775 : f32 to vector<16xf32>
        %parallel_loop3A_777 = arith.addf %parallel_loop3A_774, %parallel_loop3A_776 : vector<16xf32>
        %parallel_loop3A_778 = arith.constant 0.000000e+00 : f32
        %parallel_loop3A_779 = vector.broadcast %parallel_loop3A_778 : f32 to vector<16xf32>
        %parallel_loop3A_780 = arith.maximumf %parallel_loop3A_777, %parallel_loop3A_779 : vector<16xf32>
        %parallel_loop3A_781 = arith.constant 1.950000e+01 : f32
        %parallel_loop3A_782 = vector.broadcast %parallel_loop3A_781 : f32 to vector<16xf32>
        %parallel_loop3A_783 = arith.minimumf %parallel_loop3A_780, %parallel_loop3A_782 : vector<16xf32>
        %parallel_loop3A_784 = arith.fptosi %parallel_loop3A_783 : vector<16xf32> to vector<16xi32>
        %parallel_loop3A_785 = tpu.memref_slice %arg6[%mul3A_134] : memref<2304xf32, #tpu.memory_space<vmem>> -> memref<20xf32, #tpu.memory_space<vmem>>
        %parallel_loop3A_786 = tpu.vector_load_idx %parallel_loop3A_785[%parallel_loop3A_784] : memref<20xf32, #tpu.memory_space<vmem>>[vector<16xi32>], vector<16xf32>,
        %parallel_loop3A_787 = tpu.memref_slice %arg7[%mul3A_134] : memref<2304xf32, #tpu.memory_space<vmem>> -> memref<20xf32, #tpu.memory_space<vmem>>
        %parallel_loop3A_788 = tpu.vector_load_idx %parallel_loop3A_787[%parallel_loop3A_784] : memref<20xf32, #tpu.memory_space<vmem>>[vector<16xi32>], vector<16xf32>,
        %parallel_loop3A_789 = arith.mulf %parallel_loop3A_786, %parallel_loop3A_771 : vector<16xf32>
        %parallel_loop3A_790 = arith.addf %parallel_loop3A_789, %parallel_loop3A_788 : vector<16xf32>
        %parallel_loop3A_791 = arith.index_cast %parallel_loop3A_268 : i32 to index
        %parallel_loop3A_792 = arith.constant 320 : index
        %parallel_loop3A_793 = tpu.vector_load %arg10[%parallel_loop3A_791, %parallel_loop3A_792] {strides = array<i32>} : memref<64x384xf32, #tpu.memory_space<vmem>>, vector<16xf32>,
        tpu.vector_store %arg10[%parallel_loop3A_791, %parallel_loop3A_792], %parallel_loop3A_790 {strides = array<i32>} : memref<64x384xf32, #tpu.memory_space<vmem>>, vector<16xf32>,
        %parallel_loop3A_794 = arith.index_cast %parallel_loop3A_268 : i32 to index
        %parallel_loop3A_795 = arith.constant 336 : index
        %parallel_loop3A_796 = tpu.vector_load %arg8[%parallel_loop3A_794, %parallel_loop3A_795] {strides = array<i32>} : memref<64x384xf32, #tpu.memory_space<vmem>>, vector<16xf32>,
        %parallel_loop3A_797 = arith.constant 1.000000e+01 : f32
        %parallel_loop3A_798 = vector.broadcast %parallel_loop3A_797 : f32 to vector<16xf32>
        %parallel_loop3A_799 = arith.mulf %parallel_loop3A_796, %parallel_loop3A_798 : vector<16xf32>
        %parallel_loop3A_800 = arith.constant 1.000000e+01 : f32
        %parallel_loop3A_801 = vector.broadcast %parallel_loop3A_800 : f32 to vector<16xf32>
        %parallel_loop3A_802 = arith.addf %parallel_loop3A_799, %parallel_loop3A_801 : vector<16xf32>
        %parallel_loop3A_803 = arith.constant 0.000000e+00 : f32
        %parallel_loop3A_804 = vector.broadcast %parallel_loop3A_803 : f32 to vector<16xf32>
        %parallel_loop3A_805 = arith.maximumf %parallel_loop3A_802, %parallel_loop3A_804 : vector<16xf32>
        %parallel_loop3A_806 = arith.constant 1.950000e+01 : f32
        %parallel_loop3A_807 = vector.broadcast %parallel_loop3A_806 : f32 to vector<16xf32>
        %parallel_loop3A_808 = arith.minimumf %parallel_loop3A_805, %parallel_loop3A_807 : vector<16xf32>
        %parallel_loop3A_809 = arith.fptosi %parallel_loop3A_808 : vector<16xf32> to vector<16xi32>
        %parallel_loop3A_810 = tpu.memref_slice %arg6[%mul3A_134] : memref<2304xf32, #tpu.memory_space<vmem>> -> memref<20xf32, #tpu.memory_space<vmem>>
        %parallel_loop3A_811 = tpu.vector_load_idx %parallel_loop3A_810[%parallel_loop3A_809] : memref<20xf32, #tpu.memory_space<vmem>>[vector<16xi32>], vector<16xf32>,
        %parallel_loop3A_812 = tpu.memref_slice %arg7[%mul3A_134] : memref<2304xf32, #tpu.memory_space<vmem>> -> memref<20xf32, #tpu.memory_space<vmem>>
        %parallel_loop3A_813 = tpu.vector_load_idx %parallel_loop3A_812[%parallel_loop3A_809] : memref<20xf32, #tpu.memory_space<vmem>>[vector<16xi32>], vector<16xf32>,
        %parallel_loop3A_814 = arith.mulf %parallel_loop3A_811, %parallel_loop3A_796 : vector<16xf32>
        %parallel_loop3A_815 = arith.addf %parallel_loop3A_814, %parallel_loop3A_813 : vector<16xf32>
        %parallel_loop3A_816 = arith.index_cast %parallel_loop3A_268 : i32 to index
        %parallel_loop3A_817 = arith.constant 336 : index
        %parallel_loop3A_818 = tpu.vector_load %arg10[%parallel_loop3A_816, %parallel_loop3A_817] {strides = array<i32>} : memref<64x384xf32, #tpu.memory_space<vmem>>, vector<16xf32>,
        tpu.vector_store %arg10[%parallel_loop3A_816, %parallel_loop3A_817], %parallel_loop3A_815 {strides = array<i32>} : memref<64x384xf32, #tpu.memory_space<vmem>>, vector<16xf32>,
        %parallel_loop3A_819 = arith.index_cast %parallel_loop3A_268 : i32 to index
        %parallel_loop3A_820 = arith.constant 352 : index
        %parallel_loop3A_821 = tpu.vector_load %arg8[%parallel_loop3A_819, %parallel_loop3A_820] {strides = array<i32>} : memref<64x384xf32, #tpu.memory_space<vmem>>, vector<16xf32>,
        %parallel_loop3A_822 = arith.constant 1.000000e+01 : f32
        %parallel_loop3A_823 = vector.broadcast %parallel_loop3A_822 : f32 to vector<16xf32>
        %parallel_loop3A_824 = arith.mulf %parallel_loop3A_821, %parallel_loop3A_823 : vector<16xf32>
        %parallel_loop3A_825 = arith.constant 1.000000e+01 : f32
        %parallel_loop3A_826 = vector.broadcast %parallel_loop3A_825 : f32 to vector<16xf32>
        %parallel_loop3A_827 = arith.addf %parallel_loop3A_824, %parallel_loop3A_826 : vector<16xf32>
        %parallel_loop3A_828 = arith.constant 0.000000e+00 : f32
        %parallel_loop3A_829 = vector.broadcast %parallel_loop3A_828 : f32 to vector<16xf32>
        %parallel_loop3A_830 = arith.maximumf %parallel_loop3A_827, %parallel_loop3A_829 : vector<16xf32>
        %parallel_loop3A_831 = arith.constant 1.950000e+01 : f32
        %parallel_loop3A_832 = vector.broadcast %parallel_loop3A_831 : f32 to vector<16xf32>
        %parallel_loop3A_833 = arith.minimumf %parallel_loop3A_830, %parallel_loop3A_832 : vector<16xf32>
        %parallel_loop3A_834 = arith.fptosi %parallel_loop3A_833 : vector<16xf32> to vector<16xi32>
        %parallel_loop3A_835 = tpu.memref_slice %arg6[%mul3A_134] : memref<2304xf32, #tpu.memory_space<vmem>> -> memref<20xf32, #tpu.memory_space<vmem>>
        %parallel_loop3A_836 = tpu.vector_load_idx %parallel_loop3A_835[%parallel_loop3A_834] : memref<20xf32, #tpu.memory_space<vmem>>[vector<16xi32>], vector<16xf32>,
        %parallel_loop3A_837 = tpu.memref_slice %arg7[%mul3A_134] : memref<2304xf32, #tpu.memory_space<vmem>> -> memref<20xf32, #tpu.memory_space<vmem>>
        %parallel_loop3A_838 = tpu.vector_load_idx %parallel_loop3A_837[%parallel_loop3A_834] : memref<20xf32, #tpu.memory_space<vmem>>[vector<16xi32>], vector<16xf32>,
        %parallel_loop3A_839 = arith.mulf %parallel_loop3A_836, %parallel_loop3A_821 : vector<16xf32>
        %parallel_loop3A_840 = arith.addf %parallel_loop3A_839, %parallel_loop3A_838 : vector<16xf32>
        %parallel_loop3A_841 = arith.index_cast %parallel_loop3A_268 : i32 to index
        %parallel_loop3A_842 = arith.constant 352 : index
        %parallel_loop3A_843 = tpu.vector_load %arg10[%parallel_loop3A_841, %parallel_loop3A_842] {strides = array<i32>} : memref<64x384xf32, #tpu.memory_space<vmem>>, vector<16xf32>,
        tpu.vector_store %arg10[%parallel_loop3A_841, %parallel_loop3A_842], %parallel_loop3A_840 {strides = array<i32>} : memref<64x384xf32, #tpu.memory_space<vmem>>, vector<16xf32>,
        %parallel_loop3A_844 = arith.index_cast %parallel_loop3A_268 : i32 to index
        %parallel_loop3A_845 = arith.constant 368 : index
        %parallel_loop3A_846 = tpu.vector_load %arg8[%parallel_loop3A_844, %parallel_loop3A_845] {strides = array<i32>} : memref<64x384xf32, #tpu.memory_space<vmem>>, vector<16xf32>,
        %parallel_loop3A_847 = arith.constant 1.000000e+01 : f32
        %parallel_loop3A_848 = vector.broadcast %parallel_loop3A_847 : f32 to vector<16xf32>
        %parallel_loop3A_849 = arith.mulf %parallel_loop3A_846, %parallel_loop3A_848 : vector<16xf32>
        %parallel_loop3A_850 = arith.constant 1.000000e+01 : f32
        %parallel_loop3A_851 = vector.broadcast %parallel_loop3A_850 : f32 to vector<16xf32>
        %parallel_loop3A_852 = arith.addf %parallel_loop3A_849, %parallel_loop3A_851 : vector<16xf32>
        %parallel_loop3A_853 = arith.constant 0.000000e+00 : f32
        %parallel_loop3A_854 = vector.broadcast %parallel_loop3A_853 : f32 to vector<16xf32>
        %parallel_loop3A_855 = arith.maximumf %parallel_loop3A_852, %parallel_loop3A_854 : vector<16xf32>
        %parallel_loop3A_856 = arith.constant 1.950000e+01 : f32
        %parallel_loop3A_857 = vector.broadcast %parallel_loop3A_856 : f32 to vector<16xf32>
        %parallel_loop3A_858 = arith.minimumf %parallel_loop3A_855, %parallel_loop3A_857 : vector<16xf32>
        %parallel_loop3A_859 = arith.fptosi %parallel_loop3A_858 : vector<16xf32> to vector<16xi32>
        %parallel_loop3A_860 = tpu.memref_slice %arg6[%mul3A_134] : memref<2304xf32, #tpu.memory_space<vmem>> -> memref<20xf32, #tpu.memory_space<vmem>>
        %parallel_loop3A_861 = tpu.vector_load_idx %parallel_loop3A_860[%parallel_loop3A_859] : memref<20xf32, #tpu.memory_space<vmem>>[vector<16xi32>], vector<16xf32>,
        %parallel_loop3A_862 = tpu.memref_slice %arg7[%mul3A_134] : memref<2304xf32, #tpu.memory_space<vmem>> -> memref<20xf32, #tpu.memory_space<vmem>>
        %parallel_loop3A_863 = tpu.vector_load_idx %parallel_loop3A_862[%parallel_loop3A_859] : memref<20xf32, #tpu.memory_space<vmem>>[vector<16xi32>], vector<16xf32>,
        %parallel_loop3A_864 = arith.mulf %parallel_loop3A_861, %parallel_loop3A_846 : vector<16xf32>
        %parallel_loop3A_865 = arith.addf %parallel_loop3A_864, %parallel_loop3A_863 : vector<16xf32>
        %parallel_loop3A_866 = arith.index_cast %parallel_loop3A_268 : i32 to index
        %parallel_loop3A_867 = arith.constant 368 : index
        %parallel_loop3A_868 = tpu.vector_load %arg10[%parallel_loop3A_866, %parallel_loop3A_867] {strides = array<i32>} : memref<64x384xf32, #tpu.memory_space<vmem>>, vector<16xf32>,
        tpu.vector_store %arg10[%parallel_loop3A_866, %parallel_loop3A_867], %parallel_loop3A_865 {strides = array<i32>} : memref<64x384xf32, #tpu.memory_space<vmem>>, vector<16xf32>,
      } {sc.loop_unroll_factor = 1 : i64, sc.parallel_access}
      %dma_start3A_170 = arith.constant 0 : i32
      %dma_start3A_171 = tpu.memref_slice %arg5[%add3A_116, %mul3A_152, %dma_start3A_170] : memref<384x384x384xf32, #tpu.memory_space<hbm>> -> memref<1x64x384xf32, #tpu.memory_space<hbm>>
      %dma_start3A_172 = tpu.memref_squeeze %dma_start3A_171 : memref<1x64x384xf32, #tpu.memory_space<hbm>> -> memref<64x384xf32, #tpu.memory_space<hbm>>
      %dma_start3A_173 = arith.constant 0 : i32
      %dma_start3A_174 = tpu.memref_slice %arg5[%add3A_116, %mul3A_152, %dma_start3A_173] : memref<384x384x384xf32, #tpu.memory_space<hbm>> -> memref<1x64x384xf32, #tpu.memory_space<hbm>>
      %dma_start3A_175 = tpu.memref_squeeze %dma_start3A_174 : memref<1x64x384xf32, #tpu.memory_space<hbm>> -> memref<64x384xf32, #tpu.memory_space<hbm>>
      tpu.enqueue_dma source(%arg10 : memref<64x384xf32, #tpu.memory_space<vmem>>) target(%dma_start3A_175 : memref<64x384xf32, #tpu.memory_space<hbm>>) target_semaphore(%arg14 : memref<!tpu.dma_semaphore, #tpu.memory_space<semaphore_mem>>)
      %add3A_176 = arith.constant 1 : i32
      %add3A_177 = arith.addi %add3A_90, %add3A_176 : i32
      %mul3A_178 = arith.constant 12 : i32
      %mul3A_179 = arith.muli %add3A, %mul3A_178 : i32
      %jit3A_180 = arith.constant 6 : i32
      %div3A_181 = arith.divsi %add3A_177, %jit3A_180 : i32
      %sign3A_182 = arith.constant 0 : i32
      %sign3A_183 = arith.cmpi sgt, %add3A_177, %sign3A_182 : i32
      %sign3A_184 = arith.extui %sign3A_183 : i1 to i32
      %sign3A_185 = arith.constant 0 : i32
      %sign3A_186 = arith.cmpi slt, %add3A_177, %sign3A_185 : i32
      %sign3A_187 = arith.extui %sign3A_186 : i1 to i32
      %sign3A_188 = arith.subi %sign3A_184, %sign3A_187 : i32
      %sign3A_189 = arith.constant 0 : i32
      %sign3A_190 = arith.cmpi sgt, %jit3A_180, %sign3A_189 : i32
      %sign3A_191 = arith.extui %sign3A_190 : i1 to i32
      %sign3A_192 = arith.constant 0 : i32
      %sign3A_193 = arith.cmpi slt, %jit3A_180, %sign3A_192 : i32
      %sign3A_194 = arith.extui %sign3A_193 : i1 to i32
      %sign3A_195 = arith.subi %sign3A_191, %sign3A_194 : i32
      %ne3A_196 = arith.cmpi ne, %sign3A_188, %sign3A_195 : i32
      %rem3A_197 = arith.remsi %add3A_177, %jit3A_180 : i32
      %ne3A_198 = arith.constant 0 : i32
      %ne3A_199 = arith.cmpi ne, %rem3A_197, %ne3A_198 : i32
      %and3A_200 = arith.andi %ne3A_196, %ne3A_199 : i1
      %sub3A_201 = arith.constant 1 : i32
      %sub3A_202 = arith.subi %div3A_181, %sub3A_201 : i32
      %select_n3A_203 = arith.select %and3A_200, %sub3A_202, %div3A_181 : i32
      %add3A_204 = arith.addi %mul3A_179, %select_n3A_203 : i32
      %jit3A_205 = arith.constant 96 : i32
      %eq3A_206 = arith.constant 0 : i32
      %eq3A_207 = arith.cmpi eq, %jit3A_205, %eq3A_206 : i32
      %jit3A_208 = arith.constant 1 : i32
      %select_n3A_209 = arith.select %eq3A_207, %jit3A_208, %jit3A_205 : i32
      %rem3A_210 = arith.remsi %add3A_204, %select_n3A_209 : i32
      %ne3A_211 = arith.constant 0 : i32
      %ne3A_212 = arith.cmpi ne, %rem3A_210, %ne3A_211 : i32
      %lt3A_213 = arith.constant 0 : i32
      %lt3A_214 = arith.cmpi slt, %rem3A_210, %lt3A_213 : i32
      %lt3A_215 = arith.constant 0 : i32
      %lt3A_216 = arith.cmpi slt, %select_n3A_209, %lt3A_215 : i32
      %ne3A_217 = arith.xori %lt3A_214, %lt3A_216 : i1
      %and3A_218 = arith.andi %ne3A_217, %ne3A_212 : i1
      %add3A_219 = arith.addi %rem3A_210, %select_n3A_209 : i32
      %select_n3A_220 = arith.select %and3A_218, %add3A_219, %rem3A_210 : i32
      %mul3A_221 = arith.constant 24 : i32
      %mul3A_222 = arith.muli %select_n3A_220, %mul3A_221 : i32
      %jit3A_223 = arith.constant 6 : i32
      %eq3A_224 = arith.constant 0 : i32
      %eq3A_225 = arith.cmpi eq, %jit3A_223, %eq3A_224 : i32
      %jit3A_226 = arith.constant 1 : i32
      %select_n3A_227 = arith.select %eq3A_225, %jit3A_226, %jit3A_223 : i32
      %rem3A_228 = arith.remsi %add3A_177, %select_n3A_227 : i32
      %ne3A_229 = arith.constant 0 : i32
      %ne3A_230 = arith.cmpi ne, %rem3A_228, %ne3A_229 : i32
      %lt3A_231 = arith.constant 0 : i32
      %lt3A_232 = arith.cmpi slt, %rem3A_228, %lt3A_231 : i32
      %lt3A_233 = arith.constant 0 : i32
      %lt3A_234 = arith.cmpi slt, %select_n3A_227, %lt3A_233 : i32
      %ne3A_235 = arith.xori %lt3A_232, %lt3A_234 : i1
      %and3A_236 = arith.andi %ne3A_235, %ne3A_230 : i1
      %add3A_237 = arith.addi %rem3A_228, %select_n3A_227 : i32
      %select_n3A_238 = arith.select %and3A_236, %add3A_237, %rem3A_228 : i32
      %mul3A_239 = arith.constant 64 : i32
      %mul3A_240 = arith.muli %select_n3A_238, %mul3A_239 : i32
      %add3A_241 = arith.constant 1 : i32
      %add3A_242 = arith.addi %add3A_177, %add3A_241 : i32
      %lt3A_243 = arith.constant 72 : i32
      %lt3A_244 = arith.cmpi slt, %add3A_242, %lt3A_243 : i32
      %convert_element_type3A_245 = arith.extui %lt3A_244 : i1 to i32
      %cond3A_246 = arith.constant 0 : i32
      %cond3A_247 = arith.cmpi ne, %convert_element_type3A_245, %cond3A_246 : i32
      scf.if %cond3A_247 {
        %add3A_268 = arith.constant 1 : i32
        %add3A_269 = arith.addi %add3A_177, %add3A_268 : i32
        %mul3A_270 = arith.constant 12 : i32
        %mul3A_271 = arith.muli %add3A, %mul3A_270 : i32
        %jit3A_272 = arith.constant 6 : i32
        %div3A_273 = arith.divsi %add3A_269, %jit3A_272 : i32
        %sign3A_274 = arith.constant 0 : i32
        %sign3A_275 = arith.cmpi sgt, %add3A_269, %sign3A_274 : i32
        %sign3A_276 = arith.extui %sign3A_275 : i1 to i32
        %sign3A_277 = arith.constant 0 : i32
        %sign3A_278 = arith.cmpi slt, %add3A_269, %sign3A_277 : i32
        %sign3A_279 = arith.extui %sign3A_278 : i1 to i32
        %sign3A_280 = arith.subi %sign3A_276, %sign3A_279 : i32
        %sign3A_281 = arith.constant 0 : i32
        %sign3A_282 = arith.cmpi sgt, %jit3A_272, %sign3A_281 : i32
        %sign3A_283 = arith.extui %sign3A_282 : i1 to i32
        %sign3A_284 = arith.constant 0 : i32
        %sign3A_285 = arith.cmpi slt, %jit3A_272, %sign3A_284 : i32
        %sign3A_286 = arith.extui %sign3A_285 : i1 to i32
        %sign3A_287 = arith.subi %sign3A_283, %sign3A_286 : i32
        %ne3A_288 = arith.cmpi ne, %sign3A_280, %sign3A_287 : i32
        %rem3A_289 = arith.remsi %add3A_269, %jit3A_272 : i32
        %ne3A_290 = arith.constant 0 : i32
        %ne3A_291 = arith.cmpi ne, %rem3A_289, %ne3A_290 : i32
        %and3A_292 = arith.andi %ne3A_288, %ne3A_291 : i1
        %sub3A_293 = arith.constant 1 : i32
        %sub3A_294 = arith.subi %div3A_273, %sub3A_293 : i32
        %select_n3A_295 = arith.select %and3A_292, %sub3A_294, %div3A_273 : i32
        %add3A_296 = arith.addi %mul3A_271, %select_n3A_295 : i32
        %jit3A_297 = arith.constant 96 : i32
        %eq3A_298 = arith.constant 0 : i32
        %eq3A_299 = arith.cmpi eq, %jit3A_297, %eq3A_298 : i32
        %jit3A_300 = arith.constant 1 : i32
        %select_n3A_301 = arith.select %eq3A_299, %jit3A_300, %jit3A_297 : i32
        %rem3A_302 = arith.remsi %add3A_296, %select_n3A_301 : i32
        %ne3A_303 = arith.constant 0 : i32
        %ne3A_304 = arith.cmpi ne, %rem3A_302, %ne3A_303 : i32
        %lt3A_305 = arith.constant 0 : i32
        %lt3A_306 = arith.cmpi slt, %rem3A_302, %lt3A_305 : i32
        %lt3A_307 = arith.constant 0 : i32
        %lt3A_308 = arith.cmpi slt, %select_n3A_301, %lt3A_307 : i32
        %ne3A_309 = arith.xori %lt3A_306, %lt3A_308 : i1
        %and3A_310 = arith.andi %ne3A_309, %ne3A_304 : i1
        %add3A_311 = arith.addi %rem3A_302, %select_n3A_301 : i32
        %select_n3A_312 = arith.select %and3A_310, %add3A_311, %rem3A_302 : i32
        %mul3A_313 = arith.constant 24 : i32
        %mul3A_314 = arith.muli %select_n3A_312, %mul3A_313 : i32
        %jit3A_315 = arith.constant 6 : i32
        %eq3A_316 = arith.constant 0 : i32
        %eq3A_317 = arith.cmpi eq, %jit3A_315, %eq3A_316 : i32
        %jit3A_318 = arith.constant 1 : i32
        %select_n3A_319 = arith.select %eq3A_317, %jit3A_318, %jit3A_315 : i32
        %rem3A_320 = arith.remsi %add3A_269, %select_n3A_319 : i32
        %ne3A_321 = arith.constant 0 : i32
        %ne3A_322 = arith.cmpi ne, %rem3A_320, %ne3A_321 : i32
        %lt3A_323 = arith.constant 0 : i32
        %lt3A_324 = arith.cmpi slt, %rem3A_320, %lt3A_323 : i32
        %lt3A_325 = arith.constant 0 : i32
        %lt3A_326 = arith.cmpi slt, %select_n3A_319, %lt3A_325 : i32
        %ne3A_327 = arith.xori %lt3A_324, %lt3A_326 : i1
        %and3A_328 = arith.andi %ne3A_327, %ne3A_322 : i1
        %add3A_329 = arith.addi %rem3A_320, %select_n3A_319 : i32
        %select_n3A_330 = arith.select %and3A_328, %add3A_329, %rem3A_320 : i32
        %mul3A_331 = arith.constant 64 : i32
        %mul3A_332 = arith.muli %select_n3A_330, %mul3A_331 : i32
        %dma_start3A_333 = arith.constant 0 : i32
        %dma_start3A_334 = tpu.memref_slice %arg2[%add3A_296, %mul3A_332, %dma_start3A_333] : memref<384x384x384xf32, #tpu.memory_space<hbm>> -> memref<1x64x384xf32, #tpu.memory_space<hbm>>
        %dma_start3A_335 = tpu.memref_squeeze %dma_start3A_334 : memref<1x64x384xf32, #tpu.memory_space<hbm>> -> memref<64x384xf32, #tpu.memory_space<hbm>>
        %dma_start3A_336 = arith.constant 0 : i32
        %dma_start3A_337 = tpu.memref_slice %arg2[%add3A_296, %mul3A_332, %dma_start3A_336] : memref<384x384x384xf32, #tpu.memory_space<hbm>> -> memref<1x64x384xf32, #tpu.memory_space<hbm>>
        %dma_start3A_338 = tpu.memref_squeeze %dma_start3A_337 : memref<1x64x384xf32, #tpu.memory_space<hbm>> -> memref<64x384xf32, #tpu.memory_space<hbm>>
        tpu.enqueue_dma source(%dma_start3A_338 : memref<64x384xf32, #tpu.memory_space<hbm>>) target(%arg8 : memref<64x384xf32, #tpu.memory_space<vmem>>) target_semaphore(%arg12 : memref<!tpu.dma_semaphore, #tpu.memory_space<semaphore_mem>>)
      } else {
      }
      %dma_wait3A_248 = arith.constant 0 : i32
      %dma_wait3A_249 = tpu.memref_slice %arg2[%add3A_204, %mul3A_240, %dma_wait3A_248] : memref<384x384x384xf32, #tpu.memory_space<hbm>> -> memref<1x64x384xf32, #tpu.memory_space<hbm>>
      %dma_wait3A_250 = tpu.memref_squeeze %dma_wait3A_249 : memref<1x64x384xf32, #tpu.memory_space<hbm>> -> memref<64x384xf32, #tpu.memory_space<hbm>>
      %dma_wait3A_251 = arith.constant 0 : i32
      %dma_wait3A_252 = tpu.memref_slice %arg2[%add3A_204, %mul3A_240, %dma_wait3A_251] : memref<384x384x384xf32, #tpu.memory_space<hbm>> -> memref<1x64x384xf32, #tpu.memory_space<hbm>>
      %dma_wait3A_253 = tpu.memref_squeeze %dma_wait3A_252 : memref<1x64x384xf32, #tpu.memory_space<hbm>> -> memref<64x384xf32, #tpu.memory_space<hbm>>
      tpu.wait_dma2 semaphore(%arg13 : memref<!tpu.dma_semaphore, #tpu.memory_space<semaphore_mem>>) src(%dma_wait3A_253 : memref<64x384xf32, #tpu.memory_space<hbm>>) dst(%arg9 : memref<64x384xf32, #tpu.memory_space<vmem>>)
      %ge3A_254 = arith.constant 2 : i32
      %ge3A_255 = arith.cmpi sge, %add3A_177, %ge3A_254 : i32
      %convert_element_type3A_256 = arith.extui %ge3A_255 : i1 to i32
      %cond3A_257 = arith.constant 0 : i32
      %cond3A_258 = arith.cmpi ne, %convert_element_type3A_256, %cond3A_257 : i32
      scf.if %cond3A_258 {
        %dma_wait3A_268 = arith.constant 0 : i32
        %dma_wait3A_269 = tpu.memref_slice %arg5[%add3A_204, %mul3A_240, %dma_wait3A_268] : memref<384x384x384xf32, #tpu.memory_space<hbm>> -> memref<1x64x384xf32, #tpu.memory_space<hbm>>
        %dma_wait3A_270 = tpu.memref_squeeze %dma_wait3A_269 : memref<1x64x384xf32, #tpu.memory_space<hbm>> -> memref<64x384xf32, #tpu.memory_space<hbm>>
        %dma_wait3A_271 = arith.constant 0 : i32
        %dma_wait3A_272 = tpu.memref_slice %arg5[%add3A_204, %mul3A_240, %dma_wait3A_271] : memref<384x384x384xf32, #tpu.memory_space<hbm>> -> memref<1x64x384xf32, #tpu.memory_space<hbm>>
        %dma_wait3A_273 = tpu.memref_squeeze %dma_wait3A_272 : memref<1x64x384xf32, #tpu.memory_space<hbm>> -> memref<64x384xf32, #tpu.memory_space<hbm>>
        tpu.wait_dma2 semaphore(%arg15 : memref<!tpu.dma_semaphore, #tpu.memory_space<semaphore_mem>>) src(%arg11 : memref<64x384xf32, #tpu.memory_space<vmem>>) dst(%dma_wait3A_273 : memref<64x384xf32, #tpu.memory_space<hbm>>)
      } else {
      }
      %parallel_loop3A_259 = arith.constant 0 : i32
      %parallel_loop3A_260 = arith.constant 64 : i32
      %parallel_loop3A_261 = arith.constant 1 : i32
      scf.for %parallel_loop3A_268 = %parallel_loop3A_259 to %parallel_loop3A_260 step %parallel_loop3A_261  : i32 {
        %parallel_loop3A_269 = arith.index_cast %parallel_loop3A_268 : i32 to index
        %parallel_loop3A_270 = arith.constant 0 : index
        %parallel_loop3A_271 = tpu.vector_load %arg9[%parallel_loop3A_269, %parallel_loop3A_270] {strides = array<i32>} : memref<64x384xf32, #tpu.memory_space<vmem>>, vector<16xf32>,
        %parallel_loop3A_272 = arith.constant 1.000000e+01 : f32
        %parallel_loop3A_273 = vector.broadcast %parallel_loop3A_272 : f32 to vector<16xf32>
        %parallel_loop3A_274 = arith.mulf %parallel_loop3A_271, %parallel_loop3A_273 : vector<16xf32>
        %parallel_loop3A_275 = arith.constant 1.000000e+01 : f32
        %parallel_loop3A_276 = vector.broadcast %parallel_loop3A_275 : f32 to vector<16xf32>
        %parallel_loop3A_277 = arith.addf %parallel_loop3A_274, %parallel_loop3A_276 : vector<16xf32>
        %parallel_loop3A_278 = arith.constant 0.000000e+00 : f32
        %parallel_loop3A_279 = vector.broadcast %parallel_loop3A_278 : f32 to vector<16xf32>
        %parallel_loop3A_280 = arith.maximumf %parallel_loop3A_277, %parallel_loop3A_279 : vector<16xf32>
        %parallel_loop3A_281 = arith.constant 1.950000e+01 : f32
        %parallel_loop3A_282 = vector.broadcast %parallel_loop3A_281 : f32 to vector<16xf32>
        %parallel_loop3A_283 = arith.minimumf %parallel_loop3A_280, %parallel_loop3A_282 : vector<16xf32>
        %parallel_loop3A_284 = arith.fptosi %parallel_loop3A_283 : vector<16xf32> to vector<16xi32>
        %parallel_loop3A_285 = tpu.memref_slice %arg6[%mul3A_222] : memref<2304xf32, #tpu.memory_space<vmem>> -> memref<20xf32, #tpu.memory_space<vmem>>
        %parallel_loop3A_286 = tpu.vector_load_idx %parallel_loop3A_285[%parallel_loop3A_284] : memref<20xf32, #tpu.memory_space<vmem>>[vector<16xi32>], vector<16xf32>,
        %parallel_loop3A_287 = tpu.memref_slice %arg7[%mul3A_222] : memref<2304xf32, #tpu.memory_space<vmem>> -> memref<20xf32, #tpu.memory_space<vmem>>
        %parallel_loop3A_288 = tpu.vector_load_idx %parallel_loop3A_287[%parallel_loop3A_284] : memref<20xf32, #tpu.memory_space<vmem>>[vector<16xi32>], vector<16xf32>,
        %parallel_loop3A_289 = arith.mulf %parallel_loop3A_286, %parallel_loop3A_271 : vector<16xf32>
        %parallel_loop3A_290 = arith.addf %parallel_loop3A_289, %parallel_loop3A_288 : vector<16xf32>
        %parallel_loop3A_291 = arith.index_cast %parallel_loop3A_268 : i32 to index
        %parallel_loop3A_292 = arith.constant 0 : index
        %parallel_loop3A_293 = tpu.vector_load %arg11[%parallel_loop3A_291, %parallel_loop3A_292] {strides = array<i32>} : memref<64x384xf32, #tpu.memory_space<vmem>>, vector<16xf32>,
        tpu.vector_store %arg11[%parallel_loop3A_291, %parallel_loop3A_292], %parallel_loop3A_290 {strides = array<i32>} : memref<64x384xf32, #tpu.memory_space<vmem>>, vector<16xf32>,
        %parallel_loop3A_294 = arith.index_cast %parallel_loop3A_268 : i32 to index
        %parallel_loop3A_295 = arith.constant 16 : index
        %parallel_loop3A_296 = tpu.vector_load %arg9[%parallel_loop3A_294, %parallel_loop3A_295] {strides = array<i32>} : memref<64x384xf32, #tpu.memory_space<vmem>>, vector<16xf32>,
        %parallel_loop3A_297 = arith.constant 1.000000e+01 : f32
        %parallel_loop3A_298 = vector.broadcast %parallel_loop3A_297 : f32 to vector<16xf32>
        %parallel_loop3A_299 = arith.mulf %parallel_loop3A_296, %parallel_loop3A_298 : vector<16xf32>
        %parallel_loop3A_300 = arith.constant 1.000000e+01 : f32
        %parallel_loop3A_301 = vector.broadcast %parallel_loop3A_300 : f32 to vector<16xf32>
        %parallel_loop3A_302 = arith.addf %parallel_loop3A_299, %parallel_loop3A_301 : vector<16xf32>
        %parallel_loop3A_303 = arith.constant 0.000000e+00 : f32
        %parallel_loop3A_304 = vector.broadcast %parallel_loop3A_303 : f32 to vector<16xf32>
        %parallel_loop3A_305 = arith.maximumf %parallel_loop3A_302, %parallel_loop3A_304 : vector<16xf32>
        %parallel_loop3A_306 = arith.constant 1.950000e+01 : f32
        %parallel_loop3A_307 = vector.broadcast %parallel_loop3A_306 : f32 to vector<16xf32>
        %parallel_loop3A_308 = arith.minimumf %parallel_loop3A_305, %parallel_loop3A_307 : vector<16xf32>
        %parallel_loop3A_309 = arith.fptosi %parallel_loop3A_308 : vector<16xf32> to vector<16xi32>
        %parallel_loop3A_310 = tpu.memref_slice %arg6[%mul3A_222] : memref<2304xf32, #tpu.memory_space<vmem>> -> memref<20xf32, #tpu.memory_space<vmem>>
        %parallel_loop3A_311 = tpu.vector_load_idx %parallel_loop3A_310[%parallel_loop3A_309] : memref<20xf32, #tpu.memory_space<vmem>>[vector<16xi32>], vector<16xf32>,
        %parallel_loop3A_312 = tpu.memref_slice %arg7[%mul3A_222] : memref<2304xf32, #tpu.memory_space<vmem>> -> memref<20xf32, #tpu.memory_space<vmem>>
        %parallel_loop3A_313 = tpu.vector_load_idx %parallel_loop3A_312[%parallel_loop3A_309] : memref<20xf32, #tpu.memory_space<vmem>>[vector<16xi32>], vector<16xf32>,
        %parallel_loop3A_314 = arith.mulf %parallel_loop3A_311, %parallel_loop3A_296 : vector<16xf32>
        %parallel_loop3A_315 = arith.addf %parallel_loop3A_314, %parallel_loop3A_313 : vector<16xf32>
        %parallel_loop3A_316 = arith.index_cast %parallel_loop3A_268 : i32 to index
        %parallel_loop3A_317 = arith.constant 16 : index
        %parallel_loop3A_318 = tpu.vector_load %arg11[%parallel_loop3A_316, %parallel_loop3A_317] {strides = array<i32>} : memref<64x384xf32, #tpu.memory_space<vmem>>, vector<16xf32>,
        tpu.vector_store %arg11[%parallel_loop3A_316, %parallel_loop3A_317], %parallel_loop3A_315 {strides = array<i32>} : memref<64x384xf32, #tpu.memory_space<vmem>>, vector<16xf32>,
        %parallel_loop3A_319 = arith.index_cast %parallel_loop3A_268 : i32 to index
        %parallel_loop3A_320 = arith.constant 32 : index
        %parallel_loop3A_321 = tpu.vector_load %arg9[%parallel_loop3A_319, %parallel_loop3A_320] {strides = array<i32>} : memref<64x384xf32, #tpu.memory_space<vmem>>, vector<16xf32>,
        %parallel_loop3A_322 = arith.constant 1.000000e+01 : f32
        %parallel_loop3A_323 = vector.broadcast %parallel_loop3A_322 : f32 to vector<16xf32>
        %parallel_loop3A_324 = arith.mulf %parallel_loop3A_321, %parallel_loop3A_323 : vector<16xf32>
        %parallel_loop3A_325 = arith.constant 1.000000e+01 : f32
        %parallel_loop3A_326 = vector.broadcast %parallel_loop3A_325 : f32 to vector<16xf32>
        %parallel_loop3A_327 = arith.addf %parallel_loop3A_324, %parallel_loop3A_326 : vector<16xf32>
        %parallel_loop3A_328 = arith.constant 0.000000e+00 : f32
        %parallel_loop3A_329 = vector.broadcast %parallel_loop3A_328 : f32 to vector<16xf32>
        %parallel_loop3A_330 = arith.maximumf %parallel_loop3A_327, %parallel_loop3A_329 : vector<16xf32>
        %parallel_loop3A_331 = arith.constant 1.950000e+01 : f32
        %parallel_loop3A_332 = vector.broadcast %parallel_loop3A_331 : f32 to vector<16xf32>
        %parallel_loop3A_333 = arith.minimumf %parallel_loop3A_330, %parallel_loop3A_332 : vector<16xf32>
        %parallel_loop3A_334 = arith.fptosi %parallel_loop3A_333 : vector<16xf32> to vector<16xi32>
        %parallel_loop3A_335 = tpu.memref_slice %arg6[%mul3A_222] : memref<2304xf32, #tpu.memory_space<vmem>> -> memref<20xf32, #tpu.memory_space<vmem>>
        %parallel_loop3A_336 = tpu.vector_load_idx %parallel_loop3A_335[%parallel_loop3A_334] : memref<20xf32, #tpu.memory_space<vmem>>[vector<16xi32>], vector<16xf32>,
        %parallel_loop3A_337 = tpu.memref_slice %arg7[%mul3A_222] : memref<2304xf32, #tpu.memory_space<vmem>> -> memref<20xf32, #tpu.memory_space<vmem>>
        %parallel_loop3A_338 = tpu.vector_load_idx %parallel_loop3A_337[%parallel_loop3A_334] : memref<20xf32, #tpu.memory_space<vmem>>[vector<16xi32>], vector<16xf32>,
        %parallel_loop3A_339 = arith.mulf %parallel_loop3A_336, %parallel_loop3A_321 : vector<16xf32>
        %parallel_loop3A_340 = arith.addf %parallel_loop3A_339, %parallel_loop3A_338 : vector<16xf32>
        %parallel_loop3A_341 = arith.index_cast %parallel_loop3A_268 : i32 to index
        %parallel_loop3A_342 = arith.constant 32 : index
        %parallel_loop3A_343 = tpu.vector_load %arg11[%parallel_loop3A_341, %parallel_loop3A_342] {strides = array<i32>} : memref<64x384xf32, #tpu.memory_space<vmem>>, vector<16xf32>,
        tpu.vector_store %arg11[%parallel_loop3A_341, %parallel_loop3A_342], %parallel_loop3A_340 {strides = array<i32>} : memref<64x384xf32, #tpu.memory_space<vmem>>, vector<16xf32>,
        %parallel_loop3A_344 = arith.index_cast %parallel_loop3A_268 : i32 to index
        %parallel_loop3A_345 = arith.constant 48 : index
        %parallel_loop3A_346 = tpu.vector_load %arg9[%parallel_loop3A_344, %parallel_loop3A_345] {strides = array<i32>} : memref<64x384xf32, #tpu.memory_space<vmem>>, vector<16xf32>,
        %parallel_loop3A_347 = arith.constant 1.000000e+01 : f32
        %parallel_loop3A_348 = vector.broadcast %parallel_loop3A_347 : f32 to vector<16xf32>
        %parallel_loop3A_349 = arith.mulf %parallel_loop3A_346, %parallel_loop3A_348 : vector<16xf32>
        %parallel_loop3A_350 = arith.constant 1.000000e+01 : f32
        %parallel_loop3A_351 = vector.broadcast %parallel_loop3A_350 : f32 to vector<16xf32>
        %parallel_loop3A_352 = arith.addf %parallel_loop3A_349, %parallel_loop3A_351 : vector<16xf32>
        %parallel_loop3A_353 = arith.constant 0.000000e+00 : f32
        %parallel_loop3A_354 = vector.broadcast %parallel_loop3A_353 : f32 to vector<16xf32>
        %parallel_loop3A_355 = arith.maximumf %parallel_loop3A_352, %parallel_loop3A_354 : vector<16xf32>
        %parallel_loop3A_356 = arith.constant 1.950000e+01 : f32
        %parallel_loop3A_357 = vector.broadcast %parallel_loop3A_356 : f32 to vector<16xf32>
        %parallel_loop3A_358 = arith.minimumf %parallel_loop3A_355, %parallel_loop3A_357 : vector<16xf32>
        %parallel_loop3A_359 = arith.fptosi %parallel_loop3A_358 : vector<16xf32> to vector<16xi32>
        %parallel_loop3A_360 = tpu.memref_slice %arg6[%mul3A_222] : memref<2304xf32, #tpu.memory_space<vmem>> -> memref<20xf32, #tpu.memory_space<vmem>>
        %parallel_loop3A_361 = tpu.vector_load_idx %parallel_loop3A_360[%parallel_loop3A_359] : memref<20xf32, #tpu.memory_space<vmem>>[vector<16xi32>], vector<16xf32>,
        %parallel_loop3A_362 = tpu.memref_slice %arg7[%mul3A_222] : memref<2304xf32, #tpu.memory_space<vmem>> -> memref<20xf32, #tpu.memory_space<vmem>>
        %parallel_loop3A_363 = tpu.vector_load_idx %parallel_loop3A_362[%parallel_loop3A_359] : memref<20xf32, #tpu.memory_space<vmem>>[vector<16xi32>], vector<16xf32>,
        %parallel_loop3A_364 = arith.mulf %parallel_loop3A_361, %parallel_loop3A_346 : vector<16xf32>
        %parallel_loop3A_365 = arith.addf %parallel_loop3A_364, %parallel_loop3A_363 : vector<16xf32>
        %parallel_loop3A_366 = arith.index_cast %parallel_loop3A_268 : i32 to index
        %parallel_loop3A_367 = arith.constant 48 : index
        %parallel_loop3A_368 = tpu.vector_load %arg11[%parallel_loop3A_366, %parallel_loop3A_367] {strides = array<i32>} : memref<64x384xf32, #tpu.memory_space<vmem>>, vector<16xf32>,
        tpu.vector_store %arg11[%parallel_loop3A_366, %parallel_loop3A_367], %parallel_loop3A_365 {strides = array<i32>} : memref<64x384xf32, #tpu.memory_space<vmem>>, vector<16xf32>,
        %parallel_loop3A_369 = arith.index_cast %parallel_loop3A_268 : i32 to index
        %parallel_loop3A_370 = arith.constant 64 : index
        %parallel_loop3A_371 = tpu.vector_load %arg9[%parallel_loop3A_369, %parallel_loop3A_370] {strides = array<i32>} : memref<64x384xf32, #tpu.memory_space<vmem>>, vector<16xf32>,
        %parallel_loop3A_372 = arith.constant 1.000000e+01 : f32
        %parallel_loop3A_373 = vector.broadcast %parallel_loop3A_372 : f32 to vector<16xf32>
        %parallel_loop3A_374 = arith.mulf %parallel_loop3A_371, %parallel_loop3A_373 : vector<16xf32>
        %parallel_loop3A_375 = arith.constant 1.000000e+01 : f32
        %parallel_loop3A_376 = vector.broadcast %parallel_loop3A_375 : f32 to vector<16xf32>
        %parallel_loop3A_377 = arith.addf %parallel_loop3A_374, %parallel_loop3A_376 : vector<16xf32>
        %parallel_loop3A_378 = arith.constant 0.000000e+00 : f32
        %parallel_loop3A_379 = vector.broadcast %parallel_loop3A_378 : f32 to vector<16xf32>
        %parallel_loop3A_380 = arith.maximumf %parallel_loop3A_377, %parallel_loop3A_379 : vector<16xf32>
        %parallel_loop3A_381 = arith.constant 1.950000e+01 : f32
        %parallel_loop3A_382 = vector.broadcast %parallel_loop3A_381 : f32 to vector<16xf32>
        %parallel_loop3A_383 = arith.minimumf %parallel_loop3A_380, %parallel_loop3A_382 : vector<16xf32>
        %parallel_loop3A_384 = arith.fptosi %parallel_loop3A_383 : vector<16xf32> to vector<16xi32>
        %parallel_loop3A_385 = tpu.memref_slice %arg6[%mul3A_222] : memref<2304xf32, #tpu.memory_space<vmem>> -> memref<20xf32, #tpu.memory_space<vmem>>
        %parallel_loop3A_386 = tpu.vector_load_idx %parallel_loop3A_385[%parallel_loop3A_384] : memref<20xf32, #tpu.memory_space<vmem>>[vector<16xi32>], vector<16xf32>,
        %parallel_loop3A_387 = tpu.memref_slice %arg7[%mul3A_222] : memref<2304xf32, #tpu.memory_space<vmem>> -> memref<20xf32, #tpu.memory_space<vmem>>
        %parallel_loop3A_388 = tpu.vector_load_idx %parallel_loop3A_387[%parallel_loop3A_384] : memref<20xf32, #tpu.memory_space<vmem>>[vector<16xi32>], vector<16xf32>,
        %parallel_loop3A_389 = arith.mulf %parallel_loop3A_386, %parallel_loop3A_371 : vector<16xf32>
        %parallel_loop3A_390 = arith.addf %parallel_loop3A_389, %parallel_loop3A_388 : vector<16xf32>
        %parallel_loop3A_391 = arith.index_cast %parallel_loop3A_268 : i32 to index
        %parallel_loop3A_392 = arith.constant 64 : index
        %parallel_loop3A_393 = tpu.vector_load %arg11[%parallel_loop3A_391, %parallel_loop3A_392] {strides = array<i32>} : memref<64x384xf32, #tpu.memory_space<vmem>>, vector<16xf32>,
        tpu.vector_store %arg11[%parallel_loop3A_391, %parallel_loop3A_392], %parallel_loop3A_390 {strides = array<i32>} : memref<64x384xf32, #tpu.memory_space<vmem>>, vector<16xf32>,
        %parallel_loop3A_394 = arith.index_cast %parallel_loop3A_268 : i32 to index
        %parallel_loop3A_395 = arith.constant 80 : index
        %parallel_loop3A_396 = tpu.vector_load %arg9[%parallel_loop3A_394, %parallel_loop3A_395] {strides = array<i32>} : memref<64x384xf32, #tpu.memory_space<vmem>>, vector<16xf32>,
        %parallel_loop3A_397 = arith.constant 1.000000e+01 : f32
        %parallel_loop3A_398 = vector.broadcast %parallel_loop3A_397 : f32 to vector<16xf32>
        %parallel_loop3A_399 = arith.mulf %parallel_loop3A_396, %parallel_loop3A_398 : vector<16xf32>
        %parallel_loop3A_400 = arith.constant 1.000000e+01 : f32
        %parallel_loop3A_401 = vector.broadcast %parallel_loop3A_400 : f32 to vector<16xf32>
        %parallel_loop3A_402 = arith.addf %parallel_loop3A_399, %parallel_loop3A_401 : vector<16xf32>
        %parallel_loop3A_403 = arith.constant 0.000000e+00 : f32
        %parallel_loop3A_404 = vector.broadcast %parallel_loop3A_403 : f32 to vector<16xf32>
        %parallel_loop3A_405 = arith.maximumf %parallel_loop3A_402, %parallel_loop3A_404 : vector<16xf32>
        %parallel_loop3A_406 = arith.constant 1.950000e+01 : f32
        %parallel_loop3A_407 = vector.broadcast %parallel_loop3A_406 : f32 to vector<16xf32>
        %parallel_loop3A_408 = arith.minimumf %parallel_loop3A_405, %parallel_loop3A_407 : vector<16xf32>
        %parallel_loop3A_409 = arith.fptosi %parallel_loop3A_408 : vector<16xf32> to vector<16xi32>
        %parallel_loop3A_410 = tpu.memref_slice %arg6[%mul3A_222] : memref<2304xf32, #tpu.memory_space<vmem>> -> memref<20xf32, #tpu.memory_space<vmem>>
        %parallel_loop3A_411 = tpu.vector_load_idx %parallel_loop3A_410[%parallel_loop3A_409] : memref<20xf32, #tpu.memory_space<vmem>>[vector<16xi32>], vector<16xf32>,
        %parallel_loop3A_412 = tpu.memref_slice %arg7[%mul3A_222] : memref<2304xf32, #tpu.memory_space<vmem>> -> memref<20xf32, #tpu.memory_space<vmem>>
        %parallel_loop3A_413 = tpu.vector_load_idx %parallel_loop3A_412[%parallel_loop3A_409] : memref<20xf32, #tpu.memory_space<vmem>>[vector<16xi32>], vector<16xf32>,
        %parallel_loop3A_414 = arith.mulf %parallel_loop3A_411, %parallel_loop3A_396 : vector<16xf32>
        %parallel_loop3A_415 = arith.addf %parallel_loop3A_414, %parallel_loop3A_413 : vector<16xf32>
        %parallel_loop3A_416 = arith.index_cast %parallel_loop3A_268 : i32 to index
        %parallel_loop3A_417 = arith.constant 80 : index
        %parallel_loop3A_418 = tpu.vector_load %arg11[%parallel_loop3A_416, %parallel_loop3A_417] {strides = array<i32>} : memref<64x384xf32, #tpu.memory_space<vmem>>, vector<16xf32>,
        tpu.vector_store %arg11[%parallel_loop3A_416, %parallel_loop3A_417], %parallel_loop3A_415 {strides = array<i32>} : memref<64x384xf32, #tpu.memory_space<vmem>>, vector<16xf32>,
        %parallel_loop3A_419 = arith.index_cast %parallel_loop3A_268 : i32 to index
        %parallel_loop3A_420 = arith.constant 96 : index
        %parallel_loop3A_421 = tpu.vector_load %arg9[%parallel_loop3A_419, %parallel_loop3A_420] {strides = array<i32>} : memref<64x384xf32, #tpu.memory_space<vmem>>, vector<16xf32>,
        %parallel_loop3A_422 = arith.constant 1.000000e+01 : f32
        %parallel_loop3A_423 = vector.broadcast %parallel_loop3A_422 : f32 to vector<16xf32>
        %parallel_loop3A_424 = arith.mulf %parallel_loop3A_421, %parallel_loop3A_423 : vector<16xf32>
        %parallel_loop3A_425 = arith.constant 1.000000e+01 : f32
        %parallel_loop3A_426 = vector.broadcast %parallel_loop3A_425 : f32 to vector<16xf32>
        %parallel_loop3A_427 = arith.addf %parallel_loop3A_424, %parallel_loop3A_426 : vector<16xf32>
        %parallel_loop3A_428 = arith.constant 0.000000e+00 : f32
        %parallel_loop3A_429 = vector.broadcast %parallel_loop3A_428 : f32 to vector<16xf32>
        %parallel_loop3A_430 = arith.maximumf %parallel_loop3A_427, %parallel_loop3A_429 : vector<16xf32>
        %parallel_loop3A_431 = arith.constant 1.950000e+01 : f32
        %parallel_loop3A_432 = vector.broadcast %parallel_loop3A_431 : f32 to vector<16xf32>
        %parallel_loop3A_433 = arith.minimumf %parallel_loop3A_430, %parallel_loop3A_432 : vector<16xf32>
        %parallel_loop3A_434 = arith.fptosi %parallel_loop3A_433 : vector<16xf32> to vector<16xi32>
        %parallel_loop3A_435 = tpu.memref_slice %arg6[%mul3A_222] : memref<2304xf32, #tpu.memory_space<vmem>> -> memref<20xf32, #tpu.memory_space<vmem>>
        %parallel_loop3A_436 = tpu.vector_load_idx %parallel_loop3A_435[%parallel_loop3A_434] : memref<20xf32, #tpu.memory_space<vmem>>[vector<16xi32>], vector<16xf32>,
        %parallel_loop3A_437 = tpu.memref_slice %arg7[%mul3A_222] : memref<2304xf32, #tpu.memory_space<vmem>> -> memref<20xf32, #tpu.memory_space<vmem>>
        %parallel_loop3A_438 = tpu.vector_load_idx %parallel_loop3A_437[%parallel_loop3A_434] : memref<20xf32, #tpu.memory_space<vmem>>[vector<16xi32>], vector<16xf32>,
        %parallel_loop3A_439 = arith.mulf %parallel_loop3A_436, %parallel_loop3A_421 : vector<16xf32>
        %parallel_loop3A_440 = arith.addf %parallel_loop3A_439, %parallel_loop3A_438 : vector<16xf32>
        %parallel_loop3A_441 = arith.index_cast %parallel_loop3A_268 : i32 to index
        %parallel_loop3A_442 = arith.constant 96 : index
        %parallel_loop3A_443 = tpu.vector_load %arg11[%parallel_loop3A_441, %parallel_loop3A_442] {strides = array<i32>} : memref<64x384xf32, #tpu.memory_space<vmem>>, vector<16xf32>,
        tpu.vector_store %arg11[%parallel_loop3A_441, %parallel_loop3A_442], %parallel_loop3A_440 {strides = array<i32>} : memref<64x384xf32, #tpu.memory_space<vmem>>, vector<16xf32>,
        %parallel_loop3A_444 = arith.index_cast %parallel_loop3A_268 : i32 to index
        %parallel_loop3A_445 = arith.constant 112 : index
        %parallel_loop3A_446 = tpu.vector_load %arg9[%parallel_loop3A_444, %parallel_loop3A_445] {strides = array<i32>} : memref<64x384xf32, #tpu.memory_space<vmem>>, vector<16xf32>,
        %parallel_loop3A_447 = arith.constant 1.000000e+01 : f32
        %parallel_loop3A_448 = vector.broadcast %parallel_loop3A_447 : f32 to vector<16xf32>
        %parallel_loop3A_449 = arith.mulf %parallel_loop3A_446, %parallel_loop3A_448 : vector<16xf32>
        %parallel_loop3A_450 = arith.constant 1.000000e+01 : f32
        %parallel_loop3A_451 = vector.broadcast %parallel_loop3A_450 : f32 to vector<16xf32>
        %parallel_loop3A_452 = arith.addf %parallel_loop3A_449, %parallel_loop3A_451 : vector<16xf32>
        %parallel_loop3A_453 = arith.constant 0.000000e+00 : f32
        %parallel_loop3A_454 = vector.broadcast %parallel_loop3A_453 : f32 to vector<16xf32>
        %parallel_loop3A_455 = arith.maximumf %parallel_loop3A_452, %parallel_loop3A_454 : vector<16xf32>
        %parallel_loop3A_456 = arith.constant 1.950000e+01 : f32
        %parallel_loop3A_457 = vector.broadcast %parallel_loop3A_456 : f32 to vector<16xf32>
        %parallel_loop3A_458 = arith.minimumf %parallel_loop3A_455, %parallel_loop3A_457 : vector<16xf32>
        %parallel_loop3A_459 = arith.fptosi %parallel_loop3A_458 : vector<16xf32> to vector<16xi32>
        %parallel_loop3A_460 = tpu.memref_slice %arg6[%mul3A_222] : memref<2304xf32, #tpu.memory_space<vmem>> -> memref<20xf32, #tpu.memory_space<vmem>>
        %parallel_loop3A_461 = tpu.vector_load_idx %parallel_loop3A_460[%parallel_loop3A_459] : memref<20xf32, #tpu.memory_space<vmem>>[vector<16xi32>], vector<16xf32>,
        %parallel_loop3A_462 = tpu.memref_slice %arg7[%mul3A_222] : memref<2304xf32, #tpu.memory_space<vmem>> -> memref<20xf32, #tpu.memory_space<vmem>>
        %parallel_loop3A_463 = tpu.vector_load_idx %parallel_loop3A_462[%parallel_loop3A_459] : memref<20xf32, #tpu.memory_space<vmem>>[vector<16xi32>], vector<16xf32>,
        %parallel_loop3A_464 = arith.mulf %parallel_loop3A_461, %parallel_loop3A_446 : vector<16xf32>
        %parallel_loop3A_465 = arith.addf %parallel_loop3A_464, %parallel_loop3A_463 : vector<16xf32>
        %parallel_loop3A_466 = arith.index_cast %parallel_loop3A_268 : i32 to index
        %parallel_loop3A_467 = arith.constant 112 : index
        %parallel_loop3A_468 = tpu.vector_load %arg11[%parallel_loop3A_466, %parallel_loop3A_467] {strides = array<i32>} : memref<64x384xf32, #tpu.memory_space<vmem>>, vector<16xf32>,
        tpu.vector_store %arg11[%parallel_loop3A_466, %parallel_loop3A_467], %parallel_loop3A_465 {strides = array<i32>} : memref<64x384xf32, #tpu.memory_space<vmem>>, vector<16xf32>,
        %parallel_loop3A_469 = arith.index_cast %parallel_loop3A_268 : i32 to index
        %parallel_loop3A_470 = arith.constant 128 : index
        %parallel_loop3A_471 = tpu.vector_load %arg9[%parallel_loop3A_469, %parallel_loop3A_470] {strides = array<i32>} : memref<64x384xf32, #tpu.memory_space<vmem>>, vector<16xf32>,
        %parallel_loop3A_472 = arith.constant 1.000000e+01 : f32
        %parallel_loop3A_473 = vector.broadcast %parallel_loop3A_472 : f32 to vector<16xf32>
        %parallel_loop3A_474 = arith.mulf %parallel_loop3A_471, %parallel_loop3A_473 : vector<16xf32>
        %parallel_loop3A_475 = arith.constant 1.000000e+01 : f32
        %parallel_loop3A_476 = vector.broadcast %parallel_loop3A_475 : f32 to vector<16xf32>
        %parallel_loop3A_477 = arith.addf %parallel_loop3A_474, %parallel_loop3A_476 : vector<16xf32>
        %parallel_loop3A_478 = arith.constant 0.000000e+00 : f32
        %parallel_loop3A_479 = vector.broadcast %parallel_loop3A_478 : f32 to vector<16xf32>
        %parallel_loop3A_480 = arith.maximumf %parallel_loop3A_477, %parallel_loop3A_479 : vector<16xf32>
        %parallel_loop3A_481 = arith.constant 1.950000e+01 : f32
        %parallel_loop3A_482 = vector.broadcast %parallel_loop3A_481 : f32 to vector<16xf32>
        %parallel_loop3A_483 = arith.minimumf %parallel_loop3A_480, %parallel_loop3A_482 : vector<16xf32>
        %parallel_loop3A_484 = arith.fptosi %parallel_loop3A_483 : vector<16xf32> to vector<16xi32>
        %parallel_loop3A_485 = tpu.memref_slice %arg6[%mul3A_222] : memref<2304xf32, #tpu.memory_space<vmem>> -> memref<20xf32, #tpu.memory_space<vmem>>
        %parallel_loop3A_486 = tpu.vector_load_idx %parallel_loop3A_485[%parallel_loop3A_484] : memref<20xf32, #tpu.memory_space<vmem>>[vector<16xi32>], vector<16xf32>,
        %parallel_loop3A_487 = tpu.memref_slice %arg7[%mul3A_222] : memref<2304xf32, #tpu.memory_space<vmem>> -> memref<20xf32, #tpu.memory_space<vmem>>
        %parallel_loop3A_488 = tpu.vector_load_idx %parallel_loop3A_487[%parallel_loop3A_484] : memref<20xf32, #tpu.memory_space<vmem>>[vector<16xi32>], vector<16xf32>,
        %parallel_loop3A_489 = arith.mulf %parallel_loop3A_486, %parallel_loop3A_471 : vector<16xf32>
        %parallel_loop3A_490 = arith.addf %parallel_loop3A_489, %parallel_loop3A_488 : vector<16xf32>
        %parallel_loop3A_491 = arith.index_cast %parallel_loop3A_268 : i32 to index
        %parallel_loop3A_492 = arith.constant 128 : index
        %parallel_loop3A_493 = tpu.vector_load %arg11[%parallel_loop3A_491, %parallel_loop3A_492] {strides = array<i32>} : memref<64x384xf32, #tpu.memory_space<vmem>>, vector<16xf32>,
        tpu.vector_store %arg11[%parallel_loop3A_491, %parallel_loop3A_492], %parallel_loop3A_490 {strides = array<i32>} : memref<64x384xf32, #tpu.memory_space<vmem>>, vector<16xf32>,
        %parallel_loop3A_494 = arith.index_cast %parallel_loop3A_268 : i32 to index
        %parallel_loop3A_495 = arith.constant 144 : index
        %parallel_loop3A_496 = tpu.vector_load %arg9[%parallel_loop3A_494, %parallel_loop3A_495] {strides = array<i32>} : memref<64x384xf32, #tpu.memory_space<vmem>>, vector<16xf32>,
        %parallel_loop3A_497 = arith.constant 1.000000e+01 : f32
        %parallel_loop3A_498 = vector.broadcast %parallel_loop3A_497 : f32 to vector<16xf32>
        %parallel_loop3A_499 = arith.mulf %parallel_loop3A_496, %parallel_loop3A_498 : vector<16xf32>
        %parallel_loop3A_500 = arith.constant 1.000000e+01 : f32
        %parallel_loop3A_501 = vector.broadcast %parallel_loop3A_500 : f32 to vector<16xf32>
        %parallel_loop3A_502 = arith.addf %parallel_loop3A_499, %parallel_loop3A_501 : vector<16xf32>
        %parallel_loop3A_503 = arith.constant 0.000000e+00 : f32
        %parallel_loop3A_504 = vector.broadcast %parallel_loop3A_503 : f32 to vector<16xf32>
        %parallel_loop3A_505 = arith.maximumf %parallel_loop3A_502, %parallel_loop3A_504 : vector<16xf32>
        %parallel_loop3A_506 = arith.constant 1.950000e+01 : f32
        %parallel_loop3A_507 = vector.broadcast %parallel_loop3A_506 : f32 to vector<16xf32>
        %parallel_loop3A_508 = arith.minimumf %parallel_loop3A_505, %parallel_loop3A_507 : vector<16xf32>
        %parallel_loop3A_509 = arith.fptosi %parallel_loop3A_508 : vector<16xf32> to vector<16xi32>
        %parallel_loop3A_510 = tpu.memref_slice %arg6[%mul3A_222] : memref<2304xf32, #tpu.memory_space<vmem>> -> memref<20xf32, #tpu.memory_space<vmem>>
        %parallel_loop3A_511 = tpu.vector_load_idx %parallel_loop3A_510[%parallel_loop3A_509] : memref<20xf32, #tpu.memory_space<vmem>>[vector<16xi32>], vector<16xf32>,
        %parallel_loop3A_512 = tpu.memref_slice %arg7[%mul3A_222] : memref<2304xf32, #tpu.memory_space<vmem>> -> memref<20xf32, #tpu.memory_space<vmem>>
        %parallel_loop3A_513 = tpu.vector_load_idx %parallel_loop3A_512[%parallel_loop3A_509] : memref<20xf32, #tpu.memory_space<vmem>>[vector<16xi32>], vector<16xf32>,
        %parallel_loop3A_514 = arith.mulf %parallel_loop3A_511, %parallel_loop3A_496 : vector<16xf32>
        %parallel_loop3A_515 = arith.addf %parallel_loop3A_514, %parallel_loop3A_513 : vector<16xf32>
        %parallel_loop3A_516 = arith.index_cast %parallel_loop3A_268 : i32 to index
        %parallel_loop3A_517 = arith.constant 144 : index
        %parallel_loop3A_518 = tpu.vector_load %arg11[%parallel_loop3A_516, %parallel_loop3A_517] {strides = array<i32>} : memref<64x384xf32, #tpu.memory_space<vmem>>, vector<16xf32>,
        tpu.vector_store %arg11[%parallel_loop3A_516, %parallel_loop3A_517], %parallel_loop3A_515 {strides = array<i32>} : memref<64x384xf32, #tpu.memory_space<vmem>>, vector<16xf32>,
        %parallel_loop3A_519 = arith.index_cast %parallel_loop3A_268 : i32 to index
        %parallel_loop3A_520 = arith.constant 160 : index
        %parallel_loop3A_521 = tpu.vector_load %arg9[%parallel_loop3A_519, %parallel_loop3A_520] {strides = array<i32>} : memref<64x384xf32, #tpu.memory_space<vmem>>, vector<16xf32>,
        %parallel_loop3A_522 = arith.constant 1.000000e+01 : f32
        %parallel_loop3A_523 = vector.broadcast %parallel_loop3A_522 : f32 to vector<16xf32>
        %parallel_loop3A_524 = arith.mulf %parallel_loop3A_521, %parallel_loop3A_523 : vector<16xf32>
        %parallel_loop3A_525 = arith.constant 1.000000e+01 : f32
        %parallel_loop3A_526 = vector.broadcast %parallel_loop3A_525 : f32 to vector<16xf32>
        %parallel_loop3A_527 = arith.addf %parallel_loop3A_524, %parallel_loop3A_526 : vector<16xf32>
        %parallel_loop3A_528 = arith.constant 0.000000e+00 : f32
        %parallel_loop3A_529 = vector.broadcast %parallel_loop3A_528 : f32 to vector<16xf32>
        %parallel_loop3A_530 = arith.maximumf %parallel_loop3A_527, %parallel_loop3A_529 : vector<16xf32>
        %parallel_loop3A_531 = arith.constant 1.950000e+01 : f32
        %parallel_loop3A_532 = vector.broadcast %parallel_loop3A_531 : f32 to vector<16xf32>
        %parallel_loop3A_533 = arith.minimumf %parallel_loop3A_530, %parallel_loop3A_532 : vector<16xf32>
        %parallel_loop3A_534 = arith.fptosi %parallel_loop3A_533 : vector<16xf32> to vector<16xi32>
        %parallel_loop3A_535 = tpu.memref_slice %arg6[%mul3A_222] : memref<2304xf32, #tpu.memory_space<vmem>> -> memref<20xf32, #tpu.memory_space<vmem>>
        %parallel_loop3A_536 = tpu.vector_load_idx %parallel_loop3A_535[%parallel_loop3A_534] : memref<20xf32, #tpu.memory_space<vmem>>[vector<16xi32>], vector<16xf32>,
        %parallel_loop3A_537 = tpu.memref_slice %arg7[%mul3A_222] : memref<2304xf32, #tpu.memory_space<vmem>> -> memref<20xf32, #tpu.memory_space<vmem>>
        %parallel_loop3A_538 = tpu.vector_load_idx %parallel_loop3A_537[%parallel_loop3A_534] : memref<20xf32, #tpu.memory_space<vmem>>[vector<16xi32>], vector<16xf32>,
        %parallel_loop3A_539 = arith.mulf %parallel_loop3A_536, %parallel_loop3A_521 : vector<16xf32>
        %parallel_loop3A_540 = arith.addf %parallel_loop3A_539, %parallel_loop3A_538 : vector<16xf32>
        %parallel_loop3A_541 = arith.index_cast %parallel_loop3A_268 : i32 to index
        %parallel_loop3A_542 = arith.constant 160 : index
        %parallel_loop3A_543 = tpu.vector_load %arg11[%parallel_loop3A_541, %parallel_loop3A_542] {strides = array<i32>} : memref<64x384xf32, #tpu.memory_space<vmem>>, vector<16xf32>,
        tpu.vector_store %arg11[%parallel_loop3A_541, %parallel_loop3A_542], %parallel_loop3A_540 {strides = array<i32>} : memref<64x384xf32, #tpu.memory_space<vmem>>, vector<16xf32>,
        %parallel_loop3A_544 = arith.index_cast %parallel_loop3A_268 : i32 to index
        %parallel_loop3A_545 = arith.constant 176 : index
        %parallel_loop3A_546 = tpu.vector_load %arg9[%parallel_loop3A_544, %parallel_loop3A_545] {strides = array<i32>} : memref<64x384xf32, #tpu.memory_space<vmem>>, vector<16xf32>,
        %parallel_loop3A_547 = arith.constant 1.000000e+01 : f32
        %parallel_loop3A_548 = vector.broadcast %parallel_loop3A_547 : f32 to vector<16xf32>
        %parallel_loop3A_549 = arith.mulf %parallel_loop3A_546, %parallel_loop3A_548 : vector<16xf32>
        %parallel_loop3A_550 = arith.constant 1.000000e+01 : f32
        %parallel_loop3A_551 = vector.broadcast %parallel_loop3A_550 : f32 to vector<16xf32>
        %parallel_loop3A_552 = arith.addf %parallel_loop3A_549, %parallel_loop3A_551 : vector<16xf32>
        %parallel_loop3A_553 = arith.constant 0.000000e+00 : f32
        %parallel_loop3A_554 = vector.broadcast %parallel_loop3A_553 : f32 to vector<16xf32>
        %parallel_loop3A_555 = arith.maximumf %parallel_loop3A_552, %parallel_loop3A_554 : vector<16xf32>
        %parallel_loop3A_556 = arith.constant 1.950000e+01 : f32
        %parallel_loop3A_557 = vector.broadcast %parallel_loop3A_556 : f32 to vector<16xf32>
        %parallel_loop3A_558 = arith.minimumf %parallel_loop3A_555, %parallel_loop3A_557 : vector<16xf32>
        %parallel_loop3A_559 = arith.fptosi %parallel_loop3A_558 : vector<16xf32> to vector<16xi32>
        %parallel_loop3A_560 = tpu.memref_slice %arg6[%mul3A_222] : memref<2304xf32, #tpu.memory_space<vmem>> -> memref<20xf32, #tpu.memory_space<vmem>>
        %parallel_loop3A_561 = tpu.vector_load_idx %parallel_loop3A_560[%parallel_loop3A_559] : memref<20xf32, #tpu.memory_space<vmem>>[vector<16xi32>], vector<16xf32>,
        %parallel_loop3A_562 = tpu.memref_slice %arg7[%mul3A_222] : memref<2304xf32, #tpu.memory_space<vmem>> -> memref<20xf32, #tpu.memory_space<vmem>>
        %parallel_loop3A_563 = tpu.vector_load_idx %parallel_loop3A_562[%parallel_loop3A_559] : memref<20xf32, #tpu.memory_space<vmem>>[vector<16xi32>], vector<16xf32>,
        %parallel_loop3A_564 = arith.mulf %parallel_loop3A_561, %parallel_loop3A_546 : vector<16xf32>
        %parallel_loop3A_565 = arith.addf %parallel_loop3A_564, %parallel_loop3A_563 : vector<16xf32>
        %parallel_loop3A_566 = arith.index_cast %parallel_loop3A_268 : i32 to index
        %parallel_loop3A_567 = arith.constant 176 : index
        %parallel_loop3A_568 = tpu.vector_load %arg11[%parallel_loop3A_566, %parallel_loop3A_567] {strides = array<i32>} : memref<64x384xf32, #tpu.memory_space<vmem>>, vector<16xf32>,
        tpu.vector_store %arg11[%parallel_loop3A_566, %parallel_loop3A_567], %parallel_loop3A_565 {strides = array<i32>} : memref<64x384xf32, #tpu.memory_space<vmem>>, vector<16xf32>,
        %parallel_loop3A_569 = arith.index_cast %parallel_loop3A_268 : i32 to index
        %parallel_loop3A_570 = arith.constant 192 : index
        %parallel_loop3A_571 = tpu.vector_load %arg9[%parallel_loop3A_569, %parallel_loop3A_570] {strides = array<i32>} : memref<64x384xf32, #tpu.memory_space<vmem>>, vector<16xf32>,
        %parallel_loop3A_572 = arith.constant 1.000000e+01 : f32
        %parallel_loop3A_573 = vector.broadcast %parallel_loop3A_572 : f32 to vector<16xf32>
        %parallel_loop3A_574 = arith.mulf %parallel_loop3A_571, %parallel_loop3A_573 : vector<16xf32>
        %parallel_loop3A_575 = arith.constant 1.000000e+01 : f32
        %parallel_loop3A_576 = vector.broadcast %parallel_loop3A_575 : f32 to vector<16xf32>
        %parallel_loop3A_577 = arith.addf %parallel_loop3A_574, %parallel_loop3A_576 : vector<16xf32>
        %parallel_loop3A_578 = arith.constant 0.000000e+00 : f32
        %parallel_loop3A_579 = vector.broadcast %parallel_loop3A_578 : f32 to vector<16xf32>
        %parallel_loop3A_580 = arith.maximumf %parallel_loop3A_577, %parallel_loop3A_579 : vector<16xf32>
        %parallel_loop3A_581 = arith.constant 1.950000e+01 : f32
        %parallel_loop3A_582 = vector.broadcast %parallel_loop3A_581 : f32 to vector<16xf32>
        %parallel_loop3A_583 = arith.minimumf %parallel_loop3A_580, %parallel_loop3A_582 : vector<16xf32>
        %parallel_loop3A_584 = arith.fptosi %parallel_loop3A_583 : vector<16xf32> to vector<16xi32>
        %parallel_loop3A_585 = tpu.memref_slice %arg6[%mul3A_222] : memref<2304xf32, #tpu.memory_space<vmem>> -> memref<20xf32, #tpu.memory_space<vmem>>
        %parallel_loop3A_586 = tpu.vector_load_idx %parallel_loop3A_585[%parallel_loop3A_584] : memref<20xf32, #tpu.memory_space<vmem>>[vector<16xi32>], vector<16xf32>,
        %parallel_loop3A_587 = tpu.memref_slice %arg7[%mul3A_222] : memref<2304xf32, #tpu.memory_space<vmem>> -> memref<20xf32, #tpu.memory_space<vmem>>
        %parallel_loop3A_588 = tpu.vector_load_idx %parallel_loop3A_587[%parallel_loop3A_584] : memref<20xf32, #tpu.memory_space<vmem>>[vector<16xi32>], vector<16xf32>,
        %parallel_loop3A_589 = arith.mulf %parallel_loop3A_586, %parallel_loop3A_571 : vector<16xf32>
        %parallel_loop3A_590 = arith.addf %parallel_loop3A_589, %parallel_loop3A_588 : vector<16xf32>
        %parallel_loop3A_591 = arith.index_cast %parallel_loop3A_268 : i32 to index
        %parallel_loop3A_592 = arith.constant 192 : index
        %parallel_loop3A_593 = tpu.vector_load %arg11[%parallel_loop3A_591, %parallel_loop3A_592] {strides = array<i32>} : memref<64x384xf32, #tpu.memory_space<vmem>>, vector<16xf32>,
        tpu.vector_store %arg11[%parallel_loop3A_591, %parallel_loop3A_592], %parallel_loop3A_590 {strides = array<i32>} : memref<64x384xf32, #tpu.memory_space<vmem>>, vector<16xf32>,
        %parallel_loop3A_594 = arith.index_cast %parallel_loop3A_268 : i32 to index
        %parallel_loop3A_595 = arith.constant 208 : index
        %parallel_loop3A_596 = tpu.vector_load %arg9[%parallel_loop3A_594, %parallel_loop3A_595] {strides = array<i32>} : memref<64x384xf32, #tpu.memory_space<vmem>>, vector<16xf32>,
        %parallel_loop3A_597 = arith.constant 1.000000e+01 : f32
        %parallel_loop3A_598 = vector.broadcast %parallel_loop3A_597 : f32 to vector<16xf32>
        %parallel_loop3A_599 = arith.mulf %parallel_loop3A_596, %parallel_loop3A_598 : vector<16xf32>
        %parallel_loop3A_600 = arith.constant 1.000000e+01 : f32
        %parallel_loop3A_601 = vector.broadcast %parallel_loop3A_600 : f32 to vector<16xf32>
        %parallel_loop3A_602 = arith.addf %parallel_loop3A_599, %parallel_loop3A_601 : vector<16xf32>
        %parallel_loop3A_603 = arith.constant 0.000000e+00 : f32
        %parallel_loop3A_604 = vector.broadcast %parallel_loop3A_603 : f32 to vector<16xf32>
        %parallel_loop3A_605 = arith.maximumf %parallel_loop3A_602, %parallel_loop3A_604 : vector<16xf32>
        %parallel_loop3A_606 = arith.constant 1.950000e+01 : f32
        %parallel_loop3A_607 = vector.broadcast %parallel_loop3A_606 : f32 to vector<16xf32>
        %parallel_loop3A_608 = arith.minimumf %parallel_loop3A_605, %parallel_loop3A_607 : vector<16xf32>
        %parallel_loop3A_609 = arith.fptosi %parallel_loop3A_608 : vector<16xf32> to vector<16xi32>
        %parallel_loop3A_610 = tpu.memref_slice %arg6[%mul3A_222] : memref<2304xf32, #tpu.memory_space<vmem>> -> memref<20xf32, #tpu.memory_space<vmem>>
        %parallel_loop3A_611 = tpu.vector_load_idx %parallel_loop3A_610[%parallel_loop3A_609] : memref<20xf32, #tpu.memory_space<vmem>>[vector<16xi32>], vector<16xf32>,
        %parallel_loop3A_612 = tpu.memref_slice %arg7[%mul3A_222] : memref<2304xf32, #tpu.memory_space<vmem>> -> memref<20xf32, #tpu.memory_space<vmem>>
        %parallel_loop3A_613 = tpu.vector_load_idx %parallel_loop3A_612[%parallel_loop3A_609] : memref<20xf32, #tpu.memory_space<vmem>>[vector<16xi32>], vector<16xf32>,
        %parallel_loop3A_614 = arith.mulf %parallel_loop3A_611, %parallel_loop3A_596 : vector<16xf32>
        %parallel_loop3A_615 = arith.addf %parallel_loop3A_614, %parallel_loop3A_613 : vector<16xf32>
        %parallel_loop3A_616 = arith.index_cast %parallel_loop3A_268 : i32 to index
        %parallel_loop3A_617 = arith.constant 208 : index
        %parallel_loop3A_618 = tpu.vector_load %arg11[%parallel_loop3A_616, %parallel_loop3A_617] {strides = array<i32>} : memref<64x384xf32, #tpu.memory_space<vmem>>, vector<16xf32>,
        tpu.vector_store %arg11[%parallel_loop3A_616, %parallel_loop3A_617], %parallel_loop3A_615 {strides = array<i32>} : memref<64x384xf32, #tpu.memory_space<vmem>>, vector<16xf32>,
        %parallel_loop3A_619 = arith.index_cast %parallel_loop3A_268 : i32 to index
        %parallel_loop3A_620 = arith.constant 224 : index
        %parallel_loop3A_621 = tpu.vector_load %arg9[%parallel_loop3A_619, %parallel_loop3A_620] {strides = array<i32>} : memref<64x384xf32, #tpu.memory_space<vmem>>, vector<16xf32>,
        %parallel_loop3A_622 = arith.constant 1.000000e+01 : f32
        %parallel_loop3A_623 = vector.broadcast %parallel_loop3A_622 : f32 to vector<16xf32>
        %parallel_loop3A_624 = arith.mulf %parallel_loop3A_621, %parallel_loop3A_623 : vector<16xf32>
        %parallel_loop3A_625 = arith.constant 1.000000e+01 : f32
        %parallel_loop3A_626 = vector.broadcast %parallel_loop3A_625 : f32 to vector<16xf32>
        %parallel_loop3A_627 = arith.addf %parallel_loop3A_624, %parallel_loop3A_626 : vector<16xf32>
        %parallel_loop3A_628 = arith.constant 0.000000e+00 : f32
        %parallel_loop3A_629 = vector.broadcast %parallel_loop3A_628 : f32 to vector<16xf32>
        %parallel_loop3A_630 = arith.maximumf %parallel_loop3A_627, %parallel_loop3A_629 : vector<16xf32>
        %parallel_loop3A_631 = arith.constant 1.950000e+01 : f32
        %parallel_loop3A_632 = vector.broadcast %parallel_loop3A_631 : f32 to vector<16xf32>
        %parallel_loop3A_633 = arith.minimumf %parallel_loop3A_630, %parallel_loop3A_632 : vector<16xf32>
        %parallel_loop3A_634 = arith.fptosi %parallel_loop3A_633 : vector<16xf32> to vector<16xi32>
        %parallel_loop3A_635 = tpu.memref_slice %arg6[%mul3A_222] : memref<2304xf32, #tpu.memory_space<vmem>> -> memref<20xf32, #tpu.memory_space<vmem>>
        %parallel_loop3A_636 = tpu.vector_load_idx %parallel_loop3A_635[%parallel_loop3A_634] : memref<20xf32, #tpu.memory_space<vmem>>[vector<16xi32>], vector<16xf32>,
        %parallel_loop3A_637 = tpu.memref_slice %arg7[%mul3A_222] : memref<2304xf32, #tpu.memory_space<vmem>> -> memref<20xf32, #tpu.memory_space<vmem>>
        %parallel_loop3A_638 = tpu.vector_load_idx %parallel_loop3A_637[%parallel_loop3A_634] : memref<20xf32, #tpu.memory_space<vmem>>[vector<16xi32>], vector<16xf32>,
        %parallel_loop3A_639 = arith.mulf %parallel_loop3A_636, %parallel_loop3A_621 : vector<16xf32>
        %parallel_loop3A_640 = arith.addf %parallel_loop3A_639, %parallel_loop3A_638 : vector<16xf32>
        %parallel_loop3A_641 = arith.index_cast %parallel_loop3A_268 : i32 to index
        %parallel_loop3A_642 = arith.constant 224 : index
        %parallel_loop3A_643 = tpu.vector_load %arg11[%parallel_loop3A_641, %parallel_loop3A_642] {strides = array<i32>} : memref<64x384xf32, #tpu.memory_space<vmem>>, vector<16xf32>,
        tpu.vector_store %arg11[%parallel_loop3A_641, %parallel_loop3A_642], %parallel_loop3A_640 {strides = array<i32>} : memref<64x384xf32, #tpu.memory_space<vmem>>, vector<16xf32>,
        %parallel_loop3A_644 = arith.index_cast %parallel_loop3A_268 : i32 to index
        %parallel_loop3A_645 = arith.constant 240 : index
        %parallel_loop3A_646 = tpu.vector_load %arg9[%parallel_loop3A_644, %parallel_loop3A_645] {strides = array<i32>} : memref<64x384xf32, #tpu.memory_space<vmem>>, vector<16xf32>,
        %parallel_loop3A_647 = arith.constant 1.000000e+01 : f32
        %parallel_loop3A_648 = vector.broadcast %parallel_loop3A_647 : f32 to vector<16xf32>
        %parallel_loop3A_649 = arith.mulf %parallel_loop3A_646, %parallel_loop3A_648 : vector<16xf32>
        %parallel_loop3A_650 = arith.constant 1.000000e+01 : f32
        %parallel_loop3A_651 = vector.broadcast %parallel_loop3A_650 : f32 to vector<16xf32>
        %parallel_loop3A_652 = arith.addf %parallel_loop3A_649, %parallel_loop3A_651 : vector<16xf32>
        %parallel_loop3A_653 = arith.constant 0.000000e+00 : f32
        %parallel_loop3A_654 = vector.broadcast %parallel_loop3A_653 : f32 to vector<16xf32>
        %parallel_loop3A_655 = arith.maximumf %parallel_loop3A_652, %parallel_loop3A_654 : vector<16xf32>
        %parallel_loop3A_656 = arith.constant 1.950000e+01 : f32
        %parallel_loop3A_657 = vector.broadcast %parallel_loop3A_656 : f32 to vector<16xf32>
        %parallel_loop3A_658 = arith.minimumf %parallel_loop3A_655, %parallel_loop3A_657 : vector<16xf32>
        %parallel_loop3A_659 = arith.fptosi %parallel_loop3A_658 : vector<16xf32> to vector<16xi32>
        %parallel_loop3A_660 = tpu.memref_slice %arg6[%mul3A_222] : memref<2304xf32, #tpu.memory_space<vmem>> -> memref<20xf32, #tpu.memory_space<vmem>>
        %parallel_loop3A_661 = tpu.vector_load_idx %parallel_loop3A_660[%parallel_loop3A_659] : memref<20xf32, #tpu.memory_space<vmem>>[vector<16xi32>], vector<16xf32>,
        %parallel_loop3A_662 = tpu.memref_slice %arg7[%mul3A_222] : memref<2304xf32, #tpu.memory_space<vmem>> -> memref<20xf32, #tpu.memory_space<vmem>>
        %parallel_loop3A_663 = tpu.vector_load_idx %parallel_loop3A_662[%parallel_loop3A_659] : memref<20xf32, #tpu.memory_space<vmem>>[vector<16xi32>], vector<16xf32>,
        %parallel_loop3A_664 = arith.mulf %parallel_loop3A_661, %parallel_loop3A_646 : vector<16xf32>
        %parallel_loop3A_665 = arith.addf %parallel_loop3A_664, %parallel_loop3A_663 : vector<16xf32>
        %parallel_loop3A_666 = arith.index_cast %parallel_loop3A_268 : i32 to index
        %parallel_loop3A_667 = arith.constant 240 : index
        %parallel_loop3A_668 = tpu.vector_load %arg11[%parallel_loop3A_666, %parallel_loop3A_667] {strides = array<i32>} : memref<64x384xf32, #tpu.memory_space<vmem>>, vector<16xf32>,
        tpu.vector_store %arg11[%parallel_loop3A_666, %parallel_loop3A_667], %parallel_loop3A_665 {strides = array<i32>} : memref<64x384xf32, #tpu.memory_space<vmem>>, vector<16xf32>,
        %parallel_loop3A_669 = arith.index_cast %parallel_loop3A_268 : i32 to index
        %parallel_loop3A_670 = arith.constant 256 : index
        %parallel_loop3A_671 = tpu.vector_load %arg9[%parallel_loop3A_669, %parallel_loop3A_670] {strides = array<i32>} : memref<64x384xf32, #tpu.memory_space<vmem>>, vector<16xf32>,
        %parallel_loop3A_672 = arith.constant 1.000000e+01 : f32
        %parallel_loop3A_673 = vector.broadcast %parallel_loop3A_672 : f32 to vector<16xf32>
        %parallel_loop3A_674 = arith.mulf %parallel_loop3A_671, %parallel_loop3A_673 : vector<16xf32>
        %parallel_loop3A_675 = arith.constant 1.000000e+01 : f32
        %parallel_loop3A_676 = vector.broadcast %parallel_loop3A_675 : f32 to vector<16xf32>
        %parallel_loop3A_677 = arith.addf %parallel_loop3A_674, %parallel_loop3A_676 : vector<16xf32>
        %parallel_loop3A_678 = arith.constant 0.000000e+00 : f32
        %parallel_loop3A_679 = vector.broadcast %parallel_loop3A_678 : f32 to vector<16xf32>
        %parallel_loop3A_680 = arith.maximumf %parallel_loop3A_677, %parallel_loop3A_679 : vector<16xf32>
        %parallel_loop3A_681 = arith.constant 1.950000e+01 : f32
        %parallel_loop3A_682 = vector.broadcast %parallel_loop3A_681 : f32 to vector<16xf32>
        %parallel_loop3A_683 = arith.minimumf %parallel_loop3A_680, %parallel_loop3A_682 : vector<16xf32>
        %parallel_loop3A_684 = arith.fptosi %parallel_loop3A_683 : vector<16xf32> to vector<16xi32>
        %parallel_loop3A_685 = tpu.memref_slice %arg6[%mul3A_222] : memref<2304xf32, #tpu.memory_space<vmem>> -> memref<20xf32, #tpu.memory_space<vmem>>
        %parallel_loop3A_686 = tpu.vector_load_idx %parallel_loop3A_685[%parallel_loop3A_684] : memref<20xf32, #tpu.memory_space<vmem>>[vector<16xi32>], vector<16xf32>,
        %parallel_loop3A_687 = tpu.memref_slice %arg7[%mul3A_222] : memref<2304xf32, #tpu.memory_space<vmem>> -> memref<20xf32, #tpu.memory_space<vmem>>
        %parallel_loop3A_688 = tpu.vector_load_idx %parallel_loop3A_687[%parallel_loop3A_684] : memref<20xf32, #tpu.memory_space<vmem>>[vector<16xi32>], vector<16xf32>,
        %parallel_loop3A_689 = arith.mulf %parallel_loop3A_686, %parallel_loop3A_671 : vector<16xf32>
        %parallel_loop3A_690 = arith.addf %parallel_loop3A_689, %parallel_loop3A_688 : vector<16xf32>
        %parallel_loop3A_691 = arith.index_cast %parallel_loop3A_268 : i32 to index
        %parallel_loop3A_692 = arith.constant 256 : index
        %parallel_loop3A_693 = tpu.vector_load %arg11[%parallel_loop3A_691, %parallel_loop3A_692] {strides = array<i32>} : memref<64x384xf32, #tpu.memory_space<vmem>>, vector<16xf32>,
        tpu.vector_store %arg11[%parallel_loop3A_691, %parallel_loop3A_692], %parallel_loop3A_690 {strides = array<i32>} : memref<64x384xf32, #tpu.memory_space<vmem>>, vector<16xf32>,
        %parallel_loop3A_694 = arith.index_cast %parallel_loop3A_268 : i32 to index
        %parallel_loop3A_695 = arith.constant 272 : index
        %parallel_loop3A_696 = tpu.vector_load %arg9[%parallel_loop3A_694, %parallel_loop3A_695] {strides = array<i32>} : memref<64x384xf32, #tpu.memory_space<vmem>>, vector<16xf32>,
        %parallel_loop3A_697 = arith.constant 1.000000e+01 : f32
        %parallel_loop3A_698 = vector.broadcast %parallel_loop3A_697 : f32 to vector<16xf32>
        %parallel_loop3A_699 = arith.mulf %parallel_loop3A_696, %parallel_loop3A_698 : vector<16xf32>
        %parallel_loop3A_700 = arith.constant 1.000000e+01 : f32
        %parallel_loop3A_701 = vector.broadcast %parallel_loop3A_700 : f32 to vector<16xf32>
        %parallel_loop3A_702 = arith.addf %parallel_loop3A_699, %parallel_loop3A_701 : vector<16xf32>
        %parallel_loop3A_703 = arith.constant 0.000000e+00 : f32
        %parallel_loop3A_704 = vector.broadcast %parallel_loop3A_703 : f32 to vector<16xf32>
        %parallel_loop3A_705 = arith.maximumf %parallel_loop3A_702, %parallel_loop3A_704 : vector<16xf32>
        %parallel_loop3A_706 = arith.constant 1.950000e+01 : f32
        %parallel_loop3A_707 = vector.broadcast %parallel_loop3A_706 : f32 to vector<16xf32>
        %parallel_loop3A_708 = arith.minimumf %parallel_loop3A_705, %parallel_loop3A_707 : vector<16xf32>
        %parallel_loop3A_709 = arith.fptosi %parallel_loop3A_708 : vector<16xf32> to vector<16xi32>
        %parallel_loop3A_710 = tpu.memref_slice %arg6[%mul3A_222] : memref<2304xf32, #tpu.memory_space<vmem>> -> memref<20xf32, #tpu.memory_space<vmem>>
        %parallel_loop3A_711 = tpu.vector_load_idx %parallel_loop3A_710[%parallel_loop3A_709] : memref<20xf32, #tpu.memory_space<vmem>>[vector<16xi32>], vector<16xf32>,
        %parallel_loop3A_712 = tpu.memref_slice %arg7[%mul3A_222] : memref<2304xf32, #tpu.memory_space<vmem>> -> memref<20xf32, #tpu.memory_space<vmem>>
        %parallel_loop3A_713 = tpu.vector_load_idx %parallel_loop3A_712[%parallel_loop3A_709] : memref<20xf32, #tpu.memory_space<vmem>>[vector<16xi32>], vector<16xf32>,
        %parallel_loop3A_714 = arith.mulf %parallel_loop3A_711, %parallel_loop3A_696 : vector<16xf32>
        %parallel_loop3A_715 = arith.addf %parallel_loop3A_714, %parallel_loop3A_713 : vector<16xf32>
        %parallel_loop3A_716 = arith.index_cast %parallel_loop3A_268 : i32 to index
        %parallel_loop3A_717 = arith.constant 272 : index
        %parallel_loop3A_718 = tpu.vector_load %arg11[%parallel_loop3A_716, %parallel_loop3A_717] {strides = array<i32>} : memref<64x384xf32, #tpu.memory_space<vmem>>, vector<16xf32>,
        tpu.vector_store %arg11[%parallel_loop3A_716, %parallel_loop3A_717], %parallel_loop3A_715 {strides = array<i32>} : memref<64x384xf32, #tpu.memory_space<vmem>>, vector<16xf32>,
        %parallel_loop3A_719 = arith.index_cast %parallel_loop3A_268 : i32 to index
        %parallel_loop3A_720 = arith.constant 288 : index
        %parallel_loop3A_721 = tpu.vector_load %arg9[%parallel_loop3A_719, %parallel_loop3A_720] {strides = array<i32>} : memref<64x384xf32, #tpu.memory_space<vmem>>, vector<16xf32>,
        %parallel_loop3A_722 = arith.constant 1.000000e+01 : f32
        %parallel_loop3A_723 = vector.broadcast %parallel_loop3A_722 : f32 to vector<16xf32>
        %parallel_loop3A_724 = arith.mulf %parallel_loop3A_721, %parallel_loop3A_723 : vector<16xf32>
        %parallel_loop3A_725 = arith.constant 1.000000e+01 : f32
        %parallel_loop3A_726 = vector.broadcast %parallel_loop3A_725 : f32 to vector<16xf32>
        %parallel_loop3A_727 = arith.addf %parallel_loop3A_724, %parallel_loop3A_726 : vector<16xf32>
        %parallel_loop3A_728 = arith.constant 0.000000e+00 : f32
        %parallel_loop3A_729 = vector.broadcast %parallel_loop3A_728 : f32 to vector<16xf32>
        %parallel_loop3A_730 = arith.maximumf %parallel_loop3A_727, %parallel_loop3A_729 : vector<16xf32>
        %parallel_loop3A_731 = arith.constant 1.950000e+01 : f32
        %parallel_loop3A_732 = vector.broadcast %parallel_loop3A_731 : f32 to vector<16xf32>
        %parallel_loop3A_733 = arith.minimumf %parallel_loop3A_730, %parallel_loop3A_732 : vector<16xf32>
        %parallel_loop3A_734 = arith.fptosi %parallel_loop3A_733 : vector<16xf32> to vector<16xi32>
        %parallel_loop3A_735 = tpu.memref_slice %arg6[%mul3A_222] : memref<2304xf32, #tpu.memory_space<vmem>> -> memref<20xf32, #tpu.memory_space<vmem>>
        %parallel_loop3A_736 = tpu.vector_load_idx %parallel_loop3A_735[%parallel_loop3A_734] : memref<20xf32, #tpu.memory_space<vmem>>[vector<16xi32>], vector<16xf32>,
        %parallel_loop3A_737 = tpu.memref_slice %arg7[%mul3A_222] : memref<2304xf32, #tpu.memory_space<vmem>> -> memref<20xf32, #tpu.memory_space<vmem>>
        %parallel_loop3A_738 = tpu.vector_load_idx %parallel_loop3A_737[%parallel_loop3A_734] : memref<20xf32, #tpu.memory_space<vmem>>[vector<16xi32>], vector<16xf32>,
        %parallel_loop3A_739 = arith.mulf %parallel_loop3A_736, %parallel_loop3A_721 : vector<16xf32>
        %parallel_loop3A_740 = arith.addf %parallel_loop3A_739, %parallel_loop3A_738 : vector<16xf32>
        %parallel_loop3A_741 = arith.index_cast %parallel_loop3A_268 : i32 to index
        %parallel_loop3A_742 = arith.constant 288 : index
        %parallel_loop3A_743 = tpu.vector_load %arg11[%parallel_loop3A_741, %parallel_loop3A_742] {strides = array<i32>} : memref<64x384xf32, #tpu.memory_space<vmem>>, vector<16xf32>,
        tpu.vector_store %arg11[%parallel_loop3A_741, %parallel_loop3A_742], %parallel_loop3A_740 {strides = array<i32>} : memref<64x384xf32, #tpu.memory_space<vmem>>, vector<16xf32>,
        %parallel_loop3A_744 = arith.index_cast %parallel_loop3A_268 : i32 to index
        %parallel_loop3A_745 = arith.constant 304 : index
        %parallel_loop3A_746 = tpu.vector_load %arg9[%parallel_loop3A_744, %parallel_loop3A_745] {strides = array<i32>} : memref<64x384xf32, #tpu.memory_space<vmem>>, vector<16xf32>,
        %parallel_loop3A_747 = arith.constant 1.000000e+01 : f32
        %parallel_loop3A_748 = vector.broadcast %parallel_loop3A_747 : f32 to vector<16xf32>
        %parallel_loop3A_749 = arith.mulf %parallel_loop3A_746, %parallel_loop3A_748 : vector<16xf32>
        %parallel_loop3A_750 = arith.constant 1.000000e+01 : f32
        %parallel_loop3A_751 = vector.broadcast %parallel_loop3A_750 : f32 to vector<16xf32>
        %parallel_loop3A_752 = arith.addf %parallel_loop3A_749, %parallel_loop3A_751 : vector<16xf32>
        %parallel_loop3A_753 = arith.constant 0.000000e+00 : f32
        %parallel_loop3A_754 = vector.broadcast %parallel_loop3A_753 : f32 to vector<16xf32>
        %parallel_loop3A_755 = arith.maximumf %parallel_loop3A_752, %parallel_loop3A_754 : vector<16xf32>
        %parallel_loop3A_756 = arith.constant 1.950000e+01 : f32
        %parallel_loop3A_757 = vector.broadcast %parallel_loop3A_756 : f32 to vector<16xf32>
        %parallel_loop3A_758 = arith.minimumf %parallel_loop3A_755, %parallel_loop3A_757 : vector<16xf32>
        %parallel_loop3A_759 = arith.fptosi %parallel_loop3A_758 : vector<16xf32> to vector<16xi32>
        %parallel_loop3A_760 = tpu.memref_slice %arg6[%mul3A_222] : memref<2304xf32, #tpu.memory_space<vmem>> -> memref<20xf32, #tpu.memory_space<vmem>>
        %parallel_loop3A_761 = tpu.vector_load_idx %parallel_loop3A_760[%parallel_loop3A_759] : memref<20xf32, #tpu.memory_space<vmem>>[vector<16xi32>], vector<16xf32>,
        %parallel_loop3A_762 = tpu.memref_slice %arg7[%mul3A_222] : memref<2304xf32, #tpu.memory_space<vmem>> -> memref<20xf32, #tpu.memory_space<vmem>>
        %parallel_loop3A_763 = tpu.vector_load_idx %parallel_loop3A_762[%parallel_loop3A_759] : memref<20xf32, #tpu.memory_space<vmem>>[vector<16xi32>], vector<16xf32>,
        %parallel_loop3A_764 = arith.mulf %parallel_loop3A_761, %parallel_loop3A_746 : vector<16xf32>
        %parallel_loop3A_765 = arith.addf %parallel_loop3A_764, %parallel_loop3A_763 : vector<16xf32>
        %parallel_loop3A_766 = arith.index_cast %parallel_loop3A_268 : i32 to index
        %parallel_loop3A_767 = arith.constant 304 : index
        %parallel_loop3A_768 = tpu.vector_load %arg11[%parallel_loop3A_766, %parallel_loop3A_767] {strides = array<i32>} : memref<64x384xf32, #tpu.memory_space<vmem>>, vector<16xf32>,
        tpu.vector_store %arg11[%parallel_loop3A_766, %parallel_loop3A_767], %parallel_loop3A_765 {strides = array<i32>} : memref<64x384xf32, #tpu.memory_space<vmem>>, vector<16xf32>,
        %parallel_loop3A_769 = arith.index_cast %parallel_loop3A_268 : i32 to index
        %parallel_loop3A_770 = arith.constant 320 : index
        %parallel_loop3A_771 = tpu.vector_load %arg9[%parallel_loop3A_769, %parallel_loop3A_770] {strides = array<i32>} : memref<64x384xf32, #tpu.memory_space<vmem>>, vector<16xf32>,
        %parallel_loop3A_772 = arith.constant 1.000000e+01 : f32
        %parallel_loop3A_773 = vector.broadcast %parallel_loop3A_772 : f32 to vector<16xf32>
        %parallel_loop3A_774 = arith.mulf %parallel_loop3A_771, %parallel_loop3A_773 : vector<16xf32>
        %parallel_loop3A_775 = arith.constant 1.000000e+01 : f32
        %parallel_loop3A_776 = vector.broadcast %parallel_loop3A_775 : f32 to vector<16xf32>
        %parallel_loop3A_777 = arith.addf %parallel_loop3A_774, %parallel_loop3A_776 : vector<16xf32>
        %parallel_loop3A_778 = arith.constant 0.000000e+00 : f32
        %parallel_loop3A_779 = vector.broadcast %parallel_loop3A_778 : f32 to vector<16xf32>
        %parallel_loop3A_780 = arith.maximumf %parallel_loop3A_777, %parallel_loop3A_779 : vector<16xf32>
        %parallel_loop3A_781 = arith.constant 1.950000e+01 : f32
        %parallel_loop3A_782 = vector.broadcast %parallel_loop3A_781 : f32 to vector<16xf32>
        %parallel_loop3A_783 = arith.minimumf %parallel_loop3A_780, %parallel_loop3A_782 : vector<16xf32>
        %parallel_loop3A_784 = arith.fptosi %parallel_loop3A_783 : vector<16xf32> to vector<16xi32>
        %parallel_loop3A_785 = tpu.memref_slice %arg6[%mul3A_222] : memref<2304xf32, #tpu.memory_space<vmem>> -> memref<20xf32, #tpu.memory_space<vmem>>
        %parallel_loop3A_786 = tpu.vector_load_idx %parallel_loop3A_785[%parallel_loop3A_784] : memref<20xf32, #tpu.memory_space<vmem>>[vector<16xi32>], vector<16xf32>,
        %parallel_loop3A_787 = tpu.memref_slice %arg7[%mul3A_222] : memref<2304xf32, #tpu.memory_space<vmem>> -> memref<20xf32, #tpu.memory_space<vmem>>
        %parallel_loop3A_788 = tpu.vector_load_idx %parallel_loop3A_787[%parallel_loop3A_784] : memref<20xf32, #tpu.memory_space<vmem>>[vector<16xi32>], vector<16xf32>,
        %parallel_loop3A_789 = arith.mulf %parallel_loop3A_786, %parallel_loop3A_771 : vector<16xf32>
        %parallel_loop3A_790 = arith.addf %parallel_loop3A_789, %parallel_loop3A_788 : vector<16xf32>
        %parallel_loop3A_791 = arith.index_cast %parallel_loop3A_268 : i32 to index
        %parallel_loop3A_792 = arith.constant 320 : index
        %parallel_loop3A_793 = tpu.vector_load %arg11[%parallel_loop3A_791, %parallel_loop3A_792] {strides = array<i32>} : memref<64x384xf32, #tpu.memory_space<vmem>>, vector<16xf32>,
        tpu.vector_store %arg11[%parallel_loop3A_791, %parallel_loop3A_792], %parallel_loop3A_790 {strides = array<i32>} : memref<64x384xf32, #tpu.memory_space<vmem>>, vector<16xf32>,
        %parallel_loop3A_794 = arith.index_cast %parallel_loop3A_268 : i32 to index
        %parallel_loop3A_795 = arith.constant 336 : index
        %parallel_loop3A_796 = tpu.vector_load %arg9[%parallel_loop3A_794, %parallel_loop3A_795] {strides = array<i32>} : memref<64x384xf32, #tpu.memory_space<vmem>>, vector<16xf32>,
        %parallel_loop3A_797 = arith.constant 1.000000e+01 : f32
        %parallel_loop3A_798 = vector.broadcast %parallel_loop3A_797 : f32 to vector<16xf32>
        %parallel_loop3A_799 = arith.mulf %parallel_loop3A_796, %parallel_loop3A_798 : vector<16xf32>
        %parallel_loop3A_800 = arith.constant 1.000000e+01 : f32
        %parallel_loop3A_801 = vector.broadcast %parallel_loop3A_800 : f32 to vector<16xf32>
        %parallel_loop3A_802 = arith.addf %parallel_loop3A_799, %parallel_loop3A_801 : vector<16xf32>
        %parallel_loop3A_803 = arith.constant 0.000000e+00 : f32
        %parallel_loop3A_804 = vector.broadcast %parallel_loop3A_803 : f32 to vector<16xf32>
        %parallel_loop3A_805 = arith.maximumf %parallel_loop3A_802, %parallel_loop3A_804 : vector<16xf32>
        %parallel_loop3A_806 = arith.constant 1.950000e+01 : f32
        %parallel_loop3A_807 = vector.broadcast %parallel_loop3A_806 : f32 to vector<16xf32>
        %parallel_loop3A_808 = arith.minimumf %parallel_loop3A_805, %parallel_loop3A_807 : vector<16xf32>
        %parallel_loop3A_809 = arith.fptosi %parallel_loop3A_808 : vector<16xf32> to vector<16xi32>
        %parallel_loop3A_810 = tpu.memref_slice %arg6[%mul3A_222] : memref<2304xf32, #tpu.memory_space<vmem>> -> memref<20xf32, #tpu.memory_space<vmem>>
        %parallel_loop3A_811 = tpu.vector_load_idx %parallel_loop3A_810[%parallel_loop3A_809] : memref<20xf32, #tpu.memory_space<vmem>>[vector<16xi32>], vector<16xf32>,
        %parallel_loop3A_812 = tpu.memref_slice %arg7[%mul3A_222] : memref<2304xf32, #tpu.memory_space<vmem>> -> memref<20xf32, #tpu.memory_space<vmem>>
        %parallel_loop3A_813 = tpu.vector_load_idx %parallel_loop3A_812[%parallel_loop3A_809] : memref<20xf32, #tpu.memory_space<vmem>>[vector<16xi32>], vector<16xf32>,
        %parallel_loop3A_814 = arith.mulf %parallel_loop3A_811, %parallel_loop3A_796 : vector<16xf32>
        %parallel_loop3A_815 = arith.addf %parallel_loop3A_814, %parallel_loop3A_813 : vector<16xf32>
        %parallel_loop3A_816 = arith.index_cast %parallel_loop3A_268 : i32 to index
        %parallel_loop3A_817 = arith.constant 336 : index
        %parallel_loop3A_818 = tpu.vector_load %arg11[%parallel_loop3A_816, %parallel_loop3A_817] {strides = array<i32>} : memref<64x384xf32, #tpu.memory_space<vmem>>, vector<16xf32>,
        tpu.vector_store %arg11[%parallel_loop3A_816, %parallel_loop3A_817], %parallel_loop3A_815 {strides = array<i32>} : memref<64x384xf32, #tpu.memory_space<vmem>>, vector<16xf32>,
        %parallel_loop3A_819 = arith.index_cast %parallel_loop3A_268 : i32 to index
        %parallel_loop3A_820 = arith.constant 352 : index
        %parallel_loop3A_821 = tpu.vector_load %arg9[%parallel_loop3A_819, %parallel_loop3A_820] {strides = array<i32>} : memref<64x384xf32, #tpu.memory_space<vmem>>, vector<16xf32>,
        %parallel_loop3A_822 = arith.constant 1.000000e+01 : f32
        %parallel_loop3A_823 = vector.broadcast %parallel_loop3A_822 : f32 to vector<16xf32>
        %parallel_loop3A_824 = arith.mulf %parallel_loop3A_821, %parallel_loop3A_823 : vector<16xf32>
        %parallel_loop3A_825 = arith.constant 1.000000e+01 : f32
        %parallel_loop3A_826 = vector.broadcast %parallel_loop3A_825 : f32 to vector<16xf32>
        %parallel_loop3A_827 = arith.addf %parallel_loop3A_824, %parallel_loop3A_826 : vector<16xf32>
        %parallel_loop3A_828 = arith.constant 0.000000e+00 : f32
        %parallel_loop3A_829 = vector.broadcast %parallel_loop3A_828 : f32 to vector<16xf32>
        %parallel_loop3A_830 = arith.maximumf %parallel_loop3A_827, %parallel_loop3A_829 : vector<16xf32>
        %parallel_loop3A_831 = arith.constant 1.950000e+01 : f32
        %parallel_loop3A_832 = vector.broadcast %parallel_loop3A_831 : f32 to vector<16xf32>
        %parallel_loop3A_833 = arith.minimumf %parallel_loop3A_830, %parallel_loop3A_832 : vector<16xf32>
        %parallel_loop3A_834 = arith.fptosi %parallel_loop3A_833 : vector<16xf32> to vector<16xi32>
        %parallel_loop3A_835 = tpu.memref_slice %arg6[%mul3A_222] : memref<2304xf32, #tpu.memory_space<vmem>> -> memref<20xf32, #tpu.memory_space<vmem>>
        %parallel_loop3A_836 = tpu.vector_load_idx %parallel_loop3A_835[%parallel_loop3A_834] : memref<20xf32, #tpu.memory_space<vmem>>[vector<16xi32>], vector<16xf32>,
        %parallel_loop3A_837 = tpu.memref_slice %arg7[%mul3A_222] : memref<2304xf32, #tpu.memory_space<vmem>> -> memref<20xf32, #tpu.memory_space<vmem>>
        %parallel_loop3A_838 = tpu.vector_load_idx %parallel_loop3A_837[%parallel_loop3A_834] : memref<20xf32, #tpu.memory_space<vmem>>[vector<16xi32>], vector<16xf32>,
        %parallel_loop3A_839 = arith.mulf %parallel_loop3A_836, %parallel_loop3A_821 : vector<16xf32>
        %parallel_loop3A_840 = arith.addf %parallel_loop3A_839, %parallel_loop3A_838 : vector<16xf32>
        %parallel_loop3A_841 = arith.index_cast %parallel_loop3A_268 : i32 to index
        %parallel_loop3A_842 = arith.constant 352 : index
        %parallel_loop3A_843 = tpu.vector_load %arg11[%parallel_loop3A_841, %parallel_loop3A_842] {strides = array<i32>} : memref<64x384xf32, #tpu.memory_space<vmem>>, vector<16xf32>,
        tpu.vector_store %arg11[%parallel_loop3A_841, %parallel_loop3A_842], %parallel_loop3A_840 {strides = array<i32>} : memref<64x384xf32, #tpu.memory_space<vmem>>, vector<16xf32>,
        %parallel_loop3A_844 = arith.index_cast %parallel_loop3A_268 : i32 to index
        %parallel_loop3A_845 = arith.constant 368 : index
        %parallel_loop3A_846 = tpu.vector_load %arg9[%parallel_loop3A_844, %parallel_loop3A_845] {strides = array<i32>} : memref<64x384xf32, #tpu.memory_space<vmem>>, vector<16xf32>,
        %parallel_loop3A_847 = arith.constant 1.000000e+01 : f32
        %parallel_loop3A_848 = vector.broadcast %parallel_loop3A_847 : f32 to vector<16xf32>
        %parallel_loop3A_849 = arith.mulf %parallel_loop3A_846, %parallel_loop3A_848 : vector<16xf32>
        %parallel_loop3A_850 = arith.constant 1.000000e+01 : f32
        %parallel_loop3A_851 = vector.broadcast %parallel_loop3A_850 : f32 to vector<16xf32>
        %parallel_loop3A_852 = arith.addf %parallel_loop3A_849, %parallel_loop3A_851 : vector<16xf32>
        %parallel_loop3A_853 = arith.constant 0.000000e+00 : f32
        %parallel_loop3A_854 = vector.broadcast %parallel_loop3A_853 : f32 to vector<16xf32>
        %parallel_loop3A_855 = arith.maximumf %parallel_loop3A_852, %parallel_loop3A_854 : vector<16xf32>
        %parallel_loop3A_856 = arith.constant 1.950000e+01 : f32
        %parallel_loop3A_857 = vector.broadcast %parallel_loop3A_856 : f32 to vector<16xf32>
        %parallel_loop3A_858 = arith.minimumf %parallel_loop3A_855, %parallel_loop3A_857 : vector<16xf32>
        %parallel_loop3A_859 = arith.fptosi %parallel_loop3A_858 : vector<16xf32> to vector<16xi32>
        %parallel_loop3A_860 = tpu.memref_slice %arg6[%mul3A_222] : memref<2304xf32, #tpu.memory_space<vmem>> -> memref<20xf32, #tpu.memory_space<vmem>>
        %parallel_loop3A_861 = tpu.vector_load_idx %parallel_loop3A_860[%parallel_loop3A_859] : memref<20xf32, #tpu.memory_space<vmem>>[vector<16xi32>], vector<16xf32>,
        %parallel_loop3A_862 = tpu.memref_slice %arg7[%mul3A_222] : memref<2304xf32, #tpu.memory_space<vmem>> -> memref<20xf32, #tpu.memory_space<vmem>>
        %parallel_loop3A_863 = tpu.vector_load_idx %parallel_loop3A_862[%parallel_loop3A_859] : memref<20xf32, #tpu.memory_space<vmem>>[vector<16xi32>], vector<16xf32>,
        %parallel_loop3A_864 = arith.mulf %parallel_loop3A_861, %parallel_loop3A_846 : vector<16xf32>
        %parallel_loop3A_865 = arith.addf %parallel_loop3A_864, %parallel_loop3A_863 : vector<16xf32>
        %parallel_loop3A_866 = arith.index_cast %parallel_loop3A_268 : i32 to index
        %parallel_loop3A_867 = arith.constant 368 : index
        %parallel_loop3A_868 = tpu.vector_load %arg11[%parallel_loop3A_866, %parallel_loop3A_867] {strides = array<i32>} : memref<64x384xf32, #tpu.memory_space<vmem>>, vector<16xf32>,
        tpu.vector_store %arg11[%parallel_loop3A_866, %parallel_loop3A_867], %parallel_loop3A_865 {strides = array<i32>} : memref<64x384xf32, #tpu.memory_space<vmem>>, vector<16xf32>,
      } {sc.loop_unroll_factor = 1 : i64, sc.parallel_access}
      %dma_start3A_262 = arith.constant 0 : i32
      %dma_start3A_263 = tpu.memref_slice %arg5[%add3A_204, %mul3A_240, %dma_start3A_262] : memref<384x384x384xf32, #tpu.memory_space<hbm>> -> memref<1x64x384xf32, #tpu.memory_space<hbm>>
      %dma_start3A_264 = tpu.memref_squeeze %dma_start3A_263 : memref<1x64x384xf32, #tpu.memory_space<hbm>> -> memref<64x384xf32, #tpu.memory_space<hbm>>
      %dma_start3A_265 = arith.constant 0 : i32
      %dma_start3A_266 = tpu.memref_slice %arg5[%add3A_204, %mul3A_240, %dma_start3A_265] : memref<384x384x384xf32, #tpu.memory_space<hbm>> -> memref<1x64x384xf32, #tpu.memory_space<hbm>>
      %dma_start3A_267 = tpu.memref_squeeze %dma_start3A_266 : memref<1x64x384xf32, #tpu.memory_space<hbm>> -> memref<64x384xf32, #tpu.memory_space<hbm>>
      tpu.enqueue_dma source(%arg11 : memref<64x384xf32, #tpu.memory_space<vmem>>) target(%dma_start3A_267 : memref<64x384xf32, #tpu.memory_space<hbm>>) target_semaphore(%arg15 : memref<!tpu.dma_semaphore, #tpu.memory_space<semaphore_mem>>)
    }
    %scan3A_26 = arith.constant 36 : i32
    %mul3A_27 = arith.constant 12 : i32
    %mul3A_28 = arith.muli %add3A, %mul3A_27 : i32
    %add3A_29 = arith.constant 11 : i32
    %add3A_30 = arith.addi %mul3A_28, %add3A_29 : i32
    %jit3A_31 = arith.constant 96 : i32
    %eq3A_32 = arith.constant 0 : i32
    %eq3A_33 = arith.cmpi eq, %jit3A_31, %eq3A_32 : i32
    %jit3A_34 = arith.constant 1 : i32
    %select_n3A_35 = arith.select %eq3A_33, %jit3A_34, %jit3A_31 : i32
    %rem3A_36 = arith.remsi %add3A_30, %select_n3A_35 : i32
    %ne3A_37 = arith.constant 0 : i32
    %ne3A_38 = arith.cmpi ne, %rem3A_36, %ne3A_37 : i32
    %lt3A_39 = arith.constant 0 : i32
    %lt3A_40 = arith.cmpi slt, %rem3A_36, %lt3A_39 : i32
    %lt3A_41 = arith.constant 0 : i32
    %lt3A_42 = arith.cmpi slt, %select_n3A_35, %lt3A_41 : i32
    %ne3A_43 = arith.xori %lt3A_40, %lt3A_42 : i1
    %and3A_44 = arith.andi %ne3A_43, %ne3A_38 : i1
    %add3A_45 = arith.addi %rem3A_36, %select_n3A_35 : i32
    %select_n3A_46 = arith.select %and3A_44, %add3A_45, %rem3A_36 : i32
    %mul3A_47 = arith.constant 24 : i32
    %mul3A_48 = arith.muli %select_n3A_46, %mul3A_47 : i32
    %dma_wait3A = arith.constant 256 : i32
    %dma_wait3A_49 = arith.constant 0 : i32
    %dma_wait3A_50 = tpu.memref_slice %arg5[%add3A_30, %dma_wait3A, %dma_wait3A_49] : memref<384x384x384xf32, #tpu.memory_space<hbm>> -> memref<1x64x384xf32, #tpu.memory_space<hbm>>
    %dma_wait3A_51 = tpu.memref_squeeze %dma_wait3A_50 : memref<1x64x384xf32, #tpu.memory_space<hbm>> -> memref<64x384xf32, #tpu.memory_space<hbm>>
    %dma_wait3A_52 = arith.constant 256 : i32
    %dma_wait3A_53 = arith.constant 0 : i32
    %dma_wait3A_54 = tpu.memref_slice %arg5[%add3A_30, %dma_wait3A_52, %dma_wait3A_53] : memref<384x384x384xf32, #tpu.memory_space<hbm>> -> memref<1x64x384xf32, #tpu.memory_space<hbm>>
    %dma_wait3A_55 = tpu.memref_squeeze %dma_wait3A_54 : memref<1x64x384xf32, #tpu.memory_space<hbm>> -> memref<64x384xf32, #tpu.memory_space<hbm>>
    tpu.wait_dma2 semaphore(%arg14 : memref<!tpu.dma_semaphore, #tpu.memory_space<semaphore_mem>>) src(%arg10 : memref<64x384xf32, #tpu.memory_space<vmem>>) dst(%dma_wait3A_55 : memref<64x384xf32, #tpu.memory_space<hbm>>)
    %mul3A_56 = arith.constant 12 : i32
    %mul3A_57 = arith.muli %add3A, %mul3A_56 : i32
    %add3A_58 = arith.constant 11 : i32
    %add3A_59 = arith.addi %mul3A_57, %add3A_58 : i32
    %jit3A_60 = arith.constant 96 : i32
    %eq3A_61 = arith.constant 0 : i32
    %eq3A_62 = arith.cmpi eq, %jit3A_60, %eq3A_61 : i32
    %jit3A_63 = arith.constant 1 : i32
    %select_n3A_64 = arith.select %eq3A_62, %jit3A_63, %jit3A_60 : i32
    %rem3A_65 = arith.remsi %add3A_59, %select_n3A_64 : i32
    %ne3A_66 = arith.constant 0 : i32
    %ne3A_67 = arith.cmpi ne, %rem3A_65, %ne3A_66 : i32
    %lt3A_68 = arith.constant 0 : i32
    %lt3A_69 = arith.cmpi slt, %rem3A_65, %lt3A_68 : i32
    %lt3A_70 = arith.constant 0 : i32
    %lt3A_71 = arith.cmpi slt, %select_n3A_64, %lt3A_70 : i32
    %ne3A_72 = arith.xori %lt3A_69, %lt3A_71 : i1
    %and3A_73 = arith.andi %ne3A_72, %ne3A_67 : i1
    %add3A_74 = arith.addi %rem3A_65, %select_n3A_64 : i32
    %select_n3A_75 = arith.select %and3A_73, %add3A_74, %rem3A_65 : i32
    %mul3A_76 = arith.constant 24 : i32
    %mul3A_77 = arith.muli %select_n3A_75, %mul3A_76 : i32
    %dma_wait3A_78 = arith.constant 320 : i32
    %dma_wait3A_79 = arith.constant 0 : i32
    %dma_wait3A_80 = tpu.memref_slice %arg5[%add3A_59, %dma_wait3A_78, %dma_wait3A_79] : memref<384x384x384xf32, #tpu.memory_space<hbm>> -> memref<1x64x384xf32, #tpu.memory_space<hbm>>
    %dma_wait3A_81 = tpu.memref_squeeze %dma_wait3A_80 : memref<1x64x384xf32, #tpu.memory_space<hbm>> -> memref<64x384xf32, #tpu.memory_space<hbm>>
    %dma_wait3A_82 = arith.constant 320 : i32
    %dma_wait3A_83 = arith.constant 0 : i32
    %dma_wait3A_84 = tpu.memref_slice %arg5[%add3A_59, %dma_wait3A_82, %dma_wait3A_83] : memref<384x384x384xf32, #tpu.memory_space<hbm>> -> memref<1x64x384xf32, #tpu.memory_space<hbm>>
    %dma_wait3A_85 = tpu.memref_squeeze %dma_wait3A_84 : memref<1x64x384xf32, #tpu.memory_space<hbm>> -> memref<64x384xf32, #tpu.memory_space<hbm>>
    tpu.wait_dma2 semaphore(%arg15 : memref<!tpu.dma_semaphore, #tpu.memory_space<semaphore_mem>>) src(%arg11 : memref<64x384xf32, #tpu.memory_space<vmem>>) dst(%dma_wait3A_85 : memref<64x384xf32, #tpu.memory_space<hbm>>)
    return
  }
}

</mosaic_0001>

<sc_bundles>
// kernel: _sc_mtlu.3.cloned.1.call-start
scs
__scs_entry_jumppad:
0x0: {  	(pc) =	sbr.rel $0x88, $3  }
0x1: {  	(tag) =	ssettag $0x0;
	lr =	simm.s32 $0x1  }
0x2: {  	[smem:$0x3F9E] =	sst lr;
	_ =	strace $0xD0000000  }
0x3: {  	_ = 	snop  }
0x4: {  	_ = 	snop  }
0x5: {  	_ = 	snop  }
0x6: {  	_ = 	snop  }
0x7: {  	_ = 	snop  }
__scs_overlays_trampoline_lowered:
0x8: {  	[smem:$0x3FAD] =	sst s0  }
0x9: {  	[smem:$0x3FAE] =	sst s1  }
0xa: {  	[smem:$0x3FAF] =	sst s2  }
0xb: {  	[smem:$0x3FB0] =	sst s3  }
0xc: {  	[smem:$0x3FB1] =	sst s4  }
0xd: {  	[smem:$0x3FB2] =	sst s5  }
0xe: {  	[smem:$0x3FB3] =	sst s6  }
0xf: {  	[smem:$0x3FB4] =	sst s7  }
0x10: {  	[smem:$0x3FB5] =	sst s8  }
0x11: {  	[smem:$0x3FB6] =	sst s9;
	s0 =	simm.s32 @!p0 $0x0  }
0x12: {  	s1 =	sld [smem:$0x3F9C];
	s0 =	simm.s32 @p0 $0x1  }
0x13: {  	[smem:$0x3FB7] =	sst s0;
	s0 =	simm.s32 @!p1 $0x0  }
0x14: {  	s2 =	sld [smem:$0x3F9B];
	s0 =	simm.s32 @p1 $0x1  }
0x15: {  	[smem:$0x3FB8] =	sst s0;
	s0 =	simm.s32 @!p2 $0x0  }
0x16: {  	s3 =	sld [smem:$0x3FDB];
	s0 =	simm.s32 @p2 $0x1  }
0x17: {  	s4 =	simm.s32 $0x1BF5;
	[smem:$0x3FBA] =	sst s0  }
0x18: {  	s0 =	sld [smem:$0x3F9D];
	_ =	swait.ge [sflag:s4], $0x0  }
0x19: {  	s7 =	sld [smem:$0x3F9E]  }
0x1a: {  	s8 =	sadd.s32 $0xFFFFE003, lr  }
0x1b: {  	s9 =	sadd.s32 $0xFFFFFEF7, lr;
	s5 =	simm.s32 $0xFFFFFFFF;
	p2 =	slt.u32 s8, $0xFFFFF086  }
0x1c: {  	p1 =	slt.u32 s9, $0xF7A;
	s5 =	simm.s32 @!p2 $0x0  }
0x1d: {  	s5 =	simm.s32 @p1 $0x1;
	p0 =	seq.s32 s7, s2  }
0x1e: {  	s7 =	smul.u32 @!p0 $0xF7A, s2;
	p2 =	seq.s32 @!p0 s5, $0x0  }
0x1f: {  	s9 =	smul.u32 $0xF7A, s1;
	s8 =	simm.s32 @!p0 $0x1BF5;
	p2 =	por !p2, p0  }
0x20: {  	[sflag:s8] =	ssyncset.s32 @!p0 $0xFFFFF086;
	s6 =	sadd.s32 @!p0 s3, s7;
	s7 =	simm.s32 @!p0 $0x108  }
0x21: {  	s3 =	sadd.s32 s3, s9;
	s6 =	sadd.s32 @!p0 $0x88, s6;
	s7 =	simm.s32 @p2 $0x1082  }
0x22: {  	[simem:s7], [sflag:s8] =	dma.local @!p0 [hbm:s6], $0xF7A  }
0x23: {  	s9 =	sor.u32 $0xD0000000, s2;
	s6 =	simm.s32 $0x108;
	_ =	swait.ge @!p0 [sflag:s8], $0x0  }
0x24: {  	s3 =	sadd.s32 $0x88, s3;
	s6 =	simm.s32 @!p1 $0x1082;
	[sflag:s4] =	ssyncset.s32 $0xFFFFF086  }
0x25: {  	[simem:s6], [sflag:s4] =	dma.local [hbm:s3], $0xF7A  }
0x26: {  	[smem:$0x3F9E] =	sst s1;
	(tag) =	ssettag s2;
	_ =	strace s9  }
0x27: {  	s1 =	sld [smem:$0x3FAE]  }
0x28: {  	s2 =	sld [smem:$0x3FAF]  }
0x29: {  	s4 =	sld [smem:$0x3FB1]  }
0x2a: {  	p0 =	seq.s32 s5, $0x0;
	s5 =	sld [smem:$0x3FB2]  }
0x2b: {  	s6 =	sld [smem:$0x3FB3]  }
0x2c: {  	s7 =	sld [smem:$0x3FB4]  }
0x2d: {  	s3 =	simm.s32 $0x108;
	s8 =	sld [smem:$0x3FB5]  }
0x2e: {  	s3 =	simm.s32 @!p0 $0x1082;
	s9 =	sld [smem:$0x3FB6]  }
0x2f: {  	lr =	sadd.s32 s0, s3;
	s0 =	sld [smem:$0x3FAD]  }
0x30: {  	s3 =	sld [smem:$0x3FB0]  }
0x31: {  	[smem:$0x3FB9] =	sst s10  }
0x32: {  	s10 =	sld [smem:$0x3FB7];
	_ =	sdelay $0x3  }
0x33: {  	p0 =	seq.s32 s10, $0x1;
	s10 =	sld [smem:$0x3FB9];
	_ =	sdelay $0x3  }
0x34: {  	[smem:$0x3FB9] =	sst s10  }
0x35: {  	s10 =	sld [smem:$0x3FB8];
	_ =	sdelay $0x3  }
0x36: {  	p1 =	seq.s32 s10, $0x1;
	s10 =	sld [smem:$0x3FB9];
	_ =	sdelay $0x3  }
0x37: {  	[smem:$0x3FB9] =	sst s10  }
0x38: {  	s10 =	sld [smem:$0x3FBA]  }
0x39: {  	_ = 	snop;
	(pc) =	sbr.ind lr, $3  }
0x3a: {  	_ = 	snop  }
0x3b: {  	_ = 	snop  }
0x3c: {  	p2 =	seq.s32 s10, $0x1;
	s10 =	sld [smem:$0x3FB9]  }
0x3d: {  	_ =	shalt  }
0x3e: {  	_ =	shalt  }
0x3f: {  	_ =	shalt  }
0x40: {  	_ =	shalt  }
0x41: {  	_ =	shalt  }
0x42: {  	_ =	shalt  }
0x43: {  	_ =	shalt  }
0x44: {  	_ =	shalt  }
0x45: {  	_ =	shalt  }
0x46: {  	_ =	shalt  }
0x47: {  	_ =	shalt  }
0x48: {  	_ =	shalt  }
0x49: {  	_ =	shalt  }
0x4a: {  	_ =	shalt  }
0x4b: {  	_ =	shalt  }
0x4c: {  	_ =	shalt  }
0x4d: {  	_ =	shalt  }
0x4e: {  	_ =	shalt  }
0x4f: {  	_ =	shalt  }
0x50: {  	_ =	shalt  }
0x51: {  	_ =	shalt  }
0x52: {  	_ =	shalt  }
0x53: {  	_ =	shalt  }
0x54: {  	_ =	shalt  }
0x55: {  	_ =	shalt  }
0x56: {  	_ =	shalt  }
0x57: {  	_ =	shalt  }
0x58: {  	_ =	shalt  }
0x59: {  	_ =	shalt  }
0x5a: {  	_ =	shalt  }
0x5b: {  	_ =	shalt  }
0x5c: {  	_ =	shalt  }
0x5d: {  	_ =	shalt  }
0x5e: {  	_ =	shalt  }
0x5f: {  	_ =	shalt  }
0x60: {  	_ =	shalt  }
0x61: {  	_ =	shalt  }
0x62: {  	_ =	shalt  }
0x63: {  	_ =	shalt  }
0x64: {  	_ =	shalt  }
0x65: {  	_ =	shalt  }
0x66: {  	_ =	shalt  }
0x67: {  	_ =	shalt  }
0x68: {  	_ =	shalt  }
0x69: {  	_ =	shalt  }
0x6a: {  	_ =	shalt  }
0x6b: {  	_ =	shalt  }
0x6c: {  	_ =	shalt  }
0x6d: {  	_ =	shalt  }
0x6e: {  	_ =	shalt  }
0x6f: {  	_ =	shalt  }
0x70: {  	_ =	shalt  }
0x71: {  	_ =	shalt  }
0x72: {  	_ =	shalt  }
0x73: {  	_ =	shalt  }
0x74: {  	_ =	shalt  }
0x75: {  	_ =	shalt  }
0x76: {  	_ =	shalt  }
0x77: {  	_ =	shalt  }
0x78: {  	_ =	shalt  }
0x79: {  	_ =	shalt  }
0x7a: {  	_ =	shalt  }
0x7b: {  	_ =	shalt  }
0x7c: {  	_ =	shalt  }
0x7d: {  	_ =	shalt  }
0x7e: {  	_ =	shalt  }
0x7f: {  	_ =	shalt  }
0x80: {  	_ =	shalt  }
0x81: {  	_ =	shalt  }
0x82: {  	_ =	shalt  }
0x83: {  	_ =	shalt  }
0x84: {  	_ =	shalt  }
0x85: {  	_ =	shalt  }
0x86: {  	_ =	shalt  }
0x87: {  	_ =	shalt  }
.Lfunc_end0:
.L_simem_size_0:
called_computation_lowered:
.L_overlay_start_0:
0x88: {  	s2 =	sld [smem:$0x3FD9]  }
0x89: {  	s3 =	sld [smem:$0x3FFE];
	_ =	sdelay $0x1  }
0x8a: {  	s1 =	srdreg.scid  }
0x8b: {  	s0 =	sand.u32 $0x1, s1  }
0x8c: {  	s18 =	sshll.u32 s0, $0xA;
	s2 =	sadd.s32 s3, s2  }
0x8d: {  	s2 =	sadd.s32 s2, s18  }
0x8e: {  	[smem:$0x3FC5] =	sst s2  }
0x8f: {  	_ = 	snop  }
0x90: {  	s2 =	sld [smem:$0x3FC9]  }
0x91: {  	s19 =	sld [smem:$0x3FC8]  }
0x92: {  	s4 =	sld [smem:$0x3FC7]  }
0x93: {  	s5 =	sld [smem:$0x3FD0];
	(tm) =	ssettm $0x1  }
0x94: {  	s6 =	sld [smem:$0x3FFB];
	_ =	sdelay $0x3  }
0x95: {  	_ =	strace s6  }
0x96: {  	s6 =	sld [smem:$0x3FFC];
	_ =	sdelay $0x3  }
0x97: {  	_ =	strace s6  }
0x98: {  	s6 =	sld [smem:$0x3FFD];
	_ =	sdelay $0x3  }
0x99: {  	_ =	strace s6  }
0x9a: {  	_ =	strace $0x8FFFFFFF  }
0x9b: {  	s20 =	sld [smem:$0x3FDB];
	_ =	sdelay $0x1  }
0x9c: {  	s7 =	simm.s32 $_scs_section_size  }
0x9d: {  	s8 =	simm.s32 $_size__tile_overlayer_lowered;
	s9 =	simm.s32 $_tile_overlayer_lowered  }
0x9e: {  	s23 =	simm.s32 $0x1BFF;
	s22 =	sshll.u32 s9, $0x1;
	s6 =	sadd.s32 s7, s20  }
0x9f: {  	s10 =	simm.s32 $0x0;
	s21 =	sshll.u32 s8, $0x1;
	s8 =	sadd.s32 s22, s6  }
0xa0: {  	[timem:s10], [sflag:s23] =	dma.local [hbm:s8], s21  }
0xa1: {  	_ =	swait.ge [sflag:s23], s21  }
0xa2: {  	s7 =	ssub.s32 $0x0, s21;
	[sflag:s23] =	ssyncset.done $0x0  }
0xa3: {  	[sflag:s23] =	ssyncadd.s32 s7;
	_ =	sdelay $0x1  }
0xa4: {  	s24 =	simm.s32 $0x1B8B  }
0xa5: {  	_ =	swait.ge [sflag:s24], $0x1  }
0xa6: {  	[sflag:s24] =	ssyncset.done $0x0  }
0xa7: {  	s25 =	simm.s32 $0x1B8E;
	[sflag:s24] =	ssyncadd.s32 $0xFFFFFFFF  }
0xa8: {  	s26 =	simm.s32 $execute0_lowered;
	[smem:$0x3FD2] =	sst s25  }
0xa9: {  	s7 =	sshll.u32 s26, $0x1;
	_ =	strace $0x80000046;
	[dreg:$0x1] =	wrdreg $0xFFFFFFFF  }
0xaa: {  	s28 =	simm.s32 $_size_execute0_lowered;
	s6 =	sadd.s32 s6, s7;
	[dreg:$0x0] =	wrdreg $0x0  }
0xab: {  	s7 =	sshll.u32 s28, $0x1;
	[dreg:$0x2] =	wrdreg s6  }
0xac: {  	[dreg:$0x3] =	wrdreg s7  }
0xad: {  	[dreg:$0x4] =	wrdreg $0xC0  }
0xae: {  	_ =	task [dreg:s10], $0x5FFFF  }
0xaf: {  	[dreg:$0x1] =	wrdreg $0xFFFFFFFF  }
0xb0: {  	[dreg:$0x0] =	wrdreg $0x60  }
0xb1: {  	[dreg:$0x2] =	wrdreg s2  }
0xb2: {  	[dreg:$0x3] =	wrdreg s19  }
0xb3: {  	[dreg:$0x4] =	wrdreg s4  }
0xb4: {  	[dreg:$0x5] =	wrdreg s5  }
0xb5: {  	[dreg:$0x6] =	wrdreg $0x9  }
0xb6: {  	_ =	task.clear_ibuf [dreg:s10], $0x7FFFF;
	_ =	strace $0x90000046  }
0xb7: {  	s29 =	simm.s32 $0x9;
	_ =	strace $0x80000048  }
0xb8: {  	_ =	swait.ge [sflag:s29], $0x1  }
0xb9: {  	[sflag:s29] =	ssyncadd.s32 $0xFFFFFFFF  }
0xba: {  	_ =	strace $0x90000048  }
0xbb: {  	_ =	sfence  }
0xbc: {  	s30 =	sld [smem:$0x0];
	_ =	sdelay $0x2  }
0xbd: {  	s31 =	sshll.u32 s1, $0xD;
	s1 =	sshrl.u32 s1, $0x2  }
0xbe: {  	s3 =	sand.u32 $0x4000, s31;
	s1 =	sadd.s32 s1, s30  }
0xbf: {  	s0 =	sor.u32 s3, s0;
	s1 =	sshll.u32 s1, $0x11  }
0xc0: {  	s0 =	sor.u32 s1, s0  }
0xc1: {  	s0 =	sadd.s32 $0x8F2B, s0  }
0xc2: {  	[sflag:s0] =	ssyncadd.remote.s32 $0x1  }
0xc3: {  	_ =	sfence.sel $0xFFFF  }
0xc4: {  	[dreg:$0x0] =	wrdreg $0xFFFFFFFF;
	(pc) =	sbr.abs _section_cstart, $3  }
0xc5: {  	[dreg:$0x1] =	wrdreg $0xFFFFFFFF  }
0xc6: {  	_ =	task.clear_ibuf [dreg:s10], $0x2FFFF;
	_ =	strace $0x9FFFFFFF  }
0xc7: {  	(tm) =	ssettm $0x7FFFFFFF  }
tec
execute0_lowered:
.L_overlay_start_1:
0x0: {  	(tag) =	ssettag $0x1  }
0x1: {  	s1 =	rddreg [dreg:$0x0];
	s0 =	srdreg.scid  }
0x2: {  	s2 =	stileid.u32;
	s5 =	rddreg [dreg:$0x3]  }
0x3: {  	s6 =	simm.s32 $0x0;
	s10 =	simm.s32 $0x5;
	s11 =	simm.s32 $0x900  }
0x4: {  	s12 =	simm.s32 $0x1200;
	s13 =	simm.s32 $0x7200;
	s14 =	simm.s32 $0x1  }
0x5: {  	s15 =	simm.s32 $0xD200;
	s16 =	simm.s32 $0x2;
	s17 =	simm.s32 $0x4  }
0x6: {  	s18 =	simm.s32 $0x13200;
	s0 =	sand.u32 $0x1, s0;
	s2 =	sshll.u32 s2, $0x1  }
0x7: {  	s19 =	simm.s32 $0x3;
	s2 =	sor.u32 s0, s2;
	s0 =	ssub.s32 $0x2, s0  }
0x8: {  	[smem:$0x7FF] =	sst s6;
	s3 =	smul.u32 $0x36000, s2;
	s7 =	sshrl.u32 s0, $0x1  }
0x9: {  	s20 =	simm.s32 $0x0;
	_ =	strace $0x80000047;
	s0 =	ssub.s32 s0, s7  }
0xa: {  	s7 =	smul.u32 $0xC, s2;
	s8 =	sadd.s32 s1, s3;
	s9 =	smax.u32 s0, $0x1  }
.LBB2_1:
0xb: {  	s0 =	rddreg [dreg:$0x1]  }
0xc: {  	[tilespmem:s6], [sflag:$0x5] =	stream.linear.gather [hbm4b:s0+s6], $0x900, $0x38;
	[tilespmem:$0x19200] =	vst v63  }
0xd: {  	_ =	swait.ge [sflag:s10], $0x900  }
0xe: {  	[sflag:s10] =	ssyncset.done $0x0  }
0xf: {  	[sflag:s10] =	ssyncadd.s32 $0xFFFFF700  }
0x10: {  	s31 =	rddreg [dreg:$0x2]  }
0x11: {  	[tilespmem:s11], [sflag:$0x5] =	stream.linear.gather [hbm4b:s31+s6], $0x900, $0x38;
	[tilespmem:$0x19200] =	vst v63  }
0x12: {  	_ =	swait.ge [sflag:s10], $0x900  }
0x13: {  	[sflag:s10] =	ssyncset.done $0x0  }
0x14: {  	s21 =	simm.s32 $0x0;
	[sflag:s10] =	ssyncadd.s32 $0xFFFFF700  }
0x15: {  	[tilespmem:s12], [sflag:$0x1] =	stream.linear.gather [hbm4b:s8+s6], $0x6000, $0x38;
	[tilespmem:$0x19200] =	vst v63  }
.LBB2_2:
0x16: {  	s0 =	sshllo.u32 s21, $0x1  }
0x17: {  	s2 =	sand.u32 $0xFF, s0  }
0x18: {  	s2 =	smul.u32 $0xAB, s2  }
0x19: {  	s3 =	smul.u32 $0xAB, s21  }
0x1a: {  	s2 =	sshrl.u32 s2, $0xA  }
0x1b: {  	s3 =	sshrl.u32 s3, $0x9;
	s2 =	smul.u32 $0x6, s2  }
0x1c: {  	s3 =	sand.u32 $0x7F, s3  }
0x1d: {  	s3 =	sadd.s32 s3, s7;
	s0 =	ssub.s32 s0, s2  }
0x1e: {  	s25 =	smul.u32 $0x24000, s3;
	s0 =	sand.u32 $0xFF, s0  }
0x1f: {  	s0 =	smul.u32 $0x6000, s0;
	_ =	sdelay $0x1  }
0x20: {  	s0 =	sadd.s32 s25, s0  }
0x21: {  	s22 =	sshrl.u32 s0, $0x3  }
0x22: {  	s0 =	sadd.s32 s1, s22  }
0x23: {  	[tilespmem:s13], [sflag:$0x2] =	stream.linear.gather [hbm4b:s0+s6], $0x6000, $0x38;
	[tilespmem:$0x19200] =	vst v63  }
0x24: {  	_ =	swait.ge [sflag:s14], $0x6000  }
0x25: {  	p0 =	seq.s32 s21, $0x0;
	[sflag:s14] =	ssyncset.done $0x0  }
0x26: {  	s26 =	simm.s32 $0x0;
	s0 =	simm.s32 @!p0 $0x3;
	[sflag:s14] =	ssyncadd.s32 $0xFFFFA000  }
0x27: {  	s23 =	simm.s32 $0x0;
	s2 =	smul.u32 $0xC00, s26;
	_ =	swait.ge @!p0 [sflag:s0], $0x6000  }
0x28: {  	s23 =	sand.u32 $0x380, s23;
	[sflag:s0] =	ssyncset.done @!p0 $0x0  }
0x29: {  	s26 =	sor.u32 s23, s2;
	[sflag:s0] =	ssyncadd.s32 @!p0 $0xFFFFA000  }
0x2a: {  	v0 =	vld [tilespmem:s26+$0x1200];
	_ =	sdelay $0x4  }
0x2b: {  	v1 =	vmul.f32 $1.000000000e+01, v0;
	_ =	sdelay $0x1  }
0x2c: {  	v1 =	vadd.f32 $1.000000000e+01, v1;
	_ =	sdelay $0x1  }
0x2d: {  	v1 =	vmax.f32 v1, $0.0e+00  }
0x2e: {  	v2 =	vld [tilespmem:s26+$0x1210];
	v1 =	vmin.f32 v1, $1.950000000e+01  }
0x2f: {  	s2 =	smulhi.u32 $0x2AAAAAB, s3;
	v1 =	vtrunc.f32 v1  }
0x30: {  	v1 =	vcvt.f32.s32 v1  }
0x31: {  	s0 =	smul.u32 $0x60, s2;
	_ =	sdelay $0x1  }
0x32: {  	s0 =	ssub.s32 s3, s0;
	v3 =	vmul.f32 $1.000000000e+01, v2  }
0x33: {  	s23 =	smul.u32 $0x18, s0  }
0x34: {  	v3 =	vadd.f32 $1.000000000e+01, v3  }
0x35: {  	v4 =	vld.idx.msk [tilespmem:v1+s23+$0x0], $0xffff  }
0x36: {  	v5 =	vld [tilespmem:s26+$0x1220];
	s24 =	sadd.s32 $0x900, s23;
	v3 =	vmax.f32 v3, $0.0e+00  }
0x37: {  	v3 =	vmin.f32 v3, $1.950000000e+01;
	v1 =	vld.idx.msk [tilespmem:v1+s24+$0x0], $0xffff  }
0x38: {  	v3 =	vtrunc.f32 v3  }
0x39: {  	v3 =	vcvt.f32.s32 v3  }
0x3a: {  	v0 =	vmul.f32 v4, v0;
	_ =	sdelay $0x1  }
0x3b: {  	v4 =	vmul.f32 $1.000000000e+01, v5;
	v0 =	vadd.f32 v1, v0;
	_ =	sdelay $0x1  }
0x3c: {  	[tilespmem:s26+$0xD200] =	vst v0;
	v0 =	vadd.f32 $1.000000000e+01, v4  }
0x3d: {  	v4 =	vld.idx.msk [tilespmem:v3+s23+$0x0], $0xffff  }
0x3e: {  	v1 =	vld [tilespmem:s26+$0x1230];
	v0 =	vmax.f32 v0, $0.0e+00  }
0x3f: {  	v3 =	vld.idx.msk [tilespmem:v3+s24+$0x0], $0xffff;
	v0 =	vmin.f32 v0, $1.950000000e+01  }
0x40: {  	v0 =	vtrunc.f32 v0  }
0x41: {  	v0 =	vcvt.f32.s32 v0  }
0x42: {  	v2 =	vmul.f32 v4, v2;
	_ =	sdelay $0x1  }
0x43: {  	v4 =	vmul.f32 $1.000000000e+01, v1;
	v2 =	vadd.f32 v3, v2;
	_ =	sdelay $0x1  }
0x44: {  	[tilespmem:s26+$0xD210] =	vst v2;
	v2 =	vadd.f32 $1.000000000e+01, v4  }
0x45: {  	v4 =	vld.idx.msk [tilespmem:v0+s23+$0x0], $0xffff  }
0x46: {  	v3 =	vld [tilespmem:s26+$0x1240];
	v2 =	vmax.f32 v2, $0.0e+00  }
0x47: {  	v0 =	vld.idx.msk [tilespmem:v0+s24+$0x0], $0xffff;
	v2 =	vmin.f32 v2, $1.950000000e+01  }
0x48: {  	v2 =	vtrunc.f32 v2  }
0x49: {  	v2 =	vcvt.f32.s32 v2  }
0x4a: {  	v4 =	vmul.f32 v4, v5;
	_ =	sdelay $0x1  }
0x4b: {  	v5 =	vmul.f32 $1.000000000e+01, v3;
	v0 =	vadd.f32 v0, v4;
	_ =	sdelay $0x1  }
0x4c: {  	[tilespmem:s26+$0xD220] =	vst v0;
	v0 =	vadd.f32 $1.000000000e+01, v5  }
0x4d: {  	v4 =	vld.idx.msk [tilespmem:v2+s23+$0x0], $0xffff  }
0x4e: {  	v5 =	vld [tilespmem:s26+$0x1250];
	v0 =	vmax.f32 v0, $0.0e+00  }
0x4f: {  	v2 =	vld.idx.msk [tilespmem:v2+s24+$0x0], $0xffff;
	v0 =	vmin.f32 v0, $1.950000000e+01  }
0x50: {  	v0 =	vtrunc.f32 v0  }
0x51: {  	v0 =	vcvt.f32.s32 v0  }
0x52: {  	v1 =	vmul.f32 v4, v1;
	_ =	sdelay $0x1  }
0x53: {  	v1 =	vadd.f32 v2, v1;
	v2 =	vmul.f32 $1.000000000e+01, v5;
	_ =	sdelay $0x1  }
0x54: {  	[tilespmem:s26+$0xD230] =	vst v1;
	v1 =	vadd.f32 $1.000000000e+01, v2  }
0x55: {  	v2 =	vld.idx.msk [tilespmem:v0+s23+$0x0], $0xffff  }
0x56: {  	v4 =	vld [tilespmem:s26+$0x1260];
	v1 =	vmax.f32 v1, $0.0e+00  }
0x57: {  	v0 =	vld.idx.msk [tilespmem:v0+s24+$0x0], $0xffff;
	v1 =	vmin.f32 v1, $1.950000000e+01  }
0x58: {  	v1 =	vtrunc.f32 v1  }
0x59: {  	s3 =	simm.s32 $0x0;
	v1 =	vcvt.f32.s32 v1  }
0x5a: {  	s4 =	simm.s32 $0x80;
	s0 =	smul.u32 $0xC00, s3;
	v2 =	vmul.f32 v2, v3  }
0x5b: {  	s2 =	sand.u32 $0x380, s4  }
0x5c: {  	s28 =	sor.u32 s2, s0;
	v0 =	vadd.f32 v0, v2;
	v2 =	vmul.f32 $1.000000000e+01, v4  }
0x5d: {  	v3 =	vld [tilespmem:s28+$0x1200]  }
0x5e: {  	[tilespmem:s26+$0xD240] =	vst v0;
	v0 =	vadd.f32 $1.000000000e+01, v2  }
0x5f: {  	v2 =	vld.idx.msk [tilespmem:v1+s23+$0x0], $0xffff  }
0x60: {  	v6 =	vld [tilespmem:s26+$0x1270];
	v0 =	vmax.f32 v0, $0.0e+00  }
0x61: {  	v1 =	vld.idx.msk [tilespmem:v1+s24+$0x0], $0xffff;
	v0 =	vmin.f32 v0, $1.950000000e+01  }
0x62: {  	v7 =	vmul.f32 $1.000000000e+01, v3;
	v0 =	vtrunc.f32 v0  }
0x63: {  	v0 =	vcvt.f32.s32 v0  }
0x64: {  	v7 =	vadd.f32 $1.000000000e+01, v7;
	v2 =	vmul.f32 v2, v5;
	_ =	sdelay $0x1  }
0x65: {  	v5 =	vmax.f32 v7, $0.0e+00;
	v1 =	vadd.f32 v1, v2;
	v2 =	vmul.f32 $1.000000000e+01, v6  }
0x66: {  	v7 =	vld [tilespmem:s28+$0x1210];
	v5 =	vmin.f32 v5, $1.950000000e+01  }
0x67: {  	v5 =	vtrunc.f32 v5;
	[tilespmem:s26+$0xD250] =	vst v1;
	v1 =	vadd.f32 $1.000000000e+01, v2  }
0x68: {  	v2 =	vcvt.f32.s32 v5;
	v5 =	vld.idx.msk [tilespmem:v0+s23+$0x0], $0xffff  }
0x69: {  	v8 =	vld [tilespmem:s26+$0x1600];
	v1 =	vmax.f32 v1, $0.0e+00  }
0x6a: {  	v0 =	vld.idx.msk [tilespmem:v0+s24+$0x0], $0xffff;
	v1 =	vmin.f32 v1, $1.950000000e+01  }
0x6b: {  	v9 =	vmul.f32 $1.000000000e+01, v7;
	v1 =	vtrunc.f32 v1  }
0x6c: {  	v1 =	vcvt.f32.s32 v1  }
0x6d: {  	v9 =	vadd.f32 $1.000000000e+01, v9;
	v4 =	vmul.f32 v5, v4  }
0x6e: {  	v5 =	vld.idx.msk [tilespmem:v2+s23+$0x0], $0xffff  }
0x6f: {  	v10 =	vld [tilespmem:s28+$0x1220];
	v9 =	vmax.f32 v9, $0.0e+00;
	v0 =	vadd.f32 v0, v4;
	v4 =	vmul.f32 $1.000000000e+01, v8  }
0x70: {  	v2 =	vld.idx.msk [tilespmem:v2+s24+$0x0], $0xffff;
	v9 =	vmin.f32 v9, $1.950000000e+01  }
0x71: {  	v9 =	vtrunc.f32 v9;
	[tilespmem:s26+$0xD260] =	vst v0;
	v0 =	vadd.f32 $1.000000000e+01, v4  }
0x72: {  	v4 =	vcvt.f32.s32 v9;
	v9 =	vld.idx.msk [tilespmem:v1+s23+$0x0], $0xffff  }
0x73: {  	v3 =	vmul.f32 v5, v3;
	v1 =	vld.idx.msk [tilespmem:v1+s24+$0x0], $0xffff;
	v0 =	vmax.f32 v0, $0.0e+00  }
0x74: {  	v5 =	vld [tilespmem:s26+$0x1610];
	v0 =	vmin.f32 v0, $1.950000000e+01  }
0x75: {  	v11 =	vmul.f32 $1.000000000e+01, v10;
	v2 =	vadd.f32 v2, v3;
	v0 =	vtrunc.f32 v0  }
0x76: {  	v0 =	vcvt.f32.s32 v0  }
0x77: {  	[tilespmem:s28+$0xD200] =	vst v2;
	v2 =	vadd.f32 $1.000000000e+01, v11;
	v6 =	vmul.f32 v9, v6  }
0x78: {  	v9 =	vld.idx.msk [tilespmem:v4+s23+$0x0], $0xffff  }
0x79: {  	v3 =	vld [tilespmem:s28+$0x1230];
	v2 =	vmax.f32 v2, $0.0e+00;
	v1 =	vadd.f32 v1, v6;
	v6 =	vmul.f32 $1.000000000e+01, v5  }
0x7a: {  	v4 =	vld.idx.msk [tilespmem:v4+s24+$0x0], $0xffff;
	v2 =	vmin.f32 v2, $1.950000000e+01  }
0x7b: {  	v2 =	vtrunc.f32 v2;
	[tilespmem:s26+$0xD270] =	vst v1;
	v1 =	vadd.f32 $1.000000000e+01, v6  }
0x7c: {  	v2 =	vcvt.f32.s32 v2;
	v6 =	vld.idx.msk [tilespmem:v0+s23+$0x0], $0xffff  }
0x7d: {  	v7 =	vmul.f32 v9, v7;
	v0 =	vld.idx.msk [tilespmem:v0+s24+$0x0], $0xffff;
	v1 =	vmax.f32 v1, $0.0e+00  }
0x7e: {  	v9 =	vld [tilespmem:s26+$0x1620];
	v1 =	vmin.f32 v1, $1.950000000e+01  }
0x7f: {  	v11 =	vmul.f32 $1.000000000e+01, v3;
	v4 =	vadd.f32 v4, v7;
	v1 =	vtrunc.f32 v1  }
0x80: {  	v1 =	vcvt.f32.s32 v1  }
0x81: {  	[tilespmem:s28+$0xD210] =	vst v4;
	v4 =	vadd.f32 $1.000000000e+01, v11;
	v6 =	vmul.f32 v6, v8  }
0x82: {  	v8 =	vld.idx.msk [tilespmem:v2+s23+$0x0], $0xffff  }
0x83: {  	v7 =	vld [tilespmem:s28+$0x1240];
	v4 =	vmax.f32 v4, $0.0e+00;
	v0 =	vadd.f32 v0, v6;
	v6 =	vmul.f32 $1.000000000e+01, v9  }
0x84: {  	v2 =	vld.idx.msk [tilespmem:v2+s24+$0x0], $0xffff;
	v4 =	vmin.f32 v4, $1.950000000e+01  }
0x85: {  	v4 =	vtrunc.f32 v4;
	[tilespmem:s26+$0xD600] =	vst v0;
	v0 =	vadd.f32 $1.000000000e+01, v6  }
0x86: {  	v4 =	vcvt.f32.s32 v4;
	v6 =	vld.idx.msk [tilespmem:v1+s23+$0x0], $0xffff  }
0x87: {  	v8 =	vmul.f32 v8, v10;
	v1 =	vld.idx.msk [tilespmem:v1+s24+$0x0], $0xffff;
	v0 =	vmax.f32 v0, $0.0e+00  }
0x88: {  	v10 =	vld [tilespmem:s26+$0x1630];
	v0 =	vmin.f32 v0, $1.950000000e+01  }
0x89: {  	v11 =	vmul.f32 $1.000000000e+01, v7;
	v2 =	vadd.f32 v2, v8;
	v0 =	vtrunc.f32 v0  }
0x8a: {  	v0 =	vcvt.f32.s32 v0  }
0x8b: {  	[tilespmem:s28+$0xD220] =	vst v2;
	v2 =	vadd.f32 $1.000000000e+01, v11;
	v5 =	vmul.f32 v6, v5  }
0x8c: {  	v6 =	vld.idx.msk [tilespmem:v4+s23+$0x0], $0xffff  }
0x8d: {  	v8 =	vld [tilespmem:s28+$0x1250];
	v2 =	vmax.f32 v2, $0.0e+00;
	v1 =	vadd.f32 v1, v5;
	v5 =	vmul.f32 $1.000000000e+01, v10  }
0x8e: {  	v4 =	vld.idx.msk [tilespmem:v4+s24+$0x0], $0xffff;
	v2 =	vmin.f32 v2, $1.950000000e+01  }
0x8f: {  	v2 =	vtrunc.f32 v2;
	[tilespmem:s26+$0xD610] =	vst v1;
	v1 =	vadd.f32 $1.000000000e+01, v5  }
0x90: {  	v2 =	vcvt.f32.s32 v2;
	v5 =	vld.idx.msk [tilespmem:v0+s23+$0x0], $0xffff  }
0x91: {  	v3 =	vmul.f32 v6, v3;
	v0 =	vld.idx.msk [tilespmem:v0+s24+$0x0], $0xffff;
	v1 =	vmax.f32 v1, $0.0e+00  }
0x92: {  	v6 =	vld [tilespmem:s26+$0x1640];
	v1 =	vmin.f32 v1, $1.950000000e+01  }
0x93: {  	v3 =	vadd.f32 v4, v3;
	v4 =	vmul.f32 $1.000000000e+01, v8;
	v1 =	vtrunc.f32 v1  }
0x94: {  	v1 =	vcvt.f32.s32 v1  }
0x95: {  	[tilespmem:s28+$0xD230] =	vst v3;
	v3 =	vadd.f32 $1.000000000e+01, v4;
	v4 =	vmul.f32 v5, v9  }
0x96: {  	v5 =	vld.idx.msk [tilespmem:v2+s23+$0x0], $0xffff  }
0x97: {  	v2 =	vld.idx.msk [tilespmem:v2+s24+$0x0], $0xffff;
	v3 =	vmax.f32 v3, $0.0e+00;
	v0 =	vadd.f32 v0, v4;
	v4 =	vmul.f32 $1.000000000e+01, v6  }
0x98: {  	v9 =	vld [tilespmem:s28+$0x1260];
	v3 =	vmin.f32 v3, $1.950000000e+01  }
0x99: {  	v3 =	vtrunc.f32 v3;
	[tilespmem:s26+$0xD620] =	vst v0;
	v0 =	vadd.f32 $1.000000000e+01, v4  }
0x9a: {  	s3 =	simm.s32 $0x0;
	v3 =	vcvt.f32.s32 v3;
	v4 =	vld.idx.msk [tilespmem:v1+s23+$0x0], $0xffff  }
0x9b: {  	s4 =	simm.s32 $0x100;
	s0 =	smul.u32 $0xC00, s3;
	v5 =	vmul.f32 v5, v7;
	v0 =	vmax.f32 v0, $0.0e+00  }
0x9c: {  	s2 =	sand.u32 $0x380, s4;
	v1 =	vld.idx.msk [tilespmem:v1+s24+$0x0], $0xffff;
	v0 =	vmin.f32 v0, $1.950000000e+01  }
0x9d: {  	s29 =	sor.u32 s2, s0;
	v7 =	vld [tilespmem:s26+$0x1650];
	v11 =	vmul.f32 $1.000000000e+01, v9;
	v2 =	vadd.f32 v2, v5;
	v0 =	vtrunc.f32 v0  }
0x9e: {  	v5 =	vld [tilespmem:s29+$0x1200];
	v0 =	vcvt.f32.s32 v0  }
0x9f: {  	[tilespmem:s28+$0xD240] =	vst v2;
	v2 =	vadd.f32 $1.000000000e+01, v11;
	v4 =	vmul.f32 v4, v10  }
0xa0: {  	v10 =	vld.idx.msk [tilespmem:v3+s23+$0x0], $0xffff  }
0xa1: {  	v12 =	vld [tilespmem:s28+$0x1270];
	v2 =	vmax.f32 v2, $0.0e+00;
	v1 =	vadd.f32 v1, v4  }
0xa2: {  	v3 =	vld.idx.msk [tilespmem:v3+s24+$0x0], $0xffff;
	v4 =	vmul.f32 $1.000000000e+01, v7;
	v2 =	vmin.f32 v2, $1.950000000e+01  }
0xa3: {  	v11 =	vmul.f32 $1.000000000e+01, v5;
	v2 =	vtrunc.f32 v2;
	[tilespmem:s26+$0xD630] =	vst v1  }
0xa4: {  	v1 =	vcvt.f32.s32 v2;
	v4 =	vadd.f32 $1.000000000e+01, v4;
	v2 =	vld.idx.msk [tilespmem:v0+s23+$0x0], $0xffff  }
0xa5: {  	v11 =	vadd.f32 $1.000000000e+01, v11;
	v8 =	vmul.f32 v10, v8;
	v10 =	vld [tilespmem:s26+$0x1660]  }
0xa6: {  	v13 =	vmul.f32 $1.000000000e+01, v12;
	v0 =	vld.idx.msk [tilespmem:v0+s24+$0x0], $0xffff;
	v4 =	vmax.f32 v4, $0.0e+00  }
0xa7: {  	v11 =	vmax.f32 v11, $0.0e+00;
	v3 =	vadd.f32 v3, v8;
	v4 =	vmin.f32 v4, $1.950000000e+01;
	v8 =	vld [tilespmem:s29+$0x1210]  }
0xa8: {  	v11 =	vmin.f32 v11, $1.950000000e+01;
	v4 =	vtrunc.f32 v4  }
0xa9: {  	v11 =	vtrunc.f32 v11;
	[tilespmem:s28+$0xD250] =	vst v3;
	v3 =	vcvt.f32.s32 v4;
	v4 =	vadd.f32 $1.000000000e+01, v13  }
0xaa: {  	v11 =	vcvt.f32.s32 v11;
	v13 =	vld.idx.msk [tilespmem:v1+s23+$0x0], $0xffff;
	v2 =	vmul.f32 v2, v6  }
0xab: {  	v14 =	vld [tilespmem:s28+$0x1600];
	v6 =	vmul.f32 $1.000000000e+01, v10;
	v4 =	vmax.f32 v4, $0.0e+00  }
0xac: {  	v1 =	vld.idx.msk [tilespmem:v1+s24+$0x0], $0xffff;
	v0 =	vadd.f32 v0, v2;
	v2 =	vmul.f32 $1.000000000e+01, v8;
	v4 =	vmin.f32 v4, $1.950000000e+01  }
0xad: {  	v15 =	vld [tilespmem:s26+$0x1670];
	v4 =	vtrunc.f32 v4  }
0xae: {  	v16 =	vld [tilespmem:s29+$0x1220];
	[tilespmem:s26+$0xD640] =	vst v0;
	v0 =	vcvt.f32.s32 v4;
	v4 =	vadd.f32 $1.000000000e+01, v6;
	v2 =	vadd.f32 $1.000000000e+01, v2  }
0xaf: {  	v6 =	vld.idx.msk [tilespmem:v3+s23+$0x0], $0xffff;
	v9 =	vmul.f32 v13, v9  }
0xb0: {  	v13 =	vld.idx.msk [tilespmem:v11+s23+$0x0], $0xffff;
	v4 =	vmax.f32 v4, $0.0e+00;
	v2 =	vmax.f32 v2, $0.0e+00  }
0xb1: {  	v3 =	vld.idx.msk [tilespmem:v3+s24+$0x0], $0xffff;
	v1 =	vadd.f32 v1, v9;
	v4 =	vmin.f32 v4, $1.950000000e+01;
	v9 =	vmul.f32 $1.000000000e+01, v14  }
0xb2: {  	v11 =	vld.idx.msk [tilespmem:v11+s24+$0x0], $0xffff;
	v2 =	vmin.f32 v2, $1.950000000e+01;
	v4 =	vtrunc.f32 v4  }
0xb3: {  	v2 =	vtrunc.f32 v2;
	[tilespmem:s28+$0xD260] =	vst v1;
	v1 =	vcvt.f32.s32 v4;
	v4 =	vadd.f32 $1.000000000e+01, v9  }
0xb4: {  	v2 =	vcvt.f32.s32 v2;
	v9 =	vld.idx.msk [tilespmem:v0+s23+$0x0], $0xffff;
	v6 =	vmul.f32 v6, v7  }
0xb5: {  	v17 =	vld [tilespmem:s28+$0x1610];
	v7 =	vmul.f32 $1.000000000e+01, v15;
	v5 =	vmul.f32 v13, v5;
	v4 =	vmax.f32 v4, $0.0e+00  }
0xb6: {  	v0 =	vld.idx.msk [tilespmem:v0+s24+$0x0], $0xffff;
	v13 =	vmul.f32 $1.000000000e+01, v16;
	v3 =	vadd.f32 v3, v6;
	v4 =	vmin.f32 v4, $1.950000000e+01  }
0xb7: {  	v18 =	vld [tilespmem:s26+$0x1A00];
	v5 =	vadd.f32 v11, v5;
	v4 =	vtrunc.f32 v4  }
0xb8: {  	v11 =	vld [tilespmem:s29+$0x1230];
	v6 =	vadd.f32 $1.000000000e+01, v13;
	[tilespmem:s26+$0xD650] =	vst v3;
	v3 =	vcvt.f32.s32 v4;
	v4 =	vadd.f32 $1.000000000e+01, v7  }
0xb9: {  	[tilespmem:s29+$0xD200] =	vst v5;
	v5 =	vld.idx.msk [tilespmem:v1+s23+$0x0], $0xffff;
	v7 =	vmul.f32 v9, v12  }
0xba: {  	v6 =	vmax.f32 v6, $0.0e+00;
	v9 =	vld.idx.msk [tilespmem:v2+s23+$0x0], $0xffff;
	v4 =	vmax.f32 v4, $0.0e+00  }
0xbb: {  	v1 =	vld.idx.msk [tilespmem:v1+s24+$0x0], $0xffff;
	v0 =	vadd.f32 v0, v7;
	v4 =	vmin.f32 v4, $1.950000000e+01;
	v7 =	vmul.f32 $1.000000000e+01, v17  }
0xbc: {  	v2 =	vld.idx.msk [tilespmem:v2+s24+$0x0], $0xffff;
	v6 =	vmin.f32 v6, $1.950000000e+01;
	v4 =	vtrunc.f32 v4  }
0xbd: {  	v6 =	vtrunc.f32 v6;
	[tilespmem:s28+$0xD270] =	vst v0;
	v0 =	vcvt.f32.s32 v4;
	v4 =	vadd.f32 $1.000000000e+01, v7  }
0xbe: {  	v6 =	vcvt.f32.s32 v6;
	v7 =	vld.idx.msk [tilespmem:v3+s23+$0x0], $0xffff;
	v5 =	vmul.f32 v5, v10  }
0xbf: {  	v19 =	vld [tilespmem:s29+$0x1240];
	v8 =	vmul.f32 v9, v8;
	v4 =	vmax.f32 v4, $0.0e+00  }
0xc0: {  	v9 =	vmul.f32 $1.000000000e+01, v18;
	v3 =	vld.idx.msk [tilespmem:v3+s24+$0x0], $0xffff;
	v1 =	vadd.f32 v1, v5;
	v4 =	vmin.f32 v4, $1.950000000e+01  }
0xc1: {  	v5 =	vmul.f32 $1.000000000e+01, v11;
	v2 =	vadd.f32 v2, v8;
	v8 =	vld [tilespmem:s28+$0x1620];
	v4 =	vtrunc.f32 v4  }
0xc2: {  	v13 =	vld [tilespmem:s26+$0x1A10];
	[tilespmem:s26+$0xD660] =	vst v1;
	v1 =	vcvt.f32.s32 v4;
	v4 =	vadd.f32 $1.000000000e+01, v9  }
0xc3: {  	[tilespmem:s29+$0xD210] =	vst v2;
	v5 =	vadd.f32 $1.000000000e+01, v5;
	v2 =	vld.idx.msk [tilespmem:v0+s23+$0x0], $0xffff;
	v7 =	vmul.f32 v7, v14  }
0xc4: {  	v9 =	vld.idx.msk [tilespmem:v6+s23+$0x0], $0xffff;
	v4 =	vmax.f32 v4, $0.0e+00  }
0xc5: {  	v10 =	vld.idx.msk [tilespmem:v0+s24+$0x0], $0xffff;
	v0 =	vmax.f32 v5, $0.0e+00;
	v3 =	vadd.f32 v3, v7;
	v4 =	vmin.f32 v4, $1.950000000e+01  }
0xc6: {  	v5 =	vld.idx.msk [tilespmem:v6+s24+$0x0], $0xffff;
	v6 =	vmin.f32 v0, $1.950000000e+01;
	v7 =	vmul.f32 $1.000000000e+01, v8;
	v4 =	vtrunc.f32 v4  }
0xc7: {  	v6 =	vtrunc.f32 v6;
	[tilespmem:s28+$0xD600] =	vst v3;
	v4 =	vcvt.f32.s32 v4  }
0xc8: {  	v12 =	vcvt.f32.s32 v6;
	v3 =	vadd.f32 $1.000000000e+01, v7;
	v14 =	vld.idx.msk [tilespmem:v1+s23+$0x0], $0xffff;
	v2 =	vmul.f32 v2, v15  }
0xc9: {  	v6 =	vmul.f32 v9, v16  }
0xca: {  	v7 =	vmul.f32 $1.000000000e+01, v13;
	v1 =	vld.idx.msk [tilespmem:v1+s24+$0x0], $0xffff;
	v9 =	vmax.f32 v3, $0.0e+00;
	v2 =	vadd.f32 v10, v2  }
0xcb: {  	v10 =	vmul.f32 $1.000000000e+01, v19;
	v5 =	vadd.f32 v5, v6;
	v9 =	vmin.f32 v9, $1.950000000e+01;
	v6 =	vld [tilespmem:s28+$0x1630]  }
0xcc: {  	v3 =	vld [tilespmem:s26+$0x1A20];
	v9 =	vtrunc.f32 v9;
	[tilespmem:s26+$0xD670] =	vst v2;
	v2 =	vadd.f32 $1.000000000e+01, v7  }
0xcd: {  	[tilespmem:s29+$0xD220] =	vst v5;
	v5 =	vcvt.f32.s32 v9;
	v7 =	vadd.f32 $1.000000000e+01, v10;
	v9 =	vld.idx.msk [tilespmem:v4+s23+$0x0], $0xffff;
	v10 =	vmul.f32 v14, v17  }
0xce: {  	v14 =	vld.idx.msk [tilespmem:v12+s23+$0x0], $0xffff;
	v2 =	vmax.f32 v2, $0.0e+00  }
0xcf: {  	v4 =	vld.idx.msk [tilespmem:v4+s24+$0x0], $0xffff;
	v7 =	vmax.f32 v7, $0.0e+00;
	v1 =	vadd.f32 v1, v10;
	v2 =	vmin.f32 v2, $1.950000000e+01  }
0xd0: {  	v10 =	vld.idx.msk [tilespmem:v12+s24+$0x0], $0xffff;
	v12 =	vmin.f32 v7, $1.950000000e+01;
	v15 =	vmul.f32 $1.000000000e+01, v6;
	v2 =	vtrunc.f32 v2  }
0xd1: {  	v7 =	vld [tilespmem:s29+$0x1250];
	v12 =	vtrunc.f32 v12;
	v2 =	vcvt.f32.s32 v2  }
0xd2: {  	v0 =	vld [tilespmem:s26+$0x1A70];
	[tilespmem:s28+$0xD610] =	vst v1;
	v12 =	vcvt.f32.s32 v12;
	v1 =	vadd.f32 $1.000000000e+01, v15;
	v9 =	vmul.f32 v9, v18  }
0xd3: {  	v15 =	vld.idx.msk [tilespmem:v5+s23+$0x0], $0xffff;
	v11 =	vmul.f32 v14, v11  }
0xd4: {  	v14 =	vld.idx.msk [tilespmem:v5+s24+$0x0], $0xffff;
	v1 =	vmax.f32 v1, $0.0e+00;
	v4 =	vadd.f32 v4, v9  }
0xd5: {  	v9 =	vadd.f32 v10, v11;
	v5 =	vmin.f32 v1, $1.950000000e+01;
	v11 =	vmul.f32 $1.000000000e+01, v3;
	v1 =	vld [tilespmem:s26+$0x1A60]  }
0xd6: {  	v16 =	vmul.f32 $1.000000000e+01, v7;
	v10 =	vtrunc.f32 v5;
	v5 =	vld [tilespmem:s28+$0x1640];
	[tilespmem:s26+$0xDA00] =	vst v4  }
0xd7: {  	s3 =	smul.u32 $0x156, s21;
	[tilespmem:s29+$0xD230] =	vst v9;
	v10 =	vcvt.f32.s32 v10;
	v11 =	vadd.f32 $1.000000000e+01, v11;
	v4 =	vld.idx.msk [tilespmem:v2+s23+$0x0], $0xffff  }
0xd8: {  	v17 =	vadd.f32 $1.000000000e+01, v16;
	v18 =	vld.idx.msk [tilespmem:v12+s23+$0x0], $0xffff;
	v8 =	vmul.f32 v15, v8  }
0xd9: {  	s0 =	sshrl.u32 s3, $0xA;
	v9 =	vld.idx.msk [tilespmem:v2+s24+$0x0], $0xffff;
	v2 =	vmax.f32 v11, $0.0e+00  }
0xda: {  	s0 =	sand.u32 $0x3F, s0;
	v16 =	vld.idx.msk [tilespmem:v12+s24+$0x0], $0xffff;
	v11 =	vmax.f32 v17, $0.0e+00;
	v8 =	vadd.f32 v14, v8;
	v12 =	vmin.f32 v2, $1.950000000e+01  }
0xdb: {  	s0 =	smul.u32 $0x6, s0;
	v11 =	vmin.f32 v11, $1.950000000e+01;
	v2 =	vld [tilespmem:s26+$0x1A30];
	v14 =	vmul.f32 $1.000000000e+01, v5;
	v12 =	vtrunc.f32 v12  }
0xdc: {  	s30 =	sshll.u32 s21, $0x1;
	s4 =	simm.s32 $0x0;
	v15 =	vtrunc.f32 v11;
	v11 =	vld [tilespmem:s29+$0x1260];
	[tilespmem:s28+$0xD620] =	vst v8;
	v8 =	vcvt.f32.s32 v12  }
0xdd: {  	s2 =	smul.u32 $0xC00, s4;
	s0 =	ssub.s32 s30, s0;
	v17 =	vcvt.f32.s32 v15;
	v12 =	vld.idx.msk [tilespmem:v10+s23+$0x0], $0xffff;
	v14 =	vadd.f32 $1.000000000e+01, v14;
	v13 =	vmul.f32 v4, v13  }
0xde: {  	s3 =	simm.s32 $0x4;
	s31 =	sand.u32 $0xFE, s0;
	s0 =	simm.s32 $0x180;
	v15 =	vmul.f32 v18, v19;
	v4 =	vld [tilespmem:s28+$0x1650]  }
.LBB2_3:
0xdf: {  	p1 =	sne.s32 s3, $0x3F;
	s4 =	sand.u32 $0x380, s0;
	v10 =	vld.idx.msk [tilespmem:v10+s24+$0x0], $0xffff;
	v14 =	vmax.f32 v14, $0.0e+00;
	v13 =	vadd.f32 v9, v13  }
0xe0: {  	s2 =	sor.u32 s4, s2;
	v15 =	vadd.f32 v16, v15;
	v14 =	vmin.f32 v14, $1.950000000e+01;
	v16 =	vmul.f32 $1.000000000e+01, v2;
	v9 =	vld [tilespmem:s26+$0x1A40]  }
0xe1: {  	v18 =	vld [tilespmem:s2+$0x1200];
	v19 =	vmul.f32 $1.000000000e+01, v11;
	v14 =	vtrunc.f32 v14;
	[tilespmem:s26+$0xDA10] =	vst v13  }
0xe2: {  	[tilespmem:s29+$0xD240] =	vst v15;
	v13 =	vcvt.f32.s32 v14;
	v14 =	vld.idx.msk [tilespmem:v8+s23+$0x0], $0xffff;
	v15 =	vadd.f32 $1.000000000e+01, v16  }
0xe3: {  	v6 =	vmul.f32 v12, v6;
	v16 =	vld.idx.msk [tilespmem:v17+s23+$0x0], $0xffff;
	v19 =	vadd.f32 $1.000000000e+01, v19  }
0xe4: {  	v12 =	vmul.f32 $1.000000000e+01, v4;
	v8 =	vld.idx.msk [tilespmem:v8+s24+$0x0], $0xffff;
	v15 =	vmax.f32 v15, $0.0e+00  }
0xe5: {  	v10 =	vadd.f32 v10, v6;
	v17 =	vld.idx.msk [tilespmem:v17+s24+$0x0], $0xffff;
	v19 =	vmax.f32 v19, $0.0e+00;
	v6 =	vmin.f32 v15, $1.950000000e+01  }
0xe6: {  	v15 =	vmul.f32 $1.000000000e+01, v18;
	v19 =	vmin.f32 v19, $1.950000000e+01;
	v20 =	vtrunc.f32 v6;
	v6 =	vld [tilespmem:s26+$0x1A50]  }
0xe7: {  	v19 =	vtrunc.f32 v19;
	v21 =	vld [tilespmem:s29+$0x1270];
	[tilespmem:s28+$0xD630] =	vst v10;
	v10 =	vcvt.f32.s32 v20  }
0xe8: {  	v12 =	vadd.f32 $1.000000000e+01, v12;
	v3 =	vmul.f32 v14, v3;
	v19 =	vcvt.f32.s32 v19;
	v20 =	vld.idx.msk [tilespmem:v13+s23+$0x0], $0xffff  }
0xe9: {  	v14 =	vadd.f32 $1.000000000e+01, v15;
	v15 =	vmul.f32 v16, v7;
	v7 =	vld [tilespmem:s28+$0x1660]  }
0xea: {  	v22 =	vmul.f32 $1.000000000e+01, v9;
	v12 =	vmax.f32 v12, $0.0e+00;
	v8 =	vadd.f32 v8, v3;
	v16 =	vld.idx.msk [tilespmem:v13+s24+$0x0], $0xffff  }
0xeb: {  	v12 =	vmin.f32 v12, $1.950000000e+01;
	v13 =	vmax.f32 v14, $0.0e+00;
	v14 =	vadd.f32 v17, v15;
	v3 =	vld [tilespmem:s28+$0x1670]  }
0xec: {  	v12 =	vtrunc.f32 v12;
	v15 =	vmin.f32 v13, $1.950000000e+01;
	v13 =	vld [tilespmem:s2+$0x1210];
	v17 =	vmul.f32 $1.000000000e+01, v21;
	[tilespmem:s26+$0xDA20] =	vst v8  }
0xed: {  	v8 =	vtrunc.f32 v15;
	[tilespmem:s29+$0xD250] =	vst v14;
	v14 =	vcvt.f32.s32 v12;
	v15 =	vld.idx.msk [tilespmem:v10+s23+$0x0], $0xffff;
	v12 =	vadd.f32 $1.000000000e+01, v22  }
0xee: {  	v8 =	vcvt.f32.s32 v8;
	v5 =	vmul.f32 v20, v5;
	v22 =	vld.idx.msk [tilespmem:v19+s23+$0x0], $0xffff;
	v17 =	vadd.f32 $1.000000000e+01, v17  }
0xef: {  	v20 =	vmul.f32 $1.000000000e+01, v7;
	v10 =	vld.idx.msk [tilespmem:v10+s24+$0x0], $0xffff;
	v12 =	vmax.f32 v12, $0.0e+00  }
0xf0: {  	v16 =	vadd.f32 v16, v5;
	v19 =	vld.idx.msk [tilespmem:v19+s24+$0x0], $0xffff;
	v17 =	vmax.f32 v17, $0.0e+00;
	v5 =	vmin.f32 v12, $1.950000000e+01  }
0xf1: {  	v23 =	vmul.f32 $1.000000000e+01, v13;
	v17 =	vmin.f32 v17, $1.950000000e+01;
	v12 =	vld [tilespmem:s29+$0x1600];
	v24 =	vtrunc.f32 v5  }
0xf2: {  	v5 =	vld [tilespmem:s2+$0x1220];
	v17 =	vtrunc.f32 v17;
	[tilespmem:s28+$0xD640] =	vst v16;
	v16 =	vcvt.f32.s32 v24  }
0xf3: {  	v20 =	vadd.f32 $1.000000000e+01, v20;
	v2 =	vmul.f32 v15, v2;
	v17 =	vcvt.f32.s32 v17;
	v24 =	vld.idx.msk [tilespmem:v14+s23+$0x0], $0xffff  }
0xf4: {  	v23 =	vadd.f32 $1.000000000e+01, v23;
	v11 =	vmul.f32 v22, v11;
	v22 =	vmul.f32 $1.000000000e+01, v6;
	v15 =	vld.idx.msk [tilespmem:v8+s23+$0x0], $0xffff  }
0xf5: {  	v25 =	vmul.f32 $1.000000000e+01, v3;
	v20 =	vmax.f32 v20, $0.0e+00;
	v10 =	vadd.f32 v10, v2;
	v14 =	vld.idx.msk [tilespmem:v14+s24+$0x0], $0xffff  }
0xf6: {  	v2 =	vmax.f32 v23, $0.0e+00;
	v11 =	vadd.f32 v19, v11;
	v19 =	vmin.f32 v20, $1.950000000e+01;
	v8 =	vld.idx.msk [tilespmem:v8+s24+$0x0], $0xffff  }
0xf7: {  	v20 =	vmin.f32 v2, $1.950000000e+01;
	v23 =	vmul.f32 $1.000000000e+01, v12;
	v19 =	vtrunc.f32 v19;
	v2 =	vld [tilespmem:s28+$0x1A00];
	[tilespmem:s26+$0xDA30] =	vst v10  }
0xf8: {  	v10 =	vtrunc.f32 v20;
	v20 =	vadd.f32 $1.000000000e+01, v22;
	[tilespmem:s29+$0xD260] =	vst v11;
	v11 =	vcvt.f32.s32 v19;
	v19 =	vld.idx.msk [tilespmem:v16+s23+$0x0], $0xffff  }
0xf9: {  	v22 =	vcvt.f32.s32 v10;
	v10 =	vadd.f32 $1.000000000e+01, v23;
	v4 =	vmul.f32 v24, v4;
	v26 =	vld.idx.msk [tilespmem:v17+s23+$0x0], $0xffff  }
0xfa: {  	v15 =	vmul.f32 v15, v18;
	v18 =	vmul.f32 $1.000000000e+01, v5;
	v20 =	vmax.f32 v20, $0.0e+00;
	v16 =	vld.idx.msk [tilespmem:v16+s24+$0x0], $0xffff  }
0xfb: {  	v10 =	vmax.f32 v10, $0.0e+00;
	v4 =	vadd.f32 v14, v4;
	v14 =	vmin.f32 v20, $1.950000000e+01;
	v17 =	vld.idx.msk [tilespmem:v17+s24+$0x0], $0xffff  }
0xfc: {  	v15 =	vadd.f32 v8, v15;
	v20 =	vmin.f32 v10, $1.950000000e+01;
	v14 =	vtrunc.f32 v14;
	v10 =	vld [tilespmem:s29+$0x1610]  }
0xfd: {  	v20 =	vtrunc.f32 v20;
	v14 =	vcvt.f32.s32 v14;
	v8 =	vld [tilespmem:s2+$0x1230];
	[tilespmem:s28+$0xD650] =	vst v4  }
0xfe: {  	v4 =	vadd.f32 $1.000000000e+01, v25;
	v9 =	vmul.f32 v19, v9;
	[tilespmem:s2+$0xD200] =	vst v15;
	v15 =	vcvt.f32.s32 v20;
	v20 =	vld.idx.msk [tilespmem:v11+s23+$0x0], $0xffff  }
0xff: {  	v23 =	vmul.f32 $1.000000000e+01, v1;
	v18 =	vadd.f32 $1.000000000e+01, v18;
	v21 =	vmul.f32 v26, v21;
	v19 =	vld.idx.msk [tilespmem:v22+s23+$0x0], $0xffff  }
0x100: {  	v24 =	vmul.f32 $1.000000000e+01, v2;
	v4 =	vmax.f32 v4, $0.0e+00;
	v9 =	vadd.f32 v16, v9;
	v11 =	vld.idx.msk [tilespmem:v11+s24+$0x0], $0xffff  }
0x101: {  	v18 =	vmax.f32 v18, $0.0e+00;
	v17 =	vadd.f32 v17, v21;
	v4 =	vmin.f32 v4, $1.950000000e+01;
	v16 =	vld.idx.msk [tilespmem:v22+s24+$0x0], $0xffff  }
0x102: {  	v18 =	vmin.f32 v18, $1.950000000e+01;
	v21 =	vmul.f32 $1.000000000e+01, v10;
	v22 =	vtrunc.f32 v4;
	v4 =	vld [tilespmem:s28+$0x1A10];
	[tilespmem:s26+$0xDA40] =	vst v9  }
0x103: {  	v9 =	vtrunc.f32 v18;
	[tilespmem:s29+$0xD270] =	vst v17;
	v17 =	vcvt.f32.s32 v22;
	v18 =	vld.idx.msk [tilespmem:v14+s23+$0x0], $0xffff;
	v22 =	vadd.f32 $1.000000000e+01, v23  }
0x104: {  	v9 =	vcvt.f32.s32 v9;
	v21 =	vadd.f32 $1.000000000e+01, v21;
	v7 =	vmul.f32 v20, v7;
	v23 =	vld.idx.msk [tilespmem:v15+s23+$0x0], $0xffff  }
0x105: {  	v13 =	vmul.f32 v19, v13;
	v19 =	vmul.f32 $1.000000000e+01, v8;
	v14 =	vld.idx.msk [tilespmem:v14+s24+$0x0], $0xffff;
	v20 =	vmax.f32 v22, $0.0e+00  }
0x106: {  	v7 =	vadd.f32 v11, v7;
	v22 =	vld.idx.msk [tilespmem:v15+s24+$0x0], $0xffff;
	v15 =	vmax.f32 v21, $0.0e+00;
	v11 =	vmin.f32 v20, $1.950000000e+01  }
0x107: {  	v13 =	vadd.f32 v16, v13;
	v16 =	vmin.f32 v15, $1.950000000e+01;
	v20 =	vld [tilespmem:s29+$0x1620];
	v11 =	vtrunc.f32 v11  }
0x108: {  	v15 =	vld [tilespmem:s2+$0x1240];
	v16 =	vtrunc.f32 v16;
	[tilespmem:s28+$0xD660] =	vst v7;
	v7 =	vcvt.f32.s32 v11  }
0x109: {  	v6 =	vmul.f32 v18, v6;
	[tilespmem:s2+$0xD210] =	vst v13;
	v11 =	vcvt.f32.s32 v16;
	v13 =	vld.idx.msk [tilespmem:v17+s23+$0x0], $0xffff;
	v16 =	vadd.f32 $1.000000000e+01, v24  }
0x10a: {  	v19 =	vadd.f32 $1.000000000e+01, v19;
	v21 =	vmul.f32 $1.000000000e+01, v0;
	v12 =	vmul.f32 v23, v12;
	v18 =	vld.idx.msk [tilespmem:v9+s23+$0x0], $0xffff  }
0x10b: {  	v23 =	vmul.f32 $1.000000000e+01, v4;
	v6 =	vadd.f32 v14, v6;
	v17 =	vld.idx.msk [tilespmem:v17+s24+$0x0], $0xffff;
	v16 =	vmax.f32 v16, $0.0e+00  }
0x10c: {  	v14 =	vmax.f32 v19, $0.0e+00;
	v12 =	vadd.f32 v22, v12;
	v9 =	vld.idx.msk [tilespmem:v9+s24+$0x0], $0xffff;
	v16 =	vmin.f32 v16, $1.950000000e+01  }
0x10d: {  	v14 =	vmin.f32 v14, $1.950000000e+01;
	v19 =	vmul.f32 $1.000000000e+01, v20;
	v16 =	vtrunc.f32 v16;
	v22 =	vld [tilespmem:s28+$0x1A70];
	[tilespmem:s26+$0xDA50] =	vst v6  }
0x10e: {  	v6 =	vtrunc.f32 v14;
	[tilespmem:s29+$0xD600] =	vst v12;
	v12 =	vcvt.f32.s32 v16;
	v14 =	vld.idx.msk [tilespmem:v7+s23+$0x0], $0xffff;
	v16 =	vadd.f32 $1.000000000e+01, v21  }
0x10f: {  	v21 =	vcvt.f32.s32 v6;
	v6 =	vadd.f32 $1.000000000e+01, v19;
	v3 =	vmul.f32 v13, v3;
	v24 =	vld.idx.msk [tilespmem:v11+s23+$0x0], $0xffff  }
0x110: {  	v13 =	vmul.f32 $1.000000000e+01, v15;
	v5 =	vmul.f32 v18, v5;
	v7 =	vld.idx.msk [tilespmem:v7+s24+$0x0], $0xffff;
	v16 =	vmax.f32 v16, $0.0e+00  }
0x111: {  	v6 =	vmax.f32 v6, $0.0e+00;
	v17 =	vadd.f32 v17, v3;
	v11 =	vld.idx.msk [tilespmem:v11+s24+$0x0], $0xffff;
	v16 =	vmin.f32 v16, $1.950000000e+01  }
0x112: {  	v5 =	vadd.f32 v9, v5;
	v6 =	vmin.f32 v6, $1.950000000e+01;
	v3 =	vld [tilespmem:s28+$0x1A20];
	v9 =	vtrunc.f32 v16  }
0x113: {  	v16 =	vtrunc.f32 v6;
	v6 =	vld [tilespmem:s29+$0x1630];
	[tilespmem:s28+$0xD670] =	vst v17;
	v9 =	vcvt.f32.s32 v9  }
0x114: {  	v17 =	vadd.f32 $1.000000000e+01, v23;
	v1 =	vmul.f32 v14, v1;
	[tilespmem:s2+$0xD220] =	vst v5;
	v5 =	vcvt.f32.s32 v16;
	v16 =	vld.idx.msk [tilespmem:v12+s23+$0x0], $0xffff  }
0x115: {  	v13 =	vadd.f32 $1.000000000e+01, v13;
	v10 =	vmul.f32 v24, v10;
	v14 =	vld.idx.msk [tilespmem:v21+s23+$0x0], $0xffff  }
0x116: {  	v17 =	vmax.f32 v17, $0.0e+00;
	v1 =	vadd.f32 v7, v1;
	v12 =	vld.idx.msk [tilespmem:v12+s24+$0x0], $0xffff  }
0x117: {  	v7 =	vmax.f32 v13, $0.0e+00;
	v10 =	vadd.f32 v11, v10;
	v11 =	vmin.f32 v17, $1.950000000e+01;
	v18 =	vld.idx.msk [tilespmem:v21+s24+$0x0], $0xffff  }
0x118: {  	v13 =	vmin.f32 v7, $1.950000000e+01;
	v11 =	vtrunc.f32 v11;
	v7 =	vld [tilespmem:s2+$0x1250];
	v17 =	vmul.f32 $1.000000000e+01, v6;
	[tilespmem:s26+$0xDA60] =	vst v1  }
0x119: {  	v1 =	vtrunc.f32 v13;
	v11 =	vcvt.f32.s32 v11;
	[tilespmem:s29+$0xD610] =	vst v10;
	v13 =	vld.idx.msk [tilespmem:v9+s23+$0x0], $0xffff  }
0x11a: {  	v19 =	vcvt.f32.s32 v1;
	v2 =	vmul.f32 v16, v2;
	v21 =	vld.idx.msk [tilespmem:v5+s23+$0x0], $0xffff;
	v1 =	vadd.f32 $1.000000000e+01, v17  }
0x11b: {  	v8 =	vmul.f32 v14, v8;
	v14 =	vld.idx.msk [tilespmem:v9+s24+$0x0], $0xffff  }
0x11c: {  	v2 =	vadd.f32 v12, v2;
	v17 =	vld.idx.msk [tilespmem:v5+s24+$0x0], $0xffff;
	v1 =	vmax.f32 v1, $0.0e+00  }
0x11d: {  	v9 =	vmul.f32 $1.000000000e+01, v3;
	v8 =	vadd.f32 v18, v8;
	v5 =	vmin.f32 v1, $1.950000000e+01;
	v1 =	vld [tilespmem:s28+$0x1A60]  }
0x11e: {  	v12 =	vmul.f32 $1.000000000e+01, v7;
	v10 =	vtrunc.f32 v5;
	v5 =	vld [tilespmem:s29+$0x1640];
	[tilespmem:s28+$0xDA00] =	vst v2  }
0x11f: {  	v2 =	vadd.f32 $1.000000000e+01, v9;
	[tilespmem:s2+$0xD230] =	vst v8;
	v10 =	vcvt.f32.s32 v10;
	v18 =	vld.idx.msk [tilespmem:v11+s23+$0x0], $0xffff;
	v8 =	vmul.f32 v13, v0;
	v0 =	vmovc v22  }
0x120: {  	v12 =	vadd.f32 $1.000000000e+01, v12;
	v13 =	vmul.f32 v21, v20;
	v22 =	vld.idx.msk [tilespmem:v19+s23+$0x0], $0xffff  }
0x121: {  	v2 =	vmax.f32 v2, $0.0e+00;
	v9 =	vld.idx.msk [tilespmem:v11+s24+$0x0], $0xffff;
	v8 =	vadd.f32 v14, v8  }
.Ltmp0:
0x122: {  	v11 =	vmax.f32 v12, $0.0e+00;
	v12 =	vadd.f32 v17, v13;
	v2 =	vmin.f32 v2, $1.950000000e+01;
	v16 =	vld.idx.msk [tilespmem:v19+s24+$0x0], $0xffff;
	(pc) =	sbr.rel @p1 .LBB2_3-.Ltmp0, $4  }
0x123: {  	v11 =	vmin.f32 v11, $1.950000000e+01;
	v14 =	vtrunc.f32 v2;
	v13 =	vmul.f32 $1.000000000e+01, v5;
	v2 =	vld [tilespmem:s28+$0x1A30];
	[tilespmem:s26+$0xDA70] =	vst v8;
	s26 =	smov.u32 s28;
	s28 =	smov.u32 s29;
	s29 =	smov.u32 s2  }
0x124: {  	v17 =	vtrunc.f32 v11;
	v8 =	vcvt.f32.s32 v14;
	v11 =	vld [tilespmem:s29+$0x1260];
	[tilespmem:s28+$0xD620] =	vst v12  }
0x125: {  	s2 =	sshrl.u32 s3, $0x3;
	v17 =	vcvt.f32.s32 v17;
	v12 =	vld.idx.msk [tilespmem:v10+s23+$0x0], $0xffff;
	v14 =	vadd.f32 $1.000000000e+01, v13;
	v13 =	vmul.f32 v18, v4  }
0x126: {  	s0 =	sadd.s32 $0x80, s0;
	s3 =	sadd.s32 $0x1, s3;
	s2 =	smul.u32 $0xC00, s2;
	v15 =	vmul.f32 v22, v15;
	v4 =	vld [tilespmem:s28+$0x1650]  }
0x127: {  	s0 =	sand.u32 $0x380, s0  }
0x128: {  	s3 =	sor.u32 s0, s2  }
0x129: {  	v18 =	vld [tilespmem:s3+$0x1200];
	_ =	sdelay $0x4  }
0x12a: {  	v19 =	vmul.f32 $1.000000000e+01, v18;
	_ =	sdelay $0x1  }
0x12b: {  	v19 =	vadd.f32 $1.000000000e+01, v19;
	_ =	sdelay $0x1  }
0x12c: {  	v19 =	vmax.f32 v19, $0.0e+00  }
0x12d: {  	v20 =	vld [tilespmem:s3+$0x1210];
	v19 =	vmin.f32 v19, $1.950000000e+01  }
0x12e: {  	v19 =	vtrunc.f32 v19  }
0x12f: {  	v19 =	vcvt.f32.s32 v19;
	_ =	sdelay $0x2  }
0x130: {  	v21 =	vmul.f32 $1.000000000e+01, v20;
	_ =	sdelay $0x1  }
0x131: {  	v21 =	vadd.f32 $1.000000000e+01, v21  }
0x132: {  	v22 =	vld.idx.msk [tilespmem:v19+s23+$0x0], $0xffff  }
0x133: {  	v23 =	vld [tilespmem:s3+$0x1220];
	v21 =	vmax.f32 v21, $0.0e+00  }
0x134: {  	v21 =	vmin.f32 v21, $1.950000000e+01;
	v19 =	vld.idx.msk [tilespmem:v19+s24+$0x0], $0xffff  }
0x135: {  	v21 =	vtrunc.f32 v21  }
0x136: {  	v21 =	vcvt.f32.s32 v21  }
0x137: {  	v18 =	vmul.f32 v22, v18;
	_ =	sdelay $0x1  }
0x138: {  	v42 =	vmul.f32 $1.000000000e+01, v23;
	v18 =	vadd.f32 v19, v18;
	_ =	sdelay $0x1  }
0x139: {  	v43 =	vadd.f32 $1.000000000e+01, v42;
	[tilespmem:s3+$0xD200] =	vst v18  }
0x13a: {  	v44 =	vld.idx.msk [tilespmem:v21+s23+$0x0], $0xffff  }
0x13b: {  	v45 =	vld [tilespmem:s3+$0x1230];
	v18 =	vmax.f32 v43, $0.0e+00  }
0x13c: {  	v21 =	vld.idx.msk [tilespmem:v21+s24+$0x0], $0xffff;
	v18 =	vmin.f32 v18, $1.950000000e+01  }
0x13d: {  	v18 =	vtrunc.f32 v18  }
0x13e: {  	v18 =	vcvt.f32.s32 v18  }
0x13f: {  	v19 =	vmul.f32 v44, v20;
	_ =	sdelay $0x1  }
0x140: {  	v46 =	vmul.f32 $1.000000000e+01, v45;
	v19 =	vadd.f32 v21, v19;
	_ =	sdelay $0x1  }
0x141: {  	v47 =	vadd.f32 $1.000000000e+01, v46;
	[tilespmem:s3+$0xD210] =	vst v19  }
0x142: {  	v48 =	vld.idx.msk [tilespmem:v18+s23+$0x0], $0xffff  }
0x143: {  	v49 =	vld [tilespmem:s3+$0x1240];
	v19 =	vmax.f32 v47, $0.0e+00  }
0x144: {  	v18 =	vld.idx.msk [tilespmem:v18+s24+$0x0], $0xffff;
	v19 =	vmin.f32 v19, $1.950000000e+01  }
0x145: {  	v19 =	vtrunc.f32 v19  }
0x146: {  	v19 =	vcvt.f32.s32 v19  }
0x147: {  	v20 =	vmul.f32 v48, v23;
	_ =	sdelay $0x1  }
0x148: {  	v50 =	vmul.f32 $1.000000000e+01, v49;
	v18 =	vadd.f32 v18, v20;
	_ =	sdelay $0x1  }
0x149: {  	v51 =	vadd.f32 $1.000000000e+01, v50;
	[tilespmem:s3+$0xD220] =	vst v18  }
0x14a: {  	v52 =	vld.idx.msk [tilespmem:v19+s23+$0x0], $0xffff  }
0x14b: {  	v53 =	vld [tilespmem:s3+$0x1250];
	v18 =	vmax.f32 v51, $0.0e+00  }
0x14c: {  	v19 =	vld.idx.msk [tilespmem:v19+s24+$0x0], $0xffff;
	v18 =	vmin.f32 v18, $1.950000000e+01  }
0x14d: {  	v18 =	vtrunc.f32 v18  }
0x14e: {  	v18 =	vcvt.f32.s32 v18  }
0x14f: {  	v20 =	vmul.f32 v52, v45;
	_ =	sdelay $0x1  }
0x150: {  	v54 =	vmul.f32 $1.000000000e+01, v53;
	v19 =	vadd.f32 v19, v20;
	_ =	sdelay $0x1  }
0x151: {  	v55 =	vadd.f32 $1.000000000e+01, v54;
	[tilespmem:s3+$0xD230] =	vst v19  }
0x152: {  	v15 =	vadd.f32 v16, v15;
	v58 =	vmul.f32 $1.000000000e+01, v11;
	v56 =	vld.idx.msk [tilespmem:v18+s23+$0x0], $0xffff  }
0x153: {  	v57 =	vld [tilespmem:s3+$0x1260];
	v19 =	vmax.f32 v55, $0.0e+00  }
0x154: {  	[tilespmem:s29+$0xD240] =	vst v15;
	v59 =	vadd.f32 $1.000000000e+01, v58;
	v18 =	vld.idx.msk [tilespmem:v18+s24+$0x0], $0xffff;
	v19 =	vmin.f32 v19, $1.950000000e+01  }
0x155: {  	v60 =	vld.idx.msk [tilespmem:v17+s23+$0x0], $0xffff;
	v19 =	vtrunc.f32 v19  }
0x156: {  	v63 =	vld [tilespmem:s29+$0x1270];
	v15 =	vmax.f32 v59, $0.0e+00;
	v19 =	vcvt.f32.s32 v19  }
0x157: {  	v62 =	vld.idx.msk [tilespmem:v17+s24+$0x0], $0xffff;
	v15 =	vmin.f32 v15, $1.950000000e+01;
	v20 =	vmul.f32 v56, v49  }
0x158: {  	v15 =	vtrunc.f32 v15  }
0x159: {  	v61 =	vmul.f32 $1.000000000e+01, v57;
	v15 =	vcvt.f32.s32 v15;
	v18 =	vadd.f32 v18, v20  }
0x15a: {  	v7 =	vmul.f32 v60, v7  }
0x15b: {  	v24 =	vadd.f32 $1.000000000e+01, v61;
	[tilespmem:s3+$0xD240] =	vst v18  }
0x15c: {  	v28 =	vmul.f32 $1.000000000e+01, v63;
	v7 =	vadd.f32 v62, v7;
	v25 =	vld.idx.msk [tilespmem:v19+s23+$0x0], $0xffff  }
0x15d: {  	v27 =	vld [tilespmem:s3+$0x1270];
	v18 =	vmax.f32 v24, $0.0e+00  }
0x15e: {  	v29 =	vadd.f32 $1.000000000e+01, v28;
	[tilespmem:s29+$0xD250] =	vst v7;
	v19 =	vld.idx.msk [tilespmem:v19+s24+$0x0], $0xffff;
	v26 =	vmin.f32 v18, $1.950000000e+01  }
0x15f: {  	v30 =	vld.idx.msk [tilespmem:v15+s23+$0x0], $0xffff;
	v16 =	vtrunc.f32 v26  }
0x160: {  	v32 =	vld [tilespmem:s29+$0x1600];
	v7 =	vmax.f32 v29, $0.0e+00;
	v16 =	vcvt.f32.s32 v16  }
0x161: {  	v7 =	vmin.f32 v7, $1.950000000e+01;
	v15 =	vld.idx.msk [tilespmem:v15+s24+$0x0], $0xffff;
	v20 =	vmul.f32 v25, v53  }
0x162: {  	v7 =	vtrunc.f32 v7  }
0x163: {  	v31 =	vmul.f32 $1.000000000e+01, v27;
	v7 =	vcvt.f32.s32 v7;
	v19 =	vadd.f32 v19, v20  }
0x164: {  	v35 =	vmul.f32 v30, v11  }
0x165: {  	v33 =	vadd.f32 $1.000000000e+01, v31;
	[tilespmem:s3+$0xD250] =	vst v19  }
0x166: {  	v38 =	vmul.f32 $1.000000000e+01, v32;
	v11 =	vadd.f32 v15, v35;
	v34 =	vld.idx.msk [tilespmem:v16+s23+$0x0], $0xffff  }
0x167: {  	v37 =	vld [tilespmem:s3+$0x1600];
	v19 =	vmax.f32 v33, $0.0e+00  }
0x168: {  	v39 =	vadd.f32 $1.000000000e+01, v38;
	[tilespmem:s29+$0xD260] =	vst v11;
	v16 =	vld.idx.msk [tilespmem:v16+s24+$0x0], $0xffff;
	v36 =	vmin.f32 v19, $1.950000000e+01  }
0x169: {  	v40 =	vld.idx.msk [tilespmem:v7+s23+$0x0], $0xffff;
	v17 =	vtrunc.f32 v36  }
0x16a: {  	v42 =	vld [tilespmem:s29+$0x1610];
	v11 =	vmax.f32 v39, $0.0e+00;
	v17 =	vcvt.f32.s32 v17  }
0x16b: {  	v7 =	vld.idx.msk [tilespmem:v7+s24+$0x0], $0xffff;
	v11 =	vmin.f32 v11, $1.950000000e+01;
	v20 =	vmul.f32 v34, v57  }
0x16c: {  	v11 =	vtrunc.f32 v11  }
0x16d: {  	v41 =	vmul.f32 $1.000000000e+01, v37;
	v11 =	vcvt.f32.s32 v11;
	v16 =	vadd.f32 v16, v20  }
0x16e: {  	v15 =	vmul.f32 v40, v63  }
0x16f: {  	v43 =	vadd.f32 $1.000000000e+01, v41;
	[tilespmem:s3+$0xD260] =	vst v16  }
0x170: {  	v46 =	vmul.f32 $1.000000000e+01, v42;
	v7 =	vadd.f32 v7, v15;
	v44 =	vld.idx.msk [tilespmem:v17+s23+$0x0], $0xffff  }
0x171: {  	v45 =	vld [tilespmem:s3+$0x1610];
	v16 =	vmax.f32 v43, $0.0e+00  }
0x172: {  	[tilespmem:s29+$0xD270] =	vst v7;
	v47 =	vadd.f32 $1.000000000e+01, v46;
	v17 =	vld.idx.msk [tilespmem:v17+s24+$0x0], $0xffff;
	v16 =	vmin.f32 v16, $1.950000000e+01  }
0x173: {  	v48 =	vld.idx.msk [tilespmem:v11+s23+$0x0], $0xffff;
	v16 =	vtrunc.f32 v16  }
0x174: {  	v50 =	vld [tilespmem:s29+$0x1620];
	v7 =	vmax.f32 v47, $0.0e+00;
	v16 =	vcvt.f32.s32 v16  }
0x175: {  	v7 =	vmin.f32 v7, $1.950000000e+01;
	v11 =	vld.idx.msk [tilespmem:v11+s24+$0x0], $0xffff;
	v18 =	vmul.f32 v44, v27  }
0x176: {  	v7 =	vtrunc.f32 v7  }
0x177: {  	v7 =	vcvt.f32.s32 v7;
	v49 =	vmul.f32 $1.000000000e+01, v45;
	v17 =	vadd.f32 v17, v18  }
0x178: {  	v15 =	vmul.f32 v48, v32  }
0x179: {  	v51 =	vadd.f32 $1.000000000e+01, v49;
	[tilespmem:s3+$0xD270] =	vst v17  }
0x17a: {  	v54 =	vmul.f32 $1.000000000e+01, v50;
	v11 =	vadd.f32 v11, v15;
	v52 =	vld.idx.msk [tilespmem:v16+s23+$0x0], $0xffff  }
0x17b: {  	v53 =	vld [tilespmem:s3+$0x1620];
	v17 =	vmax.f32 v51, $0.0e+00  }
0x17c: {  	[tilespmem:s29+$0xD600] =	vst v11;
	v55 =	vadd.f32 $1.000000000e+01, v54;
	v16 =	vld.idx.msk [tilespmem:v16+s24+$0x0], $0xffff;
	v17 =	vmin.f32 v17, $1.950000000e+01  }
0x17d: {  	v56 =	vld.idx.msk [tilespmem:v7+s23+$0x0], $0xffff;
	v17 =	vtrunc.f32 v17  }
0x17e: {  	v58 =	vld [tilespmem:s29+$0x1630];
	v11 =	vmax.f32 v55, $0.0e+00;
	v17 =	vcvt.f32.s32 v17  }
0x17f: {  	v11 =	vmin.f32 v11, $1.950000000e+01;
	v7 =	vld.idx.msk [tilespmem:v7+s24+$0x0], $0xffff;
	v18 =	vmul.f32 v52, v37  }
0x180: {  	v11 =	vtrunc.f32 v11  }
0x181: {  	v11 =	vcvt.f32.s32 v11;
	v57 =	vmul.f32 $1.000000000e+01, v53;
	v16 =	vadd.f32 v16, v18  }
0x182: {  	v15 =	vmul.f32 v56, v42  }
0x183: {  	v59 =	vadd.f32 $1.000000000e+01, v57;
	[tilespmem:s3+$0xD600] =	vst v16  }
0x184: {  	v24 =	vmul.f32 $1.000000000e+01, v58;
	v15 =	vadd.f32 v7, v15;
	v60 =	vld.idx.msk [tilespmem:v17+s23+$0x0], $0xffff  }
0x185: {  	v61 =	vld [tilespmem:s3+$0x1630];
	v16 =	vmax.f32 v59, $0.0e+00  }
0x186: {  	[tilespmem:s29+$0xD610] =	vst v15;
	v25 =	vadd.f32 $1.000000000e+01, v24;
	v17 =	vld.idx.msk [tilespmem:v17+s24+$0x0], $0xffff;
	v16 =	vmin.f32 v16, $1.950000000e+01  }
0x187: {  	v26 =	vld.idx.msk [tilespmem:v11+s23+$0x0], $0xffff;
	v16 =	vtrunc.f32 v16  }
0x188: {  	v29 =	vld [tilespmem:s29+$0x1640];
	v15 =	vmax.f32 v25, $0.0e+00;
	v16 =	vcvt.f32.s32 v16  }
0x189: {  	v62 =	vmax.f32 v14, $0.0e+00;
	v11 =	vld.idx.msk [tilespmem:v11+s24+$0x0], $0xffff;
	v28 =	vmin.f32 v15, $1.950000000e+01;
	v63 =	vmul.f32 v60, v45  }
0x18a: {  	v10 =	vld.idx.msk [tilespmem:v10+s24+$0x0], $0xffff;
	v6 =	vmul.f32 v12, v6;
	v21 =	vmin.f32 v62, $1.950000000e+01;
	v12 =	vtrunc.f32 v28  }
0x18b: {  	v33 =	vcvt.f32.s32 v12;
	v27 =	vmul.f32 $1.000000000e+01, v61;
	v14 =	vadd.f32 v17, v63  }
0x18c: {  	v9 =	vadd.f32 v9, v13;
	v35 =	vmul.f32 v26, v50;
	v18 =	vtrunc.f32 v21  }
0x18d: {  	v46 =	vld [tilespmem:s29+$0x1650];
	v30 =	vadd.f32 $1.000000000e+01, v27;
	v18 =	vcvt.f32.s32 v18;
	[tilespmem:s3+$0xD610] =	vst v14  }
0x18e: {  	[tilespmem:s26+$0xDA10] =	vst v9;
	v41 =	vmul.f32 $1.000000000e+01, v29;
	v9 =	vadd.f32 v11, v35;
	v32 =	vld.idx.msk [tilespmem:v16+s23+$0x0], $0xffff  }
0x18f: {  	v6 =	vadd.f32 v10, v6;
	v36 =	vld [tilespmem:s3+$0x1640];
	v14 =	vmax.f32 v30, $0.0e+00  }
0x190: {  	v31 =	vmul.f32 $1.000000000e+01, v4;
	[tilespmem:s29+$0xD620] =	vst v9;
	v43 =	vadd.f32 $1.000000000e+01, v41;
	v34 =	vld.idx.msk [tilespmem:v16+s24+$0x0], $0xffff;
	v14 =	vmin.f32 v14, $1.950000000e+01  }
0x191: {  	v44 =	vld.idx.msk [tilespmem:v33+s23+$0x0], $0xffff;
	v39 =	vtrunc.f32 v14  }
0x192: {  	[tilespmem:s28+$0xD630] =	vst v6;
	v38 =	vadd.f32 $1.000000000e+01, v31;
	v10 =	vld.idx.msk [tilespmem:v33+s24+$0x0], $0xffff;
	v9 =	vmax.f32 v43, $0.0e+00;
	v13 =	vcvt.f32.s32 v39  }
0x193: {  	v9 =	vmin.f32 v9, $1.950000000e+01;
	v40 =	vld.idx.msk [tilespmem:v18+s23+$0x0], $0xffff;
	v17 =	vmul.f32 v32, v53  }
0x194: {  	v6 =	vmax.f32 v38, $0.0e+00;
	v42 =	vld [tilespmem:s28+$0x1660];
	v9 =	vtrunc.f32 v9  }
0x195: {  	v9 =	vcvt.f32.s32 v9;
	v18 =	vld.idx.msk [tilespmem:v18+s24+$0x0], $0xffff;
	v45 =	vmul.f32 $1.000000000e+01, v36;
	v12 =	vadd.f32 v34, v17  }
0x196: {  	v6 =	vmin.f32 v6, $1.950000000e+01;
	v11 =	vmul.f32 v44, v58  }
0x197: {  	v6 =	vtrunc.f32 v6;
	v47 =	vadd.f32 $1.000000000e+01, v45;
	[tilespmem:s3+$0xD620] =	vst v12  }
0x198: {  	v6 =	vcvt.f32.s32 v6;
	v10 =	vadd.f32 v10, v11;
	v5 =	vmul.f32 v40, v5;
	v48 =	vld.idx.msk [tilespmem:v13+s23+$0x0], $0xffff  }
0x199: {  	v49 =	vmul.f32 $1.000000000e+01, v42;
	v17 =	vld [tilespmem:s3+$0x1650];
	v12 =	vmax.f32 v47, $0.0e+00  }
0x19a: {  	v51 =	vmul.f32 $1.000000000e+01, v46;
	[tilespmem:s29+$0xD630] =	vst v10;
	v5 =	vadd.f32 v18, v5;
	v13 =	vld.idx.msk [tilespmem:v13+s24+$0x0], $0xffff;
	v12 =	vmin.f32 v12, $1.950000000e+01  }
0x19b: {  	v56 =	vld.idx.msk [tilespmem:v9+s23+$0x0], $0xffff;
	v12 =	vtrunc.f32 v12  }
0x19c: {  	v19 =	vadd.f32 $1.000000000e+01, v49;
	v9 =	vld.idx.msk [tilespmem:v9+s24+$0x0], $0xffff;
	[tilespmem:s28+$0xD640] =	vst v5;
	v5 =	vadd.f32 $1.000000000e+01, v51;
	v52 =	vcvt.f32.s32 v12  }
0x19d: {  	v59 =	vld [tilespmem:s29+$0x1660];
	v14 =	vmul.f32 v48, v61  }
0x19e: {  	v55 =	vmax.f32 v19, $0.0e+00;
	v53 =	vld.idx.msk [tilespmem:v6+s23+$0x0], $0xffff;
	v5 =	vmax.f32 v5, $0.0e+00  }
0x19f: {  	v18 =	vld [tilespmem:s28+$0x1670];
	v5 =	vmin.f32 v5, $1.950000000e+01;
	v57 =	vmul.f32 $1.000000000e+01, v17;
	v13 =	vadd.f32 v13, v14  }
0x1a0: {  	v10 =	vmin.f32 v55, $1.950000000e+01;
	v6 =	vld.idx.msk [tilespmem:v6+s24+$0x0], $0xffff;
	v5 =	vtrunc.f32 v5  }
0x1a1: {  	v25 =	vld [tilespmem:s3+$0x1660];
	v10 =	vtrunc.f32 v10;
	v5 =	vcvt.f32.s32 v5;
	v60 =	vadd.f32 $1.000000000e+01, v57;
	[tilespmem:s3+$0xD630] =	vst v13  }
0x1a2: {  	v10 =	vcvt.f32.s32 v10;
	v28 =	vmul.f32 v56, v29;
	v61 =	vld.idx.msk [tilespmem:v52+s23+$0x0], $0xffff  }
0x1a3: {  	v37 =	vld.idx.msk [tilespmem:v8+s23+$0x0], $0xffff;
	v12 =	vmul.f32 v53, v4;
	v62 =	vmax.f32 v60, $0.0e+00  }
0x1a4: {  	v9 =	vadd.f32 v9, v28;
	v26 =	vmul.f32 $1.000000000e+01, v59;
	v29 =	vmin.f32 v62, $1.950000000e+01;
	v11 =	vld.idx.msk [tilespmem:v52+s24+$0x0], $0xffff  }
0x1a5: {  	v30 =	vmul.f32 $1.000000000e+01, v18;
	v6 =	vadd.f32 v6, v12;
	v31 =	vtrunc.f32 v29  }
0x1a6: {  	v54 =	vmul.f32 $1.000000000e+01, v2;
	v50 =	vld.idx.msk [tilespmem:v8+s24+$0x0], $0xffff;
	[tilespmem:s29+$0xD640] =	vst v9;
	v34 =	vadd.f32 $1.000000000e+01, v26;
	v12 =	vcvt.f32.s32 v31  }
0x1a7: {  	v32 =	vadd.f32 $1.000000000e+01, v30;
	v35 =	vld.idx.msk [tilespmem:v5+s23+$0x0], $0xffff;
	[tilespmem:s28+$0xD650] =	vst v6;
	v16 =	vmul.f32 v61, v36  }
0x1a8: {  	v58 =	vadd.f32 $1.000000000e+01, v54;
	v3 =	vmul.f32 v37, v3;
	v9 =	vmax.f32 v34, $0.0e+00;
	v33 =	vld.idx.msk [tilespmem:v10+s23+$0x0], $0xffff  }
0x1a9: {  	v5 =	vld.idx.msk [tilespmem:v5+s24+$0x0], $0xffff;
	v6 =	vmax.f32 v32, $0.0e+00;
	v36 =	vmul.f32 $1.000000000e+01, v25;
	v11 =	vadd.f32 v11, v16  }
0x1aa: {  	v9 =	vmin.f32 v9, $1.950000000e+01;
	v14 =	vmax.f32 v58, $0.0e+00;
	v10 =	vld.idx.msk [tilespmem:v10+s24+$0x0], $0xffff;
	v6 =	vmin.f32 v6, $1.950000000e+01  }
0x1ab: {  	v63 =	vmin.f32 v14, $1.950000000e+01;
	v14 =	vld [tilespmem:s29+$0x1670];
	v6 =	vtrunc.f32 v6;
	v37 =	vadd.f32 $1.000000000e+01, v36;
	[tilespmem:s3+$0xD640] =	vst v11  }
0x1ac: {  	v38 =	vtrunc.f32 v9;
	v6 =	vcvt.f32.s32 v6;
	v39 =	vld.idx.msk [tilespmem:v12+s23+$0x0], $0xffff  }
0x1ad: {  	v40 =	vld [tilespmem:s3+$0x1670];
	v8 =	vcvt.f32.s32 v38;
	v19 =	vmul.f32 v33, v42;
	v41 =	vmax.f32 v37, $0.0e+00  }
0x1ae: {  	v3 =	vadd.f32 v50, v3;
	v42 =	vmul.f32 v35, v46;
	v43 =	vld.idx.msk [tilespmem:v12+s24+$0x0], $0xffff;
	v44 =	vmin.f32 v41, $1.950000000e+01  }
0x1af: {  	v7 =	vld [tilespmem:s26+$0x1A40];
	v10 =	vadd.f32 v10, v19;
	v12 =	vtrunc.f32 v44  }
0x1b0: {  	v15 =	vld [tilespmem:s28+$0x1A00];
	[tilespmem:s26+$0xDA20] =	vst v3;
	v46 =	vmul.f32 $1.000000000e+01, v14;
	v3 =	vadd.f32 v5, v42;
	v47 =	vcvt.f32.s32 v12  }
0x1b1: {  	v49 =	vld [tilespmem:s29+$0x1A00];
	[tilespmem:s28+$0xD660] =	vst v10;
	v16 =	vmul.f32 v39, v17  }
0x1b2: {  	v51 =	vadd.f32 $1.000000000e+01, v46;
	[tilespmem:s29+$0xD650] =	vst v3;
	v50 =	vld.idx.msk [tilespmem:v6+s23+$0x0], $0xffff  }
0x1b3: {  	v53 =	vmul.f32 $1.000000000e+01, v40;
	v52 =	vld.idx.msk [tilespmem:v8+s23+$0x0], $0xffff;
	v11 =	vadd.f32 v43, v16  }
0x1b4: {  	v6 =	vld.idx.msk [tilespmem:v6+s24+$0x0], $0xffff;
	v3 =	vmax.f32 v51, $0.0e+00  }
0x1b5: {  	v54 =	vadd.f32 $1.000000000e+01, v53;
	v8 =	vld.idx.msk [tilespmem:v8+s24+$0x0], $0xffff;
	v3 =	vmin.f32 v3, $1.950000000e+01;
	[tilespmem:s3+$0xD650] =	vst v11  }
0x1b6: {  	v45 =	vmul.f32 $1.000000000e+01, v15;
	v3 =	vtrunc.f32 v3;
	v55 =	vld.idx.msk [tilespmem:v47+s23+$0x0], $0xffff  }
0x1b7: {  	v57 =	vld [tilespmem:s3+$0x1A00];
	v60 =	vmul.f32 $1.000000000e+01, v49;
	v58 =	vmax.f32 v54, $0.0e+00;
	v56 =	vcvt.f32.s32 v3  }
0x1b8: {  	v21 =	vmul.f32 v52, v59;
	v17 =	vmul.f32 v50, v18;
	v11 =	vmin.f32 v58, $1.950000000e+01;
	v5 =	vld.idx.msk [tilespmem:v47+s24+$0x0], $0xffff  }
0x1b9: {  	v24 =	vld [tilespmem:s29+$0x1A10];
	v48 =	vadd.f32 $1.000000000e+01, v45;
	v13 =	vtrunc.f32 v63;
	v59 =	vtrunc.f32 v11  }
0x1ba: {  	v27 =	vld [tilespmem:s3+$0x1A20];
	v8 =	vadd.f32 v8, v21;
	v6 =	vadd.f32 v6, v17;
	v17 =	vcvt.f32.s32 v59  }
0x1bb: {  	v4 =	vld [tilespmem:s26+$0x1A50];
	v13 =	vcvt.f32.s32 v13;
	v10 =	vmax.f32 v48, $0.0e+00;
	v62 =	vmul.f32 v55, v25  }
0x1bc: {  	v28 =	vadd.f32 $1.000000000e+01, v60;
	v19 =	vld [tilespmem:s28+$0x1A10];
	v10 =	vmin.f32 v10, $1.950000000e+01;
	[tilespmem:s29+$0xD660] =	vst v8  }
0x1bd: {  	v30 =	vmul.f32 $1.000000000e+01, v57;
	v10 =	vtrunc.f32 v10;
	v29 =	vld.idx.msk [tilespmem:v56+s23+$0x0], $0xffff;
	v5 =	vadd.f32 v5, v62  }
0x1be: {  	v35 =	vld [tilespmem:s3+$0x1A10];
	v10 =	vcvt.f32.s32 v10;
	v8 =	vmax.f32 v28, $0.0e+00  }
0x1bf: {  	v33 =	vadd.f32 $1.000000000e+01, v30;
	v18 =	vld.idx.msk [tilespmem:v56+s24+$0x0], $0xffff;
	v8 =	vmin.f32 v8, $1.950000000e+01;
	[tilespmem:s3+$0xD660] =	vst v5  }
0x1c0: {  	v8 =	vtrunc.f32 v8;
	v34 =	vld.idx.msk [tilespmem:v17+s23+$0x0], $0xffff  }
0x1c1: {  	v9 =	vld.idx.msk [tilespmem:v13+s23+$0x0], $0xffff;
	v8 =	vcvt.f32.s32 v8;
	v5 =	vmax.f32 v33, $0.0e+00  }
0x1c2: {  	v61 =	vmul.f32 $1.000000000e+01, v19;
	v14 =	vmul.f32 v29, v14;
	v17 =	vld.idx.msk [tilespmem:v17+s24+$0x0], $0xffff;
	v5 =	vmin.f32 v5, $1.950000000e+01  }
0x1c3: {  	v13 =	vld.idx.msk [tilespmem:v13+s24+$0x0], $0xffff;
	v37 =	vmul.f32 $1.000000000e+01, v24;
	[tilespmem:s28+$0xD670] =	vst v6;
	v36 =	vtrunc.f32 v5  }
0x1c4: {  	v21 =	vadd.f32 $1.000000000e+01, v61;
	v63 =	vld.idx.msk [tilespmem:v10+s23+$0x0], $0xffff;
	v14 =	vadd.f32 v18, v14;
	v16 =	vcvt.f32.s32 v36  }
0x1c5: {  	v11 =	vld [tilespmem:s28+$0x1A20];
	v20 =	vmul.f32 v34, v40  }
0x1c6: {  	v41 =	vmul.f32 $1.000000000e+01, v35;
	v38 =	vadd.f32 $1.000000000e+01, v37;
	v32 =	vmax.f32 v21, $0.0e+00;
	v31 =	vld.idx.msk [tilespmem:v10+s24+$0x0], $0xffff;
	[tilespmem:s29+$0xD670] =	vst v14  }
0x1c7: {  	v10 =	vmin.f32 v32, $1.950000000e+01;
	v40 =	vld.idx.msk [tilespmem:v8+s23+$0x0], $0xffff;
	v17 =	vadd.f32 v17, v20  }
0x1c8: {  	v43 =	vadd.f32 $1.000000000e+01, v41;
	v41 =	vld [tilespmem:s3+$0x1A40];
	v10 =	vtrunc.f32 v10;
	v14 =	vmax.f32 v38, $0.0e+00  }
0x1c9: {  	v10 =	vcvt.f32.s32 v10;
	v15 =	vmul.f32 v63, v15;
	v14 =	vmin.f32 v14, $1.950000000e+01;
	v8 =	vld.idx.msk [tilespmem:v8+s24+$0x0], $0xffff;
	[tilespmem:s3+$0xD670] =	vst v17  }
0x1ca: {  	v44 =	vmul.f32 $1.000000000e+01, v11;
	v14 =	vtrunc.f32 v14;
	v45 =	vld.idx.msk [tilespmem:v16+s23+$0x0], $0xffff  }
0x1cb: {  	v18 =	vld [tilespmem:s29+$0x1A20];
	v15 =	vadd.f32 v31, v15;
	v14 =	vcvt.f32.s32 v14;
	v17 =	vmax.f32 v43, $0.0e+00  }
0x1cc: {  	v22 =	vadd.f32 $1.000000000e+01, v44;
	v12 =	vmul.f32 v40, v49;
	v46 =	vld.idx.msk [tilespmem:v16+s24+$0x0], $0xffff;
	v47 =	vmin.f32 v17, $1.950000000e+01  }
0x1cd: {  	v6 =	vld [tilespmem:s28+$0x1A60];
	v50 =	vtrunc.f32 v47  }
0x1ce: {  	[tilespmem:s28+$0xDA00] =	vst v15;
	v51 =	vmax.f32 v22, $0.0e+00;
	v22 =	vld [tilespmem:s28+$0x1A30];
	v12 =	vadd.f32 v8, v12;
	v28 =	vcvt.f32.s32 v50  }
0x1cf: {  	v39 =	vmul.f32 $1.000000000e+01, v7;
	v42 =	vld.idx.msk [tilespmem:v10+s23+$0x0], $0xffff;
	v23 =	vmul.f32 v45, v57  }
0x1d0: {  	v53 =	vmul.f32 $1.000000000e+01, v18;
	v49 =	vld.idx.msk [tilespmem:v10+s24+$0x0], $0xffff;
	[tilespmem:s29+$0xDA00] =	vst v12  }
0x1d1: {  	v21 =	vadd.f32 $1.000000000e+01, v39;
	v55 =	vmul.f32 $1.000000000e+01, v27;
	v12 =	vld.idx.msk [tilespmem:v14+s23+$0x0], $0xffff;
	v15 =	vadd.f32 v46, v23  }
0x1d2: {  	v52 =	vmin.f32 v51, $1.950000000e+01;
	v16 =	vadd.f32 $1.000000000e+01, v53;
	v14 =	vld.idx.msk [tilespmem:v14+s24+$0x0], $0xffff  }
0x1d3: {  	v21 =	vmax.f32 v21, $0.0e+00;
	v54 =	vtrunc.f32 v52;
	v23 =	vadd.f32 $1.000000000e+01, v55;
	[tilespmem:s3+$0xDA00] =	vst v15;
	v15 =	vld [tilespmem:s29+$0x1A30]  }
0x1d4: {  	v58 =	vmul.f32 v9, v2;
	v26 =	vcvt.f32.s32 v54;
	v16 =	vmax.f32 v16, $0.0e+00;
	v57 =	vld.idx.msk [tilespmem:v28+s23+$0x0], $0xffff  }
0x1d5: {  	v56 =	vmul.f32 $1.000000000e+01, v22;
	v16 =	vmin.f32 v16, $1.950000000e+01;
	v23 =	vmax.f32 v23, $0.0e+00;
	v28 =	vld.idx.msk [tilespmem:v28+s24+$0x0], $0xffff  }
0x1d6: {  	v19 =	vmul.f32 v42, v19;
	v16 =	vtrunc.f32 v16;
	v60 =	vmin.f32 v23, $1.950000000e+01;
	v23 =	vld [tilespmem:s3+$0x1A30]  }
0x1d7: {  	v20 =	vadd.f32 $1.000000000e+01, v56;
	v43 =	vld [tilespmem:s28+$0x1A50];
	v59 =	vcvt.f32.s32 v16;
	v16 =	vtrunc.f32 v60  }
0x1d8: {  	v10 =	vld [tilespmem:s28+$0x1A40];
	v19 =	vadd.f32 v49, v19;
	v12 =	vmul.f32 v12, v24;
	v16 =	vcvt.f32.s32 v16  }
0x1d9: {  	v48 =	vmin.f32 v21, $1.950000000e+01;
	v32 =	vld [tilespmem:s29+$0x1A40];
	v2 =	vadd.f32 v13, v58;
	v21 =	vmul.f32 v57, v35  }
0x1da: {  	v5 =	vld [tilespmem:s29+$0x1A70];
	v61 =	vmax.f32 v20, $0.0e+00;
	[tilespmem:s28+$0xDA10] =	vst v19;
	v12 =	vadd.f32 v14, v12;
	v29 =	vmul.f32 $1.000000000e+01, v15  }
0x1db: {  	v17 =	vtrunc.f32 v48;
	v62 =	vld.idx.msk [tilespmem:v26+s23+$0x0], $0xffff;
	v36 =	vmul.f32 $1.000000000e+01, v23;
	v35 =	vadd.f32 v28, v21  }
0x1dc: {  	v17 =	vcvt.f32.s32 v17;
	v56 =	vmul.f32 $1.000000000e+01, v43;
	v63 =	vld.idx.msk [tilespmem:v26+s24+$0x0], $0xffff;
	[tilespmem:s29+$0xDA10] =	vst v12;
	v34 =	vadd.f32 $1.000000000e+01, v29  }
0x1dd: {  	v42 =	vmul.f32 $1.000000000e+01, v10;
	v19 =	vmin.f32 v61, $1.950000000e+01;
	v37 =	vld.idx.msk [tilespmem:v59+s23+$0x0], $0xffff;
	v38 =	vadd.f32 $1.000000000e+01, v36;
	[tilespmem:s3+$0xDA10] =	vst v35  }
0x1de: {  	v49 =	vmul.f32 $1.000000000e+01, v41;
	v31 =	vtrunc.f32 v19;
	v12 =	vmax.f32 v34, $0.0e+00;
	v40 =	vld.idx.msk [tilespmem:v16+s23+$0x0], $0xffff  }
0x1df: {  	[tilespmem:s26+$0xDA30] =	vst v2;
	v2 =	vcvt.f32.s32 v31;
	v9 =	vld.idx.msk [tilespmem:v59+s24+$0x0], $0xffff;
	v12 =	vmin.f32 v12, $1.950000000e+01;
	v13 =	vmax.f32 v38, $0.0e+00  }
0x1e0: {  	v11 =	vmul.f32 v62, v11;
	v12 =	vtrunc.f32 v12;
	v16 =	vld.idx.msk [tilespmem:v16+s24+$0x0], $0xffff;
	v13 =	vmin.f32 v13, $1.950000000e+01  }
0x1e1: {  	v47 =	vld [tilespmem:s29+$0x1A50];
	v58 =	vadd.f32 $1.000000000e+01, v56;
	v12 =	vcvt.f32.s32 v12;
	v13 =	vtrunc.f32 v13  }
0x1e2: {  	v33 =	vld.idx.msk [tilespmem:v17+s23+$0x0], $0xffff;
	v11 =	vadd.f32 v63, v11;
	v18 =	vmul.f32 v37, v18;
	v13 =	vcvt.f32.s32 v13  }
0x1e3: {  	v17 =	vld.idx.msk [tilespmem:v17+s24+$0x0], $0xffff;
	v44 =	vadd.f32 $1.000000000e+01, v42;
	v46 =	vmul.f32 $1.000000000e+01, v32;
	v21 =	vmul.f32 v40, v27  }
0x1e4: {  	v30 =	vmul.f32 $1.000000000e+01, v4;
	v52 =	vadd.f32 $1.000000000e+01, v49;
	v55 =	vld [tilespmem:s3+$0x1A50];
	[tilespmem:s28+$0xDA20] =	vst v11;
	v9 =	vadd.f32 v9, v18  }
0x1e5: {  	v50 =	vmul.f32 $1.000000000e+01, v1;
	v48 =	vadd.f32 $1.000000000e+01, v46;
	v45 =	vld.idx.msk [tilespmem:v2+s23+$0x0], $0xffff;
	v16 =	vadd.f32 v16, v21  }
0x1e6: {  	v46 =	vmul.f32 $1.000000000e+01, v5;
	v24 =	vadd.f32 $1.000000000e+01, v30;
	v11 =	vmax.f32 v44, $0.0e+00;
	v2 =	vld.idx.msk [tilespmem:v2+s24+$0x0], $0xffff;
	[tilespmem:s29+$0xDA20] =	vst v9  }
0x1e7: {  	v30 =	vmul.f32 $1.000000000e+01, v6;
	v60 =	vmul.f32 $1.000000000e+01, v47;
	v11 =	vmin.f32 v11, $1.950000000e+01;
	v51 =	vld.idx.msk [tilespmem:v12+s23+$0x0], $0xffff;
	[tilespmem:s3+$0xDA20] =	vst v16  }
0x1e8: {  	v7 =	vmul.f32 v33, v7;
	v11 =	vtrunc.f32 v11;
	v9 =	vmax.f32 v48, $0.0e+00;
	v53 =	vld.idx.msk [tilespmem:v13+s23+$0x0], $0xffff  }
0x1e9: {  	v11 =	vcvt.f32.s32 v11;
	v9 =	vmin.f32 v9, $1.950000000e+01;
	v12 =	vld.idx.msk [tilespmem:v12+s24+$0x0], $0xffff;
	v16 =	vmax.f32 v52, $0.0e+00  }
0x1ea: {  	v54 =	vmul.f32 v45, v22;
	v9 =	vtrunc.f32 v9;
	v13 =	vld.idx.msk [tilespmem:v13+s24+$0x0], $0xffff;
	v16 =	vmin.f32 v16, $1.950000000e+01  }
0x1eb: {  	v39 =	vmax.f32 v24, $0.0e+00;
	v9 =	vcvt.f32.s32 v9;
	v16 =	vtrunc.f32 v16  }
0x1ec: {  	v2 =	vadd.f32 v2, v54;
	v15 =	vmul.f32 v51, v15;
	v16 =	vcvt.f32.s32 v16  }
0x1ed: {  	v8 =	vld [tilespmem:s29+$0x1A60];
	v14 =	vmin.f32 v39, $1.950000000e+01;
	v7 =	vadd.f32 v17, v7;
	v61 =	vmul.f32 v53, v23  }
0x1ee: {  	v14 =	vtrunc.f32 v14;
	v57 =	vadd.f32 $1.000000000e+01, v50;
	v29 =	vld [tilespmem:s3+$0x1A60];
	[tilespmem:s28+$0xDA30] =	vst v2;
	v12 =	vadd.f32 v12, v15  }
0x1ef: {  	v14 =	vcvt.f32.s32 v14;
	v63 =	vmul.f32 $1.000000000e+01, v55;
	[tilespmem:s26+$0xDA40] =	vst v7;
	v62 =	vld.idx.msk [tilespmem:v11+s23+$0x0], $0xffff;
	v13 =	vadd.f32 v13, v61  }
0x1f0: {  	v7 =	vmax.f32 v57, $0.0e+00;
	v18 =	vmax.f32 v58, $0.0e+00;
	v2 =	vadd.f32 $1.000000000e+01, v60;
	v11 =	vld.idx.msk [tilespmem:v11+s24+$0x0], $0xffff;
	[tilespmem:s29+$0xDA30] =	vst v12  }
0x1f1: {  	v7 =	vmin.f32 v7, $1.950000000e+01;
	v23 =	vmin.f32 v18, $1.950000000e+01;
	v12 =	vadd.f32 $1.000000000e+01, v63;
	v24 =	vld.idx.msk [tilespmem:v9+s23+$0x0], $0xffff;
	[tilespmem:s3+$0xDA30] =	vst v13  }
0x1f2: {  	v7 =	vtrunc.f32 v7;
	v2 =	vmax.f32 v2, $0.0e+00;
	v15 =	vtrunc.f32 v23;
	v28 =	vld.idx.msk [tilespmem:v16+s23+$0x0], $0xffff  }
0x1f3: {  	v2 =	vmin.f32 v2, $1.950000000e+01;
	v9 =	vld.idx.msk [tilespmem:v9+s24+$0x0], $0xffff;
	v25 =	vcvt.f32.s32 v15;
	v12 =	vmax.f32 v12, $0.0e+00  }
0x1f4: {  	v2 =	vtrunc.f32 v2;
	v10 =	vmul.f32 v62, v10;
	v12 =	vmin.f32 v12, $1.950000000e+01;
	v16 =	vld.idx.msk [tilespmem:v16+s24+$0x0], $0xffff  }
0x1f5: {  	v59 =	vld.idx.msk [tilespmem:v14+s23+$0x0], $0xffff;
	v2 =	vcvt.f32.s32 v2;
	v12 =	vtrunc.f32 v12  }
0x1f6: {  	v3 =	vld [tilespmem:s28+$0x1A70];
	v10 =	vadd.f32 v11, v10;
	v12 =	vcvt.f32.s32 v12;
	v31 =	vmul.f32 v24, v32  }
0x1f7: {  	v35 =	vmul.f32 $1.000000000e+01, v8;
	v14 =	vld.idx.msk [tilespmem:v14+s24+$0x0], $0xffff;
	v33 =	vmul.f32 v28, v41  }
0x1f8: {  	v42 =	vld [tilespmem:s3+$0x1A70];
	v7 =	vcvt.f32.s32 v7;
	[tilespmem:s28+$0xDA40] =	vst v10;
	v32 =	vadd.f32 $1.000000000e+01, v30;
	v9 =	vadd.f32 v9, v31  }
0x1f9: {  	v36 =	vmul.f32 $1.000000000e+01, v29;
	v18 =	vadd.f32 $1.000000000e+01, v35;
	v34 =	vld.idx.msk [tilespmem:v25+s23+$0x0], $0xffff;
	v11 =	vadd.f32 v16, v33  }
0x1fa: {  	v37 =	vmul.f32 $1.000000000e+01, v0;
	v4 =	vmul.f32 v59, v4;
	v13 =	vld.idx.msk [tilespmem:v25+s24+$0x0], $0xffff;
	v10 =	vmax.f32 v32, $0.0e+00;
	[tilespmem:s29+$0xDA40] =	vst v9  }
0x1fb: {  	v40 =	vmax.f32 v18, $0.0e+00;
	v10 =	vmin.f32 v10, $1.950000000e+01;
	v9 =	vadd.f32 $1.000000000e+01, v36;
	v38 =	vld.idx.msk [tilespmem:v2+s23+$0x0], $0xffff;
	[tilespmem:s3+$0xDA40] =	vst v11  }
0x1fc: {  	v4 =	vadd.f32 v14, v4;
	v14 =	vmin.f32 v40, $1.950000000e+01;
	v10 =	vtrunc.f32 v10;
	v41 =	vld.idx.msk [tilespmem:v12+s23+$0x0], $0xffff  }
0x1fd: {  	v14 =	vtrunc.f32 v14;
	v2 =	vld.idx.msk [tilespmem:v2+s24+$0x0], $0xffff;
	v10 =	vcvt.f32.s32 v10;
	v9 =	vmax.f32 v9, $0.0e+00  }
0x1fe: {  	[tilespmem:s26+$0xDA50] =	vst v4;
	v14 =	vcvt.f32.s32 v14;
	v15 =	vmul.f32 v34, v43;
	v9 =	vmin.f32 v9, $1.950000000e+01;
	v12 =	vld.idx.msk [tilespmem:v12+s24+$0x0], $0xffff  }
0x1ff: {  	v39 =	vadd.f32 $1.000000000e+01, v37;
	v44 =	vld.idx.msk [tilespmem:v7+s23+$0x0], $0xffff;
	v43 =	vmul.f32 $1.000000000e+01, v3;
	v9 =	vtrunc.f32 v9  }
0x200: {  	v13 =	vadd.f32 v13, v15;
	v9 =	vcvt.f32.s32 v9;
	v45 =	vmul.f32 v38, v47  }
0x201: {  	v50 =	vadd.f32 $1.000000000e+01, v46;
	v7 =	vld.idx.msk [tilespmem:v7+s24+$0x0], $0xffff;
	v16 =	vmul.f32 v41, v55  }
0x202: {  	v11 =	vmax.f32 v39, $0.0e+00;
	v4 =	vadd.f32 $1.000000000e+01, v43;
	[tilespmem:s28+$0xDA50] =	vst v13;
	v2 =	vadd.f32 v2, v45  }
0x203: {  	v48 =	vmul.f32 $1.000000000e+01, v42;
	v11 =	vmin.f32 v11, $1.950000000e+01;
	v47 =	vld.idx.msk [tilespmem:v10+s23+$0x0], $0xffff;
	v12 =	vadd.f32 v12, v16  }
0x204: {  	v49 =	vmul.f32 v44, v1;
	v11 =	vtrunc.f32 v11;
	v4 =	vmax.f32 v4, $0.0e+00;
	v10 =	vld.idx.msk [tilespmem:v10+s24+$0x0], $0xffff;
	[tilespmem:s29+$0xDA50] =	vst v2  }
0x205: {  	v52 =	vadd.f32 $1.000000000e+01, v48;
	v11 =	vcvt.f32.s32 v11;
	v4 =	vmin.f32 v4, $1.950000000e+01;
	v51 =	vld.idx.msk [tilespmem:v14+s23+$0x0], $0xffff;
	[tilespmem:s3+$0xDA50] =	vst v12  }
0x206: {  	v1 =	vadd.f32 v7, v49;
	v4 =	vtrunc.f32 v4;
	v2 =	vmax.f32 v50, $0.0e+00;
	v53 =	vld.idx.msk [tilespmem:v9+s23+$0x0], $0xffff  }
0x207: {  	v4 =	vcvt.f32.s32 v4;
	v14 =	vld.idx.msk [tilespmem:v14+s24+$0x0], $0xffff;
	v2 =	vmin.f32 v2, $1.950000000e+01;
	v12 =	vmax.f32 v52, $0.0e+00  }
0x208: {  	v6 =	vmul.f32 v47, v6;
	v2 =	vtrunc.f32 v2;
	v9 =	vld.idx.msk [tilespmem:v9+s24+$0x0], $0xffff;
	v12 =	vmin.f32 v12, $1.950000000e+01  }
0x209: {  	v2 =	vcvt.f32.s32 v2;
	v12 =	vtrunc.f32 v12  }
0x20a: {  	[tilespmem:s26+$0xDA60] =	vst v1;
	v54 =	vadd.f32 v10, v6;
	v55 =	vmul.f32 v51, v8;
	v56 =	vcvt.f32.s32 v12  }
0x20b: {  	v57 =	vld.idx.msk [tilespmem:v11+s23+$0x0], $0xffff;
	v7 =	vmul.f32 v53, v29  }
0x20c: {  	v11 =	vld.idx.msk [tilespmem:v11+s24+$0x0], $0xffff;
	[tilespmem:s28+$0xDA60] =	vst v54;
	v58 =	vadd.f32 v14, v55  }
0x20d: {  	v59 =	vld.idx.msk [tilespmem:v4+s23+$0x0], $0xffff;
	v7 =	vadd.f32 v9, v7  }
0x20e: {  	v4 =	vld.idx.msk [tilespmem:v4+s24+$0x0], $0xffff;
	[tilespmem:s29+$0xDA60] =	vst v58  }
0x20f: {  	v1 =	vld.idx.msk [tilespmem:v2+s23+$0x0], $0xffff;
	[tilespmem:s3+$0xDA60] =	vst v7  }
0x210: {  	v7 =	vld.idx.msk [tilespmem:v56+s23+$0x0], $0xffff  }
0x211: {  	v2 =	vld.idx.msk [tilespmem:v2+s24+$0x0], $0xffff  }
0x212: {  	v60 =	vmul.f32 v57, v0;
	v8 =	vld.idx.msk [tilespmem:v56+s24+$0x0], $0xffff  }
0x213: {  	v3 =	vmul.f32 v59, v3  }
0x214: {  	v0 =	vadd.f32 v11, v60;
	v1 =	vmul.f32 v1, v5  }
0x215: {  	s31 =	smul.u32 $0x6000, s31;
	p1 =	sne.s32 s21, $0x23;
	v3 =	vadd.f32 v4, v3;
	v61 =	vmul.f32 v7, v42  }
.Ltmp1:
0x216: {  	[tilespmem:s26+$0xDA70] =	vst v0;
	v62 =	vadd.f32 v2, v1;
	(pc) =	sbr.rel @p1 .LBB2_6-.Ltmp1, $4  }
0x217: {  	s0 =	sadd.s32 s31, s25;
	[tilespmem:s28+$0xDA70] =	vst v3;
	v63 =	vadd.f32 v8, v61  }
0x218: {  	s0 =	sshrl.u32 s0, $0x3;
	[tilespmem:s29+$0xDA70] =	vst v62  }
0x219: {  	s0 =	sadd.s32 s5, s0;
	[tilespmem:s3+$0xDA70] =	vst v63  }
0x21a: {  	[hbm4b:s0+s6] =	stream.linear.scatter [tilespmem:s15], [sflag:$0x3], $0x6000, $0x38;
	[tilespmem:$0x19200] =	vst v63  }
.Ltmp2:
0x21b: {  	(pc) =	sbr.rel .LBB2_7-.Ltmp2, $4  }
0x21c: {  	_ = 	snop  }
0x21d: {  	_ =	swait.ge [sflag:s16], $0x6000  }
0x21e: {  	[sflag:s16] =	ssyncset.done $0x0  }
0x21f: {  	[sflag:s16] =	ssyncadd.s32 $0xFFFFA000  }
.LBB2_6:
0x220: {  	s0 =	sadd.s32 $0x2, s30  }
0x221: {  	s2 =	smulhi.u32 $0x2AAAAAAB, s0;
	_ =	sdelay $0x1  }
0x222: {  	s3 =	smul.u32 $0x6, s2  }
0x223: {  	s2 =	sadd.s32 s7, s2  }
0x224: {  	s2 =	smul.u32 $0x24000, s2;
	s0 =	ssub.s32 s0, s3  }
0x225: {  	s0 =	smul.u32 $0x6000, s0;
	_ =	sdelay $0x1  }
0x226: {  	s0 =	sadd.s32 s0, s2  }
0x227: {  	s0 =	sshrl.u32 s0, $0x3  }
.Ltmp3:
0x228: {  	s0 =	sadd.s32 s1, s0;
	(pc) =	sbr.rel @p0 .LBB2_8-.Ltmp3, $4  }
0x229: {  	[tilespmem:s12], [sflag:$0x1] =	stream.linear.gather [hbm4b:s0+s6], $0x6000, $0x38;
	[tilespmem:$0x19200] =	vst v63  }
0x22a: {  	_ =	swait.ge [sflag:s16], $0x6000  }
0x22b: {  	[sflag:s16] =	ssyncset.done $0x0  }
0x22c: {  	[sflag:s16] =	ssyncadd.s32 $0xFFFFA000  }
.LBB2_7:
0x22d: {  	_ =	swait.ge [sflag:s17], $0x6000  }
0x22e: {  	[sflag:s17] =	ssyncset.done $0x0  }
0x22f: {  	[sflag:s17] =	ssyncadd.s32 $0xFFFFA000  }
.LBB2_8:
0x230: {  	s0 =	simm.s32 $0x0  }
0x231: {  	s2 =	simm.s32 $0x0;
	s0 =	smul.u32 $0xC00, s0  }
0x232: {  	s2 =	sand.u32 $0x380, s2  }
0x233: {  	s25 =	sor.u32 s2, s0  }
0x234: {  	v0 =	vld [tilespmem:s25+$0x7200];
	_ =	sdelay $0x4  }
0x235: {  	v1 =	vmul.f32 $1.000000000e+01, v0;
	_ =	sdelay $0x1  }
0x236: {  	v1 =	vadd.f32 $1.000000000e+01, v1;
	_ =	sdelay $0x1  }
0x237: {  	v1 =	vmax.f32 v1, $0.0e+00  }
0x238: {  	v2 =	vld [tilespmem:s25+$0x7210];
	v1 =	vmin.f32 v1, $1.950000000e+01  }
0x239: {  	v1 =	vtrunc.f32 v1  }
0x23a: {  	v1 =	vcvt.f32.s32 v1;
	_ =	sdelay $0x2  }
0x23b: {  	v3 =	vmul.f32 $1.000000000e+01, v2;
	_ =	sdelay $0x1  }
0x23c: {  	v3 =	vadd.f32 $1.000000000e+01, v3  }
0x23d: {  	v4 =	vld.idx.msk [tilespmem:v1+s23+$0x0], $0xffff  }
0x23e: {  	v5 =	vld [tilespmem:s25+$0x7220];
	v3 =	vmax.f32 v3, $0.0e+00  }
0x23f: {  	v3 =	vmin.f32 v3, $1.950000000e+01;
	v1 =	vld.idx.msk [tilespmem:v1+s24+$0x0], $0xffff  }
0x240: {  	v3 =	vtrunc.f32 v3  }
0x241: {  	v3 =	vcvt.f32.s32 v3  }
0x242: {  	v0 =	vmul.f32 v4, v0;
	_ =	sdelay $0x1  }
0x243: {  	v4 =	vmul.f32 $1.000000000e+01, v5;
	v0 =	vadd.f32 v1, v0;
	_ =	sdelay $0x1  }
0x244: {  	[tilespmem:s25+$0x13200] =	vst v0;
	v0 =	vadd.f32 $1.000000000e+01, v4  }
0x245: {  	v4 =	vld.idx.msk [tilespmem:v3+s23+$0x0], $0xffff  }
0x246: {  	v1 =	vld [tilespmem:s25+$0x7230];
	v0 =	vmax.f32 v0, $0.0e+00  }
0x247: {  	v3 =	vld.idx.msk [tilespmem:v3+s24+$0x0], $0xffff;
	v0 =	vmin.f32 v0, $1.950000000e+01  }
0x248: {  	v0 =	vtrunc.f32 v0  }
0x249: {  	v0 =	vcvt.f32.s32 v0  }
0x24a: {  	v2 =	vmul.f32 v4, v2;
	_ =	sdelay $0x1  }
0x24b: {  	v4 =	vmul.f32 $1.000000000e+01, v1;
	v2 =	vadd.f32 v3, v2;
	_ =	sdelay $0x1  }
0x24c: {  	[tilespmem:s25+$0x13210] =	vst v2;
	v2 =	vadd.f32 $1.000000000e+01, v4  }
0x24d: {  	v4 =	vld.idx.msk [tilespmem:v0+s23+$0x0], $0xffff  }
0x24e: {  	v3 =	vld [tilespmem:s25+$0x7240];
	v2 =	vmax.f32 v2, $0.0e+00  }
0x24f: {  	v0 =	vld.idx.msk [tilespmem:v0+s24+$0x0], $0xffff;
	v2 =	vmin.f32 v2, $1.950000000e+01  }
0x250: {  	v2 =	vtrunc.f32 v2  }
0x251: {  	v2 =	vcvt.f32.s32 v2  }
0x252: {  	v4 =	vmul.f32 v4, v5;
	_ =	sdelay $0x1  }
0x253: {  	v5 =	vmul.f32 $1.000000000e+01, v3;
	v0 =	vadd.f32 v0, v4;
	_ =	sdelay $0x1  }
0x254: {  	[tilespmem:s25+$0x13220] =	vst v0;
	v0 =	vadd.f32 $1.000000000e+01, v5  }
0x255: {  	v4 =	vld.idx.msk [tilespmem:v2+s23+$0x0], $0xffff  }
0x256: {  	v5 =	vld [tilespmem:s25+$0x7250];
	v0 =	vmax.f32 v0, $0.0e+00  }
0x257: {  	v2 =	vld.idx.msk [tilespmem:v2+s24+$0x0], $0xffff;
	v0 =	vmin.f32 v0, $1.950000000e+01  }
0x258: {  	v0 =	vtrunc.f32 v0  }
0x259: {  	v0 =	vcvt.f32.s32 v0  }
0x25a: {  	v1 =	vmul.f32 v4, v1;
	_ =	sdelay $0x1  }
0x25b: {  	v1 =	vadd.f32 v2, v1;
	v2 =	vmul.f32 $1.000000000e+01, v5;
	_ =	sdelay $0x1  }
0x25c: {  	[tilespmem:s25+$0x13230] =	vst v1;
	v1 =	vadd.f32 $1.000000000e+01, v2  }
0x25d: {  	v2 =	vld.idx.msk [tilespmem:v0+s23+$0x0], $0xffff  }
0x25e: {  	v4 =	vld [tilespmem:s25+$0x7260];
	v1 =	vmax.f32 v1, $0.0e+00  }
0x25f: {  	v0 =	vld.idx.msk [tilespmem:v0+s24+$0x0], $0xffff;
	v1 =	vmin.f32 v1, $1.950000000e+01  }
0x260: {  	v1 =	vtrunc.f32 v1  }
0x261: {  	s4 =	simm.s32 $0x0;
	v1 =	vcvt.f32.s32 v1  }
0x262: {  	s26 =	simm.s32 $0x80;
	s0 =	smul.u32 $0xC00, s4;
	v2 =	vmul.f32 v2, v3  }
0x263: {  	s2 =	sand.u32 $0x380, s26  }
0x264: {  	s26 =	sor.u32 s2, s0;
	v0 =	vadd.f32 v0, v2;
	v2 =	vmul.f32 $1.000000000e+01, v4  }
0x265: {  	v3 =	vld [tilespmem:s26+$0x7200]  }
0x266: {  	[tilespmem:s25+$0x13240] =	vst v0;
	v0 =	vadd.f32 $1.000000000e+01, v2  }
0x267: {  	v2 =	vld.idx.msk [tilespmem:v1+s23+$0x0], $0xffff  }
0x268: {  	v6 =	vld [tilespmem:s25+$0x7270];
	v0 =	vmax.f32 v0, $0.0e+00  }
0x269: {  	v1 =	vld.idx.msk [tilespmem:v1+s24+$0x0], $0xffff;
	v0 =	vmin.f32 v0, $1.950000000e+01  }
0x26a: {  	v7 =	vmul.f32 $1.000000000e+01, v3;
	v0 =	vtrunc.f32 v0  }
0x26b: {  	v0 =	vcvt.f32.s32 v0  }
0x26c: {  	v7 =	vadd.f32 $1.000000000e+01, v7;
	v2 =	vmul.f32 v2, v5;
	_ =	sdelay $0x1  }
0x26d: {  	v5 =	vmax.f32 v7, $0.0e+00;
	v1 =	vadd.f32 v1, v2;
	v2 =	vmul.f32 $1.000000000e+01, v6  }
0x26e: {  	v7 =	vld [tilespmem:s26+$0x7210];
	v5 =	vmin.f32 v5, $1.950000000e+01  }
0x26f: {  	v5 =	vtrunc.f32 v5;
	[tilespmem:s25+$0x13250] =	vst v1;
	v1 =	vadd.f32 $1.000000000e+01, v2  }
0x270: {  	v2 =	vcvt.f32.s32 v5;
	v5 =	vld.idx.msk [tilespmem:v0+s23+$0x0], $0xffff  }
0x271: {  	v8 =	vld [tilespmem:s25+$0x7600];
	v1 =	vmax.f32 v1, $0.0e+00  }
0x272: {  	v0 =	vld.idx.msk [tilespmem:v0+s24+$0x0], $0xffff;
	v1 =	vmin.f32 v1, $1.950000000e+01  }
0x273: {  	v9 =	vmul.f32 $1.000000000e+01, v7;
	v1 =	vtrunc.f32 v1  }
0x274: {  	v1 =	vcvt.f32.s32 v1  }
0x275: {  	v9 =	vadd.f32 $1.000000000e+01, v9;
	v4 =	vmul.f32 v5, v4  }
0x276: {  	v5 =	vld.idx.msk [tilespmem:v2+s23+$0x0], $0xffff  }
0x277: {  	v10 =	vld [tilespmem:s26+$0x7220];
	v9 =	vmax.f32 v9, $0.0e+00;
	v0 =	vadd.f32 v0, v4;
	v4 =	vmul.f32 $1.000000000e+01, v8  }
0x278: {  	v2 =	vld.idx.msk [tilespmem:v2+s24+$0x0], $0xffff;
	v9 =	vmin.f32 v9, $1.950000000e+01  }
0x279: {  	v9 =	vtrunc.f32 v9;
	[tilespmem:s25+$0x13260] =	vst v0;
	v0 =	vadd.f32 $1.000000000e+01, v4  }
0x27a: {  	v4 =	vcvt.f32.s32 v9;
	v9 =	vld.idx.msk [tilespmem:v1+s23+$0x0], $0xffff  }
0x27b: {  	v3 =	vmul.f32 v5, v3;
	v1 =	vld.idx.msk [tilespmem:v1+s24+$0x0], $0xffff;
	v0 =	vmax.f32 v0, $0.0e+00  }
0x27c: {  	v5 =	vld [tilespmem:s25+$0x7610];
	v0 =	vmin.f32 v0, $1.950000000e+01  }
0x27d: {  	v11 =	vmul.f32 $1.000000000e+01, v10;
	v2 =	vadd.f32 v2, v3;
	v0 =	vtrunc.f32 v0  }
0x27e: {  	v0 =	vcvt.f32.s32 v0  }
0x27f: {  	[tilespmem:s26+$0x13200] =	vst v2;
	v2 =	vadd.f32 $1.000000000e+01, v11;
	v6 =	vmul.f32 v9, v6  }
0x280: {  	v9 =	vld.idx.msk [tilespmem:v4+s23+$0x0], $0xffff  }
0x281: {  	v3 =	vld [tilespmem:s26+$0x7230];
	v2 =	vmax.f32 v2, $0.0e+00;
	v1 =	vadd.f32 v1, v6;
	v6 =	vmul.f32 $1.000000000e+01, v5  }
0x282: {  	v4 =	vld.idx.msk [tilespmem:v4+s24+$0x0], $0xffff;
	v2 =	vmin.f32 v2, $1.950000000e+01  }
0x283: {  	v2 =	vtrunc.f32 v2;
	[tilespmem:s25+$0x13270] =	vst v1;
	v1 =	vadd.f32 $1.000000000e+01, v6  }
0x284: {  	v2 =	vcvt.f32.s32 v2;
	v6 =	vld.idx.msk [tilespmem:v0+s23+$0x0], $0xffff  }
0x285: {  	v7 =	vmul.f32 v9, v7;
	v0 =	vld.idx.msk [tilespmem:v0+s24+$0x0], $0xffff;
	v1 =	vmax.f32 v1, $0.0e+00  }
0x286: {  	v9 =	vld [tilespmem:s25+$0x7620];
	v1 =	vmin.f32 v1, $1.950000000e+01  }
0x287: {  	v11 =	vmul.f32 $1.000000000e+01, v3;
	v4 =	vadd.f32 v4, v7;
	v1 =	vtrunc.f32 v1  }
0x288: {  	v1 =	vcvt.f32.s32 v1  }
0x289: {  	[tilespmem:s26+$0x13210] =	vst v4;
	v4 =	vadd.f32 $1.000000000e+01, v11;
	v6 =	vmul.f32 v6, v8  }
0x28a: {  	v8 =	vld.idx.msk [tilespmem:v2+s23+$0x0], $0xffff  }
0x28b: {  	v7 =	vld [tilespmem:s26+$0x7240];
	v4 =	vmax.f32 v4, $0.0e+00;
	v0 =	vadd.f32 v0, v6;
	v6 =	vmul.f32 $1.000000000e+01, v9  }
0x28c: {  	v2 =	vld.idx.msk [tilespmem:v2+s24+$0x0], $0xffff;
	v4 =	vmin.f32 v4, $1.950000000e+01  }
0x28d: {  	v4 =	vtrunc.f32 v4;
	[tilespmem:s25+$0x13600] =	vst v0;
	v0 =	vadd.f32 $1.000000000e+01, v6  }
0x28e: {  	v4 =	vcvt.f32.s32 v4;
	v6 =	vld.idx.msk [tilespmem:v1+s23+$0x0], $0xffff  }
0x28f: {  	v8 =	vmul.f32 v8, v10;
	v1 =	vld.idx.msk [tilespmem:v1+s24+$0x0], $0xffff;
	v0 =	vmax.f32 v0, $0.0e+00  }
0x290: {  	v10 =	vld [tilespmem:s25+$0x7630];
	v0 =	vmin.f32 v0, $1.950000000e+01  }
0x291: {  	v11 =	vmul.f32 $1.000000000e+01, v7;
	v2 =	vadd.f32 v2, v8;
	v0 =	vtrunc.f32 v0  }
0x292: {  	v0 =	vcvt.f32.s32 v0  }
0x293: {  	[tilespmem:s26+$0x13220] =	vst v2;
	v2 =	vadd.f32 $1.000000000e+01, v11;
	v5 =	vmul.f32 v6, v5  }
0x294: {  	v6 =	vld.idx.msk [tilespmem:v4+s23+$0x0], $0xffff  }
0x295: {  	v8 =	vld [tilespmem:s26+$0x7250];
	v2 =	vmax.f32 v2, $0.0e+00;
	v1 =	vadd.f32 v1, v5;
	v5 =	vmul.f32 $1.000000000e+01, v10  }
0x296: {  	v4 =	vld.idx.msk [tilespmem:v4+s24+$0x0], $0xffff;
	v2 =	vmin.f32 v2, $1.950000000e+01  }
0x297: {  	v2 =	vtrunc.f32 v2;
	[tilespmem:s25+$0x13610] =	vst v1;
	v1 =	vadd.f32 $1.000000000e+01, v5  }
0x298: {  	v2 =	vcvt.f32.s32 v2;
	v5 =	vld.idx.msk [tilespmem:v0+s23+$0x0], $0xffff  }
0x299: {  	v3 =	vmul.f32 v6, v3;
	v0 =	vld.idx.msk [tilespmem:v0+s24+$0x0], $0xffff;
	v1 =	vmax.f32 v1, $0.0e+00  }
0x29a: {  	v6 =	vld [tilespmem:s25+$0x7640];
	v1 =	vmin.f32 v1, $1.950000000e+01  }
0x29b: {  	v3 =	vadd.f32 v4, v3;
	v4 =	vmul.f32 $1.000000000e+01, v8;
	v1 =	vtrunc.f32 v1  }
0x29c: {  	v1 =	vcvt.f32.s32 v1  }
0x29d: {  	[tilespmem:s26+$0x13230] =	vst v3;
	v3 =	vadd.f32 $1.000000000e+01, v4;
	v4 =	vmul.f32 v5, v9  }
0x29e: {  	v5 =	vld.idx.msk [tilespmem:v2+s23+$0x0], $0xffff  }
0x29f: {  	v2 =	vld.idx.msk [tilespmem:v2+s24+$0x0], $0xffff;
	v3 =	vmax.f32 v3, $0.0e+00;
	v0 =	vadd.f32 v0, v4;
	v4 =	vmul.f32 $1.000000000e+01, v6  }
0x2a0: {  	v9 =	vld [tilespmem:s26+$0x7260];
	v3 =	vmin.f32 v3, $1.950000000e+01  }
0x2a1: {  	v3 =	vtrunc.f32 v3;
	[tilespmem:s25+$0x13620] =	vst v0;
	v0 =	vadd.f32 $1.000000000e+01, v4  }
0x2a2: {  	s29 =	simm.s32 $0x0;
	v3 =	vcvt.f32.s32 v3;
	v4 =	vld.idx.msk [tilespmem:v1+s23+$0x0], $0xffff  }
0x2a3: {  	s30 =	simm.s32 $0x100;
	s0 =	smul.u32 $0xC00, s29;
	v5 =	vmul.f32 v5, v7;
	v0 =	vmax.f32 v0, $0.0e+00  }
0x2a4: {  	s2 =	sand.u32 $0x380, s30;
	v1 =	vld.idx.msk [tilespmem:v1+s24+$0x0], $0xffff;
	v0 =	vmin.f32 v0, $1.950000000e+01  }
0x2a5: {  	s28 =	sor.u32 s2, s0;
	v7 =	vld [tilespmem:s25+$0x7650];
	v11 =	vmul.f32 $1.000000000e+01, v9;
	v2 =	vadd.f32 v2, v5;
	v0 =	vtrunc.f32 v0  }
0x2a6: {  	v5 =	vld [tilespmem:s28+$0x7200];
	v0 =	vcvt.f32.s32 v0  }
0x2a7: {  	[tilespmem:s26+$0x13240] =	vst v2;
	v2 =	vadd.f32 $1.000000000e+01, v11;
	v4 =	vmul.f32 v4, v10  }
0x2a8: {  	v10 =	vld.idx.msk [tilespmem:v3+s23+$0x0], $0xffff  }
0x2a9: {  	v12 =	vld [tilespmem:s26+$0x7270];
	v2 =	vmax.f32 v2, $0.0e+00;
	v1 =	vadd.f32 v1, v4  }
0x2aa: {  	v3 =	vld.idx.msk [tilespmem:v3+s24+$0x0], $0xffff;
	v4 =	vmul.f32 $1.000000000e+01, v7;
	v2 =	vmin.f32 v2, $1.950000000e+01  }
0x2ab: {  	v11 =	vmul.f32 $1.000000000e+01, v5;
	v2 =	vtrunc.f32 v2;
	[tilespmem:s25+$0x13630] =	vst v1  }
0x2ac: {  	v1 =	vcvt.f32.s32 v2;
	v4 =	vadd.f32 $1.000000000e+01, v4;
	v2 =	vld.idx.msk [tilespmem:v0+s23+$0x0], $0xffff  }
0x2ad: {  	v11 =	vadd.f32 $1.000000000e+01, v11;
	v8 =	vmul.f32 v10, v8;
	v10 =	vld [tilespmem:s25+$0x7660]  }
0x2ae: {  	v13 =	vmul.f32 $1.000000000e+01, v12;
	v0 =	vld.idx.msk [tilespmem:v0+s24+$0x0], $0xffff;
	v4 =	vmax.f32 v4, $0.0e+00  }
0x2af: {  	v11 =	vmax.f32 v11, $0.0e+00;
	v3 =	vadd.f32 v3, v8;
	v4 =	vmin.f32 v4, $1.950000000e+01;
	v8 =	vld [tilespmem:s28+$0x7210]  }
0x2b0: {  	v11 =	vmin.f32 v11, $1.950000000e+01;
	v4 =	vtrunc.f32 v4  }
0x2b1: {  	v11 =	vtrunc.f32 v11;
	[tilespmem:s26+$0x13250] =	vst v3;
	v3 =	vcvt.f32.s32 v4;
	v4 =	vadd.f32 $1.000000000e+01, v13  }
0x2b2: {  	v11 =	vcvt.f32.s32 v11;
	v13 =	vld.idx.msk [tilespmem:v1+s23+$0x0], $0xffff;
	v2 =	vmul.f32 v2, v6  }
0x2b3: {  	v14 =	vld [tilespmem:s26+$0x7600];
	v6 =	vmul.f32 $1.000000000e+01, v10;
	v4 =	vmax.f32 v4, $0.0e+00  }
0x2b4: {  	v1 =	vld.idx.msk [tilespmem:v1+s24+$0x0], $0xffff;
	v0 =	vadd.f32 v0, v2;
	v2 =	vmul.f32 $1.000000000e+01, v8;
	v4 =	vmin.f32 v4, $1.950000000e+01  }
0x2b5: {  	v15 =	vld [tilespmem:s25+$0x7670];
	v4 =	vtrunc.f32 v4  }
0x2b6: {  	v16 =	vld [tilespmem:s28+$0x7220];
	[tilespmem:s25+$0x13640] =	vst v0;
	v0 =	vcvt.f32.s32 v4;
	v4 =	vadd.f32 $1.000000000e+01, v6;
	v2 =	vadd.f32 $1.000000000e+01, v2  }
0x2b7: {  	v6 =	vld.idx.msk [tilespmem:v3+s23+$0x0], $0xffff;
	v9 =	vmul.f32 v13, v9  }
0x2b8: {  	v13 =	vld.idx.msk [tilespmem:v11+s23+$0x0], $0xffff;
	v4 =	vmax.f32 v4, $0.0e+00;
	v2 =	vmax.f32 v2, $0.0e+00  }
0x2b9: {  	v3 =	vld.idx.msk [tilespmem:v3+s24+$0x0], $0xffff;
	v1 =	vadd.f32 v1, v9;
	v4 =	vmin.f32 v4, $1.950000000e+01;
	v9 =	vmul.f32 $1.000000000e+01, v14  }
0x2ba: {  	v11 =	vld.idx.msk [tilespmem:v11+s24+$0x0], $0xffff;
	v2 =	vmin.f32 v2, $1.950000000e+01;
	v4 =	vtrunc.f32 v4  }
0x2bb: {  	v2 =	vtrunc.f32 v2;
	[tilespmem:s26+$0x13260] =	vst v1;
	v1 =	vcvt.f32.s32 v4;
	v4 =	vadd.f32 $1.000000000e+01, v9  }
0x2bc: {  	v2 =	vcvt.f32.s32 v2;
	v9 =	vld.idx.msk [tilespmem:v0+s23+$0x0], $0xffff;
	v6 =	vmul.f32 v6, v7  }
0x2bd: {  	v17 =	vld [tilespmem:s26+$0x7610];
	v7 =	vmul.f32 $1.000000000e+01, v15;
	v5 =	vmul.f32 v13, v5;
	v4 =	vmax.f32 v4, $0.0e+00  }
0x2be: {  	v0 =	vld.idx.msk [tilespmem:v0+s24+$0x0], $0xffff;
	v13 =	vmul.f32 $1.000000000e+01, v16;
	v3 =	vadd.f32 v3, v6;
	v4 =	vmin.f32 v4, $1.950000000e+01  }
0x2bf: {  	v18 =	vld [tilespmem:s25+$0x7A00];
	v5 =	vadd.f32 v11, v5;
	v4 =	vtrunc.f32 v4  }
0x2c0: {  	v11 =	vld [tilespmem:s28+$0x7230];
	v6 =	vadd.f32 $1.000000000e+01, v13;
	[tilespmem:s25+$0x13650] =	vst v3;
	v3 =	vcvt.f32.s32 v4;
	v4 =	vadd.f32 $1.000000000e+01, v7  }
0x2c1: {  	[tilespmem:s28+$0x13200] =	vst v5;
	v5 =	vld.idx.msk [tilespmem:v1+s23+$0x0], $0xffff;
	v7 =	vmul.f32 v9, v12  }
0x2c2: {  	v6 =	vmax.f32 v6, $0.0e+00;
	v9 =	vld.idx.msk [tilespmem:v2+s23+$0x0], $0xffff;
	v4 =	vmax.f32 v4, $0.0e+00  }
0x2c3: {  	v1 =	vld.idx.msk [tilespmem:v1+s24+$0x0], $0xffff;
	v0 =	vadd.f32 v0, v7;
	v4 =	vmin.f32 v4, $1.950000000e+01;
	v7 =	vmul.f32 $1.000000000e+01, v17  }
0x2c4: {  	v2 =	vld.idx.msk [tilespmem:v2+s24+$0x0], $0xffff;
	v6 =	vmin.f32 v6, $1.950000000e+01;
	v4 =	vtrunc.f32 v4  }
0x2c5: {  	v6 =	vtrunc.f32 v6;
	[tilespmem:s26+$0x13270] =	vst v0;
	v0 =	vcvt.f32.s32 v4;
	v4 =	vadd.f32 $1.000000000e+01, v7  }
0x2c6: {  	v6 =	vcvt.f32.s32 v6;
	v7 =	vld.idx.msk [tilespmem:v3+s23+$0x0], $0xffff;
	v5 =	vmul.f32 v5, v10  }
0x2c7: {  	v19 =	vld [tilespmem:s28+$0x7240];
	v8 =	vmul.f32 v9, v8;
	v4 =	vmax.f32 v4, $0.0e+00  }
0x2c8: {  	v9 =	vmul.f32 $1.000000000e+01, v18;
	v3 =	vld.idx.msk [tilespmem:v3+s24+$0x0], $0xffff;
	v1 =	vadd.f32 v1, v5;
	v4 =	vmin.f32 v4, $1.950000000e+01  }
0x2c9: {  	v5 =	vmul.f32 $1.000000000e+01, v11;
	v2 =	vadd.f32 v2, v8;
	v8 =	vld [tilespmem:s26+$0x7620];
	v4 =	vtrunc.f32 v4  }
0x2ca: {  	v13 =	vld [tilespmem:s25+$0x7A10];
	[tilespmem:s25+$0x13660] =	vst v1;
	v1 =	vcvt.f32.s32 v4;
	v4 =	vadd.f32 $1.000000000e+01, v9  }
0x2cb: {  	[tilespmem:s28+$0x13210] =	vst v2;
	v5 =	vadd.f32 $1.000000000e+01, v5;
	v2 =	vld.idx.msk [tilespmem:v0+s23+$0x0], $0xffff;
	v7 =	vmul.f32 v7, v14  }
0x2cc: {  	v9 =	vld.idx.msk [tilespmem:v6+s23+$0x0], $0xffff;
	v4 =	vmax.f32 v4, $0.0e+00  }
0x2cd: {  	v10 =	vld.idx.msk [tilespmem:v0+s24+$0x0], $0xffff;
	v0 =	vmax.f32 v5, $0.0e+00;
	v3 =	vadd.f32 v3, v7;
	v4 =	vmin.f32 v4, $1.950000000e+01  }
0x2ce: {  	v5 =	vld.idx.msk [tilespmem:v6+s24+$0x0], $0xffff;
	v6 =	vmin.f32 v0, $1.950000000e+01;
	v7 =	vmul.f32 $1.000000000e+01, v8;
	v4 =	vtrunc.f32 v4  }
0x2cf: {  	v6 =	vtrunc.f32 v6;
	[tilespmem:s26+$0x13600] =	vst v3;
	v4 =	vcvt.f32.s32 v4  }
0x2d0: {  	v12 =	vcvt.f32.s32 v6;
	v3 =	vadd.f32 $1.000000000e+01, v7;
	v14 =	vld.idx.msk [tilespmem:v1+s23+$0x0], $0xffff;
	v2 =	vmul.f32 v2, v15  }
0x2d1: {  	v6 =	vmul.f32 v9, v16  }
0x2d2: {  	v7 =	vmul.f32 $1.000000000e+01, v13;
	v1 =	vld.idx.msk [tilespmem:v1+s24+$0x0], $0xffff;
	v9 =	vmax.f32 v3, $0.0e+00;
	v2 =	vadd.f32 v10, v2  }
0x2d3: {  	v10 =	vmul.f32 $1.000000000e+01, v19;
	v5 =	vadd.f32 v5, v6;
	v9 =	vmin.f32 v9, $1.950000000e+01;
	v6 =	vld [tilespmem:s26+$0x7630]  }
0x2d4: {  	v3 =	vld [tilespmem:s25+$0x7A20];
	v9 =	vtrunc.f32 v9;
	[tilespmem:s25+$0x13670] =	vst v2;
	v2 =	vadd.f32 $1.000000000e+01, v7  }
0x2d5: {  	[tilespmem:s28+$0x13220] =	vst v5;
	v5 =	vcvt.f32.s32 v9;
	v9 =	vadd.f32 $1.000000000e+01, v10;
	v7 =	vld.idx.msk [tilespmem:v4+s23+$0x0], $0xffff;
	v10 =	vmul.f32 v14, v17  }
0x2d6: {  	v14 =	vld.idx.msk [tilespmem:v12+s23+$0x0], $0xffff;
	v2 =	vmax.f32 v2, $0.0e+00  }
0x2d7: {  	v4 =	vld.idx.msk [tilespmem:v4+s24+$0x0], $0xffff;
	v9 =	vmax.f32 v9, $0.0e+00;
	v1 =	vadd.f32 v1, v10;
	v2 =	vmin.f32 v2, $1.950000000e+01  }
0x2d8: {  	v12 =	vld.idx.msk [tilespmem:v12+s24+$0x0], $0xffff;
	v9 =	vmin.f32 v9, $1.950000000e+01;
	v15 =	vmul.f32 $1.000000000e+01, v6;
	v2 =	vtrunc.f32 v2  }
0x2d9: {  	v10 =	vld [tilespmem:s28+$0x7250];
	v9 =	vtrunc.f32 v9;
	v2 =	vcvt.f32.s32 v2  }
0x2da: {  	v0 =	vld [tilespmem:s25+$0x7A70];
	[tilespmem:s26+$0x13610] =	vst v1;
	v16 =	vcvt.f32.s32 v9;
	v1 =	vadd.f32 $1.000000000e+01, v15;
	v7 =	vmul.f32 v7, v18  }
0x2db: {  	v9 =	vld.idx.msk [tilespmem:v5+s23+$0x0], $0xffff;
	v11 =	vmul.f32 v14, v11  }
0x2dc: {  	v14 =	vld.idx.msk [tilespmem:v5+s24+$0x0], $0xffff;
	v1 =	vmax.f32 v1, $0.0e+00;
	v4 =	vadd.f32 v4, v7  }
0x2dd: {  	v7 =	vadd.f32 v12, v11;
	v5 =	vmin.f32 v1, $1.950000000e+01;
	v11 =	vmul.f32 $1.000000000e+01, v3;
	v1 =	vld [tilespmem:s25+$0x7A60]  }
0x2de: {  	v12 =	vmul.f32 $1.000000000e+01, v10;
	v15 =	vtrunc.f32 v5;
	v5 =	vld [tilespmem:s26+$0x7640];
	[tilespmem:s25+$0x13A00] =	vst v4  }
0x2df: {  	[tilespmem:s28+$0x13230] =	vst v7;
	v7 =	vcvt.f32.s32 v15;
	v11 =	vadd.f32 $1.000000000e+01, v11;
	v4 =	vld.idx.msk [tilespmem:v2+s23+$0x0], $0xffff  }
0x2e0: {  	v12 =	vadd.f32 $1.000000000e+01, v12;
	v15 =	vld.idx.msk [tilespmem:v16+s23+$0x0], $0xffff;
	v8 =	vmul.f32 v9, v8  }
0x2e1: {  	v9 =	vld.idx.msk [tilespmem:v2+s24+$0x0], $0xffff;
	v2 =	vmax.f32 v11, $0.0e+00  }
0x2e2: {  	v16 =	vld.idx.msk [tilespmem:v16+s24+$0x0], $0xffff;
	v11 =	vmax.f32 v12, $0.0e+00;
	v8 =	vadd.f32 v14, v8;
	v12 =	vmin.f32 v2, $1.950000000e+01  }
0x2e3: {  	v11 =	vmin.f32 v11, $1.950000000e+01;
	v2 =	vld [tilespmem:s25+$0x7A30];
	v14 =	vmul.f32 $1.000000000e+01, v5;
	v12 =	vtrunc.f32 v12  }
0x2e4: {  	v17 =	vtrunc.f32 v11;
	v11 =	vld [tilespmem:s28+$0x7260];
	[tilespmem:s26+$0x13620] =	vst v8;
	v8 =	vcvt.f32.s32 v12  }
0x2e5: {  	s31 =	simm.s32 $0x0;
	v17 =	vcvt.f32.s32 v17;
	v12 =	vld.idx.msk [tilespmem:v7+s23+$0x0], $0xffff;
	v14 =	vadd.f32 $1.000000000e+01, v14;
	v13 =	vmul.f32 v4, v13  }
0x2e6: {  	s3 =	simm.s32 $0x4;
	s2 =	smul.u32 $0xC00, s31;
	s0 =	simm.s32 $0x180;
	v15 =	vmul.f32 v15, v19;
	v4 =	vld [tilespmem:s26+$0x7650]  }
.LBB2_9:
0x2e7: {  	p0 =	sne.s32 s3, $0x3F;
	s4 =	sand.u32 $0x380, s0;
	v7 =	vld.idx.msk [tilespmem:v7+s24+$0x0], $0xffff;
	v14 =	vmax.f32 v14, $0.0e+00;
	v13 =	vadd.f32 v9, v13  }
0x2e8: {  	s2 =	sor.u32 s4, s2;
	v15 =	vadd.f32 v16, v15;
	v14 =	vmin.f32 v14, $1.950000000e+01;
	v16 =	vmul.f32 $1.000000000e+01, v2;
	v9 =	vld [tilespmem:s25+$0x7A40]  }
0x2e9: {  	v18 =	vld [tilespmem:s2+$0x7200];
	v19 =	vmul.f32 $1.000000000e+01, v11;
	v14 =	vtrunc.f32 v14;
	[tilespmem:s25+$0x13A10] =	vst v13  }
0x2ea: {  	[tilespmem:s28+$0x13240] =	vst v15;
	v13 =	vcvt.f32.s32 v14;
	v14 =	vld.idx.msk [tilespmem:v8+s23+$0x0], $0xffff;
	v15 =	vadd.f32 $1.000000000e+01, v16  }
0x2eb: {  	v6 =	vmul.f32 v12, v6;
	v16 =	vld.idx.msk [tilespmem:v17+s23+$0x0], $0xffff;
	v19 =	vadd.f32 $1.000000000e+01, v19  }
0x2ec: {  	v12 =	vmul.f32 $1.000000000e+01, v4;
	v20 =	vld.idx.msk [tilespmem:v8+s24+$0x0], $0xffff;
	v8 =	vmax.f32 v15, $0.0e+00  }
0x2ed: {  	v7 =	vadd.f32 v7, v6;
	v15 =	vld.idx.msk [tilespmem:v17+s24+$0x0], $0xffff;
	v17 =	vmax.f32 v19, $0.0e+00;
	v6 =	vmin.f32 v8, $1.950000000e+01  }
0x2ee: {  	v8 =	vmul.f32 $1.000000000e+01, v18;
	v17 =	vmin.f32 v17, $1.950000000e+01;
	v19 =	vtrunc.f32 v6;
	v6 =	vld [tilespmem:s25+$0x7A50]  }
0x2ef: {  	v17 =	vtrunc.f32 v17;
	v21 =	vld [tilespmem:s28+$0x7270];
	[tilespmem:s26+$0x13630] =	vst v7;
	v7 =	vcvt.f32.s32 v19  }
0x2f0: {  	v12 =	vadd.f32 $1.000000000e+01, v12;
	v3 =	vmul.f32 v14, v3;
	v17 =	vcvt.f32.s32 v17;
	v19 =	vld.idx.msk [tilespmem:v13+s23+$0x0], $0xffff  }
0x2f1: {  	v14 =	vadd.f32 $1.000000000e+01, v8;
	v10 =	vmul.f32 v16, v10;
	v8 =	vld [tilespmem:s26+$0x7660]  }
0x2f2: {  	v22 =	vmul.f32 $1.000000000e+01, v9;
	v12 =	vmax.f32 v12, $0.0e+00;
	v20 =	vadd.f32 v20, v3;
	v16 =	vld.idx.msk [tilespmem:v13+s24+$0x0], $0xffff  }
0x2f3: {  	v12 =	vmin.f32 v12, $1.950000000e+01;
	v13 =	vmax.f32 v14, $0.0e+00;
	v10 =	vadd.f32 v15, v10;
	v3 =	vld [tilespmem:s26+$0x7670]  }
0x2f4: {  	v12 =	vtrunc.f32 v12;
	v14 =	vmin.f32 v13, $1.950000000e+01;
	v13 =	vld [tilespmem:s2+$0x7210];
	v15 =	vmul.f32 $1.000000000e+01, v21;
	[tilespmem:s25+$0x13A20] =	vst v20  }
0x2f5: {  	v14 =	vtrunc.f32 v14;
	[tilespmem:s28+$0x13250] =	vst v10;
	v10 =	vcvt.f32.s32 v12;
	v20 =	vld.idx.msk [tilespmem:v7+s23+$0x0], $0xffff;
	v12 =	vadd.f32 $1.000000000e+01, v22  }
0x2f6: {  	v14 =	vcvt.f32.s32 v14;
	v5 =	vmul.f32 v19, v5;
	v22 =	vld.idx.msk [tilespmem:v17+s23+$0x0], $0xffff;
	v15 =	vadd.f32 $1.000000000e+01, v15  }
0x2f7: {  	v19 =	vmul.f32 $1.000000000e+01, v8;
	v7 =	vld.idx.msk [tilespmem:v7+s24+$0x0], $0xffff;
	v12 =	vmax.f32 v12, $0.0e+00  }
0x2f8: {  	v16 =	vadd.f32 v16, v5;
	v17 =	vld.idx.msk [tilespmem:v17+s24+$0x0], $0xffff;
	v15 =	vmax.f32 v15, $0.0e+00;
	v5 =	vmin.f32 v12, $1.950000000e+01  }
0x2f9: {  	v23 =	vmul.f32 $1.000000000e+01, v13;
	v15 =	vmin.f32 v15, $1.950000000e+01;
	v12 =	vld [tilespmem:s28+$0x7600];
	v24 =	vtrunc.f32 v5  }
0x2fa: {  	v5 =	vld [tilespmem:s2+$0x7220];
	v15 =	vtrunc.f32 v15;
	[tilespmem:s26+$0x13640] =	vst v16;
	v16 =	vcvt.f32.s32 v24  }
0x2fb: {  	v19 =	vadd.f32 $1.000000000e+01, v19;
	v2 =	vmul.f32 v20, v2;
	v15 =	vcvt.f32.s32 v15;
	v24 =	vld.idx.msk [tilespmem:v10+s23+$0x0], $0xffff  }
0x2fc: {  	v23 =	vadd.f32 $1.000000000e+01, v23;
	v11 =	vmul.f32 v22, v11;
	v22 =	vmul.f32 $1.000000000e+01, v6;
	v20 =	vld.idx.msk [tilespmem:v14+s23+$0x0], $0xffff  }
0x2fd: {  	v25 =	vmul.f32 $1.000000000e+01, v3;
	v19 =	vmax.f32 v19, $0.0e+00;
	v7 =	vadd.f32 v7, v2;
	v10 =	vld.idx.msk [tilespmem:v10+s24+$0x0], $0xffff  }
0x2fe: {  	v2 =	vmax.f32 v23, $0.0e+00;
	v11 =	vadd.f32 v17, v11;
	v17 =	vmin.f32 v19, $1.950000000e+01;
	v14 =	vld.idx.msk [tilespmem:v14+s24+$0x0], $0xffff  }
0x2ff: {  	v19 =	vmin.f32 v2, $1.950000000e+01;
	v23 =	vmul.f32 $1.000000000e+01, v12;
	v17 =	vtrunc.f32 v17;
	v2 =	vld [tilespmem:s26+$0x7A00];
	[tilespmem:s25+$0x13A30] =	vst v7  }
0x300: {  	v7 =	vtrunc.f32 v19;
	v19 =	vadd.f32 $1.000000000e+01, v22;
	[tilespmem:s28+$0x13260] =	vst v11;
	v11 =	vcvt.f32.s32 v17;
	v17 =	vld.idx.msk [tilespmem:v16+s23+$0x0], $0xffff  }
0x301: {  	v22 =	vcvt.f32.s32 v7;
	v7 =	vadd.f32 $1.000000000e+01, v23;
	v4 =	vmul.f32 v24, v4;
	v26 =	vld.idx.msk [tilespmem:v15+s23+$0x0], $0xffff  }
0x302: {  	v18 =	vmul.f32 v20, v18;
	v20 =	vmul.f32 $1.000000000e+01, v5;
	v19 =	vmax.f32 v19, $0.0e+00;
	v16 =	vld.idx.msk [tilespmem:v16+s24+$0x0], $0xffff  }
0x303: {  	v7 =	vmax.f32 v7, $0.0e+00;
	v4 =	vadd.f32 v10, v4;
	v19 =	vmin.f32 v19, $1.950000000e+01;
	v15 =	vld.idx.msk [tilespmem:v15+s24+$0x0], $0xffff  }
0x304: {  	v14 =	vadd.f32 v14, v18;
	v18 =	vmin.f32 v7, $1.950000000e+01;
	v19 =	vtrunc.f32 v19;
	v10 =	vld [tilespmem:s28+$0x7610]  }
0x305: {  	v18 =	vtrunc.f32 v18;
	v19 =	vcvt.f32.s32 v19;
	v7 =	vld [tilespmem:s2+$0x7230];
	[tilespmem:s26+$0x13650] =	vst v4  }
0x306: {  	v4 =	vadd.f32 $1.000000000e+01, v25;
	v9 =	vmul.f32 v17, v9;
	[tilespmem:s2+$0x13200] =	vst v14;
	v14 =	vcvt.f32.s32 v18;
	v18 =	vld.idx.msk [tilespmem:v11+s23+$0x0], $0xffff  }
0x307: {  	v23 =	vmul.f32 $1.000000000e+01, v1;
	v20 =	vadd.f32 $1.000000000e+01, v20;
	v21 =	vmul.f32 v26, v21;
	v17 =	vld.idx.msk [tilespmem:v22+s23+$0x0], $0xffff  }
0x308: {  	v24 =	vmul.f32 $1.000000000e+01, v2;
	v4 =	vmax.f32 v4, $0.0e+00;
	v9 =	vadd.f32 v16, v9;
	v11 =	vld.idx.msk [tilespmem:v11+s24+$0x0], $0xffff  }
0x309: {  	v20 =	vmax.f32 v20, $0.0e+00;
	v15 =	vadd.f32 v15, v21;
	v4 =	vmin.f32 v4, $1.950000000e+01;
	v16 =	vld.idx.msk [tilespmem:v22+s24+$0x0], $0xffff  }
0x30a: {  	v20 =	vmin.f32 v20, $1.950000000e+01;
	v21 =	vmul.f32 $1.000000000e+01, v10;
	v22 =	vtrunc.f32 v4;
	v4 =	vld [tilespmem:s26+$0x7A10];
	[tilespmem:s25+$0x13A40] =	vst v9  }
0x30b: {  	v9 =	vtrunc.f32 v20;
	v20 =	vcvt.f32.s32 v22;
	[tilespmem:s28+$0x13270] =	vst v15;
	v22 =	vld.idx.msk [tilespmem:v19+s23+$0x0], $0xffff;
	v15 =	vadd.f32 $1.000000000e+01, v23  }
0x30c: {  	v9 =	vcvt.f32.s32 v9;
	v21 =	vadd.f32 $1.000000000e+01, v21;
	v8 =	vmul.f32 v18, v8;
	v23 =	vld.idx.msk [tilespmem:v14+s23+$0x0], $0xffff  }
0x30d: {  	v13 =	vmul.f32 v17, v13;
	v17 =	vmul.f32 $1.000000000e+01, v7;
	v18 =	vld.idx.msk [tilespmem:v19+s24+$0x0], $0xffff;
	v15 =	vmax.f32 v15, $0.0e+00  }
0x30e: {  	v19 =	vmax.f32 v21, $0.0e+00;
	v8 =	vadd.f32 v11, v8;
	v14 =	vld.idx.msk [tilespmem:v14+s24+$0x0], $0xffff;
	v11 =	vmin.f32 v15, $1.950000000e+01  }
0x30f: {  	v13 =	vadd.f32 v16, v13;
	v16 =	vmin.f32 v19, $1.950000000e+01;
	v19 =	vld [tilespmem:s28+$0x7620];
	v11 =	vtrunc.f32 v11  }
0x310: {  	v16 =	vtrunc.f32 v16;
	v15 =	vld [tilespmem:s2+$0x7240];
	[tilespmem:s26+$0x13660] =	vst v8;
	v8 =	vcvt.f32.s32 v11  }
0x311: {  	v11 =	vcvt.f32.s32 v16;
	v16 =	vadd.f32 $1.000000000e+01, v24;
	v6 =	vmul.f32 v22, v6;
	[tilespmem:s2+$0x13210] =	vst v13;
	v13 =	vld.idx.msk [tilespmem:v20+s23+$0x0], $0xffff  }
0x312: {  	v17 =	vadd.f32 $1.000000000e+01, v17;
	v22 =	vmul.f32 $1.000000000e+01, v0;
	v12 =	vmul.f32 v23, v12;
	v21 =	vld.idx.msk [tilespmem:v9+s23+$0x0], $0xffff  }
0x313: {  	v23 =	vmul.f32 $1.000000000e+01, v4;
	v16 =	vmax.f32 v16, $0.0e+00;
	v6 =	vadd.f32 v18, v6;
	v20 =	vld.idx.msk [tilespmem:v20+s24+$0x0], $0xffff  }
0x314: {  	v17 =	vmax.f32 v17, $0.0e+00;
	v12 =	vadd.f32 v14, v12;
	v14 =	vmin.f32 v16, $1.950000000e+01;
	v9 =	vld.idx.msk [tilespmem:v9+s24+$0x0], $0xffff  }
0x315: {  	v16 =	vmin.f32 v17, $1.950000000e+01;
	v17 =	vmul.f32 $1.000000000e+01, v19;
	v14 =	vtrunc.f32 v14;
	v18 =	vld [tilespmem:s26+$0x7A70];
	[tilespmem:s25+$0x13A50] =	vst v6  }
0x316: {  	v6 =	vtrunc.f32 v16;
	v16 =	vadd.f32 $1.000000000e+01, v22;
	[tilespmem:s28+$0x13600] =	vst v12;
	v12 =	vcvt.f32.s32 v14;
	v14 =	vld.idx.msk [tilespmem:v8+s23+$0x0], $0xffff  }
0x317: {  	v22 =	vcvt.f32.s32 v6;
	v6 =	vadd.f32 $1.000000000e+01, v17;
	v3 =	vmul.f32 v13, v3;
	v24 =	vld.idx.msk [tilespmem:v11+s23+$0x0], $0xffff  }
0x318: {  	v13 =	vmul.f32 $1.000000000e+01, v15;
	v5 =	vmul.f32 v21, v5;
	v16 =	vmax.f32 v16, $0.0e+00;
	v8 =	vld.idx.msk [tilespmem:v8+s24+$0x0], $0xffff  }
0x319: {  	v6 =	vmax.f32 v6, $0.0e+00;
	v17 =	vadd.f32 v20, v3;
	v16 =	vmin.f32 v16, $1.950000000e+01;
	v11 =	vld.idx.msk [tilespmem:v11+s24+$0x0], $0xffff  }
0x31a: {  	v5 =	vadd.f32 v9, v5;
	v6 =	vmin.f32 v6, $1.950000000e+01;
	v9 =	vtrunc.f32 v16;
	v3 =	vld [tilespmem:s26+$0x7A20]  }
0x31b: {  	v16 =	vtrunc.f32 v6;
	v9 =	vcvt.f32.s32 v9;
	v6 =	vld [tilespmem:s28+$0x7630];
	[tilespmem:s26+$0x13670] =	vst v17  }
0x31c: {  	v17 =	vadd.f32 $1.000000000e+01, v23;
	v1 =	vmul.f32 v14, v1;
	[tilespmem:s2+$0x13220] =	vst v5;
	v5 =	vcvt.f32.s32 v16;
	v16 =	vld.idx.msk [tilespmem:v12+s23+$0x0], $0xffff  }
0x31d: {  	v13 =	vadd.f32 $1.000000000e+01, v13;
	v10 =	vmul.f32 v24, v10;
	v14 =	vld.idx.msk [tilespmem:v22+s23+$0x0], $0xffff  }
0x31e: {  	v17 =	vmax.f32 v17, $0.0e+00;
	v1 =	vadd.f32 v8, v1;
	v12 =	vld.idx.msk [tilespmem:v12+s24+$0x0], $0xffff  }
0x31f: {  	v13 =	vmax.f32 v13, $0.0e+00;
	v11 =	vadd.f32 v11, v10;
	v17 =	vmin.f32 v17, $1.950000000e+01;
	v8 =	vld.idx.msk [tilespmem:v22+s24+$0x0], $0xffff  }
0x320: {  	v13 =	vmin.f32 v13, $1.950000000e+01;
	v17 =	vtrunc.f32 v17;
	v10 =	vld [tilespmem:s2+$0x7250];
	v20 =	vmul.f32 $1.000000000e+01, v6;
	[tilespmem:s25+$0x13A60] =	vst v1  }
0x321: {  	v1 =	vtrunc.f32 v13;
	[tilespmem:s28+$0x13610] =	vst v11;
	v11 =	vcvt.f32.s32 v17;
	v13 =	vld.idx.msk [tilespmem:v9+s23+$0x0], $0xffff  }
0x322: {  	v17 =	vcvt.f32.s32 v1;
	v2 =	vmul.f32 v16, v2;
	v21 =	vld.idx.msk [tilespmem:v5+s23+$0x0], $0xffff;
	v1 =	vadd.f32 $1.000000000e+01, v20  }
0x323: {  	v7 =	vmul.f32 v14, v7;
	v14 =	vld.idx.msk [tilespmem:v9+s24+$0x0], $0xffff  }
0x324: {  	v2 =	vadd.f32 v12, v2;
	v20 =	vld.idx.msk [tilespmem:v5+s24+$0x0], $0xffff;
	v1 =	vmax.f32 v1, $0.0e+00  }
0x325: {  	v7 =	vadd.f32 v8, v7;
	v8 =	vmul.f32 $1.000000000e+01, v3;
	v5 =	vmin.f32 v1, $1.950000000e+01;
	v1 =	vld [tilespmem:s26+$0x7A60]  }
0x326: {  	v9 =	vmul.f32 $1.000000000e+01, v10;
	v12 =	vtrunc.f32 v5;
	v5 =	vld [tilespmem:s28+$0x7640];
	[tilespmem:s26+$0x13A00] =	vst v2  }
0x327: {  	v2 =	vadd.f32 $1.000000000e+01, v8;
	v8 =	vmul.f32 v13, v0;
	v0 =	vmovc v18;
	[tilespmem:s2+$0x13230] =	vst v7;
	v7 =	vcvt.f32.s32 v12;
	v22 =	vld.idx.msk [tilespmem:v11+s23+$0x0], $0xffff  }
0x328: {  	v12 =	vadd.f32 $1.000000000e+01, v9;
	v13 =	vmul.f32 v21, v19;
	v18 =	vld.idx.msk [tilespmem:v17+s23+$0x0], $0xffff  }
0x329: {  	v2 =	vmax.f32 v2, $0.0e+00;
	v8 =	vadd.f32 v14, v8;
	v9 =	vld.idx.msk [tilespmem:v11+s24+$0x0], $0xffff  }
.Ltmp4:
0x32a: {  	v11 =	vmax.f32 v12, $0.0e+00;
	v12 =	vadd.f32 v20, v13;
	v2 =	vmin.f32 v2, $1.950000000e+01;
	v16 =	vld.idx.msk [tilespmem:v17+s24+$0x0], $0xffff;
	(pc) =	sbr.rel @p0 .LBB2_9-.Ltmp4, $4  }
0x32b: {  	v11 =	vmin.f32 v11, $1.950000000e+01;
	v14 =	vtrunc.f32 v2;
	v13 =	vmul.f32 $1.000000000e+01, v5;
	v2 =	vld [tilespmem:s26+$0x7A30];
	[tilespmem:s25+$0x13A70] =	vst v8;
	s25 =	smov.u32 s26;
	s26 =	smov.u32 s28;
	s28 =	smov.u32 s2  }
0x32c: {  	v17 =	vtrunc.f32 v11;
	v8 =	vcvt.f32.s32 v14;
	v11 =	vld [tilespmem:s28+$0x7260];
	[tilespmem:s26+$0x13620] =	vst v12  }
0x32d: {  	s2 =	sshrl.u32 s3, $0x3;
	v17 =	vcvt.f32.s32 v17;
	v12 =	vld.idx.msk [tilespmem:v7+s23+$0x0], $0xffff;
	v14 =	vadd.f32 $1.000000000e+01, v13;
	v13 =	vmul.f32 v22, v4  }
0x32e: {  	s0 =	sadd.s32 $0x80, s0;
	s3 =	sadd.s32 $0x1, s3;
	s2 =	smul.u32 $0xC00, s2;
	v15 =	vmul.f32 v18, v15;
	v4 =	vld [tilespmem:s26+$0x7650]  }
0x32f: {  	s0 =	sand.u32 $0x380, s0  }
0x330: {  	s3 =	sor.u32 s0, s2  }
0x331: {  	v18 =	vld [tilespmem:s3+$0x7200];
	_ =	sdelay $0x4  }
0x332: {  	v19 =	vmul.f32 $1.000000000e+01, v18;
	_ =	sdelay $0x1  }
0x333: {  	v19 =	vadd.f32 $1.000000000e+01, v19;
	_ =	sdelay $0x1  }
0x334: {  	v19 =	vmax.f32 v19, $0.0e+00  }
0x335: {  	v20 =	vld [tilespmem:s3+$0x7210];
	v19 =	vmin.f32 v19, $1.950000000e+01  }
0x336: {  	v19 =	vtrunc.f32 v19  }
0x337: {  	v19 =	vcvt.f32.s32 v19;
	_ =	sdelay $0x2  }
0x338: {  	v21 =	vmul.f32 $1.000000000e+01, v20;
	_ =	sdelay $0x1  }
0x339: {  	v21 =	vadd.f32 $1.000000000e+01, v21  }
0x33a: {  	v22 =	vld.idx.msk [tilespmem:v19+s23+$0x0], $0xffff  }
0x33b: {  	v23 =	vld [tilespmem:s3+$0x7220];
	v21 =	vmax.f32 v21, $0.0e+00  }
0x33c: {  	v21 =	vmin.f32 v21, $1.950000000e+01;
	v19 =	vld.idx.msk [tilespmem:v19+s24+$0x0], $0xffff  }
0x33d: {  	v21 =	vtrunc.f32 v21  }
0x33e: {  	v21 =	vcvt.f32.s32 v21  }
0x33f: {  	v18 =	vmul.f32 v22, v18;
	_ =	sdelay $0x1  }
0x340: {  	v43 =	vmul.f32 $1.000000000e+01, v23;
	v18 =	vadd.f32 v19, v18;
	_ =	sdelay $0x1  }
0x341: {  	v44 =	vadd.f32 $1.000000000e+01, v43;
	[tilespmem:s3+$0x13200] =	vst v18  }
0x342: {  	v45 =	vld.idx.msk [tilespmem:v21+s23+$0x0], $0xffff  }
0x343: {  	v46 =	vld [tilespmem:s3+$0x7230];
	v18 =	vmax.f32 v44, $0.0e+00  }
0x344: {  	v21 =	vld.idx.msk [tilespmem:v21+s24+$0x0], $0xffff;
	v18 =	vmin.f32 v18, $1.950000000e+01  }
0x345: {  	v18 =	vtrunc.f32 v18  }
0x346: {  	v18 =	vcvt.f32.s32 v18  }
0x347: {  	v19 =	vmul.f32 v45, v20;
	_ =	sdelay $0x1  }
0x348: {  	v47 =	vmul.f32 $1.000000000e+01, v46;
	v19 =	vadd.f32 v21, v19;
	_ =	sdelay $0x1  }
0x349: {  	v48 =	vadd.f32 $1.000000000e+01, v47;
	[tilespmem:s3+$0x13210] =	vst v19  }
0x34a: {  	v49 =	vld.idx.msk [tilespmem:v18+s23+$0x0], $0xffff  }
0x34b: {  	v50 =	vld [tilespmem:s3+$0x7240];
	v19 =	vmax.f32 v48, $0.0e+00  }
0x34c: {  	v18 =	vld.idx.msk [tilespmem:v18+s24+$0x0], $0xffff;
	v19 =	vmin.f32 v19, $1.950000000e+01  }
0x34d: {  	v19 =	vtrunc.f32 v19  }
0x34e: {  	v19 =	vcvt.f32.s32 v19  }
0x34f: {  	v20 =	vmul.f32 v49, v23;
	_ =	sdelay $0x1  }
0x350: {  	v51 =	vmul.f32 $1.000000000e+01, v50;
	v18 =	vadd.f32 v18, v20;
	_ =	sdelay $0x1  }
0x351: {  	v52 =	vadd.f32 $1.000000000e+01, v51;
	[tilespmem:s3+$0x13220] =	vst v18  }
0x352: {  	v53 =	vld.idx.msk [tilespmem:v19+s23+$0x0], $0xffff  }
0x353: {  	v54 =	vld [tilespmem:s3+$0x7250];
	v18 =	vmax.f32 v52, $0.0e+00  }
0x354: {  	v19 =	vld.idx.msk [tilespmem:v19+s24+$0x0], $0xffff;
	v18 =	vmin.f32 v18, $1.950000000e+01  }
0x355: {  	v18 =	vtrunc.f32 v18  }
0x356: {  	v18 =	vcvt.f32.s32 v18  }
0x357: {  	v20 =	vmul.f32 v53, v46;
	_ =	sdelay $0x1  }
0x358: {  	v55 =	vmul.f32 $1.000000000e+01, v54;
	v19 =	vadd.f32 v19, v20;
	_ =	sdelay $0x1  }
0x359: {  	v56 =	vadd.f32 $1.000000000e+01, v55;
	[tilespmem:s3+$0x13230] =	vst v19  }
0x35a: {  	v57 =	vld.idx.msk [tilespmem:v18+s23+$0x0], $0xffff  }
0x35b: {  	v15 =	vadd.f32 v16, v15;
	v58 =	vld [tilespmem:s3+$0x7260];
	v59 =	vmul.f32 $1.000000000e+01, v11;
	v19 =	vmax.f32 v56, $0.0e+00  }
0x35c: {  	v18 =	vld.idx.msk [tilespmem:v18+s24+$0x0], $0xffff;
	v19 =	vmin.f32 v19, $1.950000000e+01  }
0x35d: {  	[tilespmem:s28+$0x13240] =	vst v15;
	v60 =	vadd.f32 $1.000000000e+01, v59;
	v19 =	vtrunc.f32 v19  }
0x35e: {  	v61 =	vld.idx.msk [tilespmem:v17+s23+$0x0], $0xffff;
	v19 =	vcvt.f32.s32 v19  }
0x35f: {  	v24 =	vld [tilespmem:s28+$0x7270];
	v15 =	vmax.f32 v60, $0.0e+00;
	v20 =	vmul.f32 v57, v50  }
0x360: {  	v63 =	vld.idx.msk [tilespmem:v17+s24+$0x0], $0xffff;
	v15 =	vmin.f32 v15, $1.950000000e+01  }
0x361: {  	v62 =	vmul.f32 $1.000000000e+01, v58;
	v15 =	vtrunc.f32 v15;
	v18 =	vadd.f32 v18, v20  }
0x362: {  	v15 =	vcvt.f32.s32 v15  }
0x363: {  	v25 =	vadd.f32 $1.000000000e+01, v62;
	v10 =	vmul.f32 v61, v10;
	[tilespmem:s3+$0x13240] =	vst v18  }
0x364: {  	v26 =	vld.idx.msk [tilespmem:v19+s23+$0x0], $0xffff  }
0x365: {  	v28 =	vld [tilespmem:s3+$0x7270];
	v29 =	vmul.f32 $1.000000000e+01, v24;
	v10 =	vadd.f32 v63, v10;
	v18 =	vmax.f32 v25, $0.0e+00  }
0x366: {  	v19 =	vld.idx.msk [tilespmem:v19+s24+$0x0], $0xffff;
	v27 =	vmin.f32 v18, $1.950000000e+01  }
0x367: {  	v30 =	vadd.f32 $1.000000000e+01, v29;
	[tilespmem:s28+$0x13250] =	vst v10;
	v16 =	vtrunc.f32 v27  }
0x368: {  	v31 =	vld.idx.msk [tilespmem:v15+s23+$0x0], $0xffff;
	v16 =	vcvt.f32.s32 v16  }
0x369: {  	v33 =	vld [tilespmem:s28+$0x7600];
	v10 =	vmax.f32 v30, $0.0e+00;
	v20 =	vmul.f32 v26, v54  }
0x36a: {  	v10 =	vmin.f32 v10, $1.950000000e+01;
	v15 =	vld.idx.msk [tilespmem:v15+s24+$0x0], $0xffff  }
0x36b: {  	v32 =	vmul.f32 $1.000000000e+01, v28;
	v10 =	vtrunc.f32 v10;
	v19 =	vadd.f32 v19, v20  }
0x36c: {  	v10 =	vcvt.f32.s32 v10  }
0x36d: {  	v34 =	vadd.f32 $1.000000000e+01, v32;
	v36 =	vmul.f32 v31, v11;
	[tilespmem:s3+$0x13250] =	vst v19  }
0x36e: {  	v35 =	vld.idx.msk [tilespmem:v16+s23+$0x0], $0xffff  }
0x36f: {  	v38 =	vld [tilespmem:s3+$0x7600];
	v39 =	vmul.f32 $1.000000000e+01, v33;
	v11 =	vadd.f32 v15, v36;
	v19 =	vmax.f32 v34, $0.0e+00  }
0x370: {  	v16 =	vld.idx.msk [tilespmem:v16+s24+$0x0], $0xffff;
	v37 =	vmin.f32 v19, $1.950000000e+01  }
0x371: {  	v40 =	vadd.f32 $1.000000000e+01, v39;
	[tilespmem:s28+$0x13260] =	vst v11;
	v17 =	vtrunc.f32 v37  }
0x372: {  	v41 =	vld.idx.msk [tilespmem:v10+s23+$0x0], $0xffff;
	v17 =	vcvt.f32.s32 v17  }
0x373: {  	v43 =	vld [tilespmem:s28+$0x7610];
	v11 =	vmax.f32 v40, $0.0e+00;
	v20 =	vmul.f32 v35, v58  }
0x374: {  	v10 =	vld.idx.msk [tilespmem:v10+s24+$0x0], $0xffff;
	v11 =	vmin.f32 v11, $1.950000000e+01  }
0x375: {  	v42 =	vmul.f32 $1.000000000e+01, v38;
	v11 =	vtrunc.f32 v11;
	v16 =	vadd.f32 v16, v20  }
0x376: {  	v11 =	vcvt.f32.s32 v11  }
0x377: {  	v44 =	vadd.f32 $1.000000000e+01, v42;
	v15 =	vmul.f32 v41, v24;
	[tilespmem:s3+$0x13260] =	vst v16  }
0x378: {  	v45 =	vld.idx.msk [tilespmem:v17+s23+$0x0], $0xffff  }
0x379: {  	v47 =	vmul.f32 $1.000000000e+01, v43;
	v10 =	vadd.f32 v10, v15;
	v46 =	vld [tilespmem:s3+$0x7610];
	v16 =	vmax.f32 v44, $0.0e+00  }
0x37a: {  	v17 =	vld.idx.msk [tilespmem:v17+s24+$0x0], $0xffff;
	v16 =	vmin.f32 v16, $1.950000000e+01  }
0x37b: {  	[tilespmem:s28+$0x13270] =	vst v10;
	v48 =	vadd.f32 $1.000000000e+01, v47;
	v16 =	vtrunc.f32 v16  }
0x37c: {  	v49 =	vld.idx.msk [tilespmem:v11+s23+$0x0], $0xffff;
	v16 =	vcvt.f32.s32 v16  }
0x37d: {  	v51 =	vld [tilespmem:s28+$0x7620];
	v10 =	vmax.f32 v48, $0.0e+00;
	v18 =	vmul.f32 v45, v28  }
0x37e: {  	v10 =	vmin.f32 v10, $1.950000000e+01;
	v11 =	vld.idx.msk [tilespmem:v11+s24+$0x0], $0xffff  }
0x37f: {  	v10 =	vtrunc.f32 v10;
	v50 =	vmul.f32 $1.000000000e+01, v46;
	v17 =	vadd.f32 v17, v18  }
0x380: {  	v10 =	vcvt.f32.s32 v10  }
0x381: {  	v15 =	vmul.f32 v49, v33;
	v52 =	vadd.f32 $1.000000000e+01, v50;
	[tilespmem:s3+$0x13270] =	vst v17  }
0x382: {  	v53 =	vld.idx.msk [tilespmem:v16+s23+$0x0], $0xffff  }
0x383: {  	v55 =	vmul.f32 $1.000000000e+01, v51;
	v11 =	vadd.f32 v11, v15;
	v54 =	vld [tilespmem:s3+$0x7620];
	v17 =	vmax.f32 v52, $0.0e+00  }
0x384: {  	v16 =	vld.idx.msk [tilespmem:v16+s24+$0x0], $0xffff;
	v17 =	vmin.f32 v17, $1.950000000e+01  }
0x385: {  	[tilespmem:s28+$0x13600] =	vst v11;
	v56 =	vadd.f32 $1.000000000e+01, v55;
	v17 =	vtrunc.f32 v17  }
0x386: {  	v57 =	vld.idx.msk [tilespmem:v10+s23+$0x0], $0xffff;
	v17 =	vcvt.f32.s32 v17  }
0x387: {  	v59 =	vld [tilespmem:s28+$0x7630];
	v11 =	vmax.f32 v56, $0.0e+00;
	v18 =	vmul.f32 v53, v38  }
0x388: {  	v11 =	vmin.f32 v11, $1.950000000e+01;
	v10 =	vld.idx.msk [tilespmem:v10+s24+$0x0], $0xffff  }
0x389: {  	v11 =	vtrunc.f32 v11;
	v58 =	vmul.f32 $1.000000000e+01, v54;
	v16 =	vadd.f32 v16, v18  }
0x38a: {  	v11 =	vcvt.f32.s32 v11  }
0x38b: {  	v62 =	vld [tilespmem:s3+$0x7630];
	v15 =	vmul.f32 v57, v43;
	v60 =	vadd.f32 $1.000000000e+01, v58;
	[tilespmem:s3+$0x13600] =	vst v16  }
0x38c: {  	v63 =	vmul.f32 $1.000000000e+01, v59;
	v25 =	vmax.f32 v14, $0.0e+00;
	v61 =	vld.idx.msk [tilespmem:v17+s23+$0x0], $0xffff  }
0x38d: {  	v24 =	vld.idx.msk [tilespmem:v7+s24+$0x0], $0xffff;
	v27 =	vmin.f32 v25, $1.950000000e+01;
	v10 =	vadd.f32 v10, v15;
	v16 =	vmax.f32 v60, $0.0e+00  }
0x38e: {  	v29 =	vtrunc.f32 v27;
	v17 =	vld.idx.msk [tilespmem:v17+s24+$0x0], $0xffff;
	v16 =	vmin.f32 v16, $1.950000000e+01  }
0x38f: {  	v15 =	vcvt.f32.s32 v29;
	[tilespmem:s28+$0x13610] =	vst v10;
	v28 =	vadd.f32 $1.000000000e+01, v63;
	v16 =	vtrunc.f32 v16  }
0x390: {  	v6 =	vmul.f32 v12, v6;
	v30 =	vld.idx.msk [tilespmem:v11+s23+$0x0], $0xffff;
	v16 =	vcvt.f32.s32 v16  }
0x391: {  	v32 =	vld [tilespmem:s28+$0x7640];
	v10 =	vmax.f32 v28, $0.0e+00;
	v26 =	vmul.f32 v61, v46  }
0x392: {  	v6 =	vadd.f32 v24, v6;
	v11 =	vld.idx.msk [tilespmem:v11+s24+$0x0], $0xffff;
	v10 =	vmin.f32 v10, $1.950000000e+01  }
0x393: {  	v31 =	vmul.f32 $1.000000000e+01, v62;
	v10 =	vtrunc.f32 v10;
	v14 =	vadd.f32 v17, v26  }
0x394: {  	[tilespmem:s26+$0x13630] =	vst v6;
	v10 =	vcvt.f32.s32 v10  }
0x395: {  	v9 =	vadd.f32 v9, v13;
	v33 =	vadd.f32 $1.000000000e+01, v31;
	v41 =	vld.idx.msk [tilespmem:v15+s23+$0x0], $0xffff;
	v36 =	vmul.f32 v30, v51;
	[tilespmem:s3+$0x13610] =	vst v14  }
0x396: {  	v42 =	vmul.f32 $1.000000000e+01, v32;
	v35 =	vld.idx.msk [tilespmem:v16+s23+$0x0], $0xffff  }
0x397: {  	[tilespmem:s25+$0x13A10] =	vst v9;
	v34 =	vmul.f32 $1.000000000e+01, v4;
	v37 =	vld [tilespmem:s3+$0x7640];
	v9 =	vadd.f32 v11, v36;
	v14 =	vmax.f32 v33, $0.0e+00  }
0x398: {  	v16 =	vld.idx.msk [tilespmem:v16+s24+$0x0], $0xffff;
	v14 =	vmin.f32 v14, $1.950000000e+01  }
0x399: {  	v47 =	vld [tilespmem:s28+$0x7650];
	v39 =	vadd.f32 $1.000000000e+01, v34;
	[tilespmem:s28+$0x13620] =	vst v9;
	v44 =	vadd.f32 $1.000000000e+01, v42;
	v40 =	vtrunc.f32 v14  }
0x39a: {  	v45 =	vld.idx.msk [tilespmem:v10+s23+$0x0], $0xffff;
	v13 =	vcvt.f32.s32 v40  }
0x39b: {  	v15 =	vld.idx.msk [tilespmem:v15+s24+$0x0], $0xffff;
	v6 =	vmax.f32 v39, $0.0e+00;
	v9 =	vmax.f32 v44, $0.0e+00;
	v17 =	vmul.f32 v35, v54  }
0x39c: {  	v6 =	vmin.f32 v6, $1.950000000e+01;
	v5 =	vmul.f32 v41, v5;
	v9 =	vmin.f32 v9, $1.950000000e+01;
	v10 =	vld.idx.msk [tilespmem:v10+s24+$0x0], $0xffff  }
0x39d: {  	v9 =	vtrunc.f32 v9;
	v46 =	vmul.f32 $1.000000000e+01, v37;
	v16 =	vadd.f32 v16, v17  }
0x39e: {  	v6 =	vtrunc.f32 v6;
	v9 =	vcvt.f32.s32 v9  }
0x39f: {  	v43 =	vld [tilespmem:s26+$0x7660];
	v6 =	vcvt.f32.s32 v6;
	v11 =	vmul.f32 v45, v59;
	v48 =	vadd.f32 $1.000000000e+01, v46;
	[tilespmem:s3+$0x13620] =	vst v16  }
0x3a0: {  	v5 =	vadd.f32 v15, v5;
	v49 =	vld.idx.msk [tilespmem:v13+s23+$0x0], $0xffff  }
0x3a1: {  	v53 =	vmul.f32 $1.000000000e+01, v47;
	v10 =	vadd.f32 v10, v11;
	v17 =	vld [tilespmem:s3+$0x7650];
	v16 =	vmax.f32 v48, $0.0e+00  }
0x3a2: {  	[tilespmem:s26+$0x13640] =	vst v5;
	v13 =	vld.idx.msk [tilespmem:v13+s24+$0x0], $0xffff;
	v50 =	vmin.f32 v16, $1.950000000e+01  }
0x3a3: {  	v5 =	vadd.f32 $1.000000000e+01, v53;
	[tilespmem:s28+$0x13630] =	vst v10;
	v15 =	vtrunc.f32 v50  }
0x3a4: {  	v51 =	vmul.f32 $1.000000000e+01, v43;
	v58 =	vld.idx.msk [tilespmem:v9+s23+$0x0], $0xffff;
	v54 =	vcvt.f32.s32 v15  }
0x3a5: {  	v55 =	vld.idx.msk [tilespmem:v6+s23+$0x0], $0xffff;
	v5 =	vmax.f32 v5, $0.0e+00;
	v14 =	vmul.f32 v49, v62  }
0x3a6: {  	v19 =	vadd.f32 $1.000000000e+01, v51;
	v5 =	vmin.f32 v5, $1.950000000e+01;
	v9 =	vld.idx.msk [tilespmem:v9+s24+$0x0], $0xffff  }
0x3a7: {  	v6 =	vld.idx.msk [tilespmem:v6+s24+$0x0], $0xffff;
	v5 =	vtrunc.f32 v5;
	v59 =	vmul.f32 $1.000000000e+01, v17;
	v13 =	vadd.f32 v13, v14  }
0x3a8: {  	v56 =	vmul.f32 $1.000000000e+01, v2;
	v57 =	vmax.f32 v19, $0.0e+00;
	v5 =	vcvt.f32.s32 v5;
	v61 =	vld [tilespmem:s28+$0x7660]  }
0x3a9: {  	v10 =	vmin.f32 v57, $1.950000000e+01;
	v12 =	vmul.f32 v58, v32;
	v16 =	vld [tilespmem:s26+$0x7670];
	v62 =	vadd.f32 $1.000000000e+01, v59;
	[tilespmem:s3+$0x13630] =	vst v13  }
0x3aa: {  	v60 =	vadd.f32 $1.000000000e+01, v56;
	v10 =	vtrunc.f32 v10;
	v63 =	vld.idx.msk [tilespmem:v54+s23+$0x0], $0xffff  }
0x3ab: {  	v25 =	vld [tilespmem:s3+$0x7660];
	v10 =	vcvt.f32.s32 v10;
	v9 =	vadd.f32 v9, v12;
	v27 =	vmax.f32 v62, $0.0e+00  }
0x3ac: {  	v15 =	vmul.f32 v55, v4;
	v14 =	vmax.f32 v60, $0.0e+00;
	v29 =	vmin.f32 v27, $1.950000000e+01;
	v11 =	vld.idx.msk [tilespmem:v54+s24+$0x0], $0xffff  }
0x3ad: {  	v38 =	vld.idx.msk [tilespmem:v8+s23+$0x0], $0xffff;
	v26 =	vmul.f32 $1.000000000e+01, v61;
	v28 =	vmin.f32 v14, $1.950000000e+01;
	v14 =	vtrunc.f32 v29  }
0x3ae: {  	v52 =	vld.idx.msk [tilespmem:v8+s24+$0x0], $0xffff;
	[tilespmem:s28+$0x13640] =	vst v9;
	v6 =	vadd.f32 v6, v15;
	v30 =	vmul.f32 $1.000000000e+01, v16;
	v31 =	vcvt.f32.s32 v14  }
0x3af: {  	v34 =	vadd.f32 $1.000000000e+01, v26;
	v35 =	vld.idx.msk [tilespmem:v5+s23+$0x0], $0xffff;
	v18 =	vmul.f32 v63, v37  }
0x3b0: {  	v5 =	vld.idx.msk [tilespmem:v5+s24+$0x0], $0xffff;
	[tilespmem:s26+$0x13650] =	vst v6;
	v32 =	vadd.f32 $1.000000000e+01, v30  }
0x3b1: {  	v36 =	vmul.f32 $1.000000000e+01, v25;
	v9 =	vmax.f32 v34, $0.0e+00;
	v33 =	vld.idx.msk [tilespmem:v10+s23+$0x0], $0xffff;
	v11 =	vadd.f32 v11, v18  }
0x3b2: {  	v3 =	vmul.f32 v38, v3;
	v9 =	vmin.f32 v9, $1.950000000e+01;
	v10 =	vld.idx.msk [tilespmem:v10+s24+$0x0], $0xffff;
	v6 =	vmax.f32 v32, $0.0e+00  }
0x3b3: {  	v38 =	vtrunc.f32 v9;
	v14 =	vld [tilespmem:s28+$0x7670];
	v6 =	vmin.f32 v6, $1.950000000e+01;
	v37 =	vadd.f32 $1.000000000e+01, v36;
	[tilespmem:s3+$0x13640] =	vst v11  }
0x3b4: {  	v3 =	vadd.f32 v52, v3;
	v8 =	vcvt.f32.s32 v38;
	v6 =	vtrunc.f32 v6;
	v39 =	vld.idx.msk [tilespmem:v31+s23+$0x0], $0xffff  }
0x3b5: {  	v40 =	vld [tilespmem:s3+$0x7670];
	v42 =	vmul.f32 v35, v47;
	v6 =	vcvt.f32.s32 v6;
	v41 =	vmax.f32 v37, $0.0e+00  }
0x3b6: {  	v19 =	vmul.f32 v33, v43;
	v44 =	vmin.f32 v41, $1.950000000e+01;
	v43 =	vld.idx.msk [tilespmem:v31+s24+$0x0], $0xffff  }
0x3b7: {  	v7 =	vld [tilespmem:s25+$0x7A40];
	[tilespmem:s25+$0x13A20] =	vst v3;
	v3 =	vadd.f32 v5, v42;
	v12 =	vtrunc.f32 v44  }
0x3b8: {  	v15 =	vld [tilespmem:s26+$0x7A00];
	v10 =	vadd.f32 v10, v19;
	v46 =	vmul.f32 $1.000000000e+01, v14;
	v47 =	vcvt.f32.s32 v12  }
0x3b9: {  	v49 =	vld [tilespmem:s28+$0x7A00];
	[tilespmem:s28+$0x13650] =	vst v3;
	v17 =	vmul.f32 v39, v17  }
0x3ba: {  	v52 =	vld.idx.msk [tilespmem:v8+s23+$0x0], $0xffff;
	[tilespmem:s26+$0x13660] =	vst v10;
	v51 =	vadd.f32 $1.000000000e+01, v46  }
0x3bb: {  	v53 =	vmul.f32 $1.000000000e+01, v40;
	v50 =	vld.idx.msk [tilespmem:v6+s23+$0x0], $0xffff;
	v11 =	vadd.f32 v43, v17  }
0x3bc: {  	v8 =	vld.idx.msk [tilespmem:v8+s24+$0x0], $0xffff;
	v3 =	vmax.f32 v51, $0.0e+00  }
0x3bd: {  	v13 =	vtrunc.f32 v28;
	v54 =	vadd.f32 $1.000000000e+01, v53;
	v6 =	vld.idx.msk [tilespmem:v6+s24+$0x0], $0xffff;
	v3 =	vmin.f32 v3, $1.950000000e+01;
	[tilespmem:s3+$0x13650] =	vst v11  }
0x3be: {  	v45 =	vmul.f32 $1.000000000e+01, v15;
	v3 =	vtrunc.f32 v3;
	v55 =	vld.idx.msk [tilespmem:v47+s23+$0x0], $0xffff  }
0x3bf: {  	v57 =	vld [tilespmem:s3+$0x7A00];
	v21 =	vmul.f32 v52, v61;
	v58 =	vmax.f32 v54, $0.0e+00;
	v56 =	vcvt.f32.s32 v3  }
0x3c0: {  	v48 =	vadd.f32 $1.000000000e+01, v45;
	v16 =	vmul.f32 v50, v16;
	v11 =	vmin.f32 v58, $1.950000000e+01;
	v5 =	vld.idx.msk [tilespmem:v47+s24+$0x0], $0xffff  }
0x3c1: {  	v4 =	vld [tilespmem:s25+$0x7A50];
	v60 =	vmul.f32 $1.000000000e+01, v49;
	v8 =	vadd.f32 v8, v21;
	v59 =	vtrunc.f32 v11  }
0x3c2: {  	v62 =	vld [tilespmem:s28+$0x7A10];
	v10 =	vmax.f32 v48, $0.0e+00;
	v6 =	vadd.f32 v6, v16;
	v16 =	vcvt.f32.s32 v59  }
0x3c3: {  	v27 =	vld [tilespmem:s3+$0x7A20];
	v13 =	vcvt.f32.s32 v13;
	v10 =	vmin.f32 v10, $1.950000000e+01;
	v63 =	vmul.f32 v55, v25  }
0x3c4: {  	v29 =	vadd.f32 $1.000000000e+01, v60;
	v19 =	vld [tilespmem:s26+$0x7A10];
	[tilespmem:s28+$0x13660] =	vst v8;
	v10 =	vtrunc.f32 v10  }
0x3c5: {  	v10 =	vcvt.f32.s32 v10;
	v31 =	vmul.f32 $1.000000000e+01, v57;
	v30 =	vld.idx.msk [tilespmem:v56+s23+$0x0], $0xffff;
	v5 =	vadd.f32 v5, v63  }
0x3c6: {  	v8 =	vmax.f32 v29, $0.0e+00;
	v36 =	vld [tilespmem:s3+$0x7A10]  }
0x3c7: {  	v8 =	vmin.f32 v8, $1.950000000e+01;
	v34 =	vadd.f32 $1.000000000e+01, v31;
	v18 =	vld.idx.msk [tilespmem:v56+s24+$0x0], $0xffff;
	[tilespmem:s3+$0x13660] =	vst v5  }
0x3c8: {  	v8 =	vtrunc.f32 v8;
	v35 =	vld.idx.msk [tilespmem:v16+s23+$0x0], $0xffff  }
0x3c9: {  	v9 =	vld.idx.msk [tilespmem:v13+s23+$0x0], $0xffff;
	v8 =	vcvt.f32.s32 v8;
	v61 =	vmul.f32 $1.000000000e+01, v19;
	v5 =	vmax.f32 v34, $0.0e+00  }
0x3ca: {  	[tilespmem:s26+$0x13670] =	vst v6;
	v14 =	vmul.f32 v30, v14;
	v16 =	vld.idx.msk [tilespmem:v16+s24+$0x0], $0xffff;
	v5 =	vmin.f32 v5, $1.950000000e+01  }
0x3cb: {  	v21 =	vadd.f32 $1.000000000e+01, v61;
	v28 =	vld.idx.msk [tilespmem:v10+s23+$0x0], $0xffff;
	v37 =	vtrunc.f32 v5  }
0x3cc: {  	v38 =	vmul.f32 $1.000000000e+01, v62;
	v13 =	vld.idx.msk [tilespmem:v13+s24+$0x0], $0xffff;
	v14 =	vadd.f32 v18, v14;
	v17 =	vcvt.f32.s32 v37  }
0x3cd: {  	v33 =	vmax.f32 v21, $0.0e+00;
	v32 =	vld.idx.msk [tilespmem:v10+s24+$0x0], $0xffff;
	v20 =	vmul.f32 v35, v40  }
0x3ce: {  	v39 =	vadd.f32 $1.000000000e+01, v38;
	v10 =	vmin.f32 v33, $1.950000000e+01;
	v11 =	vld [tilespmem:s26+$0x7A20];
	[tilespmem:s28+$0x13670] =	vst v14  }
0x3cf: {  	v42 =	vmul.f32 $1.000000000e+01, v36;
	v10 =	vtrunc.f32 v10;
	v41 =	vld.idx.msk [tilespmem:v8+s23+$0x0], $0xffff;
	v16 =	vadd.f32 v16, v20  }
0x3d0: {  	v6 =	vld [tilespmem:s26+$0x7A60];
	v10 =	vcvt.f32.s32 v10;
	v15 =	vmul.f32 v28, v15;
	v14 =	vmax.f32 v39, $0.0e+00  }
0x3d1: {  	v44 =	vadd.f32 $1.000000000e+01, v42;
	v8 =	vld.idx.msk [tilespmem:v8+s24+$0x0], $0xffff;
	v14 =	vmin.f32 v14, $1.950000000e+01;
	[tilespmem:s3+$0x13670] =	vst v16  }
0x3d2: {  	v15 =	vadd.f32 v32, v15;
	v14 =	vtrunc.f32 v14;
	v46 =	vld.idx.msk [tilespmem:v17+s23+$0x0], $0xffff  }
0x3d3: {  	v18 =	vld [tilespmem:s28+$0x7A20];
	v45 =	vmul.f32 $1.000000000e+01, v11;
	v14 =	vcvt.f32.s32 v14;
	v16 =	vmax.f32 v44, $0.0e+00  }
0x3d4: {  	v12 =	vmul.f32 v41, v49;
	v47 =	vld.idx.msk [tilespmem:v17+s24+$0x0], $0xffff;
	v16 =	vmin.f32 v16, $1.950000000e+01  }
0x3d5: {  	v32 =	vld [tilespmem:s28+$0x7A40];
	[tilespmem:s26+$0x13A00] =	vst v15;
	v22 =	vadd.f32 $1.000000000e+01, v45;
	v50 =	vtrunc.f32 v16  }
0x3d6: {  	v43 =	vld.idx.msk [tilespmem:v10+s23+$0x0], $0xffff;
	v12 =	vadd.f32 v8, v12;
	v28 =	vcvt.f32.s32 v50  }
0x3d7: {  	v51 =	vmax.f32 v22, $0.0e+00;
	v22 =	vld [tilespmem:s26+$0x7A30];
	v23 =	vmul.f32 v46, v57  }
0x3d8: {  	v58 =	vmul.f32 v9, v2;
	v53 =	vmul.f32 $1.000000000e+01, v18;
	v49 =	vld.idx.msk [tilespmem:v10+s24+$0x0], $0xffff;
	[tilespmem:s28+$0x13A00] =	vst v12  }
0x3d9: {  	v55 =	vmul.f32 $1.000000000e+01, v27;
	v52 =	vmin.f32 v51, $1.950000000e+01;
	v12 =	vld.idx.msk [tilespmem:v14+s23+$0x0], $0xffff;
	v15 =	vadd.f32 v47, v23  }
0x3da: {  	v2 =	vadd.f32 v13, v58;
	v54 =	vtrunc.f32 v52;
	v14 =	vld.idx.msk [tilespmem:v14+s24+$0x0], $0xffff;
	v16 =	vadd.f32 $1.000000000e+01, v53  }
0x3db: {  	v30 =	vmul.f32 $1.000000000e+01, v4;
	v26 =	vcvt.f32.s32 v54;
	v23 =	vadd.f32 $1.000000000e+01, v55;
	[tilespmem:s3+$0x13A00] =	vst v15;
	v15 =	vld [tilespmem:s28+$0x7A30]  }
0x3dc: {  	v19 =	vmul.f32 v43, v19;
	v40 =	vmul.f32 $1.000000000e+01, v7;
	v16 =	vmax.f32 v16, $0.0e+00;
	v57 =	vld.idx.msk [tilespmem:v28+s23+$0x0], $0xffff  }
0x3dd: {  	v56 =	vmul.f32 $1.000000000e+01, v22;
	v16 =	vmin.f32 v16, $1.950000000e+01;
	v23 =	vmax.f32 v23, $0.0e+00;
	v28 =	vld.idx.msk [tilespmem:v28+s24+$0x0], $0xffff  }
0x3de: {  	v21 =	vadd.f32 $1.000000000e+01, v40;
	v16 =	vtrunc.f32 v16;
	v60 =	vmin.f32 v23, $1.950000000e+01;
	v23 =	vld [tilespmem:s3+$0x7A30]  }
0x3df: {  	v5 =	vld [tilespmem:s28+$0x7A70];
	v19 =	vadd.f32 v49, v19;
	v59 =	vcvt.f32.s32 v16;
	v16 =	vtrunc.f32 v60  }
0x3e0: {  	v10 =	vld [tilespmem:s26+$0x7A40];
	v21 =	vmax.f32 v21, $0.0e+00;
	v12 =	vmul.f32 v12, v62;
	v16 =	vcvt.f32.s32 v16  }
0x3e1: {  	v24 =	vadd.f32 $1.000000000e+01, v30;
	v41 =	vld [tilespmem:s3+$0x7A40];
	v48 =	vmin.f32 v21, $1.950000000e+01;
	v21 =	vmul.f32 v57, v36  }
0x3e2: {  	v43 =	vld [tilespmem:s26+$0x7A50];
	v20 =	vadd.f32 $1.000000000e+01, v56;
	[tilespmem:s26+$0x13A10] =	vst v19;
	v12 =	vadd.f32 v14, v12;
	v29 =	vmul.f32 $1.000000000e+01, v15  }
0x3e3: {  	v30 =	vmul.f32 $1.000000000e+01, v6;
	v62 =	vld.idx.msk [tilespmem:v26+s23+$0x0], $0xffff;
	v36 =	vmul.f32 $1.000000000e+01, v23;
	v35 =	vadd.f32 v28, v21  }
0x3e4: {  	v61 =	vmax.f32 v20, $0.0e+00;
	v17 =	vtrunc.f32 v48;
	v63 =	vld.idx.msk [tilespmem:v26+s24+$0x0], $0xffff;
	[tilespmem:s28+$0x13A10] =	vst v12;
	v34 =	vadd.f32 $1.000000000e+01, v29  }
0x3e5: {  	v19 =	vmin.f32 v61, $1.950000000e+01;
	v17 =	vcvt.f32.s32 v17;
	v37 =	vld.idx.msk [tilespmem:v59+s23+$0x0], $0xffff;
	v38 =	vadd.f32 $1.000000000e+01, v36;
	[tilespmem:s3+$0x13A10] =	vst v35  }
0x3e6: {  	v42 =	vmul.f32 $1.000000000e+01, v10;
	v31 =	vtrunc.f32 v19;
	v12 =	vmax.f32 v34, $0.0e+00;
	v40 =	vld.idx.msk [tilespmem:v16+s23+$0x0], $0xffff  }
0x3e7: {  	[tilespmem:s25+$0x13A30] =	vst v2;
	v2 =	vcvt.f32.s32 v31;
	v9 =	vld.idx.msk [tilespmem:v59+s24+$0x0], $0xffff;
	v12 =	vmin.f32 v12, $1.950000000e+01;
	v13 =	vmax.f32 v38, $0.0e+00  }
0x3e8: {  	v11 =	vmul.f32 v62, v11;
	v12 =	vtrunc.f32 v12;
	v16 =	vld.idx.msk [tilespmem:v16+s24+$0x0], $0xffff;
	v13 =	vmin.f32 v13, $1.950000000e+01  }
0x3e9: {  	v47 =	vld [tilespmem:s28+$0x7A50];
	v12 =	vcvt.f32.s32 v12;
	v13 =	vtrunc.f32 v13  }
0x3ea: {  	v55 =	vld [tilespmem:s3+$0x7A50];
	v11 =	vadd.f32 v63, v11;
	v18 =	vmul.f32 v37, v18;
	v13 =	vcvt.f32.s32 v13  }
0x3eb: {  	v39 =	vmax.f32 v24, $0.0e+00;
	v49 =	vmul.f32 $1.000000000e+01, v41;
	v33 =	vld.idx.msk [tilespmem:v17+s23+$0x0], $0xffff;
	v21 =	vmul.f32 v40, v27  }
0x3ec: {  	v44 =	vadd.f32 $1.000000000e+01, v42;
	v46 =	vmul.f32 $1.000000000e+01, v32;
	v17 =	vld.idx.msk [tilespmem:v17+s24+$0x0], $0xffff;
	[tilespmem:s26+$0x13A20] =	vst v11;
	v9 =	vadd.f32 v9, v18  }
0x3ed: {  	v56 =	vmul.f32 $1.000000000e+01, v43;
	v52 =	vadd.f32 $1.000000000e+01, v49;
	v45 =	vld.idx.msk [tilespmem:v2+s23+$0x0], $0xffff;
	v16 =	vadd.f32 v16, v21  }
0x3ee: {  	v14 =	vmin.f32 v39, $1.950000000e+01;
	v48 =	vadd.f32 $1.000000000e+01, v46;
	v11 =	vmax.f32 v44, $0.0e+00;
	v2 =	vld.idx.msk [tilespmem:v2+s24+$0x0], $0xffff;
	[tilespmem:s28+$0x13A20] =	vst v9  }
0x3ef: {  	v50 =	vmul.f32 $1.000000000e+01, v1;
	v14 =	vtrunc.f32 v14;
	v11 =	vmin.f32 v11, $1.950000000e+01;
	v51 =	vld.idx.msk [tilespmem:v12+s23+$0x0], $0xffff;
	[tilespmem:s3+$0x13A20] =	vst v16  }
0x3f0: {  	v7 =	vmul.f32 v33, v7;
	v11 =	vtrunc.f32 v11;
	v9 =	vmax.f32 v48, $0.0e+00;
	v53 =	vld.idx.msk [tilespmem:v13+s23+$0x0], $0xffff  }
0x3f1: {  	v11 =	vcvt.f32.s32 v11;
	v9 =	vmin.f32 v9, $1.950000000e+01;
	v12 =	vld.idx.msk [tilespmem:v12+s24+$0x0], $0xffff;
	v16 =	vmax.f32 v52, $0.0e+00  }
0x3f2: {  	v54 =	vmul.f32 v45, v22;
	v9 =	vtrunc.f32 v9;
	v13 =	vld.idx.msk [tilespmem:v13+s24+$0x0], $0xffff;
	v16 =	vmin.f32 v16, $1.950000000e+01  }
0x3f3: {  	v58 =	vadd.f32 $1.000000000e+01, v56;
	v9 =	vcvt.f32.s32 v9;
	v16 =	vtrunc.f32 v16  }
0x3f4: {  	v2 =	vadd.f32 v2, v54;
	v15 =	vmul.f32 v51, v15;
	v16 =	vcvt.f32.s32 v16  }
0x3f5: {  	v8 =	vld [tilespmem:s28+$0x7A60];
	v14 =	vcvt.f32.s32 v14;
	v7 =	vadd.f32 v17, v7;
	v61 =	vmul.f32 v53, v23  }
0x3f6: {  	v60 =	vmul.f32 $1.000000000e+01, v47;
	v57 =	vadd.f32 $1.000000000e+01, v50;
	v29 =	vld [tilespmem:s3+$0x7A60];
	[tilespmem:s26+$0x13A30] =	vst v2;
	v12 =	vadd.f32 v12, v15  }
0x3f7: {  	v46 =	vmul.f32 $1.000000000e+01, v5;
	v63 =	vmul.f32 $1.000000000e+01, v55;
	[tilespmem:s25+$0x13A40] =	vst v7;
	v62 =	vld.idx.msk [tilespmem:v11+s23+$0x0], $0xffff;
	v13 =	vadd.f32 v13, v61  }
0x3f8: {  	v7 =	vmax.f32 v57, $0.0e+00;
	v18 =	vmax.f32 v58, $0.0e+00;
	v2 =	vadd.f32 $1.000000000e+01, v60;
	v11 =	vld.idx.msk [tilespmem:v11+s24+$0x0], $0xffff;
	[tilespmem:s28+$0x13A30] =	vst v12  }
0x3f9: {  	v7 =	vmin.f32 v7, $1.950000000e+01;
	v23 =	vmin.f32 v18, $1.950000000e+01;
	v12 =	vadd.f32 $1.000000000e+01, v63;
	v24 =	vld.idx.msk [tilespmem:v9+s23+$0x0], $0xffff;
	[tilespmem:s3+$0x13A30] =	vst v13  }
0x3fa: {  	v7 =	vtrunc.f32 v7;
	v2 =	vmax.f32 v2, $0.0e+00;
	v15 =	vtrunc.f32 v23;
	v28 =	vld.idx.msk [tilespmem:v16+s23+$0x0], $0xffff  }
0x3fb: {  	v2 =	vmin.f32 v2, $1.950000000e+01;
	v9 =	vld.idx.msk [tilespmem:v9+s24+$0x0], $0xffff;
	v25 =	vcvt.f32.s32 v15;
	v12 =	vmax.f32 v12, $0.0e+00  }
0x3fc: {  	v2 =	vtrunc.f32 v2;
	v10 =	vmul.f32 v62, v10;
	v12 =	vmin.f32 v12, $1.950000000e+01;
	v16 =	vld.idx.msk [tilespmem:v16+s24+$0x0], $0xffff  }
0x3fd: {  	v59 =	vld.idx.msk [tilespmem:v14+s23+$0x0], $0xffff;
	v2 =	vcvt.f32.s32 v2;
	v12 =	vtrunc.f32 v12  }
0x3fe: {  	v3 =	vld [tilespmem:s26+$0x7A70];
	v10 =	vadd.f32 v11, v10;
	v12 =	vcvt.f32.s32 v12;
	v31 =	vmul.f32 v24, v32  }
0x3ff: {  	v14 =	vld.idx.msk [tilespmem:v14+s24+$0x0], $0xffff;
	v35 =	vmul.f32 $1.000000000e+01, v8;
	v33 =	vmul.f32 v28, v41  }
0x400: {  	v42 =	vld [tilespmem:s3+$0x7A70];
	v7 =	vcvt.f32.s32 v7;
	[tilespmem:s26+$0x13A40] =	vst v10;
	v32 =	vadd.f32 $1.000000000e+01, v30;
	v9 =	vadd.f32 v9, v31  }
0x401: {  	v36 =	vmul.f32 $1.000000000e+01, v29;
	v18 =	vadd.f32 $1.000000000e+01, v35;
	v34 =	vld.idx.msk [tilespmem:v25+s23+$0x0], $0xffff;
	v11 =	vadd.f32 v16, v33  }
0x402: {  	v37 =	vmul.f32 $1.000000000e+01, v0;
	v4 =	vmul.f32 v59, v4;
	v13 =	vld.idx.msk [tilespmem:v25+s24+$0x0], $0xffff;
	v10 =	vmax.f32 v32, $0.0e+00;
	[tilespmem:s28+$0x13A40] =	vst v9  }
0x403: {  	v40 =	vmax.f32 v18, $0.0e+00;
	v10 =	vmin.f32 v10, $1.950000000e+01;
	v9 =	vadd.f32 $1.000000000e+01, v36;
	v38 =	vld.idx.msk [tilespmem:v2+s23+$0x0], $0xffff;
	[tilespmem:s3+$0x13A40] =	vst v11  }
0x404: {  	v4 =	vadd.f32 v14, v4;
	v14 =	vmin.f32 v40, $1.950000000e+01;
	v10 =	vtrunc.f32 v10;
	v41 =	vld.idx.msk [tilespmem:v12+s23+$0x0], $0xffff  }
0x405: {  	v14 =	vtrunc.f32 v14;
	v2 =	vld.idx.msk [tilespmem:v2+s24+$0x0], $0xffff;
	v10 =	vcvt.f32.s32 v10;
	v9 =	vmax.f32 v9, $0.0e+00  }
0x406: {  	[tilespmem:s25+$0x13A50] =	vst v4;
	v14 =	vcvt.f32.s32 v14;
	v15 =	vmul.f32 v34, v43;
	v9 =	vmin.f32 v9, $1.950000000e+01;
	v12 =	vld.idx.msk [tilespmem:v12+s24+$0x0], $0xffff  }
0x407: {  	v39 =	vadd.f32 $1.000000000e+01, v37;
	v44 =	vld.idx.msk [tilespmem:v7+s23+$0x0], $0xffff;
	v43 =	vmul.f32 $1.000000000e+01, v3;
	v9 =	vtrunc.f32 v9  }
0x408: {  	v13 =	vadd.f32 v13, v15;
	v9 =	vcvt.f32.s32 v9;
	v45 =	vmul.f32 v38, v47  }
0x409: {  	v50 =	vadd.f32 $1.000000000e+01, v46;
	v7 =	vld.idx.msk [tilespmem:v7+s24+$0x0], $0xffff;
	v16 =	vmul.f32 v41, v55  }
0x40a: {  	v11 =	vmax.f32 v39, $0.0e+00;
	v4 =	vadd.f32 $1.000000000e+01, v43;
	[tilespmem:s26+$0x13A50] =	vst v13;
	v2 =	vadd.f32 v2, v45  }
0x40b: {  	v48 =	vmul.f32 $1.000000000e+01, v42;
	v11 =	vmin.f32 v11, $1.950000000e+01;
	v47 =	vld.idx.msk [tilespmem:v10+s23+$0x0], $0xffff;
	v12 =	vadd.f32 v12, v16  }
0x40c: {  	v49 =	vmul.f32 v44, v1;
	v11 =	vtrunc.f32 v11;
	v4 =	vmax.f32 v4, $0.0e+00;
	v10 =	vld.idx.msk [tilespmem:v10+s24+$0x0], $0xffff;
	[tilespmem:s28+$0x13A50] =	vst v2  }
0x40d: {  	v52 =	vadd.f32 $1.000000000e+01, v48;
	v11 =	vcvt.f32.s32 v11;
	v4 =	vmin.f32 v4, $1.950000000e+01;
	v51 =	vld.idx.msk [tilespmem:v14+s23+$0x0], $0xffff;
	[tilespmem:s3+$0x13A50] =	vst v12  }
0x40e: {  	v1 =	vadd.f32 v7, v49;
	v4 =	vtrunc.f32 v4;
	v2 =	vmax.f32 v50, $0.0e+00;
	v53 =	vld.idx.msk [tilespmem:v9+s23+$0x0], $0xffff  }
0x40f: {  	v4 =	vcvt.f32.s32 v4;
	v14 =	vld.idx.msk [tilespmem:v14+s24+$0x0], $0xffff;
	v2 =	vmin.f32 v2, $1.950000000e+01;
	v12 =	vmax.f32 v52, $0.0e+00  }
0x410: {  	v6 =	vmul.f32 v47, v6;
	v2 =	vtrunc.f32 v2;
	v9 =	vld.idx.msk [tilespmem:v9+s24+$0x0], $0xffff;
	v12 =	vmin.f32 v12, $1.950000000e+01  }
0x411: {  	v2 =	vcvt.f32.s32 v2;
	v12 =	vtrunc.f32 v12  }
0x412: {  	[tilespmem:s25+$0x13A60] =	vst v1;
	v54 =	vadd.f32 v10, v6;
	v55 =	vmul.f32 v51, v8;
	v56 =	vcvt.f32.s32 v12  }
0x413: {  	v57 =	vld.idx.msk [tilespmem:v11+s23+$0x0], $0xffff;
	v7 =	vmul.f32 v53, v29  }
0x414: {  	v11 =	vld.idx.msk [tilespmem:v11+s24+$0x0], $0xffff;
	[tilespmem:s26+$0x13A60] =	vst v54;
	v58 =	vadd.f32 v14, v55  }
0x415: {  	v59 =	vld.idx.msk [tilespmem:v4+s23+$0x0], $0xffff;
	v7 =	vadd.f32 v9, v7  }
0x416: {  	v4 =	vld.idx.msk [tilespmem:v4+s24+$0x0], $0xffff;
	[tilespmem:s28+$0x13A60] =	vst v58  }
0x417: {  	v1 =	vld.idx.msk [tilespmem:v2+s23+$0x0], $0xffff;
	[tilespmem:s3+$0x13A60] =	vst v7  }
0x418: {  	v7 =	vld.idx.msk [tilespmem:v56+s23+$0x0], $0xffff  }
0x419: {  	v2 =	vld.idx.msk [tilespmem:v2+s24+$0x0], $0xffff  }
0x41a: {  	v60 =	vmul.f32 v57, v0;
	v8 =	vld.idx.msk [tilespmem:v56+s24+$0x0], $0xffff  }
0x41b: {  	v3 =	vmul.f32 v59, v3  }
0x41c: {  	s21 =	sadd.s32 $0x1, s21;
	v0 =	vadd.f32 v11, v60;
	v1 =	vmul.f32 v1, v5  }
0x41d: {  	p0 =	sne.s32 s21, $0x24;
	v3 =	vadd.f32 v4, v3;
	v61 =	vmul.f32 v7, v42  }
.Ltmp5:
0x41e: {  	[tilespmem:s25+$0x13A70] =	vst v0;
	v62 =	vadd.f32 v2, v1;
	(pc) =	sbr.rel @p0 .LBB2_2-.Ltmp5, $4  }
0x41f: {  	[tilespmem:s26+$0x13A70] =	vst v3;
	v63 =	vadd.f32 v8, v61  }
0x420: {  	[tilespmem:s28+$0x13A70] =	vst v62  }
0x421: {  	s31 =	sadd.s32 s5, s22;
	[tilespmem:s3+$0x13A70] =	vst v63  }
0x422: {  	[hbm4b:s31+s6] =	stream.linear.scatter [tilespmem:s18], [sflag:$0x4], $0x6000, $0x38;
	[tilespmem:$0x19200] =	vst v63  }
0x423: {  	s20 =	sadd.s32 $0x1, s20  }
0x424: {  	_ =	swait.ge [sflag:s19], $0x6000;
	p0 =	sne.s32 s20, s9  }
.Ltmp6:
0x425: {  	[sflag:s19] =	ssyncset.done $0x0;
	(pc) =	sbr.rel @p0 .LBB2_1-.Ltmp6, $4  }
0x426: {  	[sflag:s19] =	ssyncadd.s32 $0xFFFFA000  }
0x427: {  	_ =	swait.ge [sflag:s17], $0x6000  }
0x428: {  	[sflag:s17] =	ssyncset.done $0x0  }
0x429: {  	[sflag:s17] =	ssyncadd.s32 $0xFFFFA000  }
0x42a: {  	_ =	sfence.sel $0x180000  }
0x42b: {  	[bflag:$0x0] =	sbarrier.arrive $0xFFFF  }
0x42c: {  	_ =	strace $0x90000047  }
0x42d: {  	s0 =	stileid.u32;
	[bflag:$0x2] =	sbarrier.arrive $0xFFFF  }
0x42e: {  	p0 =	sne.s32 s0, $0x0;
	s0 =	rddreg [dreg:$0x4]  }
0x42f: {  	s0 =	sadd.s32 @!p0 $0x100000, s0  }
0x430: {  	[sflag:s0] =	ssyncadd.tile.s32 @!p0 $0x1;
	_ =	shalt  }
.Lfunc_end2:
_tile_overlayer_lowered:
.L_overlay_start_2:
0x431: {  	(tag) =	ssettag $0x2  }
0x432: {  	s0 =	rddreg [dreg:$0x0];
	s2 =	stileid.u32  }
0x433: {  	s1 =	rddreg [dreg:$0x1];
	p0 =	sne.s32 s2, $0x0  }
0x434: {  	s3 =	rddreg [dreg:$0x2];
	[bflag:$0x3] =	sbarrier.arrive $0xFFFF;
	s2 =	simm.s32 @!p0 $0x1C05  }
0x435: {  	[timem:s3], [sflag:s2] =	dma.local @!p0 [hbm:s0], s1  }
0x436: {  	s0 =	simm.s32 @!p0 $0x5  }
0x437: {  	_ =	swait.ge @!p0 [sflag:s0], s1  }
0x438: {  	s1 =	ssub.s32 @!p0 $0x0, s1;
	[sflag:s0] =	ssyncset.done @!p0 $0x0  }
0x439: {  	[sflag:s0] =	ssyncadd.s32 @!p0 s1  }
0x43a: {  	[bflag:$0x3] =	sbarrier.arrive $0xFFFF  }
0x43b: {  	_ =	shalt  }

</sc_bundles>
